<compile_context>
chip_gen: v7x
topology: tpu7x:2x2x1
jax: 0.10.2.dev20260603
libtpu: 0.0.44.dev20260713+nightly
codegen_flags: <defaults>
</compile_context>

<pallas_src>
import functools

import jax
import jax.numpy as jnp
from jax import lax
from jax.experimental import pallas as pl
from jax.experimental.pallas import tpu as pltpu
from jax.experimental.pallas import tpu_sc as plsc

_NC = 2
_NS = 16
_NW = _NC * _NS
_LANES = 16
_CHUNK = 128
_MIN_PAD_ROWS = 512
_BLK = 1344


def _sc_mesh():
    return plsc.VectorSubcoreMesh(core_axis_name="c", subcore_axis_name="s")


def _zero_fill(buf, n_rows, width):
    @pl.loop(0, n_rows)
    def _(i):
        for k in range(width // _LANES):
            buf.at[pl.ds(i, 1), pl.ds(k * _LANES, _LANES)][...] = (
                jnp.zeros((1, _LANES), jnp.float32))


def _zero_acc(acc, zbuf, base, rpt, sem):
    full, rem = rpt // _CHUNK, rpt % _CHUNK
    cps = []
    for k in range(full):
        cps.append(pltpu.async_copy(
            zbuf, acc.at[pl.ds(base + k * _CHUNK, _CHUNK)], sem))
    if rem:
        cps.append(pltpu.async_copy(
            zbuf.at[pl.ds(0, rem)],
            acc.at[pl.ds(base + full * _CHUNK, rem)], sem))
    return cps


def _load_idx_full(e2d, pad_c, idx_t, wid, base_ch, extra, rows_total, sem):
    pltpu.async_copy(e2d.at[pl.ds(wid * base_ch, base_ch)],
                     idx_t.at[pl.ds(0, base_ch)], sem)

    @pl.when(wid < extra)
    def _():
        pltpu.async_copy(e2d.at[pl.ds(_NW * base_ch + wid, 1)],
                         idx_t.at[pl.ds(base_ch, 1)], sem)

    @pl.when(wid >= extra)
    def _():
        pltpu.async_copy(pad_c.at[wid].at[pl.ds(0, 1)],
                         idx_t.at[pl.ds(base_ch, 1)], sem)

    k = rows_total - base_ch - 1
    pltpu.async_copy(pad_c.at[wid].at[pl.ds(1, k)],
                     idx_t.at[pl.ds(base_ch + 1, k)], sem)


def _wait_idx_full(e2d, pad_c, idx_t, base_ch, rows_total, sem):
    pltpu.make_async_copy(e2d.at[pl.ds(0, base_ch)],
                          idx_t.at[pl.ds(0, base_ch)], sem).wait()
    pltpu.make_async_copy(pad_c.at[0].at[pl.ds(0, 1)],
                          idx_t.at[pl.ds(base_ch, 1)], sem).wait()
    k = rows_total - base_ch - 1
    pltpu.make_async_copy(pad_c.at[0].at[pl.ds(1, k)],
                          idx_t.at[pl.ds(base_ch + 1, k)], sem).wait()


def _sc_histogram(np_rows, n_chunks, n_alloc, base_ch, extra, dst2d, pad_c):
    rpt = np_rows // _NS

    @functools.partial(
        pl.kernel,
        out_type=jax.ShapeDtypeStruct((_NC, np_rows, 128), jnp.float32),
        mesh=_sc_mesh(),
        compiler_params=pltpu.CompilerParams(use_tc_tiling_on_sc=False),
        scratch_types=[
            pltpu.VMEM((n_alloc, _CHUNK), jnp.int32),
            pltpu.VMEM((_CHUNK, _LANES), jnp.float32),
            pltpu.VMEM((_CHUNK, _LANES), jnp.float32),
            pltpu.VMEM_SHARED((np_rows, _LANES), jnp.float32),
            pltpu.SemaphoreType.DMA,
        ],
    )
    def hist(dst_hbm, padc_hbm, out_hbm, idx_t, ones_t, zbuf, acc, sem):
        c = lax.axis_index("c")
        s = lax.axis_index("s")
        wid = c * _NS + s
        _load_idx_full(dst_hbm, padc_hbm, idx_t, wid, base_ch, extra,
                       n_alloc, sem)
        _zero_fill(zbuf, _CHUNK, _LANES)
        cps = _zero_acc(acc, zbuf, s * rpt, rpt, sem)

        @pl.loop(0, _CHUNK)
        def _(i):
            ones_t.at[pl.ds(i, 1), :][...] = jnp.ones((1, _LANES), jnp.float32)

        _wait_idx_full(dst_hbm, padc_hbm, idx_t, base_ch, n_alloc, sem)
        for cp in cps:
            cp.wait()
        plsc.subcore_barrier()

        @pl.loop(0, n_chunks)
        def _(j):
            pltpu.sync_copy(ones_t, acc.at[idx_t.at[j]], add=True)

        plsc.subcore_barrier()
        pltpu.sync_copy(acc.at[pl.ds(s * rpt, rpt)],
                        out_hbm.at[c].at[pl.ds(s * rpt, rpt),
                                         pl.ds(0, _LANES)])

    return hist(dst2d, pad_c)


def _sc_aggregate(np_rows, n_chunks, n_alloc, base_ch, extra, d, y,
                  src2d, dst2d, pad_c):
    rpt = np_rows // _NS

    @functools.partial(
        pl.kernel,
        out_type=jax.ShapeDtypeStruct((np_rows, _NC * d), jnp.float32),
        mesh=_sc_mesh(),
        compiler_params=pltpu.CompilerParams(use_tc_tiling_on_sc=False),
        scratch_types=[
            pltpu.VMEM((n_alloc, _CHUNK), jnp.int32),
            pltpu.VMEM((n_alloc, _CHUNK), jnp.int32),
            pltpu.VMEM((4, _CHUNK, d), jnp.float32),
            pltpu.VMEM_SHARED((np_rows, d), jnp.float32),
            pltpu.SemaphoreType.DMA,
            pltpu.SemaphoreType.DMA,
            pltpu.SemaphoreType.DMA,
            pltpu.SemaphoreType.DMA,
            pltpu.SemaphoreType.DMA,
            pltpu.SemaphoreType.DMA,
            pltpu.SemaphoreType.DMA,
            pltpu.SemaphoreType.DMA,
        ],
    )
    def agg(y_hbm, src_hbm, dst_hbm, padc_hbm, out_hbm, sidx, didx, rows,
            acc, sg0, sg1, sg2, sg3, ss0, ss1, ss2, ss3):
        sg = (sg0, sg1, sg2, sg3)
        ss = (ss0, ss1, ss2, ss3)
        c = lax.axis_index("c")
        s = lax.axis_index("s")
        wid = c * _NS + s

        def gather(j, b):
            pltpu.async_copy(y_hbm.at[sidx.at[j]], rows.at[b], sg[b])

        def wait_gather(j, b):
            pltpu.make_async_copy(
                y_hbm.at[sidx.at[j]], rows.at[b], sg[b]).wait()

        def scatter(j, b):
            pltpu.async_copy(rows.at[b], acc.at[didx.at[j]], ss[b], add=True)

        def wait_scatter(j, b):
            pltpu.make_async_copy(
                rows.at[b], acc.at[didx.at[j]], ss[b]).wait()

        _load_idx_full(src_hbm, padc_hbm, sidx, wid, base_ch, extra,
                       n_alloc, sg1)
        _load_idx_full(dst_hbm, padc_hbm, didx, wid, base_ch, extra,
                       n_alloc, sg2)
        _zero_fill(rows.at[0], _CHUNK, d)
        cps = _zero_acc(acc, rows.at[0], s * rpt, rpt, sg0)
        _wait_idx_full(src_hbm, padc_hbm, sidx, base_ch, n_alloc, sg1)
        _wait_idx_full(dst_hbm, padc_hbm, didx, base_ch, n_alloc, sg2)
        for cp in cps:
            cp.wait()
        plsc.subcore_barrier()

        gather(0, 0)
        gather(1, 1)
        wait_gather(0, 0); scatter(0, 0); gather(2, 2)
        wait_gather(1, 1); scatter(1, 1); gather(3, 3)
        wait_gather(2, 2); scatter(2, 2); wait_scatter(0, 0); gather(4, 0)
        wait_gather(3, 3); scatter(3, 3); wait_scatter(1, 1); gather(5, 1)

        @pl.loop(4, n_chunks, step=4)
        def _(j):
            for b in range(4):
                jj = j + b
                b2 = (b + 2) % 4
                wait_gather(jj, b)
                scatter(jj, b)
                wait_scatter(jj - 2, b2)
                gather(jj + 2, b2)

        wait_scatter(n_chunks - 2, 2)
        wait_scatter(n_chunks - 1, 3)
        wait_gather(n_chunks, 0)
        wait_gather(n_chunks + 1, 1)
        plsc.subcore_barrier()
        pltpu.sync_copy(acc.at[pl.ds(s * rpt, rpt)],
                        out_hbm.at[pl.ds(s * rpt, rpt), pl.ds(c * d, d)])

    return agg(y, src2d, dst2d, pad_c)


def _tc_matmul(np_rows, x, w1):
    n = x.shape[0]
    din = x.shape[1]
    dh = w1.shape[1]

    def body(x_ref, w_ref, o_ref):
        xw = jnp.dot(x_ref[...], w_ref[...], precision=lax.Precision.DEFAULT)
        row = (pl.program_id(0) * _BLK
               + lax.broadcasted_iota(jnp.int32, xw.shape, 0))
        o_ref[...] = jnp.where(row < n, xw, 0.0)

    return pl.pallas_call(
        body,
        grid=(np_rows // _BLK,),
        in_specs=[
            pl.BlockSpec((_BLK, din), lambda i: (i, 0)),
            pl.BlockSpec((din, dh), lambda i: (0, 0)),
        ],
        out_specs=pl.BlockSpec((_BLK, dh), lambda i: (i, 0)),
        out_shape=jax.ShapeDtypeStruct((np_rows, dh), jnp.float32),
    )(x, w1)


def _sc_aggregate128(np_rows, n_chunks, n_alloc, base_ch, extra, y,
                     src2d, dst2d, pad_c):
    d = y.shape[1]
    rpt = np_rows // _NS

    @functools.partial(
        pl.kernel,
        out_type=jax.ShapeDtypeStruct((_NC, np_rows, d), jnp.float32),
        mesh=_sc_mesh(),
        compiler_params=pltpu.CompilerParams(use_tc_tiling_on_sc=False),
        scratch_types=[
            pltpu.VMEM((4, _CHUNK), jnp.int32),
            pltpu.VMEM((n_chunks, _CHUNK), jnp.int32),
            pltpu.VMEM((2, _CHUNK, d), jnp.float32),
            pltpu.VMEM_SHARED((np_rows, d), jnp.float32),
            pltpu.SemaphoreType.DMA,
            pltpu.SemaphoreType.DMA,
            pltpu.SemaphoreType.DMA,
            pltpu.SemaphoreType.DMA,
            pltpu.SemaphoreType.DMA,
            pltpu.SemaphoreType.DMA,
            pltpu.SemaphoreType.DMA,
            pltpu.SemaphoreType.DMA,
        ],
    )
    def agg(y_hbm, src_hbm, dst_hbm, padc_hbm, out_hbm, sidx, didx, rows,
            acc, sg0, sg1, ss0, ss1, si0, si1, si2, si3):
        sg = (sg0, sg1)
        ss = (ss0, ss1)
        si = (si0, si1, si2, si3)
        c = lax.axis_index("c")
        s = lax.axis_index("s")
        wid = c * _NS + s

        def load_idx(j, r):
            j = jnp.asarray(j, jnp.int32)

            @pl.when(j < base_ch)
            def _():
                pltpu.async_copy(src_hbm.at[pl.ds(wid * base_ch + j, 1)],
                                 sidx.at[pl.ds(r, 1)], si[r])

            @pl.when(jnp.logical_and(j == base_ch, wid < extra))
            def _():
                pltpu.async_copy(src_hbm.at[pl.ds(_NW * base_ch + wid, 1)],
                                 sidx.at[pl.ds(r, 1)], si[r])

            @pl.when(jnp.logical_and(j >= base_ch,
                                     jnp.logical_or(j > base_ch,
                                                    wid >= extra)))
            def _():
                pltpu.async_copy(padc_hbm.at[wid].at[pl.ds(j - base_ch, 1)],
                                 sidx.at[pl.ds(r, 1)], si[r])

        def wait_idx(j, r):
            pltpu.make_async_copy(padc_hbm.at[0].at[pl.ds(0, 1)],
                                  sidx.at[pl.ds(r, 1)], si[r]).wait()

        def gather(j, r, rb):
            pltpu.async_copy(y_hbm.at[sidx.at[r]], rows.at[rb], sg[rb])

        def wait_gather(r, rb):
            pltpu.make_async_copy(
                y_hbm.at[sidx.at[r]], rows.at[rb], sg[rb]).wait()

        def scatter(j, rb):
            pltpu.async_copy(rows.at[rb], acc.at[didx.at[j]], ss[rb],
                             add=True)

        def wait_scatter(j, rb):
            pltpu.make_async_copy(
                rows.at[rb], acc.at[didx.at[j]], ss[rb]).wait()

        _load_idx_full(dst_hbm, padc_hbm, didx, wid, base_ch, extra,
                       n_chunks, sg1)
        for r in range(4):
            load_idx(r, r)
        _zero_fill(rows.at[0], _CHUNK, d)
        cps = _zero_acc(acc, rows.at[0], s * rpt, rpt, sg0)
        _wait_idx_full(dst_hbm, padc_hbm, didx, base_ch, n_chunks, sg1)
        for cp in cps:
            cp.wait()
        plsc.subcore_barrier()

        wait_idx(0, 0)
        gather(0, 0, 0)
        wait_idx(1, 1)
        gather(1, 1, 1)
        wait_gather(0, 0); load_idx(4, 0); scatter(0, 0)
        wait_idx(2, 2); wait_scatter(0, 0); gather(2, 2, 0)
        wait_gather(1, 1); load_idx(5, 1); scatter(1, 1)
        wait_idx(3, 3); wait_scatter(1, 1); gather(3, 3, 1)

        @pl.loop(2, n_chunks - 2, step=4)
        def _(j):
            for k in range(4):
                jj = j + k
                b = (2 + k) % 4
                rb = k % 2
                b2 = (b + 2) % 4
                wait_gather(b, rb)
                load_idx(jj + 4, b)
                scatter(jj, rb)
                wait_idx(jj + 2, b2)
                wait_scatter(jj, rb)
                gather(jj + 2, b2, rb)

        wait_gather(2, 0)
        scatter(n_chunks - 2, 0)
        wait_gather(3, 1)
        scatter(n_chunks - 1, 1)
        wait_scatter(n_chunks - 2, 0)
        wait_scatter(n_chunks - 1, 1)
        wait_idx(n_chunks, 0)
        wait_idx(n_chunks + 1, 1)
        plsc.subcore_barrier()
        pltpu.sync_copy(acc.at[pl.ds(s * rpt, rpt)],
                        out_hbm.at[c].at[pl.ds(s * rpt, rpt)])

    return agg(y, src2d, dst2d, pad_c)


def _dis_block(h0_ref, h1_ref):
    return lax.rsqrt(h0_ref[0, :, 0:1] + h1_ref[0, :, 0:1] + 1.0)


def _hist_specs():
    return [
        pl.BlockSpec((1, _BLK, 128), lambda i: (0, i, 0)),
        pl.BlockSpec((1, _BLK, 128), lambda i: (1, i, 0)),
    ]


def _tc_scale(hists, xw):
    np_rows = xw.shape[0]
    dh = xw.shape[1]
    nblk = np_rows // _BLK

    def body(h0_ref, h1_ref, x_ref, y_ref):
        y_ref[...] = x_ref[...] * _dis_block(h0_ref, h1_ref)

    return pl.pallas_call(
        body,
        grid=(nblk,),
        in_specs=_hist_specs() + [
            pl.BlockSpec((_BLK, dh), lambda i: (i, 0)),
        ],
        out_specs=pl.BlockSpec((_BLK, dh), lambda i: (i, 0)),
        out_shape=jax.ShapeDtypeStruct((np_rows, dh), jnp.float32),
    )(hists, hists, xw)


def _tc_mid(n_real, hists, parts1, y1, b1, w2):
    np_rows = y1.shape[0]
    dout = w2.shape[1]
    dh = w2.shape[0]
    nblk = np_rows // _BLK

    def body(h0_ref, h1_ref, p_ref, y_ref, b_ref, w_ref, o_ref):
        dis = _dis_block(h0_ref, h1_ref)
        agg = p_ref[0] + p_ref[1] + y_ref[...]
        emb = jnp.maximum(agg * dis + b_ref[...], 0.0)
        y2 = jnp.dot(emb, w_ref[...], precision=lax.Precision.DEFAULT)
        y2 = y2 * dis
        row = (pl.program_id(0) * _BLK
               + lax.broadcasted_iota(jnp.int32, y2.shape, 0))
        o_ref[...] = jnp.where(row < n_real, y2, 0.0)

    return pl.pallas_call(
        body,
        grid=(nblk,),
        in_specs=_hist_specs() + [
            pl.BlockSpec((_NC, _BLK, dh), lambda i: (0, i, 0)),
            pl.BlockSpec((_BLK, dh), lambda i: (i, 0)),
            pl.BlockSpec((1, dh), lambda i: (0, 0)),
            pl.BlockSpec((dh, dout), lambda i: (0, 0)),
        ],
        out_specs=pl.BlockSpec((_BLK, dout), lambda i: (i, 0)),
        out_shape=jax.ShapeDtypeStruct((np_rows, dout), jnp.float32),
    )(hists, hists, parts1, y1, b1, w2)


def _tc_final(n, hists, parts2, y2, b2):
    np_rows = y2.shape[0]
    dout = y2.shape[1]
    nblk = np_rows // _BLK

    def body(h0_ref, h1_ref, p_ref, y_ref, b_ref, o_ref):
        dis = _dis_block(h0_ref, h1_ref)
        p = p_ref[...]
        agg = p[:, :dout] + p[:, dout:] + y_ref[...]
        o_ref[...] = agg * dis + b_ref[...]

    return pl.pallas_call(
        body,
        grid=(nblk,),
        in_specs=_hist_specs() + [
            pl.BlockSpec((_BLK, _NC * dout), lambda i: (i, 0)),
            pl.BlockSpec((_BLK, dout), lambda i: (i, 0)),
            pl.BlockSpec((1, dout), lambda i: (0, 0)),
        ],
        out_specs=pl.BlockSpec((_BLK, dout), lambda i: (i, 0)),
        out_shape=jax.ShapeDtypeStruct((n, dout), jnp.float32),
    )(hists, hists, parts2, y2, b2)


def kernel(x, edge_index, W1, b1, W2, b2):
    n = x.shape[0]
    e = edge_index.shape[1]
    np_rows = -(-(n + _MIN_PAD_ROWS) // _BLK) * _BLK
    pad_rows = np_rows - n
    assert e % _CHUNK == 0
    e_chunks = e // _CHUNK
    base_ch = e_chunks // _NW
    extra = e_chunks % _NW
    n_chunks = -(-(base_ch + 1) // 4) * 4
    n_alloc = n_chunks + 2
    npad_ch = n_alloc - base_ch
    src2d = edge_index[0].reshape(e_chunks, _CHUNK)
    dst2d = edge_index[1].reshape(e_chunks, _CHUNK)
    pad_c = (n + (jnp.arange(_NW * npad_ch * _CHUNK, dtype=jnp.int32)
                  % pad_rows)).reshape(_NW, npad_ch, _CHUNK)

    hists = _sc_histogram(np_rows, n_chunks, n_alloc, base_ch, extra,
                          dst2d, pad_c)
    xw = _tc_matmul(np_rows, x, W1)

    y1 = _tc_scale(hists, xw)
    parts1 = _sc_aggregate128(np_rows, n_chunks, n_alloc, base_ch, extra,
                              y1, src2d, dst2d, pad_c)
    y2 = _tc_mid(n, hists, parts1, y1, b1.reshape(1, -1), W2)

    parts2 = _sc_aggregate(np_rows, n_chunks, n_alloc, base_ch, extra,
                           W2.shape[1], y2, src2d, dst2d, pad_c)
    return _tc_final(n, hists, parts2, y2, b2.reshape(1, -1))

# --- scband reference (transcript-rebuilt; emitter-appended) ---
"""Pipeline reference for scband-gcn-78176994721837 (READ-ONLY COPY).

The authoritative reference and input builder live on the scoring server;
editing this copy changes nothing except your own understanding.
"""

import jax, jax.numpy as jnp
import numpy as np

N_NODES = 10000
IN_DIM = 128
HIDDEN_DIM = 128
NUM_CLASSES = 64


def gcn_conv(x, src, dst, W, b, num_nodes):
    # linear transform
    xW = x @ W
    # symmetric normalization using degree computed on dst (self loops already appended)
    ones = jnp.ones(src.shape[0], dtype=x.dtype)
    deg = jnp.zeros(num_nodes, dtype=x.dtype).at[dst].add(ones)
    deg_inv_sqrt = jnp.where(deg > 0, deg ** -0.5, 0.0)
    norm = deg_inv_sqrt[src] * deg_inv_sqrt[dst]
    # gather messages, scale, scatter-add to destination nodes
    msgs = jnp.take(xW, src, axis=0) * norm[:, None]
    out = jnp.zeros((num_nodes, W.shape[1]), dtype=x.dtype).at[dst].add(msgs)
    return out + b


def setup_inputs(seed: int = 0) -> dict:
    key = jax.random.key(seed)
    k_x, k_e, k_w1, k_w2 = jax.random.split(key, 4)
    x = jax.random.normal(k_x, (N_NODES, IN_DIM), dtype=jnp.float32)
    edge_index = jax.random.randint(k_e, (2, 320000), 0, N_NODES, dtype=jnp.int64 if jax.config.jax_enable_x64 else jnp.int32).astype(jnp.int32)
    # glorot init like PyG GCNConv
    s1 = (6.0 / (IN_DIM + HIDDEN_DIM)) ** 0.5
    W1 = jax.random.uniform(k_w1, (IN_DIM, HIDDEN_DIM), minval=-s1, maxval=s1, dtype=jnp.float32)
    b1 = jnp.zeros((HIDDEN_DIM,), dtype=jnp.float32)
    s2 = (6.0 / (HIDDEN_DIM + NUM_CLASSES)) ** 0.5
    W2 = jax.random.uniform(k_w2, (HIDDEN_DIM, NUM_CLASSES), minval=-s2, maxval=s2, dtype=jnp.float32)
    b2 = jnp.zeros((NUM_CLASSES,), dtype=jnp.float32)
    return {"x": x, "edge_index": edge_index, "W1": W1, "b1": b1, "W2": W2, "b2": b2}


def reference(x, edge_index, W1, b1, W2, b2):
    num_nodes = x.shape[0]
    # add self loops (add_self_loops=True in GCNConv)
    loop = jnp.arange(num_nodes, dtype=edge_index.dtype)
    src = jnp.concatenate([edge_index[0], loop])
    dst = jnp.concatenate([edge_index[1], loop])
    # layer 1 + ReLU (dropout is identity in eval mode)
    emb = jax.nn.relu(gcn_conv(x, src, dst, W1, b1, num_nodes))
    # final layer -> logits
    logits = gcn_conv(emb, src, dst, W2, b2, num_nodes)
    return logits

if __name__ == "__main__":
    import jax
    _d = setup_inputs()
    print(jax.jit(kernel)(*tuple(_d.values())))

</pallas_src>

<mosaic_0001>
#map = affine_map<(d0, d1) -> (0, 0)>
#map1 = affine_map<(d0, d1) -> (0, 0, 0)>
module attributes {stable_mosaic.version = 14 : i64} {
  func.func @agg(%arg0: i32, %arg1: i32, %arg2: memref<10752x128xf32, #tpu.memory_space<hbm>>, %arg3: memref<2500x128xi32, #tpu.memory_space<hbm>>, %arg4: memref<2500x128xi32, #tpu.memory_space<hbm>>, %arg5: memref<32x4x128xi32, #tpu.memory_space<hbm>>, %arg6: memref<2x10752x128xf32, #tpu.memory_space<hbm>>, %arg7: memref<4x128xi32, #tpu.memory_space<vmem>>, %arg8: memref<80x128xi32, #tpu.memory_space<vmem>>, %arg9: memref<2x128x128xf32, #tpu.memory_space<vmem>>, %arg10: memref<10752x128xf32, #tpu.memory_space<vmem_shared>>, %arg11: memref<!tpu.dma_semaphore, #tpu.memory_space<semaphore_mem>>, %arg12: memref<!tpu.dma_semaphore, #tpu.memory_space<semaphore_mem>>, %arg13: memref<!tpu.dma_semaphore, #tpu.memory_space<semaphore_mem>>, %arg14: memref<!tpu.dma_semaphore, #tpu.memory_space<semaphore_mem>>, %arg15: memref<!tpu.dma_semaphore, #tpu.memory_space<semaphore_mem>>, %arg16: memref<!tpu.dma_semaphore, #tpu.memory_space<semaphore_mem>>, %arg17: memref<!tpu.dma_semaphore, #tpu.memory_space<semaphore_mem>>, %arg18: memref<!tpu.dma_semaphore, #tpu.memory_space<semaphore_mem>>) attributes {dimension_semantics = [#tpu.dimension_semantics<core_parallel>, #tpu.dimension_semantics<subcore_parallel>], iteration_bounds = array<i64: 2, 16>, scalar_prefetch = 0 : i64, scratch_operands = 12 : i64, tpu.core_type = #tpu.core_type<sc_vector_subcore>, window_params = [{transform_indices = #map}, {transform_indices = #map}, {transform_indices = #map}, {transform_indices = #map1}, {transform_indices = #map1}]} {
    %mul3A = arith.constant 16 : i32
    %mul3A_0 = arith.muli %arg0, %mul3A : i32
    %add3A = arith.addi %mul3A_0, %arg1 : i32
    %mul3A_1 = arith.constant 78 : i32
    %mul3A_2 = arith.muli %add3A, %mul3A_1 : i32
    %dma_start3A = arith.constant 0 : i32
    %dma_start3A_3 = arith.constant 0 : i32
    %dma_start3A_4 = tpu.memref_slice %arg8[%dma_start3A, %dma_start3A_3] : memref<80x128xi32, #tpu.memory_space<vmem>> -> memref<78x128xi32, #tpu.memory_space<vmem>>
    %dma_start3A_5 = arith.constant 0 : i32
    %dma_start3A_6 = tpu.memref_slice %arg4[%mul3A_2, %dma_start3A_5] : memref<2500x128xi32, #tpu.memory_space<hbm>> -> memref<78x128xi32, #tpu.memory_space<hbm>>
    %dma_start3A_7 = arith.constant 0 : i32
    %dma_start3A_8 = arith.constant 0 : i32
    %dma_start3A_9 = tpu.memref_slice %arg8[%dma_start3A_7, %dma_start3A_8] : memref<80x128xi32, #tpu.memory_space<vmem>> -> memref<78x128xi32, #tpu.memory_space<vmem>>
    %dma_start3A_10 = arith.constant 0 : i32
    %dma_start3A_11 = tpu.memref_slice %arg4[%mul3A_2, %dma_start3A_10] : memref<2500x128xi32, #tpu.memory_space<hbm>> -> memref<78x128xi32, #tpu.memory_space<hbm>>
    tpu.enqueue_dma source(%dma_start3A_11 : memref<78x128xi32, #tpu.memory_space<hbm>>) target(%dma_start3A_9 : memref<78x128xi32, #tpu.memory_space<vmem>>) target_semaphore(%arg12 : memref<!tpu.dma_semaphore, #tpu.memory_space<semaphore_mem>>)
    %lt3A = arith.constant 4 : i32
    %lt3A_12 = arith.cmpi slt, %add3A, %lt3A : i32
    %convert_element_type3A = arith.extui %lt3A_12 : i1 to i32
    %cond3A = arith.constant 0 : i32
    %cond3A_13 = arith.cmpi ne, %convert_element_type3A, %cond3A : i32
    scf.if %cond3A_13 {
      %add3A_782 = arith.constant 2496 : i32
      %add3A_783 = arith.addi %add3A_782, %add3A : i32
      %dma_start3A_784 = arith.constant 78 : i32
      %dma_start3A_785 = arith.constant 0 : i32
      %dma_start3A_786 = tpu.memref_slice %arg8[%dma_start3A_784, %dma_start3A_785] : memref<80x128xi32, #tpu.memory_space<vmem>> -> memref<1x128xi32, #tpu.memory_space<vmem>>
      %dma_start3A_787 = arith.constant 0 : i32
      %dma_start3A_788 = tpu.memref_slice %arg4[%add3A_783, %dma_start3A_787] : memref<2500x128xi32, #tpu.memory_space<hbm>> -> memref<1x128xi32, #tpu.memory_space<hbm>>
      %dma_start3A_789 = arith.constant 78 : i32
      %dma_start3A_790 = arith.constant 0 : i32
      %dma_start3A_791 = tpu.memref_slice %arg8[%dma_start3A_789, %dma_start3A_790] : memref<80x128xi32, #tpu.memory_space<vmem>> -> memref<1x128xi32, #tpu.memory_space<vmem>>
      %dma_start3A_792 = arith.constant 0 : i32
      %dma_start3A_793 = tpu.memref_slice %arg4[%add3A_783, %dma_start3A_792] : memref<2500x128xi32, #tpu.memory_space<hbm>> -> memref<1x128xi32, #tpu.memory_space<hbm>>
      tpu.enqueue_dma source(%dma_start3A_793 : memref<1x128xi32, #tpu.memory_space<hbm>>) target(%dma_start3A_791 : memref<1x128xi32, #tpu.memory_space<vmem>>) target_semaphore(%arg12 : memref<!tpu.dma_semaphore, #tpu.memory_space<semaphore_mem>>)
    } else {
    }
    %ge3A = arith.constant 4 : i32
    %ge3A_14 = arith.cmpi sge, %add3A, %ge3A : i32
    %convert_element_type3A_15 = arith.extui %ge3A_14 : i1 to i32
    %cond3A_16 = arith.constant 0 : i32
    %cond3A_17 = arith.cmpi ne, %convert_element_type3A_15, %cond3A_16 : i32
    scf.if %cond3A_17 {
      %dma_start3A_782 = arith.constant 78 : i32
      %dma_start3A_783 = arith.constant 0 : i32
      %dma_start3A_784 = tpu.memref_slice %arg8[%dma_start3A_782, %dma_start3A_783] : memref<80x128xi32, #tpu.memory_space<vmem>> -> memref<1x128xi32, #tpu.memory_space<vmem>>
      %dma_start3A_785 = arith.constant 0 : i32
      %dma_start3A_786 = arith.constant 0 : i32
      %dma_start3A_787 = tpu.memref_slice %arg5[%add3A, %dma_start3A_785, %dma_start3A_786] : memref<32x4x128xi32, #tpu.memory_space<hbm>> -> memref<1x4x128xi32, #tpu.memory_space<hbm>>
      %dma_start3A_788 = tpu.memref_squeeze %dma_start3A_787 : memref<1x4x128xi32, #tpu.memory_space<hbm>> -> memref<4x128xi32, #tpu.memory_space<hbm>>
      %dma_start3A_789 = arith.constant 0 : i32
      %dma_start3A_790 = arith.constant 0 : i32
      %dma_start3A_791 = tpu.memref_slice %dma_start3A_788[%dma_start3A_789, %dma_start3A_790] : memref<4x128xi32, #tpu.memory_space<hbm>> -> memref<1x128xi32, #tpu.memory_space<hbm>>
      %dma_start3A_792 = arith.constant 78 : i32
      %dma_start3A_793 = arith.constant 0 : i32
      %dma_start3A_794 = tpu.memref_slice %arg8[%dma_start3A_792, %dma_start3A_793] : memref<80x128xi32, #tpu.memory_space<vmem>> -> memref<1x128xi32, #tpu.memory_space<vmem>>
      %dma_start3A_795 = arith.constant 0 : i32
      %dma_start3A_796 = arith.constant 0 : i32
      %dma_start3A_797 = tpu.memref_slice %arg5[%add3A, %dma_start3A_795, %dma_start3A_796] : memref<32x4x128xi32, #tpu.memory_space<hbm>> -> memref<1x4x128xi32, #tpu.memory_space<hbm>>
      %dma_start3A_798 = tpu.memref_squeeze %dma_start3A_797 : memref<1x4x128xi32, #tpu.memory_space<hbm>> -> memref<4x128xi32, #tpu.memory_space<hbm>>
      %dma_start3A_799 = arith.constant 0 : i32
      %dma_start3A_800 = arith.constant 0 : i32
      %dma_start3A_801 = tpu.memref_slice %dma_start3A_798[%dma_start3A_799, %dma_start3A_800] : memref<4x128xi32, #tpu.memory_space<hbm>> -> memref<1x128xi32, #tpu.memory_space<hbm>>
      tpu.enqueue_dma source(%dma_start3A_801 : memref<1x128xi32, #tpu.memory_space<hbm>>) target(%dma_start3A_794 : memref<1x128xi32, #tpu.memory_space<vmem>>) target_semaphore(%arg12 : memref<!tpu.dma_semaphore, #tpu.memory_space<semaphore_mem>>)
    } else {
    }
    %dma_start3A_18 = arith.constant 79 : i32
    %dma_start3A_19 = arith.constant 0 : i32
    %dma_start3A_20 = tpu.memref_slice %arg8[%dma_start3A_18, %dma_start3A_19] : memref<80x128xi32, #tpu.memory_space<vmem>> -> memref<1x128xi32, #tpu.memory_space<vmem>>
    %dma_start3A_21 = arith.constant 0 : i32
    %dma_start3A_22 = arith.constant 0 : i32
    %dma_start3A_23 = tpu.memref_slice %arg5[%add3A, %dma_start3A_21, %dma_start3A_22] : memref<32x4x128xi32, #tpu.memory_space<hbm>> -> memref<1x4x128xi32, #tpu.memory_space<hbm>>
    %dma_start3A_24 = tpu.memref_squeeze %dma_start3A_23 : memref<1x4x128xi32, #tpu.memory_space<hbm>> -> memref<4x128xi32, #tpu.memory_space<hbm>>
    %dma_start3A_25 = arith.constant 1 : i32
    %dma_start3A_26 = arith.constant 0 : i32
    %dma_start3A_27 = tpu.memref_slice %dma_start3A_24[%dma_start3A_25, %dma_start3A_26] : memref<4x128xi32, #tpu.memory_space<hbm>> -> memref<1x128xi32, #tpu.memory_space<hbm>>
    %dma_start3A_28 = arith.constant 79 : i32
    %dma_start3A_29 = arith.constant 0 : i32
    %dma_start3A_30 = tpu.memref_slice %arg8[%dma_start3A_28, %dma_start3A_29] : memref<80x128xi32, #tpu.memory_space<vmem>> -> memref<1x128xi32, #tpu.memory_space<vmem>>
    %dma_start3A_31 = arith.constant 0 : i32
    %dma_start3A_32 = arith.constant 0 : i32
    %dma_start3A_33 = tpu.memref_slice %arg5[%add3A, %dma_start3A_31, %dma_start3A_32] : memref<32x4x128xi32, #tpu.memory_space<hbm>> -> memref<1x4x128xi32, #tpu.memory_space<hbm>>
    %dma_start3A_34 = tpu.memref_squeeze %dma_start3A_33 : memref<1x4x128xi32, #tpu.memory_space<hbm>> -> memref<4x128xi32, #tpu.memory_space<hbm>>
    %dma_start3A_35 = arith.constant 1 : i32
    %dma_start3A_36 = arith.constant 0 : i32
    %dma_start3A_37 = tpu.memref_slice %dma_start3A_34[%dma_start3A_35, %dma_start3A_36] : memref<4x128xi32, #tpu.memory_space<hbm>> -> memref<1x128xi32, #tpu.memory_space<hbm>>
    tpu.enqueue_dma source(%dma_start3A_37 : memref<1x128xi32, #tpu.memory_space<hbm>>) target(%dma_start3A_30 : memref<1x128xi32, #tpu.memory_space<vmem>>) target_semaphore(%arg12 : memref<!tpu.dma_semaphore, #tpu.memory_space<semaphore_mem>>)
    %lt3A_38 = arith.constant 0 : i32
    %lt3A_39 = arith.constant 78 : i32
    %lt3A_40 = arith.cmpi slt, %lt3A_38, %lt3A_39 : i32
    %convert_element_type3A_41 = arith.extui %lt3A_40 : i1 to i32
    %cond3A_42 = arith.constant 0 : i32
    %cond3A_43 = arith.constant 0 : i32
    %cond3A_44 = arith.cmpi ne, %convert_element_type3A_41, %cond3A_43 : i32
    scf.if %cond3A_44 {
      %mul3A_782 = arith.constant 78 : i32
      %mul3A_783 = arith.muli %add3A, %mul3A_782 : i32
      %add3A_784 = arith.addi %mul3A_783, %cond3A_42 : i32
      %dma_start3A_785 = arith.constant 0 : i32
      %dma_start3A_786 = arith.constant 0 : i32
      %dma_start3A_787 = tpu.memref_slice %arg7[%dma_start3A_785, %dma_start3A_786] : memref<4x128xi32, #tpu.memory_space<vmem>> -> memref<1x128xi32, #tpu.memory_space<vmem>>
      %dma_start3A_788 = arith.constant 0 : i32
      %dma_start3A_789 = tpu.memref_slice %arg3[%add3A_784, %dma_start3A_788] : memref<2500x128xi32, #tpu.memory_space<hbm>> -> memref<1x128xi32, #tpu.memory_space<hbm>>
      %dma_start3A_790 = arith.constant 0 : i32
      %dma_start3A_791 = arith.constant 0 : i32
      %dma_start3A_792 = tpu.memref_slice %arg7[%dma_start3A_790, %dma_start3A_791] : memref<4x128xi32, #tpu.memory_space<vmem>> -> memref<1x128xi32, #tpu.memory_space<vmem>>
      %dma_start3A_793 = arith.constant 0 : i32
      %dma_start3A_794 = tpu.memref_slice %arg3[%add3A_784, %dma_start3A_793] : memref<2500x128xi32, #tpu.memory_space<hbm>> -> memref<1x128xi32, #tpu.memory_space<hbm>>
      tpu.enqueue_dma source(%dma_start3A_794 : memref<1x128xi32, #tpu.memory_space<hbm>>) target(%dma_start3A_792 : memref<1x128xi32, #tpu.memory_space<vmem>>) target_semaphore(%arg15 : memref<!tpu.dma_semaphore, #tpu.memory_space<semaphore_mem>>)
    } else {
    }
    %eq3A = arith.constant 0 : i32
    %eq3A_45 = arith.constant 78 : i32
    %eq3A_46 = arith.cmpi eq, %eq3A, %eq3A_45 : i32
    %lt3A_47 = arith.constant 4 : i32
    %lt3A_48 = arith.cmpi slt, %add3A, %lt3A_47 : i32
    %and3A = arith.andi %eq3A_46, %lt3A_48 : i1
    %convert_element_type3A_49 = arith.extui %and3A : i1 to i32
    %cond3A_50 = arith.constant 0 : i32
    %cond3A_51 = arith.cmpi ne, %convert_element_type3A_49, %cond3A_50 : i32
    scf.if %cond3A_51 {
      %add3A_782 = arith.constant 2496 : i32
      %add3A_783 = arith.addi %add3A_782, %add3A : i32
      %dma_start3A_784 = arith.constant 0 : i32
      %dma_start3A_785 = arith.constant 0 : i32
      %dma_start3A_786 = tpu.memref_slice %arg7[%dma_start3A_784, %dma_start3A_785] : memref<4x128xi32, #tpu.memory_space<vmem>> -> memref<1x128xi32, #tpu.memory_space<vmem>>
      %dma_start3A_787 = arith.constant 0 : i32
      %dma_start3A_788 = tpu.memref_slice %arg3[%add3A_783, %dma_start3A_787] : memref<2500x128xi32, #tpu.memory_space<hbm>> -> memref<1x128xi32, #tpu.memory_space<hbm>>
      %dma_start3A_789 = arith.constant 0 : i32
      %dma_start3A_790 = arith.constant 0 : i32
      %dma_start3A_791 = tpu.memref_slice %arg7[%dma_start3A_789, %dma_start3A_790] : memref<4x128xi32, #tpu.memory_space<vmem>> -> memref<1x128xi32, #tpu.memory_space<vmem>>
      %dma_start3A_792 = arith.constant 0 : i32
      %dma_start3A_793 = tpu.memref_slice %arg3[%add3A_783, %dma_start3A_792] : memref<2500x128xi32, #tpu.memory_space<hbm>> -> memref<1x128xi32, #tpu.memory_space<hbm>>
      tpu.enqueue_dma source(%dma_start3A_793 : memref<1x128xi32, #tpu.memory_space<hbm>>) target(%dma_start3A_791 : memref<1x128xi32, #tpu.memory_space<vmem>>) target_semaphore(%arg15 : memref<!tpu.dma_semaphore, #tpu.memory_space<semaphore_mem>>)
    } else {
    }
    %ge3A_52 = arith.constant 0 : i32
    %ge3A_53 = arith.constant 78 : i32
    %ge3A_54 = arith.cmpi sge, %ge3A_52, %ge3A_53 : i32
    %gt3A = arith.constant 0 : i32
    %gt3A_55 = arith.constant 78 : i32
    %gt3A_56 = arith.cmpi sgt, %gt3A, %gt3A_55 : i32
    %ge3A_57 = arith.constant 4 : i32
    %ge3A_58 = arith.cmpi sge, %add3A, %ge3A_57 : i32
    %or3A = arith.ori %gt3A_56, %ge3A_58 : i1
    %and3A_59 = arith.andi %ge3A_54, %or3A : i1
    %convert_element_type3A_60 = arith.extui %and3A_59 : i1 to i32
    %cond3A_61 = arith.constant 0 : i32
    %cond3A_62 = arith.constant 0 : i32
    %cond3A_63 = arith.cmpi ne, %convert_element_type3A_60, %cond3A_62 : i32
    scf.if %cond3A_63 {
      %sub3A = arith.constant 78 : i32
      %sub3A_782 = arith.subi %cond3A_61, %sub3A : i32
      %dma_start3A_783 = arith.constant 0 : i32
      %dma_start3A_784 = arith.constant 0 : i32
      %dma_start3A_785 = tpu.memref_slice %arg7[%dma_start3A_783, %dma_start3A_784] : memref<4x128xi32, #tpu.memory_space<vmem>> -> memref<1x128xi32, #tpu.memory_space<vmem>>
      %dma_start3A_786 = arith.constant 0 : i32
      %dma_start3A_787 = arith.constant 0 : i32
      %dma_start3A_788 = tpu.memref_slice %arg5[%add3A, %dma_start3A_786, %dma_start3A_787] : memref<32x4x128xi32, #tpu.memory_space<hbm>> -> memref<1x4x128xi32, #tpu.memory_space<hbm>>
      %dma_start3A_789 = tpu.memref_squeeze %dma_start3A_788 : memref<1x4x128xi32, #tpu.memory_space<hbm>> -> memref<4x128xi32, #tpu.memory_space<hbm>>
      %dma_start3A_790 = arith.constant 0 : i32
      %dma_start3A_791 = tpu.memref_slice %dma_start3A_789[%sub3A_782, %dma_start3A_790] : memref<4x128xi32, #tpu.memory_space<hbm>> -> memref<1x128xi32, #tpu.memory_space<hbm>>
      %dma_start3A_792 = arith.constant 0 : i32
      %dma_start3A_793 = arith.constant 0 : i32
      %dma_start3A_794 = tpu.memref_slice %arg7[%dma_start3A_792, %dma_start3A_793] : memref<4x128xi32, #tpu.memory_space<vmem>> -> memref<1x128xi32, #tpu.memory_space<vmem>>
      %dma_start3A_795 = arith.constant 0 : i32
      %dma_start3A_796 = arith.constant 0 : i32
      %dma_start3A_797 = tpu.memref_slice %arg5[%add3A, %dma_start3A_795, %dma_start3A_796] : memref<32x4x128xi32, #tpu.memory_space<hbm>> -> memref<1x4x128xi32, #tpu.memory_space<hbm>>
      %dma_start3A_798 = tpu.memref_squeeze %dma_start3A_797 : memref<1x4x128xi32, #tpu.memory_space<hbm>> -> memref<4x128xi32, #tpu.memory_space<hbm>>
      %dma_start3A_799 = arith.constant 0 : i32
      %dma_start3A_800 = tpu.memref_slice %dma_start3A_798[%sub3A_782, %dma_start3A_799] : memref<4x128xi32, #tpu.memory_space<hbm>> -> memref<1x128xi32, #tpu.memory_space<hbm>>
      tpu.enqueue_dma source(%dma_start3A_800 : memref<1x128xi32, #tpu.memory_space<hbm>>) target(%dma_start3A_794 : memref<1x128xi32, #tpu.memory_space<vmem>>) target_semaphore(%arg15 : memref<!tpu.dma_semaphore, #tpu.memory_space<semaphore_mem>>)
    } else {
    }
    %lt3A_64 = arith.constant 1 : i32
    %lt3A_65 = arith.constant 78 : i32
    %lt3A_66 = arith.cmpi slt, %lt3A_64, %lt3A_65 : i32
    %convert_element_type3A_67 = arith.extui %lt3A_66 : i1 to i32
    %cond3A_68 = arith.constant 1 : i32
    %cond3A_69 = arith.constant 0 : i32
    %cond3A_70 = arith.cmpi ne, %convert_element_type3A_67, %cond3A_69 : i32
    scf.if %cond3A_70 {
      %mul3A_782 = arith.constant 78 : i32
      %mul3A_783 = arith.muli %add3A, %mul3A_782 : i32
      %add3A_784 = arith.addi %mul3A_783, %cond3A_68 : i32
      %dma_start3A_785 = arith.constant 1 : i32
      %dma_start3A_786 = arith.constant 0 : i32
      %dma_start3A_787 = tpu.memref_slice %arg7[%dma_start3A_785, %dma_start3A_786] : memref<4x128xi32, #tpu.memory_space<vmem>> -> memref<1x128xi32, #tpu.memory_space<vmem>>
      %dma_start3A_788 = arith.constant 0 : i32
      %dma_start3A_789 = tpu.memref_slice %arg3[%add3A_784, %dma_start3A_788] : memref<2500x128xi32, #tpu.memory_space<hbm>> -> memref<1x128xi32, #tpu.memory_space<hbm>>
      %dma_start3A_790 = arith.constant 1 : i32
      %dma_start3A_791 = arith.constant 0 : i32
      %dma_start3A_792 = tpu.memref_slice %arg7[%dma_start3A_790, %dma_start3A_791] : memref<4x128xi32, #tpu.memory_space<vmem>> -> memref<1x128xi32, #tpu.memory_space<vmem>>
      %dma_start3A_793 = arith.constant 0 : i32
      %dma_start3A_794 = tpu.memref_slice %arg3[%add3A_784, %dma_start3A_793] : memref<2500x128xi32, #tpu.memory_space<hbm>> -> memref<1x128xi32, #tpu.memory_space<hbm>>
      tpu.enqueue_dma source(%dma_start3A_794 : memref<1x128xi32, #tpu.memory_space<hbm>>) target(%dma_start3A_792 : memref<1x128xi32, #tpu.memory_space<vmem>>) target_semaphore(%arg16 : memref<!tpu.dma_semaphore, #tpu.memory_space<semaphore_mem>>)
    } else {
    }
    %eq3A_71 = arith.constant 1 : i32
    %eq3A_72 = arith.constant 78 : i32
    %eq3A_73 = arith.cmpi eq, %eq3A_71, %eq3A_72 : i32
    %lt3A_74 = arith.constant 4 : i32
    %lt3A_75 = arith.cmpi slt, %add3A, %lt3A_74 : i32
    %and3A_76 = arith.andi %eq3A_73, %lt3A_75 : i1
    %convert_element_type3A_77 = arith.extui %and3A_76 : i1 to i32
    %cond3A_78 = arith.constant 0 : i32
    %cond3A_79 = arith.cmpi ne, %convert_element_type3A_77, %cond3A_78 : i32
    scf.if %cond3A_79 {
      %add3A_782 = arith.constant 2496 : i32
      %add3A_783 = arith.addi %add3A_782, %add3A : i32
      %dma_start3A_784 = arith.constant 1 : i32
      %dma_start3A_785 = arith.constant 0 : i32
      %dma_start3A_786 = tpu.memref_slice %arg7[%dma_start3A_784, %dma_start3A_785] : memref<4x128xi32, #tpu.memory_space<vmem>> -> memref<1x128xi32, #tpu.memory_space<vmem>>
      %dma_start3A_787 = arith.constant 0 : i32
      %dma_start3A_788 = tpu.memref_slice %arg3[%add3A_783, %dma_start3A_787] : memref<2500x128xi32, #tpu.memory_space<hbm>> -> memref<1x128xi32, #tpu.memory_space<hbm>>
      %dma_start3A_789 = arith.constant 1 : i32
      %dma_start3A_790 = arith.constant 0 : i32
      %dma_start3A_791 = tpu.memref_slice %arg7[%dma_start3A_789, %dma_start3A_790] : memref<4x128xi32, #tpu.memory_space<vmem>> -> memref<1x128xi32, #tpu.memory_space<vmem>>
      %dma_start3A_792 = arith.constant 0 : i32
      %dma_start3A_793 = tpu.memref_slice %arg3[%add3A_783, %dma_start3A_792] : memref<2500x128xi32, #tpu.memory_space<hbm>> -> memref<1x128xi32, #tpu.memory_space<hbm>>
      tpu.enqueue_dma source(%dma_start3A_793 : memref<1x128xi32, #tpu.memory_space<hbm>>) target(%dma_start3A_791 : memref<1x128xi32, #tpu.memory_space<vmem>>) target_semaphore(%arg16 : memref<!tpu.dma_semaphore, #tpu.memory_space<semaphore_mem>>)
    } else {
    }
    %ge3A_80 = arith.constant 1 : i32
    %ge3A_81 = arith.constant 78 : i32
    %ge3A_82 = arith.cmpi sge, %ge3A_80, %ge3A_81 : i32
    %gt3A_83 = arith.constant 1 : i32
    %gt3A_84 = arith.constant 78 : i32
    %gt3A_85 = arith.cmpi sgt, %gt3A_83, %gt3A_84 : i32
    %ge3A_86 = arith.constant 4 : i32
    %ge3A_87 = arith.cmpi sge, %add3A, %ge3A_86 : i32
    %or3A_88 = arith.ori %gt3A_85, %ge3A_87 : i1
    %and3A_89 = arith.andi %ge3A_82, %or3A_88 : i1
    %convert_element_type3A_90 = arith.extui %and3A_89 : i1 to i32
    %cond3A_91 = arith.constant 1 : i32
    %cond3A_92 = arith.constant 0 : i32
    %cond3A_93 = arith.cmpi ne, %convert_element_type3A_90, %cond3A_92 : i32
    scf.if %cond3A_93 {
      %sub3A = arith.constant 78 : i32
      %sub3A_782 = arith.subi %cond3A_91, %sub3A : i32
      %dma_start3A_783 = arith.constant 1 : i32
      %dma_start3A_784 = arith.constant 0 : i32
      %dma_start3A_785 = tpu.memref_slice %arg7[%dma_start3A_783, %dma_start3A_784] : memref<4x128xi32, #tpu.memory_space<vmem>> -> memref<1x128xi32, #tpu.memory_space<vmem>>
      %dma_start3A_786 = arith.constant 0 : i32
      %dma_start3A_787 = arith.constant 0 : i32
      %dma_start3A_788 = tpu.memref_slice %arg5[%add3A, %dma_start3A_786, %dma_start3A_787] : memref<32x4x128xi32, #tpu.memory_space<hbm>> -> memref<1x4x128xi32, #tpu.memory_space<hbm>>
      %dma_start3A_789 = tpu.memref_squeeze %dma_start3A_788 : memref<1x4x128xi32, #tpu.memory_space<hbm>> -> memref<4x128xi32, #tpu.memory_space<hbm>>
      %dma_start3A_790 = arith.constant 0 : i32
      %dma_start3A_791 = tpu.memref_slice %dma_start3A_789[%sub3A_782, %dma_start3A_790] : memref<4x128xi32, #tpu.memory_space<hbm>> -> memref<1x128xi32, #tpu.memory_space<hbm>>
      %dma_start3A_792 = arith.constant 1 : i32
      %dma_start3A_793 = arith.constant 0 : i32
      %dma_start3A_794 = tpu.memref_slice %arg7[%dma_start3A_792, %dma_start3A_793] : memref<4x128xi32, #tpu.memory_space<vmem>> -> memref<1x128xi32, #tpu.memory_space<vmem>>
      %dma_start3A_795 = arith.constant 0 : i32
      %dma_start3A_796 = arith.constant 0 : i32
      %dma_start3A_797 = tpu.memref_slice %arg5[%add3A, %dma_start3A_795, %dma_start3A_796] : memref<32x4x128xi32, #tpu.memory_space<hbm>> -> memref<1x4x128xi32, #tpu.memory_space<hbm>>
      %dma_start3A_798 = tpu.memref_squeeze %dma_start3A_797 : memref<1x4x128xi32, #tpu.memory_space<hbm>> -> memref<4x128xi32, #tpu.memory_space<hbm>>
      %dma_start3A_799 = arith.constant 0 : i32
      %dma_start3A_800 = tpu.memref_slice %dma_start3A_798[%sub3A_782, %dma_start3A_799] : memref<4x128xi32, #tpu.memory_space<hbm>> -> memref<1x128xi32, #tpu.memory_space<hbm>>
      tpu.enqueue_dma source(%dma_start3A_800 : memref<1x128xi32, #tpu.memory_space<hbm>>) target(%dma_start3A_794 : memref<1x128xi32, #tpu.memory_space<vmem>>) target_semaphore(%arg16 : memref<!tpu.dma_semaphore, #tpu.memory_space<semaphore_mem>>)
    } else {
    }
    %lt3A_94 = arith.constant 2 : i32
    %lt3A_95 = arith.constant 78 : i32
    %lt3A_96 = arith.cmpi slt, %lt3A_94, %lt3A_95 : i32
    %convert_element_type3A_97 = arith.extui %lt3A_96 : i1 to i32
    %cond3A_98 = arith.constant 2 : i32
    %cond3A_99 = arith.constant 0 : i32
    %cond3A_100 = arith.cmpi ne, %convert_element_type3A_97, %cond3A_99 : i32
    scf.if %cond3A_100 {
      %mul3A_782 = arith.constant 78 : i32
      %mul3A_783 = arith.muli %add3A, %mul3A_782 : i32
      %add3A_784 = arith.addi %mul3A_783, %cond3A_98 : i32
      %dma_start3A_785 = arith.constant 2 : i32
      %dma_start3A_786 = arith.constant 0 : i32
      %dma_start3A_787 = tpu.memref_slice %arg7[%dma_start3A_785, %dma_start3A_786] : memref<4x128xi32, #tpu.memory_space<vmem>> -> memref<1x128xi32, #tpu.memory_space<vmem>>
      %dma_start3A_788 = arith.constant 0 : i32
      %dma_start3A_789 = tpu.memref_slice %arg3[%add3A_784, %dma_start3A_788] : memref<2500x128xi32, #tpu.memory_space<hbm>> -> memref<1x128xi32, #tpu.memory_space<hbm>>
      %dma_start3A_790 = arith.constant 2 : i32
      %dma_start3A_791 = arith.constant 0 : i32
      %dma_start3A_792 = tpu.memref_slice %arg7[%dma_start3A_790, %dma_start3A_791] : memref<4x128xi32, #tpu.memory_space<vmem>> -> memref<1x128xi32, #tpu.memory_space<vmem>>
      %dma_start3A_793 = arith.constant 0 : i32
      %dma_start3A_794 = tpu.memref_slice %arg3[%add3A_784, %dma_start3A_793] : memref<2500x128xi32, #tpu.memory_space<hbm>> -> memref<1x128xi32, #tpu.memory_space<hbm>>
      tpu.enqueue_dma source(%dma_start3A_794 : memref<1x128xi32, #tpu.memory_space<hbm>>) target(%dma_start3A_792 : memref<1x128xi32, #tpu.memory_space<vmem>>) target_semaphore(%arg17 : memref<!tpu.dma_semaphore, #tpu.memory_space<semaphore_mem>>)
    } else {
    }
    %eq3A_101 = arith.constant 2 : i32
    %eq3A_102 = arith.constant 78 : i32
    %eq3A_103 = arith.cmpi eq, %eq3A_101, %eq3A_102 : i32
    %lt3A_104 = arith.constant 4 : i32
    %lt3A_105 = arith.cmpi slt, %add3A, %lt3A_104 : i32
    %and3A_106 = arith.andi %eq3A_103, %lt3A_105 : i1
    %convert_element_type3A_107 = arith.extui %and3A_106 : i1 to i32
    %cond3A_108 = arith.constant 0 : i32
    %cond3A_109 = arith.cmpi ne, %convert_element_type3A_107, %cond3A_108 : i32
    scf.if %cond3A_109 {
      %add3A_782 = arith.constant 2496 : i32
      %add3A_783 = arith.addi %add3A_782, %add3A : i32
      %dma_start3A_784 = arith.constant 2 : i32
      %dma_start3A_785 = arith.constant 0 : i32
      %dma_start3A_786 = tpu.memref_slice %arg7[%dma_start3A_784, %dma_start3A_785] : memref<4x128xi32, #tpu.memory_space<vmem>> -> memref<1x128xi32, #tpu.memory_space<vmem>>
      %dma_start3A_787 = arith.constant 0 : i32
      %dma_start3A_788 = tpu.memref_slice %arg3[%add3A_783, %dma_start3A_787] : memref<2500x128xi32, #tpu.memory_space<hbm>> -> memref<1x128xi32, #tpu.memory_space<hbm>>
      %dma_start3A_789 = arith.constant 2 : i32
      %dma_start3A_790 = arith.constant 0 : i32
      %dma_start3A_791 = tpu.memref_slice %arg7[%dma_start3A_789, %dma_start3A_790] : memref<4x128xi32, #tpu.memory_space<vmem>> -> memref<1x128xi32, #tpu.memory_space<vmem>>
      %dma_start3A_792 = arith.constant 0 : i32
      %dma_start3A_793 = tpu.memref_slice %arg3[%add3A_783, %dma_start3A_792] : memref<2500x128xi32, #tpu.memory_space<hbm>> -> memref<1x128xi32, #tpu.memory_space<hbm>>
      tpu.enqueue_dma source(%dma_start3A_793 : memref<1x128xi32, #tpu.memory_space<hbm>>) target(%dma_start3A_791 : memref<1x128xi32, #tpu.memory_space<vmem>>) target_semaphore(%arg17 : memref<!tpu.dma_semaphore, #tpu.memory_space<semaphore_mem>>)
    } else {
    }
    %ge3A_110 = arith.constant 2 : i32
    %ge3A_111 = arith.constant 78 : i32
    %ge3A_112 = arith.cmpi sge, %ge3A_110, %ge3A_111 : i32
    %gt3A_113 = arith.constant 2 : i32
    %gt3A_114 = arith.constant 78 : i32
    %gt3A_115 = arith.cmpi sgt, %gt3A_113, %gt3A_114 : i32
    %ge3A_116 = arith.constant 4 : i32
    %ge3A_117 = arith.cmpi sge, %add3A, %ge3A_116 : i32
    %or3A_118 = arith.ori %gt3A_115, %ge3A_117 : i1
    %and3A_119 = arith.andi %ge3A_112, %or3A_118 : i1
    %convert_element_type3A_120 = arith.extui %and3A_119 : i1 to i32
    %cond3A_121 = arith.constant 2 : i32
    %cond3A_122 = arith.constant 0 : i32
    %cond3A_123 = arith.cmpi ne, %convert_element_type3A_120, %cond3A_122 : i32
    scf.if %cond3A_123 {
      %sub3A = arith.constant 78 : i32
      %sub3A_782 = arith.subi %cond3A_121, %sub3A : i32
      %dma_start3A_783 = arith.constant 2 : i32
      %dma_start3A_784 = arith.constant 0 : i32
      %dma_start3A_785 = tpu.memref_slice %arg7[%dma_start3A_783, %dma_start3A_784] : memref<4x128xi32, #tpu.memory_space<vmem>> -> memref<1x128xi32, #tpu.memory_space<vmem>>
      %dma_start3A_786 = arith.constant 0 : i32
      %dma_start3A_787 = arith.constant 0 : i32
      %dma_start3A_788 = tpu.memref_slice %arg5[%add3A, %dma_start3A_786, %dma_start3A_787] : memref<32x4x128xi32, #tpu.memory_space<hbm>> -> memref<1x4x128xi32, #tpu.memory_space<hbm>>
      %dma_start3A_789 = tpu.memref_squeeze %dma_start3A_788 : memref<1x4x128xi32, #tpu.memory_space<hbm>> -> memref<4x128xi32, #tpu.memory_space<hbm>>
      %dma_start3A_790 = arith.constant 0 : i32
      %dma_start3A_791 = tpu.memref_slice %dma_start3A_789[%sub3A_782, %dma_start3A_790] : memref<4x128xi32, #tpu.memory_space<hbm>> -> memref<1x128xi32, #tpu.memory_space<hbm>>
      %dma_start3A_792 = arith.constant 2 : i32
      %dma_start3A_793 = arith.constant 0 : i32
      %dma_start3A_794 = tpu.memref_slice %arg7[%dma_start3A_792, %dma_start3A_793] : memref<4x128xi32, #tpu.memory_space<vmem>> -> memref<1x128xi32, #tpu.memory_space<vmem>>
      %dma_start3A_795 = arith.constant 0 : i32
      %dma_start3A_796 = arith.constant 0 : i32
      %dma_start3A_797 = tpu.memref_slice %arg5[%add3A, %dma_start3A_795, %dma_start3A_796] : memref<32x4x128xi32, #tpu.memory_space<hbm>> -> memref<1x4x128xi32, #tpu.memory_space<hbm>>
      %dma_start3A_798 = tpu.memref_squeeze %dma_start3A_797 : memref<1x4x128xi32, #tpu.memory_space<hbm>> -> memref<4x128xi32, #tpu.memory_space<hbm>>
      %dma_start3A_799 = arith.constant 0 : i32
      %dma_start3A_800 = tpu.memref_slice %dma_start3A_798[%sub3A_782, %dma_start3A_799] : memref<4x128xi32, #tpu.memory_space<hbm>> -> memref<1x128xi32, #tpu.memory_space<hbm>>
      tpu.enqueue_dma source(%dma_start3A_800 : memref<1x128xi32, #tpu.memory_space<hbm>>) target(%dma_start3A_794 : memref<1x128xi32, #tpu.memory_space<vmem>>) target_semaphore(%arg17 : memref<!tpu.dma_semaphore, #tpu.memory_space<semaphore_mem>>)
    } else {
    }
    %lt3A_124 = arith.constant 3 : i32
    %lt3A_125 = arith.constant 78 : i32
    %lt3A_126 = arith.cmpi slt, %lt3A_124, %lt3A_125 : i32
    %convert_element_type3A_127 = arith.extui %lt3A_126 : i1 to i32
    %cond3A_128 = arith.constant 3 : i32
    %cond3A_129 = arith.constant 0 : i32
    %cond3A_130 = arith.cmpi ne, %convert_element_type3A_127, %cond3A_129 : i32
    scf.if %cond3A_130 {
      %mul3A_782 = arith.constant 78 : i32
      %mul3A_783 = arith.muli %add3A, %mul3A_782 : i32
      %add3A_784 = arith.addi %mul3A_783, %cond3A_128 : i32
      %dma_start3A_785 = arith.constant 3 : i32
      %dma_start3A_786 = arith.constant 0 : i32
      %dma_start3A_787 = tpu.memref_slice %arg7[%dma_start3A_785, %dma_start3A_786] : memref<4x128xi32, #tpu.memory_space<vmem>> -> memref<1x128xi32, #tpu.memory_space<vmem>>
      %dma_start3A_788 = arith.constant 0 : i32
      %dma_start3A_789 = tpu.memref_slice %arg3[%add3A_784, %dma_start3A_788] : memref<2500x128xi32, #tpu.memory_space<hbm>> -> memref<1x128xi32, #tpu.memory_space<hbm>>
      %dma_start3A_790 = arith.constant 3 : i32
      %dma_start3A_791 = arith.constant 0 : i32
      %dma_start3A_792 = tpu.memref_slice %arg7[%dma_start3A_790, %dma_start3A_791] : memref<4x128xi32, #tpu.memory_space<vmem>> -> memref<1x128xi32, #tpu.memory_space<vmem>>
      %dma_start3A_793 = arith.constant 0 : i32
      %dma_start3A_794 = tpu.memref_slice %arg3[%add3A_784, %dma_start3A_793] : memref<2500x128xi32, #tpu.memory_space<hbm>> -> memref<1x128xi32, #tpu.memory_space<hbm>>
      tpu.enqueue_dma source(%dma_start3A_794 : memref<1x128xi32, #tpu.memory_space<hbm>>) target(%dma_start3A_792 : memref<1x128xi32, #tpu.memory_space<vmem>>) target_semaphore(%arg18 : memref<!tpu.dma_semaphore, #tpu.memory_space<semaphore_mem>>)
    } else {
    }
    %eq3A_131 = arith.constant 3 : i32
    %eq3A_132 = arith.constant 78 : i32
    %eq3A_133 = arith.cmpi eq, %eq3A_131, %eq3A_132 : i32
    %lt3A_134 = arith.constant 4 : i32
    %lt3A_135 = arith.cmpi slt, %add3A, %lt3A_134 : i32
    %and3A_136 = arith.andi %eq3A_133, %lt3A_135 : i1
    %convert_element_type3A_137 = arith.extui %and3A_136 : i1 to i32
    %cond3A_138 = arith.constant 0 : i32
    %cond3A_139 = arith.cmpi ne, %convert_element_type3A_137, %cond3A_138 : i32
    scf.if %cond3A_139 {
      %add3A_782 = arith.constant 2496 : i32
      %add3A_783 = arith.addi %add3A_782, %add3A : i32
      %dma_start3A_784 = arith.constant 3 : i32
      %dma_start3A_785 = arith.constant 0 : i32
      %dma_start3A_786 = tpu.memref_slice %arg7[%dma_start3A_784, %dma_start3A_785] : memref<4x128xi32, #tpu.memory_space<vmem>> -> memref<1x128xi32, #tpu.memory_space<vmem>>
      %dma_start3A_787 = arith.constant 0 : i32
      %dma_start3A_788 = tpu.memref_slice %arg3[%add3A_783, %dma_start3A_787] : memref<2500x128xi32, #tpu.memory_space<hbm>> -> memref<1x128xi32, #tpu.memory_space<hbm>>
      %dma_start3A_789 = arith.constant 3 : i32
      %dma_start3A_790 = arith.constant 0 : i32
      %dma_start3A_791 = tpu.memref_slice %arg7[%dma_start3A_789, %dma_start3A_790] : memref<4x128xi32, #tpu.memory_space<vmem>> -> memref<1x128xi32, #tpu.memory_space<vmem>>
      %dma_start3A_792 = arith.constant 0 : i32
      %dma_start3A_793 = tpu.memref_slice %arg3[%add3A_783, %dma_start3A_792] : memref<2500x128xi32, #tpu.memory_space<hbm>> -> memref<1x128xi32, #tpu.memory_space<hbm>>
      tpu.enqueue_dma source(%dma_start3A_793 : memref<1x128xi32, #tpu.memory_space<hbm>>) target(%dma_start3A_791 : memref<1x128xi32, #tpu.memory_space<vmem>>) target_semaphore(%arg18 : memref<!tpu.dma_semaphore, #tpu.memory_space<semaphore_mem>>)
    } else {
    }
    %ge3A_140 = arith.constant 3 : i32
    %ge3A_141 = arith.constant 78 : i32
    %ge3A_142 = arith.cmpi sge, %ge3A_140, %ge3A_141 : i32
    %gt3A_143 = arith.constant 3 : i32
    %gt3A_144 = arith.constant 78 : i32
    %gt3A_145 = arith.cmpi sgt, %gt3A_143, %gt3A_144 : i32
    %ge3A_146 = arith.constant 4 : i32
    %ge3A_147 = arith.cmpi sge, %add3A, %ge3A_146 : i32
    %or3A_148 = arith.ori %gt3A_145, %ge3A_147 : i1
    %and3A_149 = arith.andi %ge3A_142, %or3A_148 : i1
    %convert_element_type3A_150 = arith.extui %and3A_149 : i1 to i32
    %cond3A_151 = arith.constant 3 : i32
    %cond3A_152 = arith.constant 0 : i32
    %cond3A_153 = arith.cmpi ne, %convert_element_type3A_150, %cond3A_152 : i32
    scf.if %cond3A_153 {
      %sub3A = arith.constant 78 : i32
      %sub3A_782 = arith.subi %cond3A_151, %sub3A : i32
      %dma_start3A_783 = arith.constant 3 : i32
      %dma_start3A_784 = arith.constant 0 : i32
      %dma_start3A_785 = tpu.memref_slice %arg7[%dma_start3A_783, %dma_start3A_784] : memref<4x128xi32, #tpu.memory_space<vmem>> -> memref<1x128xi32, #tpu.memory_space<vmem>>
      %dma_start3A_786 = arith.constant 0 : i32
      %dma_start3A_787 = arith.constant 0 : i32
      %dma_start3A_788 = tpu.memref_slice %arg5[%add3A, %dma_start3A_786, %dma_start3A_787] : memref<32x4x128xi32, #tpu.memory_space<hbm>> -> memref<1x4x128xi32, #tpu.memory_space<hbm>>
      %dma_start3A_789 = tpu.memref_squeeze %dma_start3A_788 : memref<1x4x128xi32, #tpu.memory_space<hbm>> -> memref<4x128xi32, #tpu.memory_space<hbm>>
      %dma_start3A_790 = arith.constant 0 : i32
      %dma_start3A_791 = tpu.memref_slice %dma_start3A_789[%sub3A_782, %dma_start3A_790] : memref<4x128xi32, #tpu.memory_space<hbm>> -> memref<1x128xi32, #tpu.memory_space<hbm>>
      %dma_start3A_792 = arith.constant 3 : i32
      %dma_start3A_793 = arith.constant 0 : i32
      %dma_start3A_794 = tpu.memref_slice %arg7[%dma_start3A_792, %dma_start3A_793] : memref<4x128xi32, #tpu.memory_space<vmem>> -> memref<1x128xi32, #tpu.memory_space<vmem>>
      %dma_start3A_795 = arith.constant 0 : i32
      %dma_start3A_796 = arith.constant 0 : i32
      %dma_start3A_797 = tpu.memref_slice %arg5[%add3A, %dma_start3A_795, %dma_start3A_796] : memref<32x4x128xi32, #tpu.memory_space<hbm>> -> memref<1x4x128xi32, #tpu.memory_space<hbm>>
      %dma_start3A_798 = tpu.memref_squeeze %dma_start3A_797 : memref<1x4x128xi32, #tpu.memory_space<hbm>> -> memref<4x128xi32, #tpu.memory_space<hbm>>
      %dma_start3A_799 = arith.constant 0 : i32
      %dma_start3A_800 = tpu.memref_slice %dma_start3A_798[%sub3A_782, %dma_start3A_799] : memref<4x128xi32, #tpu.memory_space<hbm>> -> memref<1x128xi32, #tpu.memory_space<hbm>>
      tpu.enqueue_dma source(%dma_start3A_800 : memref<1x128xi32, #tpu.memory_space<hbm>>) target(%dma_start3A_794 : memref<1x128xi32, #tpu.memory_space<vmem>>) target_semaphore(%arg18 : memref<!tpu.dma_semaphore, #tpu.memory_space<semaphore_mem>>)
    } else {
    }
    %scan3A = arith.constant 0 : i32
    %scan3A_154 = arith.constant 0 : i32
    %scan3A_155 = arith.constant 128 : i32
    %scan3A_156 = arith.addi %scan3A_154, %scan3A_155 : i32
    %scan3A_157 = arith.constant 1 : i32
    scf.for %scan3A_782 = %scan3A_154 to %scan3A_156 step %scan3A_157  : i32 {
      %mul3A_783 = arith.constant 1 : i32
      %mul3A_784 = arith.muli %scan3A_782, %mul3A_783 : i32
      %add3A_785 = arith.constant 0 : i32
      %add3A_786 = arith.addi %add3A_785, %mul3A_784 : i32
      %broadcast_in_dim3A = arith.constant 0.000000e+00 : f32
      %broadcast_in_dim3A_787 = vector.broadcast %broadcast_in_dim3A : f32 to vector<1x16xf32>
      %swap3A = arith.constant 0 : i32
      %swap3A_788 = arith.constant 0 : i32
      %swap3A_789 = tpu.memref_slice %arg9[%scan3A, %swap3A, %swap3A_788] : memref<2x128x128xf32, #tpu.memory_space<vmem>> -> memref<1x128x128xf32, #tpu.memory_space<vmem>>
      %swap3A_790 = tpu.memref_squeeze %swap3A_789 : memref<1x128x128xf32, #tpu.memory_space<vmem>> -> memref<128x128xf32, #tpu.memory_space<vmem>>
      %swap3A_791 = arith.index_cast %add3A_786 : i32 to index
      %swap3A_792 = arith.constant 0 : index
      %swap3A_793 = tpu.vector_load %swap3A_790[%swap3A_791, %swap3A_792] {strides = array<i32>} : memref<128x128xf32, #tpu.memory_space<vmem>>, vector<1x16xf32>,
      %swap3A_794 = vector.shape_cast %swap3A_793 : vector<1x16xf32> to vector<1x16xf32>
      %swap3A_795 = vector.shape_cast %broadcast_in_dim3A_787 : vector<1x16xf32> to vector<1x16xf32>
      tpu.vector_store %swap3A_790[%swap3A_791, %swap3A_792], %swap3A_795 {strides = array<i32>} : memref<128x128xf32, #tpu.memory_space<vmem>>, vector<1x16xf32>,
      %broadcast_in_dim3A_796 = arith.constant 0.000000e+00 : f32
      %broadcast_in_dim3A_797 = vector.broadcast %broadcast_in_dim3A_796 : f32 to vector<1x16xf32>
      %swap3A_798 = arith.constant 0 : i32
      %swap3A_799 = arith.constant 0 : i32
      %swap3A_800 = tpu.memref_slice %arg9[%scan3A, %swap3A_798, %swap3A_799] : memref<2x128x128xf32, #tpu.memory_space<vmem>> -> memref<1x128x128xf32, #tpu.memory_space<vmem>>
      %swap3A_801 = tpu.memref_squeeze %swap3A_800 : memref<1x128x128xf32, #tpu.memory_space<vmem>> -> memref<128x128xf32, #tpu.memory_space<vmem>>
      %swap3A_802 = arith.index_cast %add3A_786 : i32 to index
      %swap3A_803 = arith.constant 16 : index
      %swap3A_804 = tpu.vector_load %swap3A_801[%swap3A_802, %swap3A_803] {strides = array<i32>} : memref<128x128xf32, #tpu.memory_space<vmem>>, vector<1x16xf32>,
      %swap3A_805 = vector.shape_cast %swap3A_804 : vector<1x16xf32> to vector<1x16xf32>
      %swap3A_806 = vector.shape_cast %broadcast_in_dim3A_797 : vector<1x16xf32> to vector<1x16xf32>
      tpu.vector_store %swap3A_801[%swap3A_802, %swap3A_803], %swap3A_806 {strides = array<i32>} : memref<128x128xf32, #tpu.memory_space<vmem>>, vector<1x16xf32>,
      %broadcast_in_dim3A_807 = arith.constant 0.000000e+00 : f32
      %broadcast_in_dim3A_808 = vector.broadcast %broadcast_in_dim3A_807 : f32 to vector<1x16xf32>
      %swap3A_809 = arith.constant 0 : i32
      %swap3A_810 = arith.constant 0 : i32
      %swap3A_811 = tpu.memref_slice %arg9[%scan3A, %swap3A_809, %swap3A_810] : memref<2x128x128xf32, #tpu.memory_space<vmem>> -> memref<1x128x128xf32, #tpu.memory_space<vmem>>
      %swap3A_812 = tpu.memref_squeeze %swap3A_811 : memref<1x128x128xf32, #tpu.memory_space<vmem>> -> memref<128x128xf32, #tpu.memory_space<vmem>>
      %swap3A_813 = arith.index_cast %add3A_786 : i32 to index
      %swap3A_814 = arith.constant 32 : index
      %swap3A_815 = tpu.vector_load %swap3A_812[%swap3A_813, %swap3A_814] {strides = array<i32>} : memref<128x128xf32, #tpu.memory_space<vmem>>, vector<1x16xf32>,
      %swap3A_816 = vector.shape_cast %swap3A_815 : vector<1x16xf32> to vector<1x16xf32>
      %swap3A_817 = vector.shape_cast %broadcast_in_dim3A_808 : vector<1x16xf32> to vector<1x16xf32>
      tpu.vector_store %swap3A_812[%swap3A_813, %swap3A_814], %swap3A_817 {strides = array<i32>} : memref<128x128xf32, #tpu.memory_space<vmem>>, vector<1x16xf32>,
      %broadcast_in_dim3A_818 = arith.constant 0.000000e+00 : f32
      %broadcast_in_dim3A_819 = vector.broadcast %broadcast_in_dim3A_818 : f32 to vector<1x16xf32>
      %swap3A_820 = arith.constant 0 : i32
      %swap3A_821 = arith.constant 0 : i32
      %swap3A_822 = tpu.memref_slice %arg9[%scan3A, %swap3A_820, %swap3A_821] : memref<2x128x128xf32, #tpu.memory_space<vmem>> -> memref<1x128x128xf32, #tpu.memory_space<vmem>>
      %swap3A_823 = tpu.memref_squeeze %swap3A_822 : memref<1x128x128xf32, #tpu.memory_space<vmem>> -> memref<128x128xf32, #tpu.memory_space<vmem>>
      %swap3A_824 = arith.index_cast %add3A_786 : i32 to index
      %swap3A_825 = arith.constant 48 : index
      %swap3A_826 = tpu.vector_load %swap3A_823[%swap3A_824, %swap3A_825] {strides = array<i32>} : memref<128x128xf32, #tpu.memory_space<vmem>>, vector<1x16xf32>,
      %swap3A_827 = vector.shape_cast %swap3A_826 : vector<1x16xf32> to vector<1x16xf32>
      %swap3A_828 = vector.shape_cast %broadcast_in_dim3A_819 : vector<1x16xf32> to vector<1x16xf32>
      tpu.vector_store %swap3A_823[%swap3A_824, %swap3A_825], %swap3A_828 {strides = array<i32>} : memref<128x128xf32, #tpu.memory_space<vmem>>, vector<1x16xf32>,
      %broadcast_in_dim3A_829 = arith.constant 0.000000e+00 : f32
      %broadcast_in_dim3A_830 = vector.broadcast %broadcast_in_dim3A_829 : f32 to vector<1x16xf32>
      %swap3A_831 = arith.constant 0 : i32
      %swap3A_832 = arith.constant 0 : i32
      %swap3A_833 = tpu.memref_slice %arg9[%scan3A, %swap3A_831, %swap3A_832] : memref<2x128x128xf32, #tpu.memory_space<vmem>> -> memref<1x128x128xf32, #tpu.memory_space<vmem>>
      %swap3A_834 = tpu.memref_squeeze %swap3A_833 : memref<1x128x128xf32, #tpu.memory_space<vmem>> -> memref<128x128xf32, #tpu.memory_space<vmem>>
      %swap3A_835 = arith.index_cast %add3A_786 : i32 to index
      %swap3A_836 = arith.constant 64 : index
      %swap3A_837 = tpu.vector_load %swap3A_834[%swap3A_835, %swap3A_836] {strides = array<i32>} : memref<128x128xf32, #tpu.memory_space<vmem>>, vector<1x16xf32>,
      %swap3A_838 = vector.shape_cast %swap3A_837 : vector<1x16xf32> to vector<1x16xf32>
      %swap3A_839 = vector.shape_cast %broadcast_in_dim3A_830 : vector<1x16xf32> to vector<1x16xf32>
      tpu.vector_store %swap3A_834[%swap3A_835, %swap3A_836], %swap3A_839 {strides = array<i32>} : memref<128x128xf32, #tpu.memory_space<vmem>>, vector<1x16xf32>,
      %broadcast_in_dim3A_840 = arith.constant 0.000000e+00 : f32
      %broadcast_in_dim3A_841 = vector.broadcast %broadcast_in_dim3A_840 : f32 to vector<1x16xf32>
      %swap3A_842 = arith.constant 0 : i32
      %swap3A_843 = arith.constant 0 : i32
      %swap3A_844 = tpu.memref_slice %arg9[%scan3A, %swap3A_842, %swap3A_843] : memref<2x128x128xf32, #tpu.memory_space<vmem>> -> memref<1x128x128xf32, #tpu.memory_space<vmem>>
      %swap3A_845 = tpu.memref_squeeze %swap3A_844 : memref<1x128x128xf32, #tpu.memory_space<vmem>> -> memref<128x128xf32, #tpu.memory_space<vmem>>
      %swap3A_846 = arith.index_cast %add3A_786 : i32 to index
      %swap3A_847 = arith.constant 80 : index
      %swap3A_848 = tpu.vector_load %swap3A_845[%swap3A_846, %swap3A_847] {strides = array<i32>} : memref<128x128xf32, #tpu.memory_space<vmem>>, vector<1x16xf32>,
      %swap3A_849 = vector.shape_cast %swap3A_848 : vector<1x16xf32> to vector<1x16xf32>
      %swap3A_850 = vector.shape_cast %broadcast_in_dim3A_841 : vector<1x16xf32> to vector<1x16xf32>
      tpu.vector_store %swap3A_845[%swap3A_846, %swap3A_847], %swap3A_850 {strides = array<i32>} : memref<128x128xf32, #tpu.memory_space<vmem>>, vector<1x16xf32>,
      %broadcast_in_dim3A_851 = arith.constant 0.000000e+00 : f32
      %broadcast_in_dim3A_852 = vector.broadcast %broadcast_in_dim3A_851 : f32 to vector<1x16xf32>
      %swap3A_853 = arith.constant 0 : i32
      %swap3A_854 = arith.constant 0 : i32
      %swap3A_855 = tpu.memref_slice %arg9[%scan3A, %swap3A_853, %swap3A_854] : memref<2x128x128xf32, #tpu.memory_space<vmem>> -> memref<1x128x128xf32, #tpu.memory_space<vmem>>
      %swap3A_856 = tpu.memref_squeeze %swap3A_855 : memref<1x128x128xf32, #tpu.memory_space<vmem>> -> memref<128x128xf32, #tpu.memory_space<vmem>>
      %swap3A_857 = arith.index_cast %add3A_786 : i32 to index
      %swap3A_858 = arith.constant 96 : index
      %swap3A_859 = tpu.vector_load %swap3A_856[%swap3A_857, %swap3A_858] {strides = array<i32>} : memref<128x128xf32, #tpu.memory_space<vmem>>, vector<1x16xf32>,
      %swap3A_860 = vector.shape_cast %swap3A_859 : vector<1x16xf32> to vector<1x16xf32>
      %swap3A_861 = vector.shape_cast %broadcast_in_dim3A_852 : vector<1x16xf32> to vector<1x16xf32>
      tpu.vector_store %swap3A_856[%swap3A_857, %swap3A_858], %swap3A_861 {strides = array<i32>} : memref<128x128xf32, #tpu.memory_space<vmem>>, vector<1x16xf32>,
      %broadcast_in_dim3A_862 = arith.constant 0.000000e+00 : f32
      %broadcast_in_dim3A_863 = vector.broadcast %broadcast_in_dim3A_862 : f32 to vector<1x16xf32>
      %swap3A_864 = arith.constant 0 : i32
      %swap3A_865 = arith.constant 0 : i32
      %swap3A_866 = tpu.memref_slice %arg9[%scan3A, %swap3A_864, %swap3A_865] : memref<2x128x128xf32, #tpu.memory_space<vmem>> -> memref<1x128x128xf32, #tpu.memory_space<vmem>>
      %swap3A_867 = tpu.memref_squeeze %swap3A_866 : memref<1x128x128xf32, #tpu.memory_space<vmem>> -> memref<128x128xf32, #tpu.memory_space<vmem>>
      %swap3A_868 = arith.index_cast %add3A_786 : i32 to index
      %swap3A_869 = arith.constant 112 : index
      %swap3A_870 = tpu.vector_load %swap3A_867[%swap3A_868, %swap3A_869] {strides = array<i32>} : memref<128x128xf32, #tpu.memory_space<vmem>>, vector<1x16xf32>,
      %swap3A_871 = vector.shape_cast %swap3A_870 : vector<1x16xf32> to vector<1x16xf32>
      %swap3A_872 = vector.shape_cast %broadcast_in_dim3A_863 : vector<1x16xf32> to vector<1x16xf32>
      tpu.vector_store %swap3A_867[%swap3A_868, %swap3A_869], %swap3A_872 {strides = array<i32>} : memref<128x128xf32, #tpu.memory_space<vmem>>, vector<1x16xf32>,
    }
    %scan3A_158 = arith.constant 128 : i32
    %mul3A_159 = arith.constant 672 : i32
    %mul3A_160 = arith.muli %arg1, %mul3A_159 : i32
    %add3A_161 = arith.constant 0 : i32
    %add3A_162 = arith.addi %mul3A_160, %add3A_161 : i32
    %dma_start3A_163 = arith.constant 0 : i32
    %dma_start3A_164 = arith.constant 0 : i32
    %dma_start3A_165 = arith.constant 0 : i32
    %dma_start3A_166 = tpu.memref_slice %arg9[%dma_start3A_163, %dma_start3A_164, %dma_start3A_165] : memref<2x128x128xf32, #tpu.memory_space<vmem>> -> memref<1x128x128xf32, #tpu.memory_space<vmem>>
    %dma_start3A_167 = tpu.memref_squeeze %dma_start3A_166 : memref<1x128x128xf32, #tpu.memory_space<vmem>> -> memref<128x128xf32, #tpu.memory_space<vmem>>
    %dma_start3A_168 = arith.constant 0 : i32
    %dma_start3A_169 = tpu.memref_slice %arg10[%add3A_162, %dma_start3A_168] : memref<10752x128xf32, #tpu.memory_space<vmem_shared>> -> memref<128x128xf32, #tpu.memory_space<vmem_shared>>
    %dma_start3A_170 = arith.constant 0 : i32
    %dma_start3A_171 = tpu.memref_slice %arg10[%add3A_162, %dma_start3A_170] : memref<10752x128xf32, #tpu.memory_space<vmem_shared>> -> memref<128x128xf32, #tpu.memory_space<vmem_shared>>
    %dma_start3A_172 = arith.constant 0 : i32
    %dma_start3A_173 = arith.constant 0 : i32
    %dma_start3A_174 = tpu.memref_slice %arg9[%dma_start3A_163, %dma_start3A_172, %dma_start3A_173] : memref<2x128x128xf32, #tpu.memory_space<vmem>> -> memref<1x128x128xf32, #tpu.memory_space<vmem>>
    %dma_start3A_175 = tpu.memref_squeeze %dma_start3A_174 : memref<1x128x128xf32, #tpu.memory_space<vmem>> -> memref<128x128xf32, #tpu.memory_space<vmem>>
    tpu.enqueue_dma source(%dma_start3A_175 : memref<128x128xf32, #tpu.memory_space<vmem>>) target(%dma_start3A_171 : memref<128x128xf32, #tpu.memory_space<vmem_shared>>) target_semaphore(%arg11 : memref<!tpu.dma_semaphore, #tpu.memory_space<semaphore_mem>>)
    %add3A_176 = arith.constant 128 : i32
    %add3A_177 = arith.addi %mul3A_160, %add3A_176 : i32
    %dma_start3A_178 = arith.constant 0 : i32
    %dma_start3A_179 = arith.constant 0 : i32
    %dma_start3A_180 = arith.constant 0 : i32
    %dma_start3A_181 = tpu.memref_slice %arg9[%dma_start3A_178, %dma_start3A_179, %dma_start3A_180] : memref<2x128x128xf32, #tpu.memory_space<vmem>> -> memref<1x128x128xf32, #tpu.memory_space<vmem>>
    %dma_start3A_182 = tpu.memref_squeeze %dma_start3A_181 : memref<1x128x128xf32, #tpu.memory_space<vmem>> -> memref<128x128xf32, #tpu.memory_space<vmem>>
    %dma_start3A_183 = arith.constant 0 : i32
    %dma_start3A_184 = tpu.memref_slice %arg10[%add3A_177, %dma_start3A_183] : memref<10752x128xf32, #tpu.memory_space<vmem_shared>> -> memref<128x128xf32, #tpu.memory_space<vmem_shared>>
    %dma_start3A_185 = arith.constant 0 : i32
    %dma_start3A_186 = tpu.memref_slice %arg10[%add3A_177, %dma_start3A_185] : memref<10752x128xf32, #tpu.memory_space<vmem_shared>> -> memref<128x128xf32, #tpu.memory_space<vmem_shared>>
    %dma_start3A_187 = arith.constant 0 : i32
    %dma_start3A_188 = arith.constant 0 : i32
    %dma_start3A_189 = tpu.memref_slice %arg9[%dma_start3A_178, %dma_start3A_187, %dma_start3A_188] : memref<2x128x128xf32, #tpu.memory_space<vmem>> -> memref<1x128x128xf32, #tpu.memory_space<vmem>>
    %dma_start3A_190 = tpu.memref_squeeze %dma_start3A_189 : memref<1x128x128xf32, #tpu.memory_space<vmem>> -> memref<128x128xf32, #tpu.memory_space<vmem>>
    tpu.enqueue_dma source(%dma_start3A_190 : memref<128x128xf32, #tpu.memory_space<vmem>>) target(%dma_start3A_186 : memref<128x128xf32, #tpu.memory_space<vmem_shared>>) target_semaphore(%arg11 : memref<!tpu.dma_semaphore, #tpu.memory_space<semaphore_mem>>)
    %add3A_191 = arith.constant 256 : i32
    %add3A_192 = arith.addi %mul3A_160, %add3A_191 : i32
    %dma_start3A_193 = arith.constant 0 : i32
    %dma_start3A_194 = arith.constant 0 : i32
    %dma_start3A_195 = arith.constant 0 : i32
    %dma_start3A_196 = tpu.memref_slice %arg9[%dma_start3A_193, %dma_start3A_194, %dma_start3A_195] : memref<2x128x128xf32, #tpu.memory_space<vmem>> -> memref<1x128x128xf32, #tpu.memory_space<vmem>>
    %dma_start3A_197 = tpu.memref_squeeze %dma_start3A_196 : memref<1x128x128xf32, #tpu.memory_space<vmem>> -> memref<128x128xf32, #tpu.memory_space<vmem>>
    %dma_start3A_198 = arith.constant 0 : i32
    %dma_start3A_199 = tpu.memref_slice %arg10[%add3A_192, %dma_start3A_198] : memref<10752x128xf32, #tpu.memory_space<vmem_shared>> -> memref<128x128xf32, #tpu.memory_space<vmem_shared>>
    %dma_start3A_200 = arith.constant 0 : i32
    %dma_start3A_201 = tpu.memref_slice %arg10[%add3A_192, %dma_start3A_200] : memref<10752x128xf32, #tpu.memory_space<vmem_shared>> -> memref<128x128xf32, #tpu.memory_space<vmem_shared>>
    %dma_start3A_202 = arith.constant 0 : i32
    %dma_start3A_203 = arith.constant 0 : i32
    %dma_start3A_204 = tpu.memref_slice %arg9[%dma_start3A_193, %dma_start3A_202, %dma_start3A_203] : memref<2x128x128xf32, #tpu.memory_space<vmem>> -> memref<1x128x128xf32, #tpu.memory_space<vmem>>
    %dma_start3A_205 = tpu.memref_squeeze %dma_start3A_204 : memref<1x128x128xf32, #tpu.memory_space<vmem>> -> memref<128x128xf32, #tpu.memory_space<vmem>>
    tpu.enqueue_dma source(%dma_start3A_205 : memref<128x128xf32, #tpu.memory_space<vmem>>) target(%dma_start3A_201 : memref<128x128xf32, #tpu.memory_space<vmem_shared>>) target_semaphore(%arg11 : memref<!tpu.dma_semaphore, #tpu.memory_space<semaphore_mem>>)
    %add3A_206 = arith.constant 384 : i32
    %add3A_207 = arith.addi %mul3A_160, %add3A_206 : i32
    %dma_start3A_208 = arith.constant 0 : i32
    %dma_start3A_209 = arith.constant 0 : i32
    %dma_start3A_210 = arith.constant 0 : i32
    %dma_start3A_211 = tpu.memref_slice %arg9[%dma_start3A_208, %dma_start3A_209, %dma_start3A_210] : memref<2x128x128xf32, #tpu.memory_space<vmem>> -> memref<1x128x128xf32, #tpu.memory_space<vmem>>
    %dma_start3A_212 = tpu.memref_squeeze %dma_start3A_211 : memref<1x128x128xf32, #tpu.memory_space<vmem>> -> memref<128x128xf32, #tpu.memory_space<vmem>>
    %dma_start3A_213 = arith.constant 0 : i32
    %dma_start3A_214 = tpu.memref_slice %arg10[%add3A_207, %dma_start3A_213] : memref<10752x128xf32, #tpu.memory_space<vmem_shared>> -> memref<128x128xf32, #tpu.memory_space<vmem_shared>>
    %dma_start3A_215 = arith.constant 0 : i32
    %dma_start3A_216 = tpu.memref_slice %arg10[%add3A_207, %dma_start3A_215] : memref<10752x128xf32, #tpu.memory_space<vmem_shared>> -> memref<128x128xf32, #tpu.memory_space<vmem_shared>>
    %dma_start3A_217 = arith.constant 0 : i32
    %dma_start3A_218 = arith.constant 0 : i32
    %dma_start3A_219 = tpu.memref_slice %arg9[%dma_start3A_208, %dma_start3A_217, %dma_start3A_218] : memref<2x128x128xf32, #tpu.memory_space<vmem>> -> memref<1x128x128xf32, #tpu.memory_space<vmem>>
    %dma_start3A_220 = tpu.memref_squeeze %dma_start3A_219 : memref<1x128x128xf32, #tpu.memory_space<vmem>> -> memref<128x128xf32, #tpu.memory_space<vmem>>
    tpu.enqueue_dma source(%dma_start3A_220 : memref<128x128xf32, #tpu.memory_space<vmem>>) target(%dma_start3A_216 : memref<128x128xf32, #tpu.memory_space<vmem_shared>>) target_semaphore(%arg11 : memref<!tpu.dma_semaphore, #tpu.memory_space<semaphore_mem>>)
    %add3A_221 = arith.constant 512 : i32
    %add3A_222 = arith.addi %mul3A_160, %add3A_221 : i32
    %dma_start3A_223 = arith.constant 0 : i32
    %dma_start3A_224 = arith.constant 0 : i32
    %dma_start3A_225 = arith.constant 0 : i32
    %dma_start3A_226 = tpu.memref_slice %arg9[%dma_start3A_223, %dma_start3A_224, %dma_start3A_225] : memref<2x128x128xf32, #tpu.memory_space<vmem>> -> memref<1x128x128xf32, #tpu.memory_space<vmem>>
    %dma_start3A_227 = tpu.memref_squeeze %dma_start3A_226 : memref<1x128x128xf32, #tpu.memory_space<vmem>> -> memref<128x128xf32, #tpu.memory_space<vmem>>
    %dma_start3A_228 = arith.constant 0 : i32
    %dma_start3A_229 = tpu.memref_slice %arg10[%add3A_222, %dma_start3A_228] : memref<10752x128xf32, #tpu.memory_space<vmem_shared>> -> memref<128x128xf32, #tpu.memory_space<vmem_shared>>
    %dma_start3A_230 = arith.constant 0 : i32
    %dma_start3A_231 = tpu.memref_slice %arg10[%add3A_222, %dma_start3A_230] : memref<10752x128xf32, #tpu.memory_space<vmem_shared>> -> memref<128x128xf32, #tpu.memory_space<vmem_shared>>
    %dma_start3A_232 = arith.constant 0 : i32
    %dma_start3A_233 = arith.constant 0 : i32
    %dma_start3A_234 = tpu.memref_slice %arg9[%dma_start3A_223, %dma_start3A_232, %dma_start3A_233] : memref<2x128x128xf32, #tpu.memory_space<vmem>> -> memref<1x128x128xf32, #tpu.memory_space<vmem>>
    %dma_start3A_235 = tpu.memref_squeeze %dma_start3A_234 : memref<1x128x128xf32, #tpu.memory_space<vmem>> -> memref<128x128xf32, #tpu.memory_space<vmem>>
    tpu.enqueue_dma source(%dma_start3A_235 : memref<128x128xf32, #tpu.memory_space<vmem>>) target(%dma_start3A_231 : memref<128x128xf32, #tpu.memory_space<vmem_shared>>) target_semaphore(%arg11 : memref<!tpu.dma_semaphore, #tpu.memory_space<semaphore_mem>>)
    %add3A_236 = arith.constant 640 : i32
    %add3A_237 = arith.addi %mul3A_160, %add3A_236 : i32
    %dma_start3A_238 = arith.constant 0 : i32
    %dma_start3A_239 = arith.constant 0 : i32
    %dma_start3A_240 = arith.constant 0 : i32
    %dma_start3A_241 = tpu.memref_slice %arg9[%dma_start3A_238, %dma_start3A_239, %dma_start3A_240] : memref<2x128x128xf32, #tpu.memory_space<vmem>> -> memref<1x128x128xf32, #tpu.memory_space<vmem>>
    %dma_start3A_242 = tpu.memref_squeeze %dma_start3A_241 : memref<1x128x128xf32, #tpu.memory_space<vmem>> -> memref<128x128xf32, #tpu.memory_space<vmem>>
    %dma_start3A_243 = arith.constant 0 : i32
    %dma_start3A_244 = arith.constant 0 : i32
    %dma_start3A_245 = tpu.memref_slice %dma_start3A_242[%dma_start3A_243, %dma_start3A_244] : memref<128x128xf32, #tpu.memory_space<vmem>> -> memref<32x128xf32, #tpu.memory_space<vmem>>
    %dma_start3A_246 = arith.constant 0 : i32
    %dma_start3A_247 = tpu.memref_slice %arg10[%add3A_237, %dma_start3A_246] : memref<10752x128xf32, #tpu.memory_space<vmem_shared>> -> memref<32x128xf32, #tpu.memory_space<vmem_shared>>
    %dma_start3A_248 = arith.constant 0 : i32
    %dma_start3A_249 = tpu.memref_slice %arg10[%add3A_237, %dma_start3A_248] : memref<10752x128xf32, #tpu.memory_space<vmem_shared>> -> memref<32x128xf32, #tpu.memory_space<vmem_shared>>
    %dma_start3A_250 = arith.constant 0 : i32
    %dma_start3A_251 = arith.constant 0 : i32
    %dma_start3A_252 = tpu.memref_slice %arg9[%dma_start3A_238, %dma_start3A_250, %dma_start3A_251] : memref<2x128x128xf32, #tpu.memory_space<vmem>> -> memref<1x128x128xf32, #tpu.memory_space<vmem>>
    %dma_start3A_253 = tpu.memref_squeeze %dma_start3A_252 : memref<1x128x128xf32, #tpu.memory_space<vmem>> -> memref<128x128xf32, #tpu.memory_space<vmem>>
    %dma_start3A_254 = arith.constant 0 : i32
    %dma_start3A_255 = arith.constant 0 : i32
    %dma_start3A_256 = tpu.memref_slice %dma_start3A_253[%dma_start3A_254, %dma_start3A_255] : memref<128x128xf32, #tpu.memory_space<vmem>> -> memref<32x128xf32, #tpu.memory_space<vmem>>
    tpu.enqueue_dma source(%dma_start3A_256 : memref<32x128xf32, #tpu.memory_space<vmem>>) target(%dma_start3A_249 : memref<32x128xf32, #tpu.memory_space<vmem_shared>>) target_semaphore(%arg11 : memref<!tpu.dma_semaphore, #tpu.memory_space<semaphore_mem>>)
    %dma_wait3A = arith.constant 0 : i32
    %dma_wait3A_257 = arith.constant 0 : i32
    %dma_wait3A_258 = tpu.memref_slice %arg8[%dma_wait3A, %dma_wait3A_257] : memref<80x128xi32, #tpu.memory_space<vmem>> -> memref<78x128xi32, #tpu.memory_space<vmem>>
    %dma_wait3A_259 = arith.constant 0 : i32
    %dma_wait3A_260 = arith.constant 0 : i32
    %dma_wait3A_261 = tpu.memref_slice %arg4[%dma_wait3A_259, %dma_wait3A_260] : memref<2500x128xi32, #tpu.memory_space<hbm>> -> memref<78x128xi32, #tpu.memory_space<hbm>>
    %dma_wait3A_262 = arith.constant 0 : i32
    %dma_wait3A_263 = arith.constant 0 : i32
    %dma_wait3A_264 = tpu.memref_slice %arg8[%dma_wait3A_262, %dma_wait3A_263] : memref<80x128xi32, #tpu.memory_space<vmem>> -> memref<78x128xi32, #tpu.memory_space<vmem>>
    %dma_wait3A_265 = arith.constant 0 : i32
    %dma_wait3A_266 = arith.constant 0 : i32
    %dma_wait3A_267 = tpu.memref_slice %arg4[%dma_wait3A_265, %dma_wait3A_266] : memref<2500x128xi32, #tpu.memory_space<hbm>> -> memref<78x128xi32, #tpu.memory_space<hbm>>
    tpu.wait_dma2 semaphore(%arg12 : memref<!tpu.dma_semaphore, #tpu.memory_space<semaphore_mem>>) src(%dma_wait3A_267 : memref<78x128xi32, #tpu.memory_space<hbm>>) dst(%dma_wait3A_264 : memref<78x128xi32, #tpu.memory_space<vmem>>)
    %dma_wait3A_268 = arith.constant 0 : i32
    %dma_wait3A_269 = arith.constant 78 : i32
    %dma_wait3A_270 = arith.constant 0 : i32
    %dma_wait3A_271 = tpu.memref_slice %arg8[%dma_wait3A_269, %dma_wait3A_270] : memref<80x128xi32, #tpu.memory_space<vmem>> -> memref<1x128xi32, #tpu.memory_space<vmem>>
    %dma_wait3A_272 = arith.constant 0 : i32
    %dma_wait3A_273 = arith.constant 0 : i32
    %dma_wait3A_274 = tpu.memref_slice %arg5[%dma_wait3A_268, %dma_wait3A_272, %dma_wait3A_273] : memref<32x4x128xi32, #tpu.memory_space<hbm>> -> memref<1x4x128xi32, #tpu.memory_space<hbm>>
    %dma_wait3A_275 = tpu.memref_squeeze %dma_wait3A_274 : memref<1x4x128xi32, #tpu.memory_space<hbm>> -> memref<4x128xi32, #tpu.memory_space<hbm>>
    %dma_wait3A_276 = arith.constant 0 : i32
    %dma_wait3A_277 = arith.constant 0 : i32
    %dma_wait3A_278 = tpu.memref_slice %dma_wait3A_275[%dma_wait3A_276, %dma_wait3A_277] : memref<4x128xi32, #tpu.memory_space<hbm>> -> memref<1x128xi32, #tpu.memory_space<hbm>>
    %dma_wait3A_279 = arith.constant 78 : i32
    %dma_wait3A_280 = arith.constant 0 : i32
    %dma_wait3A_281 = tpu.memref_slice %arg8[%dma_wait3A_279, %dma_wait3A_280] : memref<80x128xi32, #tpu.memory_space<vmem>> -> memref<1x128xi32, #tpu.memory_space<vmem>>
    %dma_wait3A_282 = arith.constant 0 : i32
    %dma_wait3A_283 = arith.constant 0 : i32
    %dma_wait3A_284 = tpu.memref_slice %arg5[%dma_wait3A_268, %dma_wait3A_282, %dma_wait3A_283] : memref<32x4x128xi32, #tpu.memory_space<hbm>> -> memref<1x4x128xi32, #tpu.memory_space<hbm>>
    %dma_wait3A_285 = tpu.memref_squeeze %dma_wait3A_284 : memref<1x4x128xi32, #tpu.memory_space<hbm>> -> memref<4x128xi32, #tpu.memory_space<hbm>>
    %dma_wait3A_286 = arith.constant 0 : i32
    %dma_wait3A_287 = arith.constant 0 : i32
    %dma_wait3A_288 = tpu.memref_slice %dma_wait3A_285[%dma_wait3A_286, %dma_wait3A_287] : memref<4x128xi32, #tpu.memory_space<hbm>> -> memref<1x128xi32, #tpu.memory_space<hbm>>
    tpu.wait_dma2 semaphore(%arg12 : memref<!tpu.dma_semaphore, #tpu.memory_space<semaphore_mem>>) src(%dma_wait3A_288 : memref<1x128xi32, #tpu.memory_space<hbm>>) dst(%dma_wait3A_281 : memref<1x128xi32, #tpu.memory_space<vmem>>)
    %dma_wait3A_289 = arith.constant 0 : i32
    %dma_wait3A_290 = arith.constant 79 : i32
    %dma_wait3A_291 = arith.constant 0 : i32
    %dma_wait3A_292 = tpu.memref_slice %arg8[%dma_wait3A_290, %dma_wait3A_291] : memref<80x128xi32, #tpu.memory_space<vmem>> -> memref<1x128xi32, #tpu.memory_space<vmem>>
    %dma_wait3A_293 = arith.constant 0 : i32
    %dma_wait3A_294 = arith.constant 0 : i32
    %dma_wait3A_295 = tpu.memref_slice %arg5[%dma_wait3A_289, %dma_wait3A_293, %dma_wait3A_294] : memref<32x4x128xi32, #tpu.memory_space<hbm>> -> memref<1x4x128xi32, #tpu.memory_space<hbm>>
    %dma_wait3A_296 = tpu.memref_squeeze %dma_wait3A_295 : memref<1x4x128xi32, #tpu.memory_space<hbm>> -> memref<4x128xi32, #tpu.memory_space<hbm>>
    %dma_wait3A_297 = arith.constant 1 : i32
    %dma_wait3A_298 = arith.constant 0 : i32
    %dma_wait3A_299 = tpu.memref_slice %dma_wait3A_296[%dma_wait3A_297, %dma_wait3A_298] : memref<4x128xi32, #tpu.memory_space<hbm>> -> memref<1x128xi32, #tpu.memory_space<hbm>>
    %dma_wait3A_300 = arith.constant 79 : i32
    %dma_wait3A_301 = arith.constant 0 : i32
    %dma_wait3A_302 = tpu.memref_slice %arg8[%dma_wait3A_300, %dma_wait3A_301] : memref<80x128xi32, #tpu.memory_space<vmem>> -> memref<1x128xi32, #tpu.memory_space<vmem>>
    %dma_wait3A_303 = arith.constant 0 : i32
    %dma_wait3A_304 = arith.constant 0 : i32
    %dma_wait3A_305 = tpu.memref_slice %arg5[%dma_wait3A_289, %dma_wait3A_303, %dma_wait3A_304] : memref<32x4x128xi32, #tpu.memory_space<hbm>> -> memref<1x4x128xi32, #tpu.memory_space<hbm>>
    %dma_wait3A_306 = tpu.memref_squeeze %dma_wait3A_305 : memref<1x4x128xi32, #tpu.memory_space<hbm>> -> memref<4x128xi32, #tpu.memory_space<hbm>>
    %dma_wait3A_307 = arith.constant 1 : i32
    %dma_wait3A_308 = arith.constant 0 : i32
    %dma_wait3A_309 = tpu.memref_slice %dma_wait3A_306[%dma_wait3A_307, %dma_wait3A_308] : memref<4x128xi32, #tpu.memory_space<hbm>> -> memref<1x128xi32, #tpu.memory_space<hbm>>
    tpu.wait_dma2 semaphore(%arg12 : memref<!tpu.dma_semaphore, #tpu.memory_space<semaphore_mem>>) src(%dma_wait3A_309 : memref<1x128xi32, #tpu.memory_space<hbm>>) dst(%dma_wait3A_302 : memref<1x128xi32, #tpu.memory_space<vmem>>)
    %dma_wait3A_310 = arith.constant 0 : i32
    %dma_wait3A_311 = arith.constant 0 : i32
    %dma_wait3A_312 = arith.constant 0 : i32
    %dma_wait3A_313 = tpu.memref_slice %arg9[%dma_wait3A_310, %dma_wait3A_311, %dma_wait3A_312] : memref<2x128x128xf32, #tpu.memory_space<vmem>> -> memref<1x128x128xf32, #tpu.memory_space<vmem>>
    %dma_wait3A_314 = tpu.memref_squeeze %dma_wait3A_313 : memref<1x128x128xf32, #tpu.memory_space<vmem>> -> memref<128x128xf32, #tpu.memory_space<vmem>>
    %dma_wait3A_315 = arith.constant 0 : i32
    %dma_wait3A_316 = tpu.memref_slice %arg10[%add3A_162, %dma_wait3A_315] : memref<10752x128xf32, #tpu.memory_space<vmem_shared>> -> memref<128x128xf32, #tpu.memory_space<vmem_shared>>
    %dma_wait3A_317 = arith.constant 0 : i32
    %dma_wait3A_318 = tpu.memref_slice %arg10[%add3A_162, %dma_wait3A_317] : memref<10752x128xf32, #tpu.memory_space<vmem_shared>> -> memref<128x128xf32, #tpu.memory_space<vmem_shared>>
    %dma_wait3A_319 = arith.constant 0 : i32
    %dma_wait3A_320 = arith.constant 0 : i32
    %dma_wait3A_321 = tpu.memref_slice %arg9[%dma_wait3A_310, %dma_wait3A_319, %dma_wait3A_320] : memref<2x128x128xf32, #tpu.memory_space<vmem>> -> memref<1x128x128xf32, #tpu.memory_space<vmem>>
    %dma_wait3A_322 = tpu.memref_squeeze %dma_wait3A_321 : memref<1x128x128xf32, #tpu.memory_space<vmem>> -> memref<128x128xf32, #tpu.memory_space<vmem>>
    tpu.wait_dma2 semaphore(%arg11 : memref<!tpu.dma_semaphore, #tpu.memory_space<semaphore_mem>>) src(%dma_wait3A_322 : memref<128x128xf32, #tpu.memory_space<vmem>>) dst(%dma_wait3A_318 : memref<128x128xf32, #tpu.memory_space<vmem_shared>>)
    %dma_wait3A_323 = arith.constant 0 : i32
    %dma_wait3A_324 = arith.constant 0 : i32
    %dma_wait3A_325 = arith.constant 0 : i32
    %dma_wait3A_326 = tpu.memref_slice %arg9[%dma_wait3A_323, %dma_wait3A_324, %dma_wait3A_325] : memref<2x128x128xf32, #tpu.memory_space<vmem>> -> memref<1x128x128xf32, #tpu.memory_space<vmem>>
    %dma_wait3A_327 = tpu.memref_squeeze %dma_wait3A_326 : memref<1x128x128xf32, #tpu.memory_space<vmem>> -> memref<128x128xf32, #tpu.memory_space<vmem>>
    %dma_wait3A_328 = arith.constant 0 : i32
    %dma_wait3A_329 = tpu.memref_slice %arg10[%add3A_177, %dma_wait3A_328] : memref<10752x128xf32, #tpu.memory_space<vmem_shared>> -> memref<128x128xf32, #tpu.memory_space<vmem_shared>>
    %dma_wait3A_330 = arith.constant 0 : i32
    %dma_wait3A_331 = tpu.memref_slice %arg10[%add3A_177, %dma_wait3A_330] : memref<10752x128xf32, #tpu.memory_space<vmem_shared>> -> memref<128x128xf32, #tpu.memory_space<vmem_shared>>
    %dma_wait3A_332 = arith.constant 0 : i32
    %dma_wait3A_333 = arith.constant 0 : i32
    %dma_wait3A_334 = tpu.memref_slice %arg9[%dma_wait3A_323, %dma_wait3A_332, %dma_wait3A_333] : memref<2x128x128xf32, #tpu.memory_space<vmem>> -> memref<1x128x128xf32, #tpu.memory_space<vmem>>
    %dma_wait3A_335 = tpu.memref_squeeze %dma_wait3A_334 : memref<1x128x128xf32, #tpu.memory_space<vmem>> -> memref<128x128xf32, #tpu.memory_space<vmem>>
    tpu.wait_dma2 semaphore(%arg11 : memref<!tpu.dma_semaphore, #tpu.memory_space<semaphore_mem>>) src(%dma_wait3A_335 : memref<128x128xf32, #tpu.memory_space<vmem>>) dst(%dma_wait3A_331 : memref<128x128xf32, #tpu.memory_space<vmem_shared>>)
    %dma_wait3A_336 = arith.constant 0 : i32
    %dma_wait3A_337 = arith.constant 0 : i32
    %dma_wait3A_338 = arith.constant 0 : i32
    %dma_wait3A_339 = tpu.memref_slice %arg9[%dma_wait3A_336, %dma_wait3A_337, %dma_wait3A_338] : memref<2x128x128xf32, #tpu.memory_space<vmem>> -> memref<1x128x128xf32, #tpu.memory_space<vmem>>
    %dma_wait3A_340 = tpu.memref_squeeze %dma_wait3A_339 : memref<1x128x128xf32, #tpu.memory_space<vmem>> -> memref<128x128xf32, #tpu.memory_space<vmem>>
    %dma_wait3A_341 = arith.constant 0 : i32
    %dma_wait3A_342 = tpu.memref_slice %arg10[%add3A_192, %dma_wait3A_341] : memref<10752x128xf32, #tpu.memory_space<vmem_shared>> -> memref<128x128xf32, #tpu.memory_space<vmem_shared>>
    %dma_wait3A_343 = arith.constant 0 : i32
    %dma_wait3A_344 = tpu.memref_slice %arg10[%add3A_192, %dma_wait3A_343] : memref<10752x128xf32, #tpu.memory_space<vmem_shared>> -> memref<128x128xf32, #tpu.memory_space<vmem_shared>>
    %dma_wait3A_345 = arith.constant 0 : i32
    %dma_wait3A_346 = arith.constant 0 : i32
    %dma_wait3A_347 = tpu.memref_slice %arg9[%dma_wait3A_336, %dma_wait3A_345, %dma_wait3A_346] : memref<2x128x128xf32, #tpu.memory_space<vmem>> -> memref<1x128x128xf32, #tpu.memory_space<vmem>>
    %dma_wait3A_348 = tpu.memref_squeeze %dma_wait3A_347 : memref<1x128x128xf32, #tpu.memory_space<vmem>> -> memref<128x128xf32, #tpu.memory_space<vmem>>
    tpu.wait_dma2 semaphore(%arg11 : memref<!tpu.dma_semaphore, #tpu.memory_space<semaphore_mem>>) src(%dma_wait3A_348 : memref<128x128xf32, #tpu.memory_space<vmem>>) dst(%dma_wait3A_344 : memref<128x128xf32, #tpu.memory_space<vmem_shared>>)
    %dma_wait3A_349 = arith.constant 0 : i32
    %dma_wait3A_350 = arith.constant 0 : i32
    %dma_wait3A_351 = arith.constant 0 : i32
    %dma_wait3A_352 = tpu.memref_slice %arg9[%dma_wait3A_349, %dma_wait3A_350, %dma_wait3A_351] : memref<2x128x128xf32, #tpu.memory_space<vmem>> -> memref<1x128x128xf32, #tpu.memory_space<vmem>>
    %dma_wait3A_353 = tpu.memref_squeeze %dma_wait3A_352 : memref<1x128x128xf32, #tpu.memory_space<vmem>> -> memref<128x128xf32, #tpu.memory_space<vmem>>
    %dma_wait3A_354 = arith.constant 0 : i32
    %dma_wait3A_355 = tpu.memref_slice %arg10[%add3A_207, %dma_wait3A_354] : memref<10752x128xf32, #tpu.memory_space<vmem_shared>> -> memref<128x128xf32, #tpu.memory_space<vmem_shared>>
    %dma_wait3A_356 = arith.constant 0 : i32
    %dma_wait3A_357 = tpu.memref_slice %arg10[%add3A_207, %dma_wait3A_356] : memref<10752x128xf32, #tpu.memory_space<vmem_shared>> -> memref<128x128xf32, #tpu.memory_space<vmem_shared>>
    %dma_wait3A_358 = arith.constant 0 : i32
    %dma_wait3A_359 = arith.constant 0 : i32
    %dma_wait3A_360 = tpu.memref_slice %arg9[%dma_wait3A_349, %dma_wait3A_358, %dma_wait3A_359] : memref<2x128x128xf32, #tpu.memory_space<vmem>> -> memref<1x128x128xf32, #tpu.memory_space<vmem>>
    %dma_wait3A_361 = tpu.memref_squeeze %dma_wait3A_360 : memref<1x128x128xf32, #tpu.memory_space<vmem>> -> memref<128x128xf32, #tpu.memory_space<vmem>>
    tpu.wait_dma2 semaphore(%arg11 : memref<!tpu.dma_semaphore, #tpu.memory_space<semaphore_mem>>) src(%dma_wait3A_361 : memref<128x128xf32, #tpu.memory_space<vmem>>) dst(%dma_wait3A_357 : memref<128x128xf32, #tpu.memory_space<vmem_shared>>)
    %dma_wait3A_362 = arith.constant 0 : i32
    %dma_wait3A_363 = arith.constant 0 : i32
    %dma_wait3A_364 = arith.constant 0 : i32
    %dma_wait3A_365 = tpu.memref_slice %arg9[%dma_wait3A_362, %dma_wait3A_363, %dma_wait3A_364] : memref<2x128x128xf32, #tpu.memory_space<vmem>> -> memref<1x128x128xf32, #tpu.memory_space<vmem>>
    %dma_wait3A_366 = tpu.memref_squeeze %dma_wait3A_365 : memref<1x128x128xf32, #tpu.memory_space<vmem>> -> memref<128x128xf32, #tpu.memory_space<vmem>>
    %dma_wait3A_367 = arith.constant 0 : i32
    %dma_wait3A_368 = tpu.memref_slice %arg10[%add3A_222, %dma_wait3A_367] : memref<10752x128xf32, #tpu.memory_space<vmem_shared>> -> memref<128x128xf32, #tpu.memory_space<vmem_shared>>
    %dma_wait3A_369 = arith.constant 0 : i32
    %dma_wait3A_370 = tpu.memref_slice %arg10[%add3A_222, %dma_wait3A_369] : memref<10752x128xf32, #tpu.memory_space<vmem_shared>> -> memref<128x128xf32, #tpu.memory_space<vmem_shared>>
    %dma_wait3A_371 = arith.constant 0 : i32
    %dma_wait3A_372 = arith.constant 0 : i32
    %dma_wait3A_373 = tpu.memref_slice %arg9[%dma_wait3A_362, %dma_wait3A_371, %dma_wait3A_372] : memref<2x128x128xf32, #tpu.memory_space<vmem>> -> memref<1x128x128xf32, #tpu.memory_space<vmem>>
    %dma_wait3A_374 = tpu.memref_squeeze %dma_wait3A_373 : memref<1x128x128xf32, #tpu.memory_space<vmem>> -> memref<128x128xf32, #tpu.memory_space<vmem>>
    tpu.wait_dma2 semaphore(%arg11 : memref<!tpu.dma_semaphore, #tpu.memory_space<semaphore_mem>>) src(%dma_wait3A_374 : memref<128x128xf32, #tpu.memory_space<vmem>>) dst(%dma_wait3A_370 : memref<128x128xf32, #tpu.memory_space<vmem_shared>>)
    %dma_wait3A_375 = arith.constant 0 : i32
    %dma_wait3A_376 = arith.constant 0 : i32
    %dma_wait3A_377 = arith.constant 0 : i32
    %dma_wait3A_378 = tpu.memref_slice %arg9[%dma_wait3A_375, %dma_wait3A_376, %dma_wait3A_377] : memref<2x128x128xf32, #tpu.memory_space<vmem>> -> memref<1x128x128xf32, #tpu.memory_space<vmem>>
    %dma_wait3A_379 = tpu.memref_squeeze %dma_wait3A_378 : memref<1x128x128xf32, #tpu.memory_space<vmem>> -> memref<128x128xf32, #tpu.memory_space<vmem>>
    %dma_wait3A_380 = arith.constant 0 : i32
    %dma_wait3A_381 = arith.constant 0 : i32
    %dma_wait3A_382 = tpu.memref_slice %dma_wait3A_379[%dma_wait3A_380, %dma_wait3A_381] : memref<128x128xf32, #tpu.memory_space<vmem>> -> memref<32x128xf32, #tpu.memory_space<vmem>>
    %dma_wait3A_383 = arith.constant 0 : i32
    %dma_wait3A_384 = tpu.memref_slice %arg10[%add3A_237, %dma_wait3A_383] : memref<10752x128xf32, #tpu.memory_space<vmem_shared>> -> memref<32x128xf32, #tpu.memory_space<vmem_shared>>
    %dma_wait3A_385 = arith.constant 0 : i32
    %dma_wait3A_386 = tpu.memref_slice %arg10[%add3A_237, %dma_wait3A_385] : memref<10752x128xf32, #tpu.memory_space<vmem_shared>> -> memref<32x128xf32, #tpu.memory_space<vmem_shared>>
    %dma_wait3A_387 = arith.constant 0 : i32
    %dma_wait3A_388 = arith.constant 0 : i32
    %dma_wait3A_389 = tpu.memref_slice %arg9[%dma_wait3A_375, %dma_wait3A_387, %dma_wait3A_388] : memref<2x128x128xf32, #tpu.memory_space<vmem>> -> memref<1x128x128xf32, #tpu.memory_space<vmem>>
    %dma_wait3A_390 = tpu.memref_squeeze %dma_wait3A_389 : memref<1x128x128xf32, #tpu.memory_space<vmem>> -> memref<128x128xf32, #tpu.memory_space<vmem>>
    %dma_wait3A_391 = arith.constant 0 : i32
    %dma_wait3A_392 = arith.constant 0 : i32
    %dma_wait3A_393 = tpu.memref_slice %dma_wait3A_390[%dma_wait3A_391, %dma_wait3A_392] : memref<128x128xf32, #tpu.memory_space<vmem>> -> memref<32x128xf32, #tpu.memory_space<vmem>>
    tpu.wait_dma2 semaphore(%arg11 : memref<!tpu.dma_semaphore, #tpu.memory_space<semaphore_mem>>) src(%dma_wait3A_393 : memref<32x128xf32, #tpu.memory_space<vmem>>) dst(%dma_wait3A_386 : memref<32x128xf32, #tpu.memory_space<vmem_shared>>)
    %barrier3A = arith.constant 0 : index
    tpu.barrier barrier_id(%barrier3A)
    %dma_wait3A_394 = arith.constant 0 : i32
    %dma_wait3A_395 = arith.constant 0 : i32
    %dma_wait3A_396 = arith.constant 0 : i32
    %dma_wait3A_397 = tpu.memref_slice %arg7[%dma_wait3A_395, %dma_wait3A_396] : memref<4x128xi32, #tpu.memory_space<vmem>> -> memref<1x128xi32, #tpu.memory_space<vmem>>
    %dma_wait3A_398 = arith.constant 0 : i32
    %dma_wait3A_399 = arith.constant 0 : i32
    %dma_wait3A_400 = tpu.memref_slice %arg5[%dma_wait3A_394, %dma_wait3A_398, %dma_wait3A_399] : memref<32x4x128xi32, #tpu.memory_space<hbm>> -> memref<1x4x128xi32, #tpu.memory_space<hbm>>
    %dma_wait3A_401 = tpu.memref_squeeze %dma_wait3A_400 : memref<1x4x128xi32, #tpu.memory_space<hbm>> -> memref<4x128xi32, #tpu.memory_space<hbm>>
    %dma_wait3A_402 = arith.constant 0 : i32
    %dma_wait3A_403 = arith.constant 0 : i32
    %dma_wait3A_404 = tpu.memref_slice %dma_wait3A_401[%dma_wait3A_402, %dma_wait3A_403] : memref<4x128xi32, #tpu.memory_space<hbm>> -> memref<1x128xi32, #tpu.memory_space<hbm>>
    %dma_wait3A_405 = arith.constant 0 : i32
    %dma_wait3A_406 = arith.constant 0 : i32
    %dma_wait3A_407 = tpu.memref_slice %arg7[%dma_wait3A_405, %dma_wait3A_406] : memref<4x128xi32, #tpu.memory_space<vmem>> -> memref<1x128xi32, #tpu.memory_space<vmem>>
    %dma_wait3A_408 = arith.constant 0 : i32
    %dma_wait3A_409 = arith.constant 0 : i32
    %dma_wait3A_410 = tpu.memref_slice %arg5[%dma_wait3A_394, %dma_wait3A_408, %dma_wait3A_409] : memref<32x4x128xi32, #tpu.memory_space<hbm>> -> memref<1x4x128xi32, #tpu.memory_space<hbm>>
    %dma_wait3A_411 = tpu.memref_squeeze %dma_wait3A_410 : memref<1x4x128xi32, #tpu.memory_space<hbm>> -> memref<4x128xi32, #tpu.memory_space<hbm>>
    %dma_wait3A_412 = arith.constant 0 : i32
    %dma_wait3A_413 = arith.constant 0 : i32
    %dma_wait3A_414 = tpu.memref_slice %dma_wait3A_411[%dma_wait3A_412, %dma_wait3A_413] : memref<4x128xi32, #tpu.memory_space<hbm>> -> memref<1x128xi32, #tpu.memory_space<hbm>>
    tpu.wait_dma2 semaphore(%arg15 : memref<!tpu.dma_semaphore, #tpu.memory_space<semaphore_mem>>) src(%dma_wait3A_414 : memref<1x128xi32, #tpu.memory_space<hbm>>) dst(%dma_wait3A_407 : memref<1x128xi32, #tpu.memory_space<vmem>>)
    %dma_start3A_415 = arith.constant 0 : i32
    %dma_start3A_416 = arith.constant 0 : i32
    %dma_start3A_417 = arith.constant 0 : i32
    %dma_start3A_418 = arith.constant 0 : i32
    %dma_start3A_419 = tpu.memref_slice %arg9[%dma_start3A_416, %dma_start3A_417, %dma_start3A_418] : memref<2x128x128xf32, #tpu.memory_space<vmem>> -> memref<1x128x128xf32, #tpu.memory_space<vmem>>
    %dma_start3A_420 = tpu.memref_squeeze %dma_start3A_419 : memref<1x128x128xf32, #tpu.memory_space<vmem>> -> memref<128x128xf32, #tpu.memory_space<vmem>>
    %dma_start3A_421 = arith.constant 0 : i32
    %dma_start3A_422 = tpu.memref_slice %arg7[%dma_start3A_415, %dma_start3A_421] : memref<4x128xi32, #tpu.memory_space<vmem>> -> memref<1x128xi32, #tpu.memory_space<vmem>>
    %dma_start3A_423 = tpu.memref_squeeze %dma_start3A_422 : memref<1x128xi32, #tpu.memory_space<vmem>> -> memref<128xi32, #tpu.memory_space<vmem>>
    %dma_start3A_424 = arith.constant 0 : i32
    %dma_start3A_425 = arith.constant 0 : i32
    %dma_start3A_426 = tpu.memref_slice %arg2[%dma_start3A_424, %dma_start3A_425] : memref<10752x128xf32, #tpu.memory_space<hbm>> -> memref<10752x128xf32, #tpu.memory_space<hbm>>
    tpu.enqueue_indirect_dma source(%dma_start3A_426 : memref<10752x128xf32, #tpu.memory_space<hbm>>) target(%dma_start3A_420 : memref<128x128xf32, #tpu.memory_space<vmem>>) offsets(%dma_start3A_423 : memref<128xi32, #tpu.memory_space<vmem>>) semaphore(%arg11 : memref<!tpu.dma_semaphore, #tpu.memory_space<semaphore_mem>>)
    %dma_wait3A_427 = arith.constant 0 : i32
    %dma_wait3A_428 = arith.constant 1 : i32
    %dma_wait3A_429 = arith.constant 0 : i32
    %dma_wait3A_430 = tpu.memref_slice %arg7[%dma_wait3A_428, %dma_wait3A_429] : memref<4x128xi32, #tpu.memory_space<vmem>> -> memref<1x128xi32, #tpu.memory_space<vmem>>
    %dma_wait3A_431 = arith.constant 0 : i32
    %dma_wait3A_432 = arith.constant 0 : i32
    %dma_wait3A_433 = tpu.memref_slice %arg5[%dma_wait3A_427, %dma_wait3A_431, %dma_wait3A_432] : memref<32x4x128xi32, #tpu.memory_space<hbm>> -> memref<1x4x128xi32, #tpu.memory_space<hbm>>
    %dma_wait3A_434 = tpu.memref_squeeze %dma_wait3A_433 : memref<1x4x128xi32, #tpu.memory_space<hbm>> -> memref<4x128xi32, #tpu.memory_space<hbm>>
    %dma_wait3A_435 = arith.constant 0 : i32
    %dma_wait3A_436 = arith.constant 0 : i32
    %dma_wait3A_437 = tpu.memref_slice %dma_wait3A_434[%dma_wait3A_435, %dma_wait3A_436] : memref<4x128xi32, #tpu.memory_space<hbm>> -> memref<1x128xi32, #tpu.memory_space<hbm>>
    %dma_wait3A_438 = arith.constant 1 : i32
    %dma_wait3A_439 = arith.constant 0 : i32
    %dma_wait3A_440 = tpu.memref_slice %arg7[%dma_wait3A_438, %dma_wait3A_439] : memref<4x128xi32, #tpu.memory_space<vmem>> -> memref<1x128xi32, #tpu.memory_space<vmem>>
    %dma_wait3A_441 = arith.constant 0 : i32
    %dma_wait3A_442 = arith.constant 0 : i32
    %dma_wait3A_443 = tpu.memref_slice %arg5[%dma_wait3A_427, %dma_wait3A_441, %dma_wait3A_442] : memref<32x4x128xi32, #tpu.memory_space<hbm>> -> memref<1x4x128xi32, #tpu.memory_space<hbm>>
    %dma_wait3A_444 = tpu.memref_squeeze %dma_wait3A_443 : memref<1x4x128xi32, #tpu.memory_space<hbm>> -> memref<4x128xi32, #tpu.memory_space<hbm>>
    %dma_wait3A_445 = arith.constant 0 : i32
    %dma_wait3A_446 = arith.constant 0 : i32
    %dma_wait3A_447 = tpu.memref_slice %dma_wait3A_444[%dma_wait3A_445, %dma_wait3A_446] : memref<4x128xi32, #tpu.memory_space<hbm>> -> memref<1x128xi32, #tpu.memory_space<hbm>>
    tpu.wait_dma2 semaphore(%arg16 : memref<!tpu.dma_semaphore, #tpu.memory_space<semaphore_mem>>) src(%dma_wait3A_447 : memref<1x128xi32, #tpu.memory_space<hbm>>) dst(%dma_wait3A_440 : memref<1x128xi32, #tpu.memory_space<vmem>>)
    %dma_start3A_448 = arith.constant 1 : i32
    %dma_start3A_449 = arith.constant 1 : i32
    %dma_start3A_450 = arith.constant 0 : i32
    %dma_start3A_451 = arith.constant 0 : i32
    %dma_start3A_452 = tpu.memref_slice %arg9[%dma_start3A_449, %dma_start3A_450, %dma_start3A_451] : memref<2x128x128xf32, #tpu.memory_space<vmem>> -> memref<1x128x128xf32, #tpu.memory_space<vmem>>
    %dma_start3A_453 = tpu.memref_squeeze %dma_start3A_452 : memref<1x128x128xf32, #tpu.memory_space<vmem>> -> memref<128x128xf32, #tpu.memory_space<vmem>>
    %dma_start3A_454 = arith.constant 0 : i32
    %dma_start3A_455 = tpu.memref_slice %arg7[%dma_start3A_448, %dma_start3A_454] : memref<4x128xi32, #tpu.memory_space<vmem>> -> memref<1x128xi32, #tpu.memory_space<vmem>>
    %dma_start3A_456 = tpu.memref_squeeze %dma_start3A_455 : memref<1x128xi32, #tpu.memory_space<vmem>> -> memref<128xi32, #tpu.memory_space<vmem>>
    %dma_start3A_457 = arith.constant 0 : i32
    %dma_start3A_458 = arith.constant 0 : i32
    %dma_start3A_459 = tpu.memref_slice %arg2[%dma_start3A_457, %dma_start3A_458] : memref<10752x128xf32, #tpu.memory_space<hbm>> -> memref<10752x128xf32, #tpu.memory_space<hbm>>
    tpu.enqueue_indirect_dma source(%dma_start3A_459 : memref<10752x128xf32, #tpu.memory_space<hbm>>) target(%dma_start3A_453 : memref<128x128xf32, #tpu.memory_space<vmem>>) offsets(%dma_start3A_456 : memref<128xi32, #tpu.memory_space<vmem>>) semaphore(%arg12 : memref<!tpu.dma_semaphore, #tpu.memory_space<semaphore_mem>>)
    %dma_wait3A_460 = arith.constant 0 : i32
    %dma_wait3A_461 = arith.constant 0 : i32
    %dma_wait3A_462 = arith.constant 0 : i32
    %dma_wait3A_463 = arith.constant 0 : i32
    %dma_wait3A_464 = tpu.memref_slice %arg9[%dma_wait3A_461, %dma_wait3A_462, %dma_wait3A_463] : memref<2x128x128xf32, #tpu.memory_space<vmem>> -> memref<1x128x128xf32, #tpu.memory_space<vmem>>
    %dma_wait3A_465 = tpu.memref_squeeze %dma_wait3A_464 : memref<1x128x128xf32, #tpu.memory_space<vmem>> -> memref<128x128xf32, #tpu.memory_space<vmem>>
    %dma_wait3A_466 = arith.constant 0 : i32
    %dma_wait3A_467 = tpu.memref_slice %arg7[%dma_wait3A_460, %dma_wait3A_466] : memref<4x128xi32, #tpu.memory_space<vmem>> -> memref<1x128xi32, #tpu.memory_space<vmem>>
    %dma_wait3A_468 = tpu.memref_squeeze %dma_wait3A_467 : memref<1x128xi32, #tpu.memory_space<vmem>> -> memref<128xi32, #tpu.memory_space<vmem>>
    %dma_wait3A_469 = arith.constant 0 : i32
    %dma_wait3A_470 = arith.constant 0 : i32
    %dma_wait3A_471 = tpu.memref_slice %arg2[%dma_wait3A_469, %dma_wait3A_470] : memref<10752x128xf32, #tpu.memory_space<hbm>> -> memref<10752x128xf32, #tpu.memory_space<hbm>>
    tpu.wait_indirect_dma semaphore(%arg11 : memref<!tpu.dma_semaphore, #tpu.memory_space<semaphore_mem>>) src(%dma_wait3A_471 : memref<10752x128xf32, #tpu.memory_space<hbm>>) dst(%dma_wait3A_465 : memref<128x128xf32, #tpu.memory_space<vmem>>)
    %lt3A_472 = arith.constant 4 : i32
    %lt3A_473 = arith.constant 78 : i32
    %lt3A_474 = arith.cmpi slt, %lt3A_472, %lt3A_473 : i32
    %convert_element_type3A_475 = arith.extui %lt3A_474 : i1 to i32
    %cond3A_476 = arith.constant 4 : i32
    %cond3A_477 = arith.constant 0 : i32
    %cond3A_478 = arith.cmpi ne, %convert_element_type3A_475, %cond3A_477 : i32
    scf.if %cond3A_478 {
      %mul3A_782 = arith.constant 78 : i32
      %mul3A_783 = arith.muli %add3A, %mul3A_782 : i32
      %add3A_784 = arith.addi %mul3A_783, %cond3A_476 : i32
      %dma_start3A_785 = arith.constant 0 : i32
      %dma_start3A_786 = arith.constant 0 : i32
      %dma_start3A_787 = tpu.memref_slice %arg7[%dma_start3A_785, %dma_start3A_786] : memref<4x128xi32, #tpu.memory_space<vmem>> -> memref<1x128xi32, #tpu.memory_space<vmem>>
      %dma_start3A_788 = arith.constant 0 : i32
      %dma_start3A_789 = tpu.memref_slice %arg3[%add3A_784, %dma_start3A_788] : memref<2500x128xi32, #tpu.memory_space<hbm>> -> memref<1x128xi32, #tpu.memory_space<hbm>>
      %dma_start3A_790 = arith.constant 0 : i32
      %dma_start3A_791 = arith.constant 0 : i32
      %dma_start3A_792 = tpu.memref_slice %arg7[%dma_start3A_790, %dma_start3A_791] : memref<4x128xi32, #tpu.memory_space<vmem>> -> memref<1x128xi32, #tpu.memory_space<vmem>>
      %dma_start3A_793 = arith.constant 0 : i32
      %dma_start3A_794 = tpu.memref_slice %arg3[%add3A_784, %dma_start3A_793] : memref<2500x128xi32, #tpu.memory_space<hbm>> -> memref<1x128xi32, #tpu.memory_space<hbm>>
      tpu.enqueue_dma source(%dma_start3A_794 : memref<1x128xi32, #tpu.memory_space<hbm>>) target(%dma_start3A_792 : memref<1x128xi32, #tpu.memory_space<vmem>>) target_semaphore(%arg15 : memref<!tpu.dma_semaphore, #tpu.memory_space<semaphore_mem>>)
    } else {
    }
    %eq3A_479 = arith.constant 4 : i32
    %eq3A_480 = arith.constant 78 : i32
    %eq3A_481 = arith.cmpi eq, %eq3A_479, %eq3A_480 : i32
    %lt3A_482 = arith.constant 4 : i32
    %lt3A_483 = arith.cmpi slt, %add3A, %lt3A_482 : i32
    %and3A_484 = arith.andi %eq3A_481, %lt3A_483 : i1
    %convert_element_type3A_485 = arith.extui %and3A_484 : i1 to i32
    %cond3A_486 = arith.constant 0 : i32
    %cond3A_487 = arith.cmpi ne, %convert_element_type3A_485, %cond3A_486 : i32
    scf.if %cond3A_487 {
      %add3A_782 = arith.constant 2496 : i32
      %add3A_783 = arith.addi %add3A_782, %add3A : i32
      %dma_start3A_784 = arith.constant 0 : i32
      %dma_start3A_785 = arith.constant 0 : i32
      %dma_start3A_786 = tpu.memref_slice %arg7[%dma_start3A_784, %dma_start3A_785] : memref<4x128xi32, #tpu.memory_space<vmem>> -> memref<1x128xi32, #tpu.memory_space<vmem>>
      %dma_start3A_787 = arith.constant 0 : i32
      %dma_start3A_788 = tpu.memref_slice %arg3[%add3A_783, %dma_start3A_787] : memref<2500x128xi32, #tpu.memory_space<hbm>> -> memref<1x128xi32, #tpu.memory_space<hbm>>
      %dma_start3A_789 = arith.constant 0 : i32
      %dma_start3A_790 = arith.constant 0 : i32
      %dma_start3A_791 = tpu.memref_slice %arg7[%dma_start3A_789, %dma_start3A_790] : memref<4x128xi32, #tpu.memory_space<vmem>> -> memref<1x128xi32, #tpu.memory_space<vmem>>
      %dma_start3A_792 = arith.constant 0 : i32
      %dma_start3A_793 = tpu.memref_slice %arg3[%add3A_783, %dma_start3A_792] : memref<2500x128xi32, #tpu.memory_space<hbm>> -> memref<1x128xi32, #tpu.memory_space<hbm>>
      tpu.enqueue_dma source(%dma_start3A_793 : memref<1x128xi32, #tpu.memory_space<hbm>>) target(%dma_start3A_791 : memref<1x128xi32, #tpu.memory_space<vmem>>) target_semaphore(%arg15 : memref<!tpu.dma_semaphore, #tpu.memory_space<semaphore_mem>>)
    } else {
    }
    %ge3A_488 = arith.constant 4 : i32
    %ge3A_489 = arith.constant 78 : i32
    %ge3A_490 = arith.cmpi sge, %ge3A_488, %ge3A_489 : i32
    %gt3A_491 = arith.constant 4 : i32
    %gt3A_492 = arith.constant 78 : i32
    %gt3A_493 = arith.cmpi sgt, %gt3A_491, %gt3A_492 : i32
    %ge3A_494 = arith.constant 4 : i32
    %ge3A_495 = arith.cmpi sge, %add3A, %ge3A_494 : i32
    %or3A_496 = arith.ori %gt3A_493, %ge3A_495 : i1
    %and3A_497 = arith.andi %ge3A_490, %or3A_496 : i1
    %convert_element_type3A_498 = arith.extui %and3A_497 : i1 to i32
    %cond3A_499 = arith.constant 4 : i32
    %cond3A_500 = arith.constant 0 : i32
    %cond3A_501 = arith.cmpi ne, %convert_element_type3A_498, %cond3A_500 : i32
    scf.if %cond3A_501 {
      %sub3A = arith.constant 78 : i32
      %sub3A_782 = arith.subi %cond3A_499, %sub3A : i32
      %dma_start3A_783 = arith.constant 0 : i32
      %dma_start3A_784 = arith.constant 0 : i32
      %dma_start3A_785 = tpu.memref_slice %arg7[%dma_start3A_783, %dma_start3A_784] : memref<4x128xi32, #tpu.memory_space<vmem>> -> memref<1x128xi32, #tpu.memory_space<vmem>>
      %dma_start3A_786 = arith.constant 0 : i32
      %dma_start3A_787 = arith.constant 0 : i32
      %dma_start3A_788 = tpu.memref_slice %arg5[%add3A, %dma_start3A_786, %dma_start3A_787] : memref<32x4x128xi32, #tpu.memory_space<hbm>> -> memref<1x4x128xi32, #tpu.memory_space<hbm>>
      %dma_start3A_789 = tpu.memref_squeeze %dma_start3A_788 : memref<1x4x128xi32, #tpu.memory_space<hbm>> -> memref<4x128xi32, #tpu.memory_space<hbm>>
      %dma_start3A_790 = arith.constant 0 : i32
      %dma_start3A_791 = tpu.memref_slice %dma_start3A_789[%sub3A_782, %dma_start3A_790] : memref<4x128xi32, #tpu.memory_space<hbm>> -> memref<1x128xi32, #tpu.memory_space<hbm>>
      %dma_start3A_792 = arith.constant 0 : i32
      %dma_start3A_793 = arith.constant 0 : i32
      %dma_start3A_794 = tpu.memref_slice %arg7[%dma_start3A_792, %dma_start3A_793] : memref<4x128xi32, #tpu.memory_space<vmem>> -> memref<1x128xi32, #tpu.memory_space<vmem>>
      %dma_start3A_795 = arith.constant 0 : i32
      %dma_start3A_796 = arith.constant 0 : i32
      %dma_start3A_797 = tpu.memref_slice %arg5[%add3A, %dma_start3A_795, %dma_start3A_796] : memref<32x4x128xi32, #tpu.memory_space<hbm>> -> memref<1x4x128xi32, #tpu.memory_space<hbm>>
      %dma_start3A_798 = tpu.memref_squeeze %dma_start3A_797 : memref<1x4x128xi32, #tpu.memory_space<hbm>> -> memref<4x128xi32, #tpu.memory_space<hbm>>
      %dma_start3A_799 = arith.constant 0 : i32
      %dma_start3A_800 = tpu.memref_slice %dma_start3A_798[%sub3A_782, %dma_start3A_799] : memref<4x128xi32, #tpu.memory_space<hbm>> -> memref<1x128xi32, #tpu.memory_space<hbm>>
      tpu.enqueue_dma source(%dma_start3A_800 : memref<1x128xi32, #tpu.memory_space<hbm>>) target(%dma_start3A_794 : memref<1x128xi32, #tpu.memory_space<vmem>>) target_semaphore(%arg15 : memref<!tpu.dma_semaphore, #tpu.memory_space<semaphore_mem>>)
    } else {
    }
    %dma_start3A_502 = arith.constant 0 : i32
    %dma_start3A_503 = arith.constant 0 : i32
    %dma_start3A_504 = arith.constant 0 : i32
    %dma_start3A_505 = arith.constant 0 : i32
    %dma_start3A_506 = tpu.memref_slice %arg9[%dma_start3A_502, %dma_start3A_504, %dma_start3A_505] : memref<2x128x128xf32, #tpu.memory_space<vmem>> -> memref<1x128x128xf32, #tpu.memory_space<vmem>>
    %dma_start3A_507 = tpu.memref_squeeze %dma_start3A_506 : memref<1x128x128xf32, #tpu.memory_space<vmem>> -> memref<128x128xf32, #tpu.memory_space<vmem>>
    %dma_start3A_508 = arith.constant 0 : i32
    %dma_start3A_509 = tpu.memref_slice %arg8[%dma_start3A_503, %dma_start3A_508] : memref<80x128xi32, #tpu.memory_space<vmem>> -> memref<1x128xi32, #tpu.memory_space<vmem>>
    %dma_start3A_510 = tpu.memref_squeeze %dma_start3A_509 : memref<1x128xi32, #tpu.memory_space<vmem>> -> memref<128xi32, #tpu.memory_space<vmem>>
    %dma_start3A_511 = arith.constant 0 : i32
    %dma_start3A_512 = arith.constant 0 : i32
    %dma_start3A_513 = tpu.memref_slice %arg10[%dma_start3A_511, %dma_start3A_512] : memref<10752x128xf32, #tpu.memory_space<vmem_shared>> -> memref<10752x128xf32, #tpu.memory_space<vmem_shared>>
    tpu.enqueue_indirect_dma source(%dma_start3A_507 : memref<128x128xf32, #tpu.memory_space<vmem>>) target(%dma_start3A_513 : memref<10752x128xf32, #tpu.memory_space<vmem_shared>>) offsets(%dma_start3A_510 : memref<128xi32, #tpu.memory_space<vmem>>) semaphore(%arg13 : memref<!tpu.dma_semaphore, #tpu.memory_space<semaphore_mem>>) {add = true}
    %dma_wait3A_514 = arith.constant 0 : i32
    %dma_wait3A_515 = arith.constant 2 : i32
    %dma_wait3A_516 = arith.constant 0 : i32
    %dma_wait3A_517 = tpu.memref_slice %arg7[%dma_wait3A_515, %dma_wait3A_516] : memref<4x128xi32, #tpu.memory_space<vmem>> -> memref<1x128xi32, #tpu.memory_space<vmem>>
    %dma_wait3A_518 = arith.constant 0 : i32
    %dma_wait3A_519 = arith.constant 0 : i32
    %dma_wait3A_520 = tpu.memref_slice %arg5[%dma_wait3A_514, %dma_wait3A_518, %dma_wait3A_519] : memref<32x4x128xi32, #tpu.memory_space<hbm>> -> memref<1x4x128xi32, #tpu.memory_space<hbm>>
    %dma_wait3A_521 = tpu.memref_squeeze %dma_wait3A_520 : memref<1x4x128xi32, #tpu.memory_space<hbm>> -> memref<4x128xi32, #tpu.memory_space<hbm>>
    %dma_wait3A_522 = arith.constant 0 : i32
    %dma_wait3A_523 = arith.constant 0 : i32
    %dma_wait3A_524 = tpu.memref_slice %dma_wait3A_521[%dma_wait3A_522, %dma_wait3A_523] : memref<4x128xi32, #tpu.memory_space<hbm>> -> memref<1x128xi32, #tpu.memory_space<hbm>>
    %dma_wait3A_525 = arith.constant 2 : i32
    %dma_wait3A_526 = arith.constant 0 : i32
    %dma_wait3A_527 = tpu.memref_slice %arg7[%dma_wait3A_525, %dma_wait3A_526] : memref<4x128xi32, #tpu.memory_space<vmem>> -> memref<1x128xi32, #tpu.memory_space<vmem>>
    %dma_wait3A_528 = arith.constant 0 : i32
    %dma_wait3A_529 = arith.constant 0 : i32
    %dma_wait3A_530 = tpu.memref_slice %arg5[%dma_wait3A_514, %dma_wait3A_528, %dma_wait3A_529] : memref<32x4x128xi32, #tpu.memory_space<hbm>> -> memref<1x4x128xi32, #tpu.memory_space<hbm>>
    %dma_wait3A_531 = tpu.memref_squeeze %dma_wait3A_530 : memref<1x4x128xi32, #tpu.memory_space<hbm>> -> memref<4x128xi32, #tpu.memory_space<hbm>>
    %dma_wait3A_532 = arith.constant 0 : i32
    %dma_wait3A_533 = arith.constant 0 : i32
    %dma_wait3A_534 = tpu.memref_slice %dma_wait3A_531[%dma_wait3A_532, %dma_wait3A_533] : memref<4x128xi32, #tpu.memory_space<hbm>> -> memref<1x128xi32, #tpu.memory_space<hbm>>
    tpu.wait_dma2 semaphore(%arg17 : memref<!tpu.dma_semaphore, #tpu.memory_space<semaphore_mem>>) src(%dma_wait3A_534 : memref<1x128xi32, #tpu.memory_space<hbm>>) dst(%dma_wait3A_527 : memref<1x128xi32, #tpu.memory_space<vmem>>)
    %dma_wait3A_535 = arith.constant 0 : i32
    %dma_wait3A_536 = arith.constant 0 : i32
    %dma_wait3A_537 = arith.constant 0 : i32
    %dma_wait3A_538 = arith.constant 0 : i32
    %dma_wait3A_539 = tpu.memref_slice %arg9[%dma_wait3A_535, %dma_wait3A_537, %dma_wait3A_538] : memref<2x128x128xf32, #tpu.memory_space<vmem>> -> memref<1x128x128xf32, #tpu.memory_space<vmem>>
    %dma_wait3A_540 = tpu.memref_squeeze %dma_wait3A_539 : memref<1x128x128xf32, #tpu.memory_space<vmem>> -> memref<128x128xf32, #tpu.memory_space<vmem>>
    %dma_wait3A_541 = arith.constant 0 : i32
    %dma_wait3A_542 = tpu.memref_slice %arg8[%dma_wait3A_536, %dma_wait3A_541] : memref<80x128xi32, #tpu.memory_space<vmem>> -> memref<1x128xi32, #tpu.memory_space<vmem>>
    %dma_wait3A_543 = tpu.memref_squeeze %dma_wait3A_542 : memref<1x128xi32, #tpu.memory_space<vmem>> -> memref<128xi32, #tpu.memory_space<vmem>>
    %dma_wait3A_544 = arith.constant 0 : i32
    %dma_wait3A_545 = arith.constant 0 : i32
    %dma_wait3A_546 = tpu.memref_slice %arg10[%dma_wait3A_544, %dma_wait3A_545] : memref<10752x128xf32, #tpu.memory_space<vmem_shared>> -> memref<10752x128xf32, #tpu.memory_space<vmem_shared>>
    tpu.wait_indirect_dma semaphore(%arg13 : memref<!tpu.dma_semaphore, #tpu.memory_space<semaphore_mem>>) src(%dma_wait3A_540 : memref<128x128xf32, #tpu.memory_space<vmem>>) dst(%dma_wait3A_546 : memref<10752x128xf32, #tpu.memory_space<vmem_shared>>)
    %dma_start3A_547 = arith.constant 2 : i32
    %dma_start3A_548 = arith.constant 0 : i32
    %dma_start3A_549 = arith.constant 0 : i32
    %dma_start3A_550 = arith.constant 0 : i32
    %dma_start3A_551 = tpu.memref_slice %arg9[%dma_start3A_548, %dma_start3A_549, %dma_start3A_550] : memref<2x128x128xf32, #tpu.memory_space<vmem>> -> memref<1x128x128xf32, #tpu.memory_space<vmem>>
    %dma_start3A_552 = tpu.memref_squeeze %dma_start3A_551 : memref<1x128x128xf32, #tpu.memory_space<vmem>> -> memref<128x128xf32, #tpu.memory_space<vmem>>
    %dma_start3A_553 = arith.constant 0 : i32
    %dma_start3A_554 = tpu.memref_slice %arg7[%dma_start3A_547, %dma_start3A_553] : memref<4x128xi32, #tpu.memory_space<vmem>> -> memref<1x128xi32, #tpu.memory_space<vmem>>
    %dma_start3A_555 = tpu.memref_squeeze %dma_start3A_554 : memref<1x128xi32, #tpu.memory_space<vmem>> -> memref<128xi32, #tpu.memory_space<vmem>>
    %dma_start3A_556 = arith.constant 0 : i32
    %dma_start3A_557 = arith.constant 0 : i32
    %dma_start3A_558 = tpu.memref_slice %arg2[%dma_start3A_556, %dma_start3A_557] : memref<10752x128xf32, #tpu.memory_space<hbm>> -> memref<10752x128xf32, #tpu.memory_space<hbm>>
    tpu.enqueue_indirect_dma source(%dma_start3A_558 : memref<10752x128xf32, #tpu.memory_space<hbm>>) target(%dma_start3A_552 : memref<128x128xf32, #tpu.memory_space<vmem>>) offsets(%dma_start3A_555 : memref<128xi32, #tpu.memory_space<vmem>>) semaphore(%arg11 : memref<!tpu.dma_semaphore, #tpu.memory_space<semaphore_mem>>)
    %dma_wait3A_559 = arith.constant 1 : i32
    %dma_wait3A_560 = arith.constant 1 : i32
    %dma_wait3A_561 = arith.constant 0 : i32
    %dma_wait3A_562 = arith.constant 0 : i32
    %dma_wait3A_563 = tpu.memref_slice %arg9[%dma_wait3A_560, %dma_wait3A_561, %dma_wait3A_562] : memref<2x128x128xf32, #tpu.memory_space<vmem>> -> memref<1x128x128xf32, #tpu.memory_space<vmem>>
    %dma_wait3A_564 = tpu.memref_squeeze %dma_wait3A_563 : memref<1x128x128xf32, #tpu.memory_space<vmem>> -> memref<128x128xf32, #tpu.memory_space<vmem>>
    %dma_wait3A_565 = arith.constant 0 : i32
    %dma_wait3A_566 = tpu.memref_slice %arg7[%dma_wait3A_559, %dma_wait3A_565] : memref<4x128xi32, #tpu.memory_space<vmem>> -> memref<1x128xi32, #tpu.memory_space<vmem>>
    %dma_wait3A_567 = tpu.memref_squeeze %dma_wait3A_566 : memref<1x128xi32, #tpu.memory_space<vmem>> -> memref<128xi32, #tpu.memory_space<vmem>>
    %dma_wait3A_568 = arith.constant 0 : i32
    %dma_wait3A_569 = arith.constant 0 : i32
    %dma_wait3A_570 = tpu.memref_slice %arg2[%dma_wait3A_568, %dma_wait3A_569] : memref<10752x128xf32, #tpu.memory_space<hbm>> -> memref<10752x128xf32, #tpu.memory_space<hbm>>
    tpu.wait_indirect_dma semaphore(%arg12 : memref<!tpu.dma_semaphore, #tpu.memory_space<semaphore_mem>>) src(%dma_wait3A_570 : memref<10752x128xf32, #tpu.memory_space<hbm>>) dst(%dma_wait3A_564 : memref<128x128xf32, #tpu.memory_space<vmem>>)
    %lt3A_571 = arith.constant 5 : i32
    %lt3A_572 = arith.constant 78 : i32
    %lt3A_573 = arith.cmpi slt, %lt3A_571, %lt3A_572 : i32
    %convert_element_type3A_574 = arith.extui %lt3A_573 : i1 to i32
    %cond3A_575 = arith.constant 5 : i32
    %cond3A_576 = arith.constant 0 : i32
    %cond3A_577 = arith.cmpi ne, %convert_element_type3A_574, %cond3A_576 : i32
    scf.if %cond3A_577 {
      %mul3A_782 = arith.constant 78 : i32
      %mul3A_783 = arith.muli %add3A, %mul3A_782 : i32
      %add3A_784 = arith.addi %mul3A_783, %cond3A_575 : i32
      %dma_start3A_785 = arith.constant 1 : i32
      %dma_start3A_786 = arith.constant 0 : i32
      %dma_start3A_787 = tpu.memref_slice %arg7[%dma_start3A_785, %dma_start3A_786] : memref<4x128xi32, #tpu.memory_space<vmem>> -> memref<1x128xi32, #tpu.memory_space<vmem>>
      %dma_start3A_788 = arith.constant 0 : i32
      %dma_start3A_789 = tpu.memref_slice %arg3[%add3A_784, %dma_start3A_788] : memref<2500x128xi32, #tpu.memory_space<hbm>> -> memref<1x128xi32, #tpu.memory_space<hbm>>
      %dma_start3A_790 = arith.constant 1 : i32
      %dma_start3A_791 = arith.constant 0 : i32
      %dma_start3A_792 = tpu.memref_slice %arg7[%dma_start3A_790, %dma_start3A_791] : memref<4x128xi32, #tpu.memory_space<vmem>> -> memref<1x128xi32, #tpu.memory_space<vmem>>
      %dma_start3A_793 = arith.constant 0 : i32
      %dma_start3A_794 = tpu.memref_slice %arg3[%add3A_784, %dma_start3A_793] : memref<2500x128xi32, #tpu.memory_space<hbm>> -> memref<1x128xi32, #tpu.memory_space<hbm>>
      tpu.enqueue_dma source(%dma_start3A_794 : memref<1x128xi32, #tpu.memory_space<hbm>>) target(%dma_start3A_792 : memref<1x128xi32, #tpu.memory_space<vmem>>) target_semaphore(%arg16 : memref<!tpu.dma_semaphore, #tpu.memory_space<semaphore_mem>>)
    } else {
    }
    %eq3A_578 = arith.constant 5 : i32
    %eq3A_579 = arith.constant 78 : i32
    %eq3A_580 = arith.cmpi eq, %eq3A_578, %eq3A_579 : i32
    %lt3A_581 = arith.constant 4 : i32
    %lt3A_582 = arith.cmpi slt, %add3A, %lt3A_581 : i32
    %and3A_583 = arith.andi %eq3A_580, %lt3A_582 : i1
    %convert_element_type3A_584 = arith.extui %and3A_583 : i1 to i32
    %cond3A_585 = arith.constant 0 : i32
    %cond3A_586 = arith.cmpi ne, %convert_element_type3A_584, %cond3A_585 : i32
    scf.if %cond3A_586 {
      %add3A_782 = arith.constant 2496 : i32
      %add3A_783 = arith.addi %add3A_782, %add3A : i32
      %dma_start3A_784 = arith.constant 1 : i32
      %dma_start3A_785 = arith.constant 0 : i32
      %dma_start3A_786 = tpu.memref_slice %arg7[%dma_start3A_784, %dma_start3A_785] : memref<4x128xi32, #tpu.memory_space<vmem>> -> memref<1x128xi32, #tpu.memory_space<vmem>>
      %dma_start3A_787 = arith.constant 0 : i32
      %dma_start3A_788 = tpu.memref_slice %arg3[%add3A_783, %dma_start3A_787] : memref<2500x128xi32, #tpu.memory_space<hbm>> -> memref<1x128xi32, #tpu.memory_space<hbm>>
      %dma_start3A_789 = arith.constant 1 : i32
      %dma_start3A_790 = arith.constant 0 : i32
      %dma_start3A_791 = tpu.memref_slice %arg7[%dma_start3A_789, %dma_start3A_790] : memref<4x128xi32, #tpu.memory_space<vmem>> -> memref<1x128xi32, #tpu.memory_space<vmem>>
      %dma_start3A_792 = arith.constant 0 : i32
      %dma_start3A_793 = tpu.memref_slice %arg3[%add3A_783, %dma_start3A_792] : memref<2500x128xi32, #tpu.memory_space<hbm>> -> memref<1x128xi32, #tpu.memory_space<hbm>>
      tpu.enqueue_dma source(%dma_start3A_793 : memref<1x128xi32, #tpu.memory_space<hbm>>) target(%dma_start3A_791 : memref<1x128xi32, #tpu.memory_space<vmem>>) target_semaphore(%arg16 : memref<!tpu.dma_semaphore, #tpu.memory_space<semaphore_mem>>)
    } else {
    }
    %ge3A_587 = arith.constant 5 : i32
    %ge3A_588 = arith.constant 78 : i32
    %ge3A_589 = arith.cmpi sge, %ge3A_587, %ge3A_588 : i32
    %gt3A_590 = arith.constant 5 : i32
    %gt3A_591 = arith.constant 78 : i32
    %gt3A_592 = arith.cmpi sgt, %gt3A_590, %gt3A_591 : i32
    %ge3A_593 = arith.constant 4 : i32
    %ge3A_594 = arith.cmpi sge, %add3A, %ge3A_593 : i32
    %or3A_595 = arith.ori %gt3A_592, %ge3A_594 : i1
    %and3A_596 = arith.andi %ge3A_589, %or3A_595 : i1
    %convert_element_type3A_597 = arith.extui %and3A_596 : i1 to i32
    %cond3A_598 = arith.constant 5 : i32
    %cond3A_599 = arith.constant 0 : i32
    %cond3A_600 = arith.cmpi ne, %convert_element_type3A_597, %cond3A_599 : i32
    scf.if %cond3A_600 {
      %sub3A = arith.constant 78 : i32
      %sub3A_782 = arith.subi %cond3A_598, %sub3A : i32
      %dma_start3A_783 = arith.constant 1 : i32
      %dma_start3A_784 = arith.constant 0 : i32
      %dma_start3A_785 = tpu.memref_slice %arg7[%dma_start3A_783, %dma_start3A_784] : memref<4x128xi32, #tpu.memory_space<vmem>> -> memref<1x128xi32, #tpu.memory_space<vmem>>
      %dma_start3A_786 = arith.constant 0 : i32
      %dma_start3A_787 = arith.constant 0 : i32
      %dma_start3A_788 = tpu.memref_slice %arg5[%add3A, %dma_start3A_786, %dma_start3A_787] : memref<32x4x128xi32, #tpu.memory_space<hbm>> -> memref<1x4x128xi32, #tpu.memory_space<hbm>>
      %dma_start3A_789 = tpu.memref_squeeze %dma_start3A_788 : memref<1x4x128xi32, #tpu.memory_space<hbm>> -> memref<4x128xi32, #tpu.memory_space<hbm>>
      %dma_start3A_790 = arith.constant 0 : i32
      %dma_start3A_791 = tpu.memref_slice %dma_start3A_789[%sub3A_782, %dma_start3A_790] : memref<4x128xi32, #tpu.memory_space<hbm>> -> memref<1x128xi32, #tpu.memory_space<hbm>>
      %dma_start3A_792 = arith.constant 1 : i32
      %dma_start3A_793 = arith.constant 0 : i32
      %dma_start3A_794 = tpu.memref_slice %arg7[%dma_start3A_792, %dma_start3A_793] : memref<4x128xi32, #tpu.memory_space<vmem>> -> memref<1x128xi32, #tpu.memory_space<vmem>>
      %dma_start3A_795 = arith.constant 0 : i32
      %dma_start3A_796 = arith.constant 0 : i32
      %dma_start3A_797 = tpu.memref_slice %arg5[%add3A, %dma_start3A_795, %dma_start3A_796] : memref<32x4x128xi32, #tpu.memory_space<hbm>> -> memref<1x4x128xi32, #tpu.memory_space<hbm>>
      %dma_start3A_798 = tpu.memref_squeeze %dma_start3A_797 : memref<1x4x128xi32, #tpu.memory_space<hbm>> -> memref<4x128xi32, #tpu.memory_space<hbm>>
      %dma_start3A_799 = arith.constant 0 : i32
      %dma_start3A_800 = tpu.memref_slice %dma_start3A_798[%sub3A_782, %dma_start3A_799] : memref<4x128xi32, #tpu.memory_space<hbm>> -> memref<1x128xi32, #tpu.memory_space<hbm>>
      tpu.enqueue_dma source(%dma_start3A_800 : memref<1x128xi32, #tpu.memory_space<hbm>>) target(%dma_start3A_794 : memref<1x128xi32, #tpu.memory_space<vmem>>) target_semaphore(%arg16 : memref<!tpu.dma_semaphore, #tpu.memory_space<semaphore_mem>>)
    } else {
    }
    %dma_start3A_601 = arith.constant 1 : i32
    %dma_start3A_602 = arith.constant 1 : i32
    %dma_start3A_603 = arith.constant 0 : i32
    %dma_start3A_604 = arith.constant 0 : i32
    %dma_start3A_605 = tpu.memref_slice %arg9[%dma_start3A_601, %dma_start3A_603, %dma_start3A_604] : memref<2x128x128xf32, #tpu.memory_space<vmem>> -> memref<1x128x128xf32, #tpu.memory_space<vmem>>
    %dma_start3A_606 = tpu.memref_squeeze %dma_start3A_605 : memref<1x128x128xf32, #tpu.memory_space<vmem>> -> memref<128x128xf32, #tpu.memory_space<vmem>>
    %dma_start3A_607 = arith.constant 0 : i32
    %dma_start3A_608 = tpu.memref_slice %arg8[%dma_start3A_602, %dma_start3A_607] : memref<80x128xi32, #tpu.memory_space<vmem>> -> memref<1x128xi32, #tpu.memory_space<vmem>>
    %dma_start3A_609 = tpu.memref_squeeze %dma_start3A_608 : memref<1x128xi32, #tpu.memory_space<vmem>> -> memref<128xi32, #tpu.memory_space<vmem>>
    %dma_start3A_610 = arith.constant 0 : i32
    %dma_start3A_611 = arith.constant 0 : i32
    %dma_start3A_612 = tpu.memref_slice %arg10[%dma_start3A_610, %dma_start3A_611] : memref<10752x128xf32, #tpu.memory_space<vmem_shared>> -> memref<10752x128xf32, #tpu.memory_space<vmem_shared>>
    tpu.enqueue_indirect_dma source(%dma_start3A_606 : memref<128x128xf32, #tpu.memory_space<vmem>>) target(%dma_start3A_612 : memref<10752x128xf32, #tpu.memory_space<vmem_shared>>) offsets(%dma_start3A_609 : memref<128xi32, #tpu.memory_space<vmem>>) semaphore(%arg14 : memref<!tpu.dma_semaphore, #tpu.memory_space<semaphore_mem>>) {add = true}
    %dma_wait3A_613 = arith.constant 0 : i32
    %dma_wait3A_614 = arith.constant 3 : i32
    %dma_wait3A_615 = arith.constant 0 : i32
    %dma_wait3A_616 = tpu.memref_slice %arg7[%dma_wait3A_614, %dma_wait3A_615] : memref<4x128xi32, #tpu.memory_space<vmem>> -> memref<1x128xi32, #tpu.memory_space<vmem>>
    %dma_wait3A_617 = arith.constant 0 : i32
    %dma_wait3A_618 = arith.constant 0 : i32
    %dma_wait3A_619 = tpu.memref_slice %arg5[%dma_wait3A_613, %dma_wait3A_617, %dma_wait3A_618] : memref<32x4x128xi32, #tpu.memory_space<hbm>> -> memref<1x4x128xi32, #tpu.memory_space<hbm>>
    %dma_wait3A_620 = tpu.memref_squeeze %dma_wait3A_619 : memref<1x4x128xi32, #tpu.memory_space<hbm>> -> memref<4x128xi32, #tpu.memory_space<hbm>>
    %dma_wait3A_621 = arith.constant 0 : i32
    %dma_wait3A_622 = arith.constant 0 : i32
    %dma_wait3A_623 = tpu.memref_slice %dma_wait3A_620[%dma_wait3A_621, %dma_wait3A_622] : memref<4x128xi32, #tpu.memory_space<hbm>> -> memref<1x128xi32, #tpu.memory_space<hbm>>
    %dma_wait3A_624 = arith.constant 3 : i32
    %dma_wait3A_625 = arith.constant 0 : i32
    %dma_wait3A_626 = tpu.memref_slice %arg7[%dma_wait3A_624, %dma_wait3A_625] : memref<4x128xi32, #tpu.memory_space<vmem>> -> memref<1x128xi32, #tpu.memory_space<vmem>>
    %dma_wait3A_627 = arith.constant 0 : i32
    %dma_wait3A_628 = arith.constant 0 : i32
    %dma_wait3A_629 = tpu.memref_slice %arg5[%dma_wait3A_613, %dma_wait3A_627, %dma_wait3A_628] : memref<32x4x128xi32, #tpu.memory_space<hbm>> -> memref<1x4x128xi32, #tpu.memory_space<hbm>>
    %dma_wait3A_630 = tpu.memref_squeeze %dma_wait3A_629 : memref<1x4x128xi32, #tpu.memory_space<hbm>> -> memref<4x128xi32, #tpu.memory_space<hbm>>
    %dma_wait3A_631 = arith.constant 0 : i32
    %dma_wait3A_632 = arith.constant 0 : i32
    %dma_wait3A_633 = tpu.memref_slice %dma_wait3A_630[%dma_wait3A_631, %dma_wait3A_632] : memref<4x128xi32, #tpu.memory_space<hbm>> -> memref<1x128xi32, #tpu.memory_space<hbm>>
    tpu.wait_dma2 semaphore(%arg18 : memref<!tpu.dma_semaphore, #tpu.memory_space<semaphore_mem>>) src(%dma_wait3A_633 : memref<1x128xi32, #tpu.memory_space<hbm>>) dst(%dma_wait3A_626 : memref<1x128xi32, #tpu.memory_space<vmem>>)
    %dma_wait3A_634 = arith.constant 1 : i32
    %dma_wait3A_635 = arith.constant 1 : i32
    %dma_wait3A_636 = arith.constant 0 : i32
    %dma_wait3A_637 = arith.constant 0 : i32
    %dma_wait3A_638 = tpu.memref_slice %arg9[%dma_wait3A_634, %dma_wait3A_636, %dma_wait3A_637] : memref<2x128x128xf32, #tpu.memory_space<vmem>> -> memref<1x128x128xf32, #tpu.memory_space<vmem>>
    %dma_wait3A_639 = tpu.memref_squeeze %dma_wait3A_638 : memref<1x128x128xf32, #tpu.memory_space<vmem>> -> memref<128x128xf32, #tpu.memory_space<vmem>>
    %dma_wait3A_640 = arith.constant 0 : i32
    %dma_wait3A_641 = tpu.memref_slice %arg8[%dma_wait3A_635, %dma_wait3A_640] : memref<80x128xi32, #tpu.memory_space<vmem>> -> memref<1x128xi32, #tpu.memory_space<vmem>>
    %dma_wait3A_642 = tpu.memref_squeeze %dma_wait3A_641 : memref<1x128xi32, #tpu.memory_space<vmem>> -> memref<128xi32, #tpu.memory_space<vmem>>
    %dma_wait3A_643 = arith.constant 0 : i32
    %dma_wait3A_644 = arith.constant 0 : i32
    %dma_wait3A_645 = tpu.memref_slice %arg10[%dma_wait3A_643, %dma_wait3A_644] : memref<10752x128xf32, #tpu.memory_space<vmem_shared>> -> memref<10752x128xf32, #tpu.memory_space<vmem_shared>>
    tpu.wait_indirect_dma semaphore(%arg14 : memref<!tpu.dma_semaphore, #tpu.memory_space<semaphore_mem>>) src(%dma_wait3A_639 : memref<128x128xf32, #tpu.memory_space<vmem>>) dst(%dma_wait3A_645 : memref<10752x128xf32, #tpu.memory_space<vmem_shared>>)
    %dma_start3A_646 = arith.constant 3 : i32
    %dma_start3A_647 = arith.constant 1 : i32
    %dma_start3A_648 = arith.constant 0 : i32
    %dma_start3A_649 = arith.constant 0 : i32
    %dma_start3A_650 = tpu.memref_slice %arg9[%dma_start3A_647, %dma_start3A_648, %dma_start3A_649] : memref<2x128x128xf32, #tpu.memory_space<vmem>> -> memref<1x128x128xf32, #tpu.memory_space<vmem>>
    %dma_start3A_651 = tpu.memref_squeeze %dma_start3A_650 : memref<1x128x128xf32, #tpu.memory_space<vmem>> -> memref<128x128xf32, #tpu.memory_space<vmem>>
    %dma_start3A_652 = arith.constant 0 : i32
    %dma_start3A_653 = tpu.memref_slice %arg7[%dma_start3A_646, %dma_start3A_652] : memref<4x128xi32, #tpu.memory_space<vmem>> -> memref<1x128xi32, #tpu.memory_space<vmem>>
    %dma_start3A_654 = tpu.memref_squeeze %dma_start3A_653 : memref<1x128xi32, #tpu.memory_space<vmem>> -> memref<128xi32, #tpu.memory_space<vmem>>
    %dma_start3A_655 = arith.constant 0 : i32
    %dma_start3A_656 = arith.constant 0 : i32
    %dma_start3A_657 = tpu.memref_slice %arg2[%dma_start3A_655, %dma_start3A_656] : memref<10752x128xf32, #tpu.memory_space<hbm>> -> memref<10752x128xf32, #tpu.memory_space<hbm>>
    tpu.enqueue_indirect_dma source(%dma_start3A_657 : memref<10752x128xf32, #tpu.memory_space<hbm>>) target(%dma_start3A_651 : memref<128x128xf32, #tpu.memory_space<vmem>>) offsets(%dma_start3A_654 : memref<128xi32, #tpu.memory_space<vmem>>) semaphore(%arg12 : memref<!tpu.dma_semaphore, #tpu.memory_space<semaphore_mem>>)
    %scan3A_658 = arith.constant 0 : i32
    %scan3A_659 = arith.constant 19 : i32
    %scan3A_660 = arith.addi %scan3A_658, %scan3A_659 : i32
    %scan3A_661 = arith.constant 1 : i32
    scf.for %scan3A_782 = %scan3A_658 to %scan3A_660 step %scan3A_661  : i32 {
      %mul3A_783 = arith.constant 4 : i32
      %mul3A_784 = arith.muli %scan3A_782, %mul3A_783 : i32
      %add3A_785 = arith.constant 2 : i32
      %add3A_786 = arith.addi %add3A_785, %mul3A_784 : i32
      %add3A_787 = arith.constant 0 : i32
      %add3A_788 = arith.addi %add3A_786, %add3A_787 : i32
      %dma_wait3A_789 = arith.constant 2 : i32
      %dma_wait3A_790 = arith.constant 0 : i32
      %dma_wait3A_791 = arith.constant 0 : i32
      %dma_wait3A_792 = arith.constant 0 : i32
      %dma_wait3A_793 = tpu.memref_slice %arg9[%dma_wait3A_790, %dma_wait3A_791, %dma_wait3A_792] : memref<2x128x128xf32, #tpu.memory_space<vmem>> -> memref<1x128x128xf32, #tpu.memory_space<vmem>>
      %dma_wait3A_794 = tpu.memref_squeeze %dma_wait3A_793 : memref<1x128x128xf32, #tpu.memory_space<vmem>> -> memref<128x128xf32, #tpu.memory_space<vmem>>
      %dma_wait3A_795 = arith.constant 0 : i32
      %dma_wait3A_796 = tpu.memref_slice %arg7[%dma_wait3A_789, %dma_wait3A_795] : memref<4x128xi32, #tpu.memory_space<vmem>> -> memref<1x128xi32, #tpu.memory_space<vmem>>
      %dma_wait3A_797 = tpu.memref_squeeze %dma_wait3A_796 : memref<1x128xi32, #tpu.memory_space<vmem>> -> memref<128xi32, #tpu.memory_space<vmem>>
      %dma_wait3A_798 = arith.constant 0 : i32
      %dma_wait3A_799 = arith.constant 0 : i32
      %dma_wait3A_800 = tpu.memref_slice %arg2[%dma_wait3A_798, %dma_wait3A_799] : memref<10752x128xf32, #tpu.memory_space<hbm>> -> memref<10752x128xf32, #tpu.memory_space<hbm>>
      tpu.wait_indirect_dma semaphore(%arg11 : memref<!tpu.dma_semaphore, #tpu.memory_space<semaphore_mem>>) src(%dma_wait3A_800 : memref<10752x128xf32, #tpu.memory_space<hbm>>) dst(%dma_wait3A_794 : memref<128x128xf32, #tpu.memory_space<vmem>>)
      %add3A_801 = arith.constant 4 : i32
      %add3A_802 = arith.addi %add3A_788, %add3A_801 : i32
      %lt3A_803 = arith.constant 78 : i32
      %lt3A_804 = arith.cmpi slt, %add3A_802, %lt3A_803 : i32
      %convert_element_type3A_805 = arith.extui %lt3A_804 : i1 to i32
      %cond3A_806 = arith.constant 0 : i32
      %cond3A_807 = arith.cmpi ne, %convert_element_type3A_805, %cond3A_806 : i32
      scf.if %cond3A_807 {
        %mul3A_1183 = arith.constant 78 : i32
        %mul3A_1184 = arith.muli %add3A, %mul3A_1183 : i32
        %add3A_1185 = arith.addi %mul3A_1184, %add3A_802 : i32
        %dma_start3A_1186 = arith.constant 2 : i32
        %dma_start3A_1187 = arith.constant 0 : i32
        %dma_start3A_1188 = tpu.memref_slice %arg7[%dma_start3A_1186, %dma_start3A_1187] : memref<4x128xi32, #tpu.memory_space<vmem>> -> memref<1x128xi32, #tpu.memory_space<vmem>>
        %dma_start3A_1189 = arith.constant 0 : i32
        %dma_start3A_1190 = tpu.memref_slice %arg3[%add3A_1185, %dma_start3A_1189] : memref<2500x128xi32, #tpu.memory_space<hbm>> -> memref<1x128xi32, #tpu.memory_space<hbm>>
        %dma_start3A_1191 = arith.constant 2 : i32
        %dma_start3A_1192 = arith.constant 0 : i32
        %dma_start3A_1193 = tpu.memref_slice %arg7[%dma_start3A_1191, %dma_start3A_1192] : memref<4x128xi32, #tpu.memory_space<vmem>> -> memref<1x128xi32, #tpu.memory_space<vmem>>
        %dma_start3A_1194 = arith.constant 0 : i32
        %dma_start3A_1195 = tpu.memref_slice %arg3[%add3A_1185, %dma_start3A_1194] : memref<2500x128xi32, #tpu.memory_space<hbm>> -> memref<1x128xi32, #tpu.memory_space<hbm>>
        tpu.enqueue_dma source(%dma_start3A_1195 : memref<1x128xi32, #tpu.memory_space<hbm>>) target(%dma_start3A_1193 : memref<1x128xi32, #tpu.memory_space<vmem>>) target_semaphore(%arg17 : memref<!tpu.dma_semaphore, #tpu.memory_space<semaphore_mem>>)
      } else {
      }
      %eq3A_808 = arith.constant 78 : i32
      %eq3A_809 = arith.cmpi eq, %add3A_802, %eq3A_808 : i32
      %lt3A_810 = arith.constant 4 : i32
      %lt3A_811 = arith.cmpi slt, %add3A, %lt3A_810 : i32
      %and3A_812 = arith.andi %eq3A_809, %lt3A_811 : i1
      %convert_element_type3A_813 = arith.extui %and3A_812 : i1 to i32
      %cond3A_814 = arith.constant 0 : i32
      %cond3A_815 = arith.cmpi ne, %convert_element_type3A_813, %cond3A_814 : i32
      scf.if %cond3A_815 {
        %add3A_1183 = arith.constant 2496 : i32
        %add3A_1184 = arith.addi %add3A_1183, %add3A : i32
        %dma_start3A_1185 = arith.constant 2 : i32
        %dma_start3A_1186 = arith.constant 0 : i32
        %dma_start3A_1187 = tpu.memref_slice %arg7[%dma_start3A_1185, %dma_start3A_1186] : memref<4x128xi32, #tpu.memory_space<vmem>> -> memref<1x128xi32, #tpu.memory_space<vmem>>
        %dma_start3A_1188 = arith.constant 0 : i32
        %dma_start3A_1189 = tpu.memref_slice %arg3[%add3A_1184, %dma_start3A_1188] : memref<2500x128xi32, #tpu.memory_space<hbm>> -> memref<1x128xi32, #tpu.memory_space<hbm>>
        %dma_start3A_1190 = arith.constant 2 : i32
        %dma_start3A_1191 = arith.constant 0 : i32
        %dma_start3A_1192 = tpu.memref_slice %arg7[%dma_start3A_1190, %dma_start3A_1191] : memref<4x128xi32, #tpu.memory_space<vmem>> -> memref<1x128xi32, #tpu.memory_space<vmem>>
        %dma_start3A_1193 = arith.constant 0 : i32
        %dma_start3A_1194 = tpu.memref_slice %arg3[%add3A_1184, %dma_start3A_1193] : memref<2500x128xi32, #tpu.memory_space<hbm>> -> memref<1x128xi32, #tpu.memory_space<hbm>>
        tpu.enqueue_dma source(%dma_start3A_1194 : memref<1x128xi32, #tpu.memory_space<hbm>>) target(%dma_start3A_1192 : memref<1x128xi32, #tpu.memory_space<vmem>>) target_semaphore(%arg17 : memref<!tpu.dma_semaphore, #tpu.memory_space<semaphore_mem>>)
      } else {
      }
      %ge3A_816 = arith.constant 78 : i32
      %ge3A_817 = arith.cmpi sge, %add3A_802, %ge3A_816 : i32
      %gt3A_818 = arith.constant 78 : i32
      %gt3A_819 = arith.cmpi sgt, %add3A_802, %gt3A_818 : i32
      %ge3A_820 = arith.constant 4 : i32
      %ge3A_821 = arith.cmpi sge, %add3A, %ge3A_820 : i32
      %or3A_822 = arith.ori %gt3A_819, %ge3A_821 : i1
      %and3A_823 = arith.andi %ge3A_817, %or3A_822 : i1
      %convert_element_type3A_824 = arith.extui %and3A_823 : i1 to i32
      %cond3A_825 = arith.constant 0 : i32
      %cond3A_826 = arith.cmpi ne, %convert_element_type3A_824, %cond3A_825 : i32
      scf.if %cond3A_826 {
        %sub3A = arith.constant 78 : i32
        %sub3A_1183 = arith.subi %add3A_802, %sub3A : i32
        %dma_start3A_1184 = arith.constant 2 : i32
        %dma_start3A_1185 = arith.constant 0 : i32
        %dma_start3A_1186 = tpu.memref_slice %arg7[%dma_start3A_1184, %dma_start3A_1185] : memref<4x128xi32, #tpu.memory_space<vmem>> -> memref<1x128xi32, #tpu.memory_space<vmem>>
        %dma_start3A_1187 = arith.constant 0 : i32
        %dma_start3A_1188 = arith.constant 0 : i32
        %dma_start3A_1189 = tpu.memref_slice %arg5[%add3A, %dma_start3A_1187, %dma_start3A_1188] : memref<32x4x128xi32, #tpu.memory_space<hbm>> -> memref<1x4x128xi32, #tpu.memory_space<hbm>>
        %dma_start3A_1190 = tpu.memref_squeeze %dma_start3A_1189 : memref<1x4x128xi32, #tpu.memory_space<hbm>> -> memref<4x128xi32, #tpu.memory_space<hbm>>
        %dma_start3A_1191 = arith.constant 0 : i32
        %dma_start3A_1192 = tpu.memref_slice %dma_start3A_1190[%sub3A_1183, %dma_start3A_1191] : memref<4x128xi32, #tpu.memory_space<hbm>> -> memref<1x128xi32, #tpu.memory_space<hbm>>
        %dma_start3A_1193 = arith.constant 2 : i32
        %dma_start3A_1194 = arith.constant 0 : i32
        %dma_start3A_1195 = tpu.memref_slice %arg7[%dma_start3A_1193, %dma_start3A_1194] : memref<4x128xi32, #tpu.memory_space<vmem>> -> memref<1x128xi32, #tpu.memory_space<vmem>>
        %dma_start3A_1196 = arith.constant 0 : i32
        %dma_start3A_1197 = arith.constant 0 : i32
        %dma_start3A_1198 = tpu.memref_slice %arg5[%add3A, %dma_start3A_1196, %dma_start3A_1197] : memref<32x4x128xi32, #tpu.memory_space<hbm>> -> memref<1x4x128xi32, #tpu.memory_space<hbm>>
        %dma_start3A_1199 = tpu.memref_squeeze %dma_start3A_1198 : memref<1x4x128xi32, #tpu.memory_space<hbm>> -> memref<4x128xi32, #tpu.memory_space<hbm>>
        %dma_start3A_1200 = arith.constant 0 : i32
        %dma_start3A_1201 = tpu.memref_slice %dma_start3A_1199[%sub3A_1183, %dma_start3A_1200] : memref<4x128xi32, #tpu.memory_space<hbm>> -> memref<1x128xi32, #tpu.memory_space<hbm>>
        tpu.enqueue_dma source(%dma_start3A_1201 : memref<1x128xi32, #tpu.memory_space<hbm>>) target(%dma_start3A_1195 : memref<1x128xi32, #tpu.memory_space<vmem>>) target_semaphore(%arg17 : memref<!tpu.dma_semaphore, #tpu.memory_space<semaphore_mem>>)
      } else {
      }
      %dma_start3A_827 = arith.constant 0 : i32
      %dma_start3A_828 = arith.constant 0 : i32
      %dma_start3A_829 = arith.constant 0 : i32
      %dma_start3A_830 = tpu.memref_slice %arg9[%dma_start3A_827, %dma_start3A_828, %dma_start3A_829] : memref<2x128x128xf32, #tpu.memory_space<vmem>> -> memref<1x128x128xf32, #tpu.memory_space<vmem>>
      %dma_start3A_831 = tpu.memref_squeeze %dma_start3A_830 : memref<1x128x128xf32, #tpu.memory_space<vmem>> -> memref<128x128xf32, #tpu.memory_space<vmem>>
      %dma_start3A_832 = arith.constant 0 : i32
      %dma_start3A_833 = tpu.memref_slice %arg8[%add3A_788, %dma_start3A_832] : memref<80x128xi32, #tpu.memory_space<vmem>> -> memref<1x128xi32, #tpu.memory_space<vmem>>
      %dma_start3A_834 = tpu.memref_squeeze %dma_start3A_833 : memref<1x128xi32, #tpu.memory_space<vmem>> -> memref<128xi32, #tpu.memory_space<vmem>>
      %dma_start3A_835 = arith.constant 0 : i32
      %dma_start3A_836 = arith.constant 0 : i32
      %dma_start3A_837 = tpu.memref_slice %arg10[%dma_start3A_835, %dma_start3A_836] : memref<10752x128xf32, #tpu.memory_space<vmem_shared>> -> memref<10752x128xf32, #tpu.memory_space<vmem_shared>>
      tpu.enqueue_indirect_dma source(%dma_start3A_831 : memref<128x128xf32, #tpu.memory_space<vmem>>) target(%dma_start3A_837 : memref<10752x128xf32, #tpu.memory_space<vmem_shared>>) offsets(%dma_start3A_834 : memref<128xi32, #tpu.memory_space<vmem>>) semaphore(%arg13 : memref<!tpu.dma_semaphore, #tpu.memory_space<semaphore_mem>>) {add = true}
      %add3A_838 = arith.constant 2 : i32
      %add3A_839 = arith.addi %add3A_788, %add3A_838 : i32
      %dma_wait3A_840 = arith.constant 0 : i32
      %dma_wait3A_841 = arith.constant 0 : i32
      %dma_wait3A_842 = arith.constant 0 : i32
      %dma_wait3A_843 = tpu.memref_slice %arg7[%dma_wait3A_841, %dma_wait3A_842] : memref<4x128xi32, #tpu.memory_space<vmem>> -> memref<1x128xi32, #tpu.memory_space<vmem>>
      %dma_wait3A_844 = arith.constant 0 : i32
      %dma_wait3A_845 = arith.constant 0 : i32
      %dma_wait3A_846 = tpu.memref_slice %arg5[%dma_wait3A_840, %dma_wait3A_844, %dma_wait3A_845] : memref<32x4x128xi32, #tpu.memory_space<hbm>> -> memref<1x4x128xi32, #tpu.memory_space<hbm>>
      %dma_wait3A_847 = tpu.memref_squeeze %dma_wait3A_846 : memref<1x4x128xi32, #tpu.memory_space<hbm>> -> memref<4x128xi32, #tpu.memory_space<hbm>>
      %dma_wait3A_848 = arith.constant 0 : i32
      %dma_wait3A_849 = arith.constant 0 : i32
      %dma_wait3A_850 = tpu.memref_slice %dma_wait3A_847[%dma_wait3A_848, %dma_wait3A_849] : memref<4x128xi32, #tpu.memory_space<hbm>> -> memref<1x128xi32, #tpu.memory_space<hbm>>
      %dma_wait3A_851 = arith.constant 0 : i32
      %dma_wait3A_852 = arith.constant 0 : i32
      %dma_wait3A_853 = tpu.memref_slice %arg7[%dma_wait3A_851, %dma_wait3A_852] : memref<4x128xi32, #tpu.memory_space<vmem>> -> memref<1x128xi32, #tpu.memory_space<vmem>>
      %dma_wait3A_854 = arith.constant 0 : i32
      %dma_wait3A_855 = arith.constant 0 : i32
      %dma_wait3A_856 = tpu.memref_slice %arg5[%dma_wait3A_840, %dma_wait3A_854, %dma_wait3A_855] : memref<32x4x128xi32, #tpu.memory_space<hbm>> -> memref<1x4x128xi32, #tpu.memory_space<hbm>>
      %dma_wait3A_857 = tpu.memref_squeeze %dma_wait3A_856 : memref<1x4x128xi32, #tpu.memory_space<hbm>> -> memref<4x128xi32, #tpu.memory_space<hbm>>
      %dma_wait3A_858 = arith.constant 0 : i32
      %dma_wait3A_859 = arith.constant 0 : i32
      %dma_wait3A_860 = tpu.memref_slice %dma_wait3A_857[%dma_wait3A_858, %dma_wait3A_859] : memref<4x128xi32, #tpu.memory_space<hbm>> -> memref<1x128xi32, #tpu.memory_space<hbm>>
      tpu.wait_dma2 semaphore(%arg15 : memref<!tpu.dma_semaphore, #tpu.memory_space<semaphore_mem>>) src(%dma_wait3A_860 : memref<1x128xi32, #tpu.memory_space<hbm>>) dst(%dma_wait3A_853 : memref<1x128xi32, #tpu.memory_space<vmem>>)
      %dma_wait3A_861 = arith.constant 0 : i32
      %dma_wait3A_862 = arith.constant 0 : i32
      %dma_wait3A_863 = arith.constant 0 : i32
      %dma_wait3A_864 = tpu.memref_slice %arg9[%dma_wait3A_861, %dma_wait3A_862, %dma_wait3A_863] : memref<2x128x128xf32, #tpu.memory_space<vmem>> -> memref<1x128x128xf32, #tpu.memory_space<vmem>>
      %dma_wait3A_865 = tpu.memref_squeeze %dma_wait3A_864 : memref<1x128x128xf32, #tpu.memory_space<vmem>> -> memref<128x128xf32, #tpu.memory_space<vmem>>
      %dma_wait3A_866 = arith.constant 0 : i32
      %dma_wait3A_867 = tpu.memref_slice %arg8[%add3A_788, %dma_wait3A_866] : memref<80x128xi32, #tpu.memory_space<vmem>> -> memref<1x128xi32, #tpu.memory_space<vmem>>
      %dma_wait3A_868 = tpu.memref_squeeze %dma_wait3A_867 : memref<1x128xi32, #tpu.memory_space<vmem>> -> memref<128xi32, #tpu.memory_space<vmem>>
      %dma_wait3A_869 = arith.constant 0 : i32
      %dma_wait3A_870 = arith.constant 0 : i32
      %dma_wait3A_871 = tpu.memref_slice %arg10[%dma_wait3A_869, %dma_wait3A_870] : memref<10752x128xf32, #tpu.memory_space<vmem_shared>> -> memref<10752x128xf32, #tpu.memory_space<vmem_shared>>
      tpu.wait_indirect_dma semaphore(%arg13 : memref<!tpu.dma_semaphore, #tpu.memory_space<semaphore_mem>>) src(%dma_wait3A_865 : memref<128x128xf32, #tpu.memory_space<vmem>>) dst(%dma_wait3A_871 : memref<10752x128xf32, #tpu.memory_space<vmem_shared>>)
      %add3A_872 = arith.constant 2 : i32
      %add3A_873 = arith.addi %add3A_788, %add3A_872 : i32
      %dma_start3A_874 = arith.constant 0 : i32
      %dma_start3A_875 = arith.constant 0 : i32
      %dma_start3A_876 = arith.constant 0 : i32
      %dma_start3A_877 = arith.constant 0 : i32
      %dma_start3A_878 = tpu.memref_slice %arg9[%dma_start3A_875, %dma_start3A_876, %dma_start3A_877] : memref<2x128x128xf32, #tpu.memory_space<vmem>> -> memref<1x128x128xf32, #tpu.memory_space<vmem>>
      %dma_start3A_879 = tpu.memref_squeeze %dma_start3A_878 : memref<1x128x128xf32, #tpu.memory_space<vmem>> -> memref<128x128xf32, #tpu.memory_space<vmem>>
      %dma_start3A_880 = arith.constant 0 : i32
      %dma_start3A_881 = tpu.memref_slice %arg7[%dma_start3A_874, %dma_start3A_880] : memref<4x128xi32, #tpu.memory_space<vmem>> -> memref<1x128xi32, #tpu.memory_space<vmem>>
      %dma_start3A_882 = tpu.memref_squeeze %dma_start3A_881 : memref<1x128xi32, #tpu.memory_space<vmem>> -> memref<128xi32, #tpu.memory_space<vmem>>
      %dma_start3A_883 = arith.constant 0 : i32
      %dma_start3A_884 = arith.constant 0 : i32
      %dma_start3A_885 = tpu.memref_slice %arg2[%dma_start3A_883, %dma_start3A_884] : memref<10752x128xf32, #tpu.memory_space<hbm>> -> memref<10752x128xf32, #tpu.memory_space<hbm>>
      tpu.enqueue_indirect_dma source(%dma_start3A_885 : memref<10752x128xf32, #tpu.memory_space<hbm>>) target(%dma_start3A_879 : memref<128x128xf32, #tpu.memory_space<vmem>>) offsets(%dma_start3A_882 : memref<128xi32, #tpu.memory_space<vmem>>) semaphore(%arg11 : memref<!tpu.dma_semaphore, #tpu.memory_space<semaphore_mem>>)
      %add3A_886 = arith.constant 1 : i32
      %add3A_887 = arith.addi %add3A_786, %add3A_886 : i32
      %dma_wait3A_888 = arith.constant 3 : i32
      %dma_wait3A_889 = arith.constant 1 : i32
      %dma_wait3A_890 = arith.constant 0 : i32
      %dma_wait3A_891 = arith.constant 0 : i32
      %dma_wait3A_892 = tpu.memref_slice %arg9[%dma_wait3A_889, %dma_wait3A_890, %dma_wait3A_891] : memref<2x128x128xf32, #tpu.memory_space<vmem>> -> memref<1x128x128xf32, #tpu.memory_space<vmem>>
      %dma_wait3A_893 = tpu.memref_squeeze %dma_wait3A_892 : memref<1x128x128xf32, #tpu.memory_space<vmem>> -> memref<128x128xf32, #tpu.memory_space<vmem>>
      %dma_wait3A_894 = arith.constant 0 : i32
      %dma_wait3A_895 = tpu.memref_slice %arg7[%dma_wait3A_888, %dma_wait3A_894] : memref<4x128xi32, #tpu.memory_space<vmem>> -> memref<1x128xi32, #tpu.memory_space<vmem>>
      %dma_wait3A_896 = tpu.memref_squeeze %dma_wait3A_895 : memref<1x128xi32, #tpu.memory_space<vmem>> -> memref<128xi32, #tpu.memory_space<vmem>>
      %dma_wait3A_897 = arith.constant 0 : i32
      %dma_wait3A_898 = arith.constant 0 : i32
      %dma_wait3A_899 = tpu.memref_slice %arg2[%dma_wait3A_897, %dma_wait3A_898] : memref<10752x128xf32, #tpu.memory_space<hbm>> -> memref<10752x128xf32, #tpu.memory_space<hbm>>
      tpu.wait_indirect_dma semaphore(%arg12 : memref<!tpu.dma_semaphore, #tpu.memory_space<semaphore_mem>>) src(%dma_wait3A_899 : memref<10752x128xf32, #tpu.memory_space<hbm>>) dst(%dma_wait3A_893 : memref<128x128xf32, #tpu.memory_space<vmem>>)
      %add3A_900 = arith.constant 4 : i32
      %add3A_901 = arith.addi %add3A_887, %add3A_900 : i32
      %lt3A_902 = arith.constant 78 : i32
      %lt3A_903 = arith.cmpi slt, %add3A_901, %lt3A_902 : i32
      %convert_element_type3A_904 = arith.extui %lt3A_903 : i1 to i32
      %cond3A_905 = arith.constant 0 : i32
      %cond3A_906 = arith.cmpi ne, %convert_element_type3A_904, %cond3A_905 : i32
      scf.if %cond3A_906 {
        %mul3A_1183 = arith.constant 78 : i32
        %mul3A_1184 = arith.muli %add3A, %mul3A_1183 : i32
        %add3A_1185 = arith.addi %mul3A_1184, %add3A_901 : i32
        %dma_start3A_1186 = arith.constant 3 : i32
        %dma_start3A_1187 = arith.constant 0 : i32
        %dma_start3A_1188 = tpu.memref_slice %arg7[%dma_start3A_1186, %dma_start3A_1187] : memref<4x128xi32, #tpu.memory_space<vmem>> -> memref<1x128xi32, #tpu.memory_space<vmem>>
        %dma_start3A_1189 = arith.constant 0 : i32
        %dma_start3A_1190 = tpu.memref_slice %arg3[%add3A_1185, %dma_start3A_1189] : memref<2500x128xi32, #tpu.memory_space<hbm>> -> memref<1x128xi32, #tpu.memory_space<hbm>>
        %dma_start3A_1191 = arith.constant 3 : i32
        %dma_start3A_1192 = arith.constant 0 : i32
        %dma_start3A_1193 = tpu.memref_slice %arg7[%dma_start3A_1191, %dma_start3A_1192] : memref<4x128xi32, #tpu.memory_space<vmem>> -> memref<1x128xi32, #tpu.memory_space<vmem>>
        %dma_start3A_1194 = arith.constant 0 : i32
        %dma_start3A_1195 = tpu.memref_slice %arg3[%add3A_1185, %dma_start3A_1194] : memref<2500x128xi32, #tpu.memory_space<hbm>> -> memref<1x128xi32, #tpu.memory_space<hbm>>
        tpu.enqueue_dma source(%dma_start3A_1195 : memref<1x128xi32, #tpu.memory_space<hbm>>) target(%dma_start3A_1193 : memref<1x128xi32, #tpu.memory_space<vmem>>) target_semaphore(%arg18 : memref<!tpu.dma_semaphore, #tpu.memory_space<semaphore_mem>>)
      } else {
      }
      %eq3A_907 = arith.constant 78 : i32
      %eq3A_908 = arith.cmpi eq, %add3A_901, %eq3A_907 : i32
      %lt3A_909 = arith.constant 4 : i32
      %lt3A_910 = arith.cmpi slt, %add3A, %lt3A_909 : i32
      %and3A_911 = arith.andi %eq3A_908, %lt3A_910 : i1
      %convert_element_type3A_912 = arith.extui %and3A_911 : i1 to i32
      %cond3A_913 = arith.constant 0 : i32
      %cond3A_914 = arith.cmpi ne, %convert_element_type3A_912, %cond3A_913 : i32
      scf.if %cond3A_914 {
        %add3A_1183 = arith.constant 2496 : i32
        %add3A_1184 = arith.addi %add3A_1183, %add3A : i32
        %dma_start3A_1185 = arith.constant 3 : i32
        %dma_start3A_1186 = arith.constant 0 : i32
        %dma_start3A_1187 = tpu.memref_slice %arg7[%dma_start3A_1185, %dma_start3A_1186] : memref<4x128xi32, #tpu.memory_space<vmem>> -> memref<1x128xi32, #tpu.memory_space<vmem>>
        %dma_start3A_1188 = arith.constant 0 : i32
        %dma_start3A_1189 = tpu.memref_slice %arg3[%add3A_1184, %dma_start3A_1188] : memref<2500x128xi32, #tpu.memory_space<hbm>> -> memref<1x128xi32, #tpu.memory_space<hbm>>
        %dma_start3A_1190 = arith.constant 3 : i32
        %dma_start3A_1191 = arith.constant 0 : i32
        %dma_start3A_1192 = tpu.memref_slice %arg7[%dma_start3A_1190, %dma_start3A_1191] : memref<4x128xi32, #tpu.memory_space<vmem>> -> memref<1x128xi32, #tpu.memory_space<vmem>>
        %dma_start3A_1193 = arith.constant 0 : i32
        %dma_start3A_1194 = tpu.memref_slice %arg3[%add3A_1184, %dma_start3A_1193] : memref<2500x128xi32, #tpu.memory_space<hbm>> -> memref<1x128xi32, #tpu.memory_space<hbm>>
        tpu.enqueue_dma source(%dma_start3A_1194 : memref<1x128xi32, #tpu.memory_space<hbm>>) target(%dma_start3A_1192 : memref<1x128xi32, #tpu.memory_space<vmem>>) target_semaphore(%arg18 : memref<!tpu.dma_semaphore, #tpu.memory_space<semaphore_mem>>)
      } else {
      }
      %ge3A_915 = arith.constant 78 : i32
      %ge3A_916 = arith.cmpi sge, %add3A_901, %ge3A_915 : i32
      %gt3A_917 = arith.constant 78 : i32
      %gt3A_918 = arith.cmpi sgt, %add3A_901, %gt3A_917 : i32
      %ge3A_919 = arith.constant 4 : i32
      %ge3A_920 = arith.cmpi sge, %add3A, %ge3A_919 : i32
      %or3A_921 = arith.ori %gt3A_918, %ge3A_920 : i1
      %and3A_922 = arith.andi %ge3A_916, %or3A_921 : i1
      %convert_element_type3A_923 = arith.extui %and3A_922 : i1 to i32
      %cond3A_924 = arith.constant 0 : i32
      %cond3A_925 = arith.cmpi ne, %convert_element_type3A_923, %cond3A_924 : i32
      scf.if %cond3A_925 {
        %sub3A = arith.constant 78 : i32
        %sub3A_1183 = arith.subi %add3A_901, %sub3A : i32
        %dma_start3A_1184 = arith.constant 3 : i32
        %dma_start3A_1185 = arith.constant 0 : i32
        %dma_start3A_1186 = tpu.memref_slice %arg7[%dma_start3A_1184, %dma_start3A_1185] : memref<4x128xi32, #tpu.memory_space<vmem>> -> memref<1x128xi32, #tpu.memory_space<vmem>>
        %dma_start3A_1187 = arith.constant 0 : i32
        %dma_start3A_1188 = arith.constant 0 : i32
        %dma_start3A_1189 = tpu.memref_slice %arg5[%add3A, %dma_start3A_1187, %dma_start3A_1188] : memref<32x4x128xi32, #tpu.memory_space<hbm>> -> memref<1x4x128xi32, #tpu.memory_space<hbm>>
        %dma_start3A_1190 = tpu.memref_squeeze %dma_start3A_1189 : memref<1x4x128xi32, #tpu.memory_space<hbm>> -> memref<4x128xi32, #tpu.memory_space<hbm>>
        %dma_start3A_1191 = arith.constant 0 : i32
        %dma_start3A_1192 = tpu.memref_slice %dma_start3A_1190[%sub3A_1183, %dma_start3A_1191] : memref<4x128xi32, #tpu.memory_space<hbm>> -> memref<1x128xi32, #tpu.memory_space<hbm>>
        %dma_start3A_1193 = arith.constant 3 : i32
        %dma_start3A_1194 = arith.constant 0 : i32
        %dma_start3A_1195 = tpu.memref_slice %arg7[%dma_start3A_1193, %dma_start3A_1194] : memref<4x128xi32, #tpu.memory_space<vmem>> -> memref<1x128xi32, #tpu.memory_space<vmem>>
        %dma_start3A_1196 = arith.constant 0 : i32
        %dma_start3A_1197 = arith.constant 0 : i32
        %dma_start3A_1198 = tpu.memref_slice %arg5[%add3A, %dma_start3A_1196, %dma_start3A_1197] : memref<32x4x128xi32, #tpu.memory_space<hbm>> -> memref<1x4x128xi32, #tpu.memory_space<hbm>>
        %dma_start3A_1199 = tpu.memref_squeeze %dma_start3A_1198 : memref<1x4x128xi32, #tpu.memory_space<hbm>> -> memref<4x128xi32, #tpu.memory_space<hbm>>
        %dma_start3A_1200 = arith.constant 0 : i32
        %dma_start3A_1201 = tpu.memref_slice %dma_start3A_1199[%sub3A_1183, %dma_start3A_1200] : memref<4x128xi32, #tpu.memory_space<hbm>> -> memref<1x128xi32, #tpu.memory_space<hbm>>
        tpu.enqueue_dma source(%dma_start3A_1201 : memref<1x128xi32, #tpu.memory_space<hbm>>) target(%dma_start3A_1195 : memref<1x128xi32, #tpu.memory_space<vmem>>) target_semaphore(%arg18 : memref<!tpu.dma_semaphore, #tpu.memory_space<semaphore_mem>>)
      } else {
      }
      %dma_start3A_926 = arith.constant 1 : i32
      %dma_start3A_927 = arith.constant 0 : i32
      %dma_start3A_928 = arith.constant 0 : i32
      %dma_start3A_929 = tpu.memref_slice %arg9[%dma_start3A_926, %dma_start3A_927, %dma_start3A_928] : memref<2x128x128xf32, #tpu.memory_space<vmem>> -> memref<1x128x128xf32, #tpu.memory_space<vmem>>
      %dma_start3A_930 = tpu.memref_squeeze %dma_start3A_929 : memref<1x128x128xf32, #tpu.memory_space<vmem>> -> memref<128x128xf32, #tpu.memory_space<vmem>>
      %dma_start3A_931 = arith.constant 0 : i32
      %dma_start3A_932 = tpu.memref_slice %arg8[%add3A_887, %dma_start3A_931] : memref<80x128xi32, #tpu.memory_space<vmem>> -> memref<1x128xi32, #tpu.memory_space<vmem>>
      %dma_start3A_933 = tpu.memref_squeeze %dma_start3A_932 : memref<1x128xi32, #tpu.memory_space<vmem>> -> memref<128xi32, #tpu.memory_space<vmem>>
      %dma_start3A_934 = arith.constant 0 : i32
      %dma_start3A_935 = arith.constant 0 : i32
      %dma_start3A_936 = tpu.memref_slice %arg10[%dma_start3A_934, %dma_start3A_935] : memref<10752x128xf32, #tpu.memory_space<vmem_shared>> -> memref<10752x128xf32, #tpu.memory_space<vmem_shared>>
      tpu.enqueue_indirect_dma source(%dma_start3A_930 : memref<128x128xf32, #tpu.memory_space<vmem>>) target(%dma_start3A_936 : memref<10752x128xf32, #tpu.memory_space<vmem_shared>>) offsets(%dma_start3A_933 : memref<128xi32, #tpu.memory_space<vmem>>) semaphore(%arg14 : memref<!tpu.dma_semaphore, #tpu.memory_space<semaphore_mem>>) {add = true}
      %add3A_937 = arith.constant 2 : i32
      %add3A_938 = arith.addi %add3A_887, %add3A_937 : i32
      %dma_wait3A_939 = arith.constant 0 : i32
      %dma_wait3A_940 = arith.constant 1 : i32
      %dma_wait3A_941 = arith.constant 0 : i32
      %dma_wait3A_942 = tpu.memref_slice %arg7[%dma_wait3A_940, %dma_wait3A_941] : memref<4x128xi32, #tpu.memory_space<vmem>> -> memref<1x128xi32, #tpu.memory_space<vmem>>
      %dma_wait3A_943 = arith.constant 0 : i32
      %dma_wait3A_944 = arith.constant 0 : i32
      %dma_wait3A_945 = tpu.memref_slice %arg5[%dma_wait3A_939, %dma_wait3A_943, %dma_wait3A_944] : memref<32x4x128xi32, #tpu.memory_space<hbm>> -> memref<1x4x128xi32, #tpu.memory_space<hbm>>
      %dma_wait3A_946 = tpu.memref_squeeze %dma_wait3A_945 : memref<1x4x128xi32, #tpu.memory_space<hbm>> -> memref<4x128xi32, #tpu.memory_space<hbm>>
      %dma_wait3A_947 = arith.constant 0 : i32
      %dma_wait3A_948 = arith.constant 0 : i32
      %dma_wait3A_949 = tpu.memref_slice %dma_wait3A_946[%dma_wait3A_947, %dma_wait3A_948] : memref<4x128xi32, #tpu.memory_space<hbm>> -> memref<1x128xi32, #tpu.memory_space<hbm>>
      %dma_wait3A_950 = arith.constant 1 : i32
      %dma_wait3A_951 = arith.constant 0 : i32
      %dma_wait3A_952 = tpu.memref_slice %arg7[%dma_wait3A_950, %dma_wait3A_951] : memref<4x128xi32, #tpu.memory_space<vmem>> -> memref<1x128xi32, #tpu.memory_space<vmem>>
      %dma_wait3A_953 = arith.constant 0 : i32
      %dma_wait3A_954 = arith.constant 0 : i32
      %dma_wait3A_955 = tpu.memref_slice %arg5[%dma_wait3A_939, %dma_wait3A_953, %dma_wait3A_954] : memref<32x4x128xi32, #tpu.memory_space<hbm>> -> memref<1x4x128xi32, #tpu.memory_space<hbm>>
      %dma_wait3A_956 = tpu.memref_squeeze %dma_wait3A_955 : memref<1x4x128xi32, #tpu.memory_space<hbm>> -> memref<4x128xi32, #tpu.memory_space<hbm>>
      %dma_wait3A_957 = arith.constant 0 : i32
      %dma_wait3A_958 = arith.constant 0 : i32
      %dma_wait3A_959 = tpu.memref_slice %dma_wait3A_956[%dma_wait3A_957, %dma_wait3A_958] : memref<4x128xi32, #tpu.memory_space<hbm>> -> memref<1x128xi32, #tpu.memory_space<hbm>>
      tpu.wait_dma2 semaphore(%arg16 : memref<!tpu.dma_semaphore, #tpu.memory_space<semaphore_mem>>) src(%dma_wait3A_959 : memref<1x128xi32, #tpu.memory_space<hbm>>) dst(%dma_wait3A_952 : memref<1x128xi32, #tpu.memory_space<vmem>>)
      %dma_wait3A_960 = arith.constant 1 : i32
      %dma_wait3A_961 = arith.constant 0 : i32
      %dma_wait3A_962 = arith.constant 0 : i32
      %dma_wait3A_963 = tpu.memref_slice %arg9[%dma_wait3A_960, %dma_wait3A_961, %dma_wait3A_962] : memref<2x128x128xf32, #tpu.memory_space<vmem>> -> memref<1x128x128xf32, #tpu.memory_space<vmem>>
      %dma_wait3A_964 = tpu.memref_squeeze %dma_wait3A_963 : memref<1x128x128xf32, #tpu.memory_space<vmem>> -> memref<128x128xf32, #tpu.memory_space<vmem>>
      %dma_wait3A_965 = arith.constant 0 : i32
      %dma_wait3A_966 = tpu.memref_slice %arg8[%add3A_887, %dma_wait3A_965] : memref<80x128xi32, #tpu.memory_space<vmem>> -> memref<1x128xi32, #tpu.memory_space<vmem>>
      %dma_wait3A_967 = tpu.memref_squeeze %dma_wait3A_966 : memref<1x128xi32, #tpu.memory_space<vmem>> -> memref<128xi32, #tpu.memory_space<vmem>>
      %dma_wait3A_968 = arith.constant 0 : i32
      %dma_wait3A_969 = arith.constant 0 : i32
      %dma_wait3A_970 = tpu.memref_slice %arg10[%dma_wait3A_968, %dma_wait3A_969] : memref<10752x128xf32, #tpu.memory_space<vmem_shared>> -> memref<10752x128xf32, #tpu.memory_space<vmem_shared>>
      tpu.wait_indirect_dma semaphore(%arg14 : memref<!tpu.dma_semaphore, #tpu.memory_space<semaphore_mem>>) src(%dma_wait3A_964 : memref<128x128xf32, #tpu.memory_space<vmem>>) dst(%dma_wait3A_970 : memref<10752x128xf32, #tpu.memory_space<vmem_shared>>)
      %add3A_971 = arith.constant 2 : i32
      %add3A_972 = arith.addi %add3A_887, %add3A_971 : i32
      %dma_start3A_973 = arith.constant 1 : i32
      %dma_start3A_974 = arith.constant 1 : i32
      %dma_start3A_975 = arith.constant 0 : i32
      %dma_start3A_976 = arith.constant 0 : i32
      %dma_start3A_977 = tpu.memref_slice %arg9[%dma_start3A_974, %dma_start3A_975, %dma_start3A_976] : memref<2x128x128xf32, #tpu.memory_space<vmem>> -> memref<1x128x128xf32, #tpu.memory_space<vmem>>
      %dma_start3A_978 = tpu.memref_squeeze %dma_start3A_977 : memref<1x128x128xf32, #tpu.memory_space<vmem>> -> memref<128x128xf32, #tpu.memory_space<vmem>>
      %dma_start3A_979 = arith.constant 0 : i32
      %dma_start3A_980 = tpu.memref_slice %arg7[%dma_start3A_973, %dma_start3A_979] : memref<4x128xi32, #tpu.memory_space<vmem>> -> memref<1x128xi32, #tpu.memory_space<vmem>>
      %dma_start3A_981 = tpu.memref_squeeze %dma_start3A_980 : memref<1x128xi32, #tpu.memory_space<vmem>> -> memref<128xi32, #tpu.memory_space<vmem>>
      %dma_start3A_982 = arith.constant 0 : i32
      %dma_start3A_983 = arith.constant 0 : i32
      %dma_start3A_984 = tpu.memref_slice %arg2[%dma_start3A_982, %dma_start3A_983] : memref<10752x128xf32, #tpu.memory_space<hbm>> -> memref<10752x128xf32, #tpu.memory_space<hbm>>
      tpu.enqueue_indirect_dma source(%dma_start3A_984 : memref<10752x128xf32, #tpu.memory_space<hbm>>) target(%dma_start3A_978 : memref<128x128xf32, #tpu.memory_space<vmem>>) offsets(%dma_start3A_981 : memref<128xi32, #tpu.memory_space<vmem>>) semaphore(%arg12 : memref<!tpu.dma_semaphore, #tpu.memory_space<semaphore_mem>>)
      %add3A_985 = arith.constant 2 : i32
      %add3A_986 = arith.addi %add3A_786, %add3A_985 : i32
      %dma_wait3A_987 = arith.constant 0 : i32
      %dma_wait3A_988 = arith.constant 0 : i32
      %dma_wait3A_989 = arith.constant 0 : i32
      %dma_wait3A_990 = arith.constant 0 : i32
      %dma_wait3A_991 = tpu.memref_slice %arg9[%dma_wait3A_988, %dma_wait3A_989, %dma_wait3A_990] : memref<2x128x128xf32, #tpu.memory_space<vmem>> -> memref<1x128x128xf32, #tpu.memory_space<vmem>>
      %dma_wait3A_992 = tpu.memref_squeeze %dma_wait3A_991 : memref<1x128x128xf32, #tpu.memory_space<vmem>> -> memref<128x128xf32, #tpu.memory_space<vmem>>
      %dma_wait3A_993 = arith.constant 0 : i32
      %dma_wait3A_994 = tpu.memref_slice %arg7[%dma_wait3A_987, %dma_wait3A_993] : memref<4x128xi32, #tpu.memory_space<vmem>> -> memref<1x128xi32, #tpu.memory_space<vmem>>
      %dma_wait3A_995 = tpu.memref_squeeze %dma_wait3A_994 : memref<1x128xi32, #tpu.memory_space<vmem>> -> memref<128xi32, #tpu.memory_space<vmem>>
      %dma_wait3A_996 = arith.constant 0 : i32
      %dma_wait3A_997 = arith.constant 0 : i32
      %dma_wait3A_998 = tpu.memref_slice %arg2[%dma_wait3A_996, %dma_wait3A_997] : memref<10752x128xf32, #tpu.memory_space<hbm>> -> memref<10752x128xf32, #tpu.memory_space<hbm>>
      tpu.wait_indirect_dma semaphore(%arg11 : memref<!tpu.dma_semaphore, #tpu.memory_space<semaphore_mem>>) src(%dma_wait3A_998 : memref<10752x128xf32, #tpu.memory_space<hbm>>) dst(%dma_wait3A_992 : memref<128x128xf32, #tpu.memory_space<vmem>>)
      %add3A_999 = arith.constant 4 : i32
      %add3A_1000 = arith.addi %add3A_986, %add3A_999 : i32
      %lt3A_1001 = arith.constant 78 : i32
      %lt3A_1002 = arith.cmpi slt, %add3A_1000, %lt3A_1001 : i32
      %convert_element_type3A_1003 = arith.extui %lt3A_1002 : i1 to i32
      %cond3A_1004 = arith.constant 0 : i32
      %cond3A_1005 = arith.cmpi ne, %convert_element_type3A_1003, %cond3A_1004 : i32
      scf.if %cond3A_1005 {
        %mul3A_1183 = arith.constant 78 : i32
        %mul3A_1184 = arith.muli %add3A, %mul3A_1183 : i32
        %add3A_1185 = arith.addi %mul3A_1184, %add3A_1000 : i32
        %dma_start3A_1186 = arith.constant 0 : i32
        %dma_start3A_1187 = arith.constant 0 : i32
        %dma_start3A_1188 = tpu.memref_slice %arg7[%dma_start3A_1186, %dma_start3A_1187] : memref<4x128xi32, #tpu.memory_space<vmem>> -> memref<1x128xi32, #tpu.memory_space<vmem>>
        %dma_start3A_1189 = arith.constant 0 : i32
        %dma_start3A_1190 = tpu.memref_slice %arg3[%add3A_1185, %dma_start3A_1189] : memref<2500x128xi32, #tpu.memory_space<hbm>> -> memref<1x128xi32, #tpu.memory_space<hbm>>
        %dma_start3A_1191 = arith.constant 0 : i32
        %dma_start3A_1192 = arith.constant 0 : i32
        %dma_start3A_1193 = tpu.memref_slice %arg7[%dma_start3A_1191, %dma_start3A_1192] : memref<4x128xi32, #tpu.memory_space<vmem>> -> memref<1x128xi32, #tpu.memory_space<vmem>>
        %dma_start3A_1194 = arith.constant 0 : i32
        %dma_start3A_1195 = tpu.memref_slice %arg3[%add3A_1185, %dma_start3A_1194] : memref<2500x128xi32, #tpu.memory_space<hbm>> -> memref<1x128xi32, #tpu.memory_space<hbm>>
        tpu.enqueue_dma source(%dma_start3A_1195 : memref<1x128xi32, #tpu.memory_space<hbm>>) target(%dma_start3A_1193 : memref<1x128xi32, #tpu.memory_space<vmem>>) target_semaphore(%arg15 : memref<!tpu.dma_semaphore, #tpu.memory_space<semaphore_mem>>)
      } else {
      }
      %eq3A_1006 = arith.constant 78 : i32
      %eq3A_1007 = arith.cmpi eq, %add3A_1000, %eq3A_1006 : i32
      %lt3A_1008 = arith.constant 4 : i32
      %lt3A_1009 = arith.cmpi slt, %add3A, %lt3A_1008 : i32
      %and3A_1010 = arith.andi %eq3A_1007, %lt3A_1009 : i1
      %convert_element_type3A_1011 = arith.extui %and3A_1010 : i1 to i32
      %cond3A_1012 = arith.constant 0 : i32
      %cond3A_1013 = arith.cmpi ne, %convert_element_type3A_1011, %cond3A_1012 : i32
      scf.if %cond3A_1013 {
        %add3A_1183 = arith.constant 2496 : i32
        %add3A_1184 = arith.addi %add3A_1183, %add3A : i32
        %dma_start3A_1185 = arith.constant 0 : i32
        %dma_start3A_1186 = arith.constant 0 : i32
        %dma_start3A_1187 = tpu.memref_slice %arg7[%dma_start3A_1185, %dma_start3A_1186] : memref<4x128xi32, #tpu.memory_space<vmem>> -> memref<1x128xi32, #tpu.memory_space<vmem>>
        %dma_start3A_1188 = arith.constant 0 : i32
        %dma_start3A_1189 = tpu.memref_slice %arg3[%add3A_1184, %dma_start3A_1188] : memref<2500x128xi32, #tpu.memory_space<hbm>> -> memref<1x128xi32, #tpu.memory_space<hbm>>
        %dma_start3A_1190 = arith.constant 0 : i32
        %dma_start3A_1191 = arith.constant 0 : i32
        %dma_start3A_1192 = tpu.memref_slice %arg7[%dma_start3A_1190, %dma_start3A_1191] : memref<4x128xi32, #tpu.memory_space<vmem>> -> memref<1x128xi32, #tpu.memory_space<vmem>>
        %dma_start3A_1193 = arith.constant 0 : i32
        %dma_start3A_1194 = tpu.memref_slice %arg3[%add3A_1184, %dma_start3A_1193] : memref<2500x128xi32, #tpu.memory_space<hbm>> -> memref<1x128xi32, #tpu.memory_space<hbm>>
        tpu.enqueue_dma source(%dma_start3A_1194 : memref<1x128xi32, #tpu.memory_space<hbm>>) target(%dma_start3A_1192 : memref<1x128xi32, #tpu.memory_space<vmem>>) target_semaphore(%arg15 : memref<!tpu.dma_semaphore, #tpu.memory_space<semaphore_mem>>)
      } else {
      }
      %ge3A_1014 = arith.constant 78 : i32
      %ge3A_1015 = arith.cmpi sge, %add3A_1000, %ge3A_1014 : i32
      %gt3A_1016 = arith.constant 78 : i32
      %gt3A_1017 = arith.cmpi sgt, %add3A_1000, %gt3A_1016 : i32
      %ge3A_1018 = arith.constant 4 : i32
      %ge3A_1019 = arith.cmpi sge, %add3A, %ge3A_1018 : i32
      %or3A_1020 = arith.ori %gt3A_1017, %ge3A_1019 : i1
      %and3A_1021 = arith.andi %ge3A_1015, %or3A_1020 : i1
      %convert_element_type3A_1022 = arith.extui %and3A_1021 : i1 to i32
      %cond3A_1023 = arith.constant 0 : i32
      %cond3A_1024 = arith.cmpi ne, %convert_element_type3A_1022, %cond3A_1023 : i32
      scf.if %cond3A_1024 {
        %sub3A = arith.constant 78 : i32
        %sub3A_1183 = arith.subi %add3A_1000, %sub3A : i32
        %dma_start3A_1184 = arith.constant 0 : i32
        %dma_start3A_1185 = arith.constant 0 : i32
        %dma_start3A_1186 = tpu.memref_slice %arg7[%dma_start3A_1184, %dma_start3A_1185] : memref<4x128xi32, #tpu.memory_space<vmem>> -> memref<1x128xi32, #tpu.memory_space<vmem>>
        %dma_start3A_1187 = arith.constant 0 : i32
        %dma_start3A_1188 = arith.constant 0 : i32
        %dma_start3A_1189 = tpu.memref_slice %arg5[%add3A, %dma_start3A_1187, %dma_start3A_1188] : memref<32x4x128xi32, #tpu.memory_space<hbm>> -> memref<1x4x128xi32, #tpu.memory_space<hbm>>
        %dma_start3A_1190 = tpu.memref_squeeze %dma_start3A_1189 : memref<1x4x128xi32, #tpu.memory_space<hbm>> -> memref<4x128xi32, #tpu.memory_space<hbm>>
        %dma_start3A_1191 = arith.constant 0 : i32
        %dma_start3A_1192 = tpu.memref_slice %dma_start3A_1190[%sub3A_1183, %dma_start3A_1191] : memref<4x128xi32, #tpu.memory_space<hbm>> -> memref<1x128xi32, #tpu.memory_space<hbm>>
        %dma_start3A_1193 = arith.constant 0 : i32
        %dma_start3A_1194 = arith.constant 0 : i32
        %dma_start3A_1195 = tpu.memref_slice %arg7[%dma_start3A_1193, %dma_start3A_1194] : memref<4x128xi32, #tpu.memory_space<vmem>> -> memref<1x128xi32, #tpu.memory_space<vmem>>
        %dma_start3A_1196 = arith.constant 0 : i32
        %dma_start3A_1197 = arith.constant 0 : i32
        %dma_start3A_1198 = tpu.memref_slice %arg5[%add3A, %dma_start3A_1196, %dma_start3A_1197] : memref<32x4x128xi32, #tpu.memory_space<hbm>> -> memref<1x4x128xi32, #tpu.memory_space<hbm>>
        %dma_start3A_1199 = tpu.memref_squeeze %dma_start3A_1198 : memref<1x4x128xi32, #tpu.memory_space<hbm>> -> memref<4x128xi32, #tpu.memory_space<hbm>>
        %dma_start3A_1200 = arith.constant 0 : i32
        %dma_start3A_1201 = tpu.memref_slice %dma_start3A_1199[%sub3A_1183, %dma_start3A_1200] : memref<4x128xi32, #tpu.memory_space<hbm>> -> memref<1x128xi32, #tpu.memory_space<hbm>>
        tpu.enqueue_dma source(%dma_start3A_1201 : memref<1x128xi32, #tpu.memory_space<hbm>>) target(%dma_start3A_1195 : memref<1x128xi32, #tpu.memory_space<vmem>>) target_semaphore(%arg15 : memref<!tpu.dma_semaphore, #tpu.memory_space<semaphore_mem>>)
      } else {
      }
      %dma_start3A_1025 = arith.constant 0 : i32
      %dma_start3A_1026 = arith.constant 0 : i32
      %dma_start3A_1027 = arith.constant 0 : i32
      %dma_start3A_1028 = tpu.memref_slice %arg9[%dma_start3A_1025, %dma_start3A_1026, %dma_start3A_1027] : memref<2x128x128xf32, #tpu.memory_space<vmem>> -> memref<1x128x128xf32, #tpu.memory_space<vmem>>
      %dma_start3A_1029 = tpu.memref_squeeze %dma_start3A_1028 : memref<1x128x128xf32, #tpu.memory_space<vmem>> -> memref<128x128xf32, #tpu.memory_space<vmem>>
      %dma_start3A_1030 = arith.constant 0 : i32
      %dma_start3A_1031 = tpu.memref_slice %arg8[%add3A_986, %dma_start3A_1030] : memref<80x128xi32, #tpu.memory_space<vmem>> -> memref<1x128xi32, #tpu.memory_space<vmem>>
      %dma_start3A_1032 = tpu.memref_squeeze %dma_start3A_1031 : memref<1x128xi32, #tpu.memory_space<vmem>> -> memref<128xi32, #tpu.memory_space<vmem>>
      %dma_start3A_1033 = arith.constant 0 : i32
      %dma_start3A_1034 = arith.constant 0 : i32
      %dma_start3A_1035 = tpu.memref_slice %arg10[%dma_start3A_1033, %dma_start3A_1034] : memref<10752x128xf32, #tpu.memory_space<vmem_shared>> -> memref<10752x128xf32, #tpu.memory_space<vmem_shared>>
      tpu.enqueue_indirect_dma source(%dma_start3A_1029 : memref<128x128xf32, #tpu.memory_space<vmem>>) target(%dma_start3A_1035 : memref<10752x128xf32, #tpu.memory_space<vmem_shared>>) offsets(%dma_start3A_1032 : memref<128xi32, #tpu.memory_space<vmem>>) semaphore(%arg13 : memref<!tpu.dma_semaphore, #tpu.memory_space<semaphore_mem>>) {add = true}
      %add3A_1036 = arith.constant 2 : i32
      %add3A_1037 = arith.addi %add3A_986, %add3A_1036 : i32
      %dma_wait3A_1038 = arith.constant 0 : i32
      %dma_wait3A_1039 = arith.constant 2 : i32
      %dma_wait3A_1040 = arith.constant 0 : i32
      %dma_wait3A_1041 = tpu.memref_slice %arg7[%dma_wait3A_1039, %dma_wait3A_1040] : memref<4x128xi32, #tpu.memory_space<vmem>> -> memref<1x128xi32, #tpu.memory_space<vmem>>
      %dma_wait3A_1042 = arith.constant 0 : i32
      %dma_wait3A_1043 = arith.constant 0 : i32
      %dma_wait3A_1044 = tpu.memref_slice %arg5[%dma_wait3A_1038, %dma_wait3A_1042, %dma_wait3A_1043] : memref<32x4x128xi32, #tpu.memory_space<hbm>> -> memref<1x4x128xi32, #tpu.memory_space<hbm>>
      %dma_wait3A_1045 = tpu.memref_squeeze %dma_wait3A_1044 : memref<1x4x128xi32, #tpu.memory_space<hbm>> -> memref<4x128xi32, #tpu.memory_space<hbm>>
      %dma_wait3A_1046 = arith.constant 0 : i32
      %dma_wait3A_1047 = arith.constant 0 : i32
      %dma_wait3A_1048 = tpu.memref_slice %dma_wait3A_1045[%dma_wait3A_1046, %dma_wait3A_1047] : memref<4x128xi32, #tpu.memory_space<hbm>> -> memref<1x128xi32, #tpu.memory_space<hbm>>
      %dma_wait3A_1049 = arith.constant 2 : i32
      %dma_wait3A_1050 = arith.constant 0 : i32
      %dma_wait3A_1051 = tpu.memref_slice %arg7[%dma_wait3A_1049, %dma_wait3A_1050] : memref<4x128xi32, #tpu.memory_space<vmem>> -> memref<1x128xi32, #tpu.memory_space<vmem>>
      %dma_wait3A_1052 = arith.constant 0 : i32
      %dma_wait3A_1053 = arith.constant 0 : i32
      %dma_wait3A_1054 = tpu.memref_slice %arg5[%dma_wait3A_1038, %dma_wait3A_1052, %dma_wait3A_1053] : memref<32x4x128xi32, #tpu.memory_space<hbm>> -> memref<1x4x128xi32, #tpu.memory_space<hbm>>
      %dma_wait3A_1055 = tpu.memref_squeeze %dma_wait3A_1054 : memref<1x4x128xi32, #tpu.memory_space<hbm>> -> memref<4x128xi32, #tpu.memory_space<hbm>>
      %dma_wait3A_1056 = arith.constant 0 : i32
      %dma_wait3A_1057 = arith.constant 0 : i32
      %dma_wait3A_1058 = tpu.memref_slice %dma_wait3A_1055[%dma_wait3A_1056, %dma_wait3A_1057] : memref<4x128xi32, #tpu.memory_space<hbm>> -> memref<1x128xi32, #tpu.memory_space<hbm>>
      tpu.wait_dma2 semaphore(%arg17 : memref<!tpu.dma_semaphore, #tpu.memory_space<semaphore_mem>>) src(%dma_wait3A_1058 : memref<1x128xi32, #tpu.memory_space<hbm>>) dst(%dma_wait3A_1051 : memref<1x128xi32, #tpu.memory_space<vmem>>)
      %dma_wait3A_1059 = arith.constant 0 : i32
      %dma_wait3A_1060 = arith.constant 0 : i32
      %dma_wait3A_1061 = arith.constant 0 : i32
      %dma_wait3A_1062 = tpu.memref_slice %arg9[%dma_wait3A_1059, %dma_wait3A_1060, %dma_wait3A_1061] : memref<2x128x128xf32, #tpu.memory_space<vmem>> -> memref<1x128x128xf32, #tpu.memory_space<vmem>>
      %dma_wait3A_1063 = tpu.memref_squeeze %dma_wait3A_1062 : memref<1x128x128xf32, #tpu.memory_space<vmem>> -> memref<128x128xf32, #tpu.memory_space<vmem>>
      %dma_wait3A_1064 = arith.constant 0 : i32
      %dma_wait3A_1065 = tpu.memref_slice %arg8[%add3A_986, %dma_wait3A_1064] : memref<80x128xi32, #tpu.memory_space<vmem>> -> memref<1x128xi32, #tpu.memory_space<vmem>>
      %dma_wait3A_1066 = tpu.memref_squeeze %dma_wait3A_1065 : memref<1x128xi32, #tpu.memory_space<vmem>> -> memref<128xi32, #tpu.memory_space<vmem>>
      %dma_wait3A_1067 = arith.constant 0 : i32
      %dma_wait3A_1068 = arith.constant 0 : i32
      %dma_wait3A_1069 = tpu.memref_slice %arg10[%dma_wait3A_1067, %dma_wait3A_1068] : memref<10752x128xf32, #tpu.memory_space<vmem_shared>> -> memref<10752x128xf32, #tpu.memory_space<vmem_shared>>
      tpu.wait_indirect_dma semaphore(%arg13 : memref<!tpu.dma_semaphore, #tpu.memory_space<semaphore_mem>>) src(%dma_wait3A_1063 : memref<128x128xf32, #tpu.memory_space<vmem>>) dst(%dma_wait3A_1069 : memref<10752x128xf32, #tpu.memory_space<vmem_shared>>)
      %add3A_1070 = arith.constant 2 : i32
      %add3A_1071 = arith.addi %add3A_986, %add3A_1070 : i32
      %dma_start3A_1072 = arith.constant 2 : i32
      %dma_start3A_1073 = arith.constant 0 : i32
      %dma_start3A_1074 = arith.constant 0 : i32
      %dma_start3A_1075 = arith.constant 0 : i32
      %dma_start3A_1076 = tpu.memref_slice %arg9[%dma_start3A_1073, %dma_start3A_1074, %dma_start3A_1075] : memref<2x128x128xf32, #tpu.memory_space<vmem>> -> memref<1x128x128xf32, #tpu.memory_space<vmem>>
      %dma_start3A_1077 = tpu.memref_squeeze %dma_start3A_1076 : memref<1x128x128xf32, #tpu.memory_space<vmem>> -> memref<128x128xf32, #tpu.memory_space<vmem>>
      %dma_start3A_1078 = arith.constant 0 : i32
      %dma_start3A_1079 = tpu.memref_slice %arg7[%dma_start3A_1072, %dma_start3A_1078] : memref<4x128xi32, #tpu.memory_space<vmem>> -> memref<1x128xi32, #tpu.memory_space<vmem>>
      %dma_start3A_1080 = tpu.memref_squeeze %dma_start3A_1079 : memref<1x128xi32, #tpu.memory_space<vmem>> -> memref<128xi32, #tpu.memory_space<vmem>>
      %dma_start3A_1081 = arith.constant 0 : i32
      %dma_start3A_1082 = arith.constant 0 : i32
      %dma_start3A_1083 = tpu.memref_slice %arg2[%dma_start3A_1081, %dma_start3A_1082] : memref<10752x128xf32, #tpu.memory_space<hbm>> -> memref<10752x128xf32, #tpu.memory_space<hbm>>
      tpu.enqueue_indirect_dma source(%dma_start3A_1083 : memref<10752x128xf32, #tpu.memory_space<hbm>>) target(%dma_start3A_1077 : memref<128x128xf32, #tpu.memory_space<vmem>>) offsets(%dma_start3A_1080 : memref<128xi32, #tpu.memory_space<vmem>>) semaphore(%arg11 : memref<!tpu.dma_semaphore, #tpu.memory_space<semaphore_mem>>)
      %add3A_1084 = arith.constant 3 : i32
      %add3A_1085 = arith.addi %add3A_786, %add3A_1084 : i32
      %dma_wait3A_1086 = arith.constant 1 : i32
      %dma_wait3A_1087 = arith.constant 1 : i32
      %dma_wait3A_1088 = arith.constant 0 : i32
      %dma_wait3A_1089 = arith.constant 0 : i32
      %dma_wait3A_1090 = tpu.memref_slice %arg9[%dma_wait3A_1087, %dma_wait3A_1088, %dma_wait3A_1089] : memref<2x128x128xf32, #tpu.memory_space<vmem>> -> memref<1x128x128xf32, #tpu.memory_space<vmem>>
      %dma_wait3A_1091 = tpu.memref_squeeze %dma_wait3A_1090 : memref<1x128x128xf32, #tpu.memory_space<vmem>> -> memref<128x128xf32, #tpu.memory_space<vmem>>
      %dma_wait3A_1092 = arith.constant 0 : i32
      %dma_wait3A_1093 = tpu.memref_slice %arg7[%dma_wait3A_1086, %dma_wait3A_1092] : memref<4x128xi32, #tpu.memory_space<vmem>> -> memref<1x128xi32, #tpu.memory_space<vmem>>
      %dma_wait3A_1094 = tpu.memref_squeeze %dma_wait3A_1093 : memref<1x128xi32, #tpu.memory_space<vmem>> -> memref<128xi32, #tpu.memory_space<vmem>>
      %dma_wait3A_1095 = arith.constant 0 : i32
      %dma_wait3A_1096 = arith.constant 0 : i32
      %dma_wait3A_1097 = tpu.memref_slice %arg2[%dma_wait3A_1095, %dma_wait3A_1096] : memref<10752x128xf32, #tpu.memory_space<hbm>> -> memref<10752x128xf32, #tpu.memory_space<hbm>>
      tpu.wait_indirect_dma semaphore(%arg12 : memref<!tpu.dma_semaphore, #tpu.memory_space<semaphore_mem>>) src(%dma_wait3A_1097 : memref<10752x128xf32, #tpu.memory_space<hbm>>) dst(%dma_wait3A_1091 : memref<128x128xf32, #tpu.memory_space<vmem>>)
      %add3A_1098 = arith.constant 4 : i32
      %add3A_1099 = arith.addi %add3A_1085, %add3A_1098 : i32
      %lt3A_1100 = arith.constant 78 : i32
      %lt3A_1101 = arith.cmpi slt, %add3A_1099, %lt3A_1100 : i32
      %convert_element_type3A_1102 = arith.extui %lt3A_1101 : i1 to i32
      %cond3A_1103 = arith.constant 0 : i32
      %cond3A_1104 = arith.cmpi ne, %convert_element_type3A_1102, %cond3A_1103 : i32
      scf.if %cond3A_1104 {
        %mul3A_1183 = arith.constant 78 : i32
        %mul3A_1184 = arith.muli %add3A, %mul3A_1183 : i32
        %add3A_1185 = arith.addi %mul3A_1184, %add3A_1099 : i32
        %dma_start3A_1186 = arith.constant 1 : i32
        %dma_start3A_1187 = arith.constant 0 : i32
        %dma_start3A_1188 = tpu.memref_slice %arg7[%dma_start3A_1186, %dma_start3A_1187] : memref<4x128xi32, #tpu.memory_space<vmem>> -> memref<1x128xi32, #tpu.memory_space<vmem>>
        %dma_start3A_1189 = arith.constant 0 : i32
        %dma_start3A_1190 = tpu.memref_slice %arg3[%add3A_1185, %dma_start3A_1189] : memref<2500x128xi32, #tpu.memory_space<hbm>> -> memref<1x128xi32, #tpu.memory_space<hbm>>
        %dma_start3A_1191 = arith.constant 1 : i32
        %dma_start3A_1192 = arith.constant 0 : i32
        %dma_start3A_1193 = tpu.memref_slice %arg7[%dma_start3A_1191, %dma_start3A_1192] : memref<4x128xi32, #tpu.memory_space<vmem>> -> memref<1x128xi32, #tpu.memory_space<vmem>>
        %dma_start3A_1194 = arith.constant 0 : i32
        %dma_start3A_1195 = tpu.memref_slice %arg3[%add3A_1185, %dma_start3A_1194] : memref<2500x128xi32, #tpu.memory_space<hbm>> -> memref<1x128xi32, #tpu.memory_space<hbm>>
        tpu.enqueue_dma source(%dma_start3A_1195 : memref<1x128xi32, #tpu.memory_space<hbm>>) target(%dma_start3A_1193 : memref<1x128xi32, #tpu.memory_space<vmem>>) target_semaphore(%arg16 : memref<!tpu.dma_semaphore, #tpu.memory_space<semaphore_mem>>)
      } else {
      }
      %eq3A_1105 = arith.constant 78 : i32
      %eq3A_1106 = arith.cmpi eq, %add3A_1099, %eq3A_1105 : i32
      %lt3A_1107 = arith.constant 4 : i32
      %lt3A_1108 = arith.cmpi slt, %add3A, %lt3A_1107 : i32
      %and3A_1109 = arith.andi %eq3A_1106, %lt3A_1108 : i1
      %convert_element_type3A_1110 = arith.extui %and3A_1109 : i1 to i32
      %cond3A_1111 = arith.constant 0 : i32
      %cond3A_1112 = arith.cmpi ne, %convert_element_type3A_1110, %cond3A_1111 : i32
      scf.if %cond3A_1112 {
        %add3A_1183 = arith.constant 2496 : i32
        %add3A_1184 = arith.addi %add3A_1183, %add3A : i32
        %dma_start3A_1185 = arith.constant 1 : i32
        %dma_start3A_1186 = arith.constant 0 : i32
        %dma_start3A_1187 = tpu.memref_slice %arg7[%dma_start3A_1185, %dma_start3A_1186] : memref<4x128xi32, #tpu.memory_space<vmem>> -> memref<1x128xi32, #tpu.memory_space<vmem>>
        %dma_start3A_1188 = arith.constant 0 : i32
        %dma_start3A_1189 = tpu.memref_slice %arg3[%add3A_1184, %dma_start3A_1188] : memref<2500x128xi32, #tpu.memory_space<hbm>> -> memref<1x128xi32, #tpu.memory_space<hbm>>
        %dma_start3A_1190 = arith.constant 1 : i32
        %dma_start3A_1191 = arith.constant 0 : i32
        %dma_start3A_1192 = tpu.memref_slice %arg7[%dma_start3A_1190, %dma_start3A_1191] : memref<4x128xi32, #tpu.memory_space<vmem>> -> memref<1x128xi32, #tpu.memory_space<vmem>>
        %dma_start3A_1193 = arith.constant 0 : i32
        %dma_start3A_1194 = tpu.memref_slice %arg3[%add3A_1184, %dma_start3A_1193] : memref<2500x128xi32, #tpu.memory_space<hbm>> -> memref<1x128xi32, #tpu.memory_space<hbm>>
        tpu.enqueue_dma source(%dma_start3A_1194 : memref<1x128xi32, #tpu.memory_space<hbm>>) target(%dma_start3A_1192 : memref<1x128xi32, #tpu.memory_space<vmem>>) target_semaphore(%arg16 : memref<!tpu.dma_semaphore, #tpu.memory_space<semaphore_mem>>)
      } else {
      }
      %ge3A_1113 = arith.constant 78 : i32
      %ge3A_1114 = arith.cmpi sge, %add3A_1099, %ge3A_1113 : i32
      %gt3A_1115 = arith.constant 78 : i32
      %gt3A_1116 = arith.cmpi sgt, %add3A_1099, %gt3A_1115 : i32
      %ge3A_1117 = arith.constant 4 : i32
      %ge3A_1118 = arith.cmpi sge, %add3A, %ge3A_1117 : i32
      %or3A_1119 = arith.ori %gt3A_1116, %ge3A_1118 : i1
      %and3A_1120 = arith.andi %ge3A_1114, %or3A_1119 : i1
      %convert_element_type3A_1121 = arith.extui %and3A_1120 : i1 to i32
      %cond3A_1122 = arith.constant 0 : i32
      %cond3A_1123 = arith.cmpi ne, %convert_element_type3A_1121, %cond3A_1122 : i32
      scf.if %cond3A_1123 {
        %sub3A = arith.constant 78 : i32
        %sub3A_1183 = arith.subi %add3A_1099, %sub3A : i32
        %dma_start3A_1184 = arith.constant 1 : i32
        %dma_start3A_1185 = arith.constant 0 : i32
        %dma_start3A_1186 = tpu.memref_slice %arg7[%dma_start3A_1184, %dma_start3A_1185] : memref<4x128xi32, #tpu.memory_space<vmem>> -> memref<1x128xi32, #tpu.memory_space<vmem>>
        %dma_start3A_1187 = arith.constant 0 : i32
        %dma_start3A_1188 = arith.constant 0 : i32
        %dma_start3A_1189 = tpu.memref_slice %arg5[%add3A, %dma_start3A_1187, %dma_start3A_1188] : memref<32x4x128xi32, #tpu.memory_space<hbm>> -> memref<1x4x128xi32, #tpu.memory_space<hbm>>
        %dma_start3A_1190 = tpu.memref_squeeze %dma_start3A_1189 : memref<1x4x128xi32, #tpu.memory_space<hbm>> -> memref<4x128xi32, #tpu.memory_space<hbm>>
        %dma_start3A_1191 = arith.constant 0 : i32
        %dma_start3A_1192 = tpu.memref_slice %dma_start3A_1190[%sub3A_1183, %dma_start3A_1191] : memref<4x128xi32, #tpu.memory_space<hbm>> -> memref<1x128xi32, #tpu.memory_space<hbm>>
        %dma_start3A_1193 = arith.constant 1 : i32
        %dma_start3A_1194 = arith.constant 0 : i32
        %dma_start3A_1195 = tpu.memref_slice %arg7[%dma_start3A_1193, %dma_start3A_1194] : memref<4x128xi32, #tpu.memory_space<vmem>> -> memref<1x128xi32, #tpu.memory_space<vmem>>
        %dma_start3A_1196 = arith.constant 0 : i32
        %dma_start3A_1197 = arith.constant 0 : i32
        %dma_start3A_1198 = tpu.memref_slice %arg5[%add3A, %dma_start3A_1196, %dma_start3A_1197] : memref<32x4x128xi32, #tpu.memory_space<hbm>> -> memref<1x4x128xi32, #tpu.memory_space<hbm>>
        %dma_start3A_1199 = tpu.memref_squeeze %dma_start3A_1198 : memref<1x4x128xi32, #tpu.memory_space<hbm>> -> memref<4x128xi32, #tpu.memory_space<hbm>>
        %dma_start3A_1200 = arith.constant 0 : i32
        %dma_start3A_1201 = tpu.memref_slice %dma_start3A_1199[%sub3A_1183, %dma_start3A_1200] : memref<4x128xi32, #tpu.memory_space<hbm>> -> memref<1x128xi32, #tpu.memory_space<hbm>>
        tpu.enqueue_dma source(%dma_start3A_1201 : memref<1x128xi32, #tpu.memory_space<hbm>>) target(%dma_start3A_1195 : memref<1x128xi32, #tpu.memory_space<vmem>>) target_semaphore(%arg16 : memref<!tpu.dma_semaphore, #tpu.memory_space<semaphore_mem>>)
      } else {
      }
      %dma_start3A_1124 = arith.constant 1 : i32
      %dma_start3A_1125 = arith.constant 0 : i32
      %dma_start3A_1126 = arith.constant 0 : i32
      %dma_start3A_1127 = tpu.memref_slice %arg9[%dma_start3A_1124, %dma_start3A_1125, %dma_start3A_1126] : memref<2x128x128xf32, #tpu.memory_space<vmem>> -> memref<1x128x128xf32, #tpu.memory_space<vmem>>
      %dma_start3A_1128 = tpu.memref_squeeze %dma_start3A_1127 : memref<1x128x128xf32, #tpu.memory_space<vmem>> -> memref<128x128xf32, #tpu.memory_space<vmem>>
      %dma_start3A_1129 = arith.constant 0 : i32
      %dma_start3A_1130 = tpu.memref_slice %arg8[%add3A_1085, %dma_start3A_1129] : memref<80x128xi32, #tpu.memory_space<vmem>> -> memref<1x128xi32, #tpu.memory_space<vmem>>
      %dma_start3A_1131 = tpu.memref_squeeze %dma_start3A_1130 : memref<1x128xi32, #tpu.memory_space<vmem>> -> memref<128xi32, #tpu.memory_space<vmem>>
      %dma_start3A_1132 = arith.constant 0 : i32
      %dma_start3A_1133 = arith.constant 0 : i32
      %dma_start3A_1134 = tpu.memref_slice %arg10[%dma_start3A_1132, %dma_start3A_1133] : memref<10752x128xf32, #tpu.memory_space<vmem_shared>> -> memref<10752x128xf32, #tpu.memory_space<vmem_shared>>
      tpu.enqueue_indirect_dma source(%dma_start3A_1128 : memref<128x128xf32, #tpu.memory_space<vmem>>) target(%dma_start3A_1134 : memref<10752x128xf32, #tpu.memory_space<vmem_shared>>) offsets(%dma_start3A_1131 : memref<128xi32, #tpu.memory_space<vmem>>) semaphore(%arg14 : memref<!tpu.dma_semaphore, #tpu.memory_space<semaphore_mem>>) {add = true}
      %add3A_1135 = arith.constant 2 : i32
      %add3A_1136 = arith.addi %add3A_1085, %add3A_1135 : i32
      %dma_wait3A_1137 = arith.constant 0 : i32
      %dma_wait3A_1138 = arith.constant 3 : i32
      %dma_wait3A_1139 = arith.constant 0 : i32
      %dma_wait3A_1140 = tpu.memref_slice %arg7[%dma_wait3A_1138, %dma_wait3A_1139] : memref<4x128xi32, #tpu.memory_space<vmem>> -> memref<1x128xi32, #tpu.memory_space<vmem>>
      %dma_wait3A_1141 = arith.constant 0 : i32
      %dma_wait3A_1142 = arith.constant 0 : i32
      %dma_wait3A_1143 = tpu.memref_slice %arg5[%dma_wait3A_1137, %dma_wait3A_1141, %dma_wait3A_1142] : memref<32x4x128xi32, #tpu.memory_space<hbm>> -> memref<1x4x128xi32, #tpu.memory_space<hbm>>
      %dma_wait3A_1144 = tpu.memref_squeeze %dma_wait3A_1143 : memref<1x4x128xi32, #tpu.memory_space<hbm>> -> memref<4x128xi32, #tpu.memory_space<hbm>>
      %dma_wait3A_1145 = arith.constant 0 : i32
      %dma_wait3A_1146 = arith.constant 0 : i32
      %dma_wait3A_1147 = tpu.memref_slice %dma_wait3A_1144[%dma_wait3A_1145, %dma_wait3A_1146] : memref<4x128xi32, #tpu.memory_space<hbm>> -> memref<1x128xi32, #tpu.memory_space<hbm>>
      %dma_wait3A_1148 = arith.constant 3 : i32
      %dma_wait3A_1149 = arith.constant 0 : i32
      %dma_wait3A_1150 = tpu.memref_slice %arg7[%dma_wait3A_1148, %dma_wait3A_1149] : memref<4x128xi32, #tpu.memory_space<vmem>> -> memref<1x128xi32, #tpu.memory_space<vmem>>
      %dma_wait3A_1151 = arith.constant 0 : i32
      %dma_wait3A_1152 = arith.constant 0 : i32
      %dma_wait3A_1153 = tpu.memref_slice %arg5[%dma_wait3A_1137, %dma_wait3A_1151, %dma_wait3A_1152] : memref<32x4x128xi32, #tpu.memory_space<hbm>> -> memref<1x4x128xi32, #tpu.memory_space<hbm>>
      %dma_wait3A_1154 = tpu.memref_squeeze %dma_wait3A_1153 : memref<1x4x128xi32, #tpu.memory_space<hbm>> -> memref<4x128xi32, #tpu.memory_space<hbm>>
      %dma_wait3A_1155 = arith.constant 0 : i32
      %dma_wait3A_1156 = arith.constant 0 : i32
      %dma_wait3A_1157 = tpu.memref_slice %dma_wait3A_1154[%dma_wait3A_1155, %dma_wait3A_1156] : memref<4x128xi32, #tpu.memory_space<hbm>> -> memref<1x128xi32, #tpu.memory_space<hbm>>
      tpu.wait_dma2 semaphore(%arg18 : memref<!tpu.dma_semaphore, #tpu.memory_space<semaphore_mem>>) src(%dma_wait3A_1157 : memref<1x128xi32, #tpu.memory_space<hbm>>) dst(%dma_wait3A_1150 : memref<1x128xi32, #tpu.memory_space<vmem>>)
      %dma_wait3A_1158 = arith.constant 1 : i32
      %dma_wait3A_1159 = arith.constant 0 : i32
      %dma_wait3A_1160 = arith.constant 0 : i32
      %dma_wait3A_1161 = tpu.memref_slice %arg9[%dma_wait3A_1158, %dma_wait3A_1159, %dma_wait3A_1160] : memref<2x128x128xf32, #tpu.memory_space<vmem>> -> memref<1x128x128xf32, #tpu.memory_space<vmem>>
      %dma_wait3A_1162 = tpu.memref_squeeze %dma_wait3A_1161 : memref<1x128x128xf32, #tpu.memory_space<vmem>> -> memref<128x128xf32, #tpu.memory_space<vmem>>
      %dma_wait3A_1163 = arith.constant 0 : i32
      %dma_wait3A_1164 = tpu.memref_slice %arg8[%add3A_1085, %dma_wait3A_1163] : memref<80x128xi32, #tpu.memory_space<vmem>> -> memref<1x128xi32, #tpu.memory_space<vmem>>
      %dma_wait3A_1165 = tpu.memref_squeeze %dma_wait3A_1164 : memref<1x128xi32, #tpu.memory_space<vmem>> -> memref<128xi32, #tpu.memory_space<vmem>>
      %dma_wait3A_1166 = arith.constant 0 : i32
      %dma_wait3A_1167 = arith.constant 0 : i32
      %dma_wait3A_1168 = tpu.memref_slice %arg10[%dma_wait3A_1166, %dma_wait3A_1167] : memref<10752x128xf32, #tpu.memory_space<vmem_shared>> -> memref<10752x128xf32, #tpu.memory_space<vmem_shared>>
      tpu.wait_indirect_dma semaphore(%arg14 : memref<!tpu.dma_semaphore, #tpu.memory_space<semaphore_mem>>) src(%dma_wait3A_1162 : memref<128x128xf32, #tpu.memory_space<vmem>>) dst(%dma_wait3A_1168 : memref<10752x128xf32, #tpu.memory_space<vmem_shared>>)
      %add3A_1169 = arith.constant 2 : i32
      %add3A_1170 = arith.addi %add3A_1085, %add3A_1169 : i32
      %dma_start3A_1171 = arith.constant 3 : i32
      %dma_start3A_1172 = arith.constant 1 : i32
      %dma_start3A_1173 = arith.constant 0 : i32
      %dma_start3A_1174 = arith.constant 0 : i32
      %dma_start3A_1175 = tpu.memref_slice %arg9[%dma_start3A_1172, %dma_start3A_1173, %dma_start3A_1174] : memref<2x128x128xf32, #tpu.memory_space<vmem>> -> memref<1x128x128xf32, #tpu.memory_space<vmem>>
      %dma_start3A_1176 = tpu.memref_squeeze %dma_start3A_1175 : memref<1x128x128xf32, #tpu.memory_space<vmem>> -> memref<128x128xf32, #tpu.memory_space<vmem>>
      %dma_start3A_1177 = arith.constant 0 : i32
      %dma_start3A_1178 = tpu.memref_slice %arg7[%dma_start3A_1171, %dma_start3A_1177] : memref<4x128xi32, #tpu.memory_space<vmem>> -> memref<1x128xi32, #tpu.memory_space<vmem>>
      %dma_start3A_1179 = tpu.memref_squeeze %dma_start3A_1178 : memref<1x128xi32, #tpu.memory_space<vmem>> -> memref<128xi32, #tpu.memory_space<vmem>>
      %dma_start3A_1180 = arith.constant 0 : i32
      %dma_start3A_1181 = arith.constant 0 : i32
      %dma_start3A_1182 = tpu.memref_slice %arg2[%dma_start3A_1180, %dma_start3A_1181] : memref<10752x128xf32, #tpu.memory_space<hbm>> -> memref<10752x128xf32, #tpu.memory_space<hbm>>
      tpu.enqueue_indirect_dma source(%dma_start3A_1182 : memref<10752x128xf32, #tpu.memory_space<hbm>>) target(%dma_start3A_1176 : memref<128x128xf32, #tpu.memory_space<vmem>>) offsets(%dma_start3A_1179 : memref<128xi32, #tpu.memory_space<vmem>>) semaphore(%arg12 : memref<!tpu.dma_semaphore, #tpu.memory_space<semaphore_mem>>)
    }
    %scan3A_662 = arith.constant 19 : i32
    %dma_wait3A_663 = arith.constant 2 : i32
    %dma_wait3A_664 = arith.constant 0 : i32
    %dma_wait3A_665 = arith.constant 0 : i32
    %dma_wait3A_666 = arith.constant 0 : i32
    %dma_wait3A_667 = tpu.memref_slice %arg9[%dma_wait3A_664, %dma_wait3A_665, %dma_wait3A_666] : memref<2x128x128xf32, #tpu.memory_space<vmem>> -> memref<1x128x128xf32, #tpu.memory_space<vmem>>
    %dma_wait3A_668 = tpu.memref_squeeze %dma_wait3A_667 : memref<1x128x128xf32, #tpu.memory_space<vmem>> -> memref<128x128xf32, #tpu.memory_space<vmem>>
    %dma_wait3A_669 = arith.constant 0 : i32
    %dma_wait3A_670 = tpu.memref_slice %arg7[%dma_wait3A_663, %dma_wait3A_669] : memref<4x128xi32, #tpu.memory_space<vmem>> -> memref<1x128xi32, #tpu.memory_space<vmem>>
    %dma_wait3A_671 = tpu.memref_squeeze %dma_wait3A_670 : memref<1x128xi32, #tpu.memory_space<vmem>> -> memref<128xi32, #tpu.memory_space<vmem>>
    %dma_wait3A_672 = arith.constant 0 : i32
    %dma_wait3A_673 = arith.constant 0 : i32
    %dma_wait3A_674 = tpu.memref_slice %arg2[%dma_wait3A_672, %dma_wait3A_673] : memref<10752x128xf32, #tpu.memory_space<hbm>> -> memref<10752x128xf32, #tpu.memory_space<hbm>>
    tpu.wait_indirect_dma semaphore(%arg11 : memref<!tpu.dma_semaphore, #tpu.memory_space<semaphore_mem>>) src(%dma_wait3A_674 : memref<10752x128xf32, #tpu.memory_space<hbm>>) dst(%dma_wait3A_668 : memref<128x128xf32, #tpu.memory_space<vmem>>)
    %dma_start3A_675 = arith.constant 0 : i32
    %dma_start3A_676 = arith.constant 78 : i32
    %dma_start3A_677 = arith.constant 0 : i32
    %dma_start3A_678 = arith.constant 0 : i32
    %dma_start3A_679 = tpu.memref_slice %arg9[%dma_start3A_675, %dma_start3A_677, %dma_start3A_678] : memref<2x128x128xf32, #tpu.memory_space<vmem>> -> memref<1x128x128xf32, #tpu.memory_space<vmem>>
    %dma_start3A_680 = tpu.memref_squeeze %dma_start3A_679 : memref<1x128x128xf32, #tpu.memory_space<vmem>> -> memref<128x128xf32, #tpu.memory_space<vmem>>
    %dma_start3A_681 = arith.constant 0 : i32
    %dma_start3A_682 = tpu.memref_slice %arg8[%dma_start3A_676, %dma_start3A_681] : memref<80x128xi32, #tpu.memory_space<vmem>> -> memref<1x128xi32, #tpu.memory_space<vmem>>
    %dma_start3A_683 = tpu.memref_squeeze %dma_start3A_682 : memref<1x128xi32, #tpu.memory_space<vmem>> -> memref<128xi32, #tpu.memory_space<vmem>>
    %dma_start3A_684 = arith.constant 0 : i32
    %dma_start3A_685 = arith.constant 0 : i32
    %dma_start3A_686 = tpu.memref_slice %arg10[%dma_start3A_684, %dma_start3A_685] : memref<10752x128xf32, #tpu.memory_space<vmem_shared>> -> memref<10752x128xf32, #tpu.memory_space<vmem_shared>>
    tpu.enqueue_indirect_dma source(%dma_start3A_680 : memref<128x128xf32, #tpu.memory_space<vmem>>) target(%dma_start3A_686 : memref<10752x128xf32, #tpu.memory_space<vmem_shared>>) offsets(%dma_start3A_683 : memref<128xi32, #tpu.memory_space<vmem>>) semaphore(%arg13 : memref<!tpu.dma_semaphore, #tpu.memory_space<semaphore_mem>>) {add = true}
    %dma_wait3A_687 = arith.constant 3 : i32
    %dma_wait3A_688 = arith.constant 1 : i32
    %dma_wait3A_689 = arith.constant 0 : i32
    %dma_wait3A_690 = arith.constant 0 : i32
    %dma_wait3A_691 = tpu.memref_slice %arg9[%dma_wait3A_688, %dma_wait3A_689, %dma_wait3A_690] : memref<2x128x128xf32, #tpu.memory_space<vmem>> -> memref<1x128x128xf32, #tpu.memory_space<vmem>>
    %dma_wait3A_692 = tpu.memref_squeeze %dma_wait3A_691 : memref<1x128x128xf32, #tpu.memory_space<vmem>> -> memref<128x128xf32, #tpu.memory_space<vmem>>
    %dma_wait3A_693 = arith.constant 0 : i32
    %dma_wait3A_694 = tpu.memref_slice %arg7[%dma_wait3A_687, %dma_wait3A_693] : memref<4x128xi32, #tpu.memory_space<vmem>> -> memref<1x128xi32, #tpu.memory_space<vmem>>
    %dma_wait3A_695 = tpu.memref_squeeze %dma_wait3A_694 : memref<1x128xi32, #tpu.memory_space<vmem>> -> memref<128xi32, #tpu.memory_space<vmem>>
    %dma_wait3A_696 = arith.constant 0 : i32
    %dma_wait3A_697 = arith.constant 0 : i32
    %dma_wait3A_698 = tpu.memref_slice %arg2[%dma_wait3A_696, %dma_wait3A_697] : memref<10752x128xf32, #tpu.memory_space<hbm>> -> memref<10752x128xf32, #tpu.memory_space<hbm>>
    tpu.wait_indirect_dma semaphore(%arg12 : memref<!tpu.dma_semaphore, #tpu.memory_space<semaphore_mem>>) src(%dma_wait3A_698 : memref<10752x128xf32, #tpu.memory_space<hbm>>) dst(%dma_wait3A_692 : memref<128x128xf32, #tpu.memory_space<vmem>>)
    %dma_start3A_699 = arith.constant 1 : i32
    %dma_start3A_700 = arith.constant 79 : i32
    %dma_start3A_701 = arith.constant 0 : i32
    %dma_start3A_702 = arith.constant 0 : i32
    %dma_start3A_703 = tpu.memref_slice %arg9[%dma_start3A_699, %dma_start3A_701, %dma_start3A_702] : memref<2x128x128xf32, #tpu.memory_space<vmem>> -> memref<1x128x128xf32, #tpu.memory_space<vmem>>
    %dma_start3A_704 = tpu.memref_squeeze %dma_start3A_703 : memref<1x128x128xf32, #tpu.memory_space<vmem>> -> memref<128x128xf32, #tpu.memory_space<vmem>>
    %dma_start3A_705 = arith.constant 0 : i32
    %dma_start3A_706 = tpu.memref_slice %arg8[%dma_start3A_700, %dma_start3A_705] : memref<80x128xi32, #tpu.memory_space<vmem>> -> memref<1x128xi32, #tpu.memory_space<vmem>>
    %dma_start3A_707 = tpu.memref_squeeze %dma_start3A_706 : memref<1x128xi32, #tpu.memory_space<vmem>> -> memref<128xi32, #tpu.memory_space<vmem>>
    %dma_start3A_708 = arith.constant 0 : i32
    %dma_start3A_709 = arith.constant 0 : i32
    %dma_start3A_710 = tpu.memref_slice %arg10[%dma_start3A_708, %dma_start3A_709] : memref<10752x128xf32, #tpu.memory_space<vmem_shared>> -> memref<10752x128xf32, #tpu.memory_space<vmem_shared>>
    tpu.enqueue_indirect_dma source(%dma_start3A_704 : memref<128x128xf32, #tpu.memory_space<vmem>>) target(%dma_start3A_710 : memref<10752x128xf32, #tpu.memory_space<vmem_shared>>) offsets(%dma_start3A_707 : memref<128xi32, #tpu.memory_space<vmem>>) semaphore(%arg14 : memref<!tpu.dma_semaphore, #tpu.memory_space<semaphore_mem>>) {add = true}
    %dma_wait3A_711 = arith.constant 0 : i32
    %dma_wait3A_712 = arith.constant 78 : i32
    %dma_wait3A_713 = arith.constant 0 : i32
    %dma_wait3A_714 = arith.constant 0 : i32
    %dma_wait3A_715 = tpu.memref_slice %arg9[%dma_wait3A_711, %dma_wait3A_713, %dma_wait3A_714] : memref<2x128x128xf32, #tpu.memory_space<vmem>> -> memref<1x128x128xf32, #tpu.memory_space<vmem>>
    %dma_wait3A_716 = tpu.memref_squeeze %dma_wait3A_715 : memref<1x128x128xf32, #tpu.memory_space<vmem>> -> memref<128x128xf32, #tpu.memory_space<vmem>>
    %dma_wait3A_717 = arith.constant 0 : i32
    %dma_wait3A_718 = tpu.memref_slice %arg8[%dma_wait3A_712, %dma_wait3A_717] : memref<80x128xi32, #tpu.memory_space<vmem>> -> memref<1x128xi32, #tpu.memory_space<vmem>>
    %dma_wait3A_719 = tpu.memref_squeeze %dma_wait3A_718 : memref<1x128xi32, #tpu.memory_space<vmem>> -> memref<128xi32, #tpu.memory_space<vmem>>
    %dma_wait3A_720 = arith.constant 0 : i32
    %dma_wait3A_721 = arith.constant 0 : i32
    %dma_wait3A_722 = tpu.memref_slice %arg10[%dma_wait3A_720, %dma_wait3A_721] : memref<10752x128xf32, #tpu.memory_space<vmem_shared>> -> memref<10752x128xf32, #tpu.memory_space<vmem_shared>>
    tpu.wait_indirect_dma semaphore(%arg13 : memref<!tpu.dma_semaphore, #tpu.memory_space<semaphore_mem>>) src(%dma_wait3A_716 : memref<128x128xf32, #tpu.memory_space<vmem>>) dst(%dma_wait3A_722 : memref<10752x128xf32, #tpu.memory_space<vmem_shared>>)
    %dma_wait3A_723 = arith.constant 1 : i32
    %dma_wait3A_724 = arith.constant 79 : i32
    %dma_wait3A_725 = arith.constant 0 : i32
    %dma_wait3A_726 = arith.constant 0 : i32
    %dma_wait3A_727 = tpu.memref_slice %arg9[%dma_wait3A_723, %dma_wait3A_725, %dma_wait3A_726] : memref<2x128x128xf32, #tpu.memory_space<vmem>> -> memref<1x128x128xf32, #tpu.memory_space<vmem>>
    %dma_wait3A_728 = tpu.memref_squeeze %dma_wait3A_727 : memref<1x128x128xf32, #tpu.memory_space<vmem>> -> memref<128x128xf32, #tpu.memory_space<vmem>>
    %dma_wait3A_729 = arith.constant 0 : i32
    %dma_wait3A_730 = tpu.memref_slice %arg8[%dma_wait3A_724, %dma_wait3A_729] : memref<80x128xi32, #tpu.memory_space<vmem>> -> memref<1x128xi32, #tpu.memory_space<vmem>>
    %dma_wait3A_731 = tpu.memref_squeeze %dma_wait3A_730 : memref<1x128xi32, #tpu.memory_space<vmem>> -> memref<128xi32, #tpu.memory_space<vmem>>
    %dma_wait3A_732 = arith.constant 0 : i32
    %dma_wait3A_733 = arith.constant 0 : i32
    %dma_wait3A_734 = tpu.memref_slice %arg10[%dma_wait3A_732, %dma_wait3A_733] : memref<10752x128xf32, #tpu.memory_space<vmem_shared>> -> memref<10752x128xf32, #tpu.memory_space<vmem_shared>>
    tpu.wait_indirect_dma semaphore(%arg14 : memref<!tpu.dma_semaphore, #tpu.memory_space<semaphore_mem>>) src(%dma_wait3A_728 : memref<128x128xf32, #tpu.memory_space<vmem>>) dst(%dma_wait3A_734 : memref<10752x128xf32, #tpu.memory_space<vmem_shared>>)
    %dma_wait3A_735 = arith.constant 0 : i32
    %dma_wait3A_736 = arith.constant 0 : i32
    %dma_wait3A_737 = arith.constant 0 : i32
    %dma_wait3A_738 = tpu.memref_slice %arg7[%dma_wait3A_736, %dma_wait3A_737] : memref<4x128xi32, #tpu.memory_space<vmem>> -> memref<1x128xi32, #tpu.memory_space<vmem>>
    %dma_wait3A_739 = arith.constant 0 : i32
    %dma_wait3A_740 = arith.constant 0 : i32
    %dma_wait3A_741 = tpu.memref_slice %arg5[%dma_wait3A_735, %dma_wait3A_739, %dma_wait3A_740] : memref<32x4x128xi32, #tpu.memory_space<hbm>> -> memref<1x4x128xi32, #tpu.memory_space<hbm>>
    %dma_wait3A_742 = tpu.memref_squeeze %dma_wait3A_741 : memref<1x4x128xi32, #tpu.memory_space<hbm>> -> memref<4x128xi32, #tpu.memory_space<hbm>>
    %dma_wait3A_743 = arith.constant 0 : i32
    %dma_wait3A_744 = arith.constant 0 : i32
    %dma_wait3A_745 = tpu.memref_slice %dma_wait3A_742[%dma_wait3A_743, %dma_wait3A_744] : memref<4x128xi32, #tpu.memory_space<hbm>> -> memref<1x128xi32, #tpu.memory_space<hbm>>
    %dma_wait3A_746 = arith.constant 0 : i32
    %dma_wait3A_747 = arith.constant 0 : i32
    %dma_wait3A_748 = tpu.memref_slice %arg7[%dma_wait3A_746, %dma_wait3A_747] : memref<4x128xi32, #tpu.memory_space<vmem>> -> memref<1x128xi32, #tpu.memory_space<vmem>>
    %dma_wait3A_749 = arith.constant 0 : i32
    %dma_wait3A_750 = arith.constant 0 : i32
    %dma_wait3A_751 = tpu.memref_slice %arg5[%dma_wait3A_735, %dma_wait3A_749, %dma_wait3A_750] : memref<32x4x128xi32, #tpu.memory_space<hbm>> -> memref<1x4x128xi32, #tpu.memory_space<hbm>>
    %dma_wait3A_752 = tpu.memref_squeeze %dma_wait3A_751 : memref<1x4x128xi32, #tpu.memory_space<hbm>> -> memref<4x128xi32, #tpu.memory_space<hbm>>
    %dma_wait3A_753 = arith.constant 0 : i32
    %dma_wait3A_754 = arith.constant 0 : i32
    %dma_wait3A_755 = tpu.memref_slice %dma_wait3A_752[%dma_wait3A_753, %dma_wait3A_754] : memref<4x128xi32, #tpu.memory_space<hbm>> -> memref<1x128xi32, #tpu.memory_space<hbm>>
    tpu.wait_dma2 semaphore(%arg15 : memref<!tpu.dma_semaphore, #tpu.memory_space<semaphore_mem>>) src(%dma_wait3A_755 : memref<1x128xi32, #tpu.memory_space<hbm>>) dst(%dma_wait3A_748 : memref<1x128xi32, #tpu.memory_space<vmem>>)
    %dma_wait3A_756 = arith.constant 0 : i32
    %dma_wait3A_757 = arith.constant 1 : i32
    %dma_wait3A_758 = arith.constant 0 : i32
    %dma_wait3A_759 = tpu.memref_slice %arg7[%dma_wait3A_757, %dma_wait3A_758] : memref<4x128xi32, #tpu.memory_space<vmem>> -> memref<1x128xi32, #tpu.memory_space<vmem>>
    %dma_wait3A_760 = arith.constant 0 : i32
    %dma_wait3A_761 = arith.constant 0 : i32
    %dma_wait3A_762 = tpu.memref_slice %arg5[%dma_wait3A_756, %dma_wait3A_760, %dma_wait3A_761] : memref<32x4x128xi32, #tpu.memory_space<hbm>> -> memref<1x4x128xi32, #tpu.memory_space<hbm>>
    %dma_wait3A_763 = tpu.memref_squeeze %dma_wait3A_762 : memref<1x4x128xi32, #tpu.memory_space<hbm>> -> memref<4x128xi32, #tpu.memory_space<hbm>>
    %dma_wait3A_764 = arith.constant 0 : i32
    %dma_wait3A_765 = arith.constant 0 : i32
    %dma_wait3A_766 = tpu.memref_slice %dma_wait3A_763[%dma_wait3A_764, %dma_wait3A_765] : memref<4x128xi32, #tpu.memory_space<hbm>> -> memref<1x128xi32, #tpu.memory_space<hbm>>
    %dma_wait3A_767 = arith.constant 1 : i32
    %dma_wait3A_768 = arith.constant 0 : i32
    %dma_wait3A_769 = tpu.memref_slice %arg7[%dma_wait3A_767, %dma_wait3A_768] : memref<4x128xi32, #tpu.memory_space<vmem>> -> memref<1x128xi32, #tpu.memory_space<vmem>>
    %dma_wait3A_770 = arith.constant 0 : i32
    %dma_wait3A_771 = arith.constant 0 : i32
    %dma_wait3A_772 = tpu.memref_slice %arg5[%dma_wait3A_756, %dma_wait3A_770, %dma_wait3A_771] : memref<32x4x128xi32, #tpu.memory_space<hbm>> -> memref<1x4x128xi32, #tpu.memory_space<hbm>>
    %dma_wait3A_773 = tpu.memref_squeeze %dma_wait3A_772 : memref<1x4x128xi32, #tpu.memory_space<hbm>> -> memref<4x128xi32, #tpu.memory_space<hbm>>
    %dma_wait3A_774 = arith.constant 0 : i32
    %dma_wait3A_775 = arith.constant 0 : i32
    %dma_wait3A_776 = tpu.memref_slice %dma_wait3A_773[%dma_wait3A_774, %dma_wait3A_775] : memref<4x128xi32, #tpu.memory_space<hbm>> -> memref<1x128xi32, #tpu.memory_space<hbm>>
    tpu.wait_dma2 semaphore(%arg16 : memref<!tpu.dma_semaphore, #tpu.memory_space<semaphore_mem>>) src(%dma_wait3A_776 : memref<1x128xi32, #tpu.memory_space<hbm>>) dst(%dma_wait3A_769 : memref<1x128xi32, #tpu.memory_space<vmem>>)
    %barrier3A_777 = arith.constant 0 : index
    tpu.barrier barrier_id(%barrier3A_777)
    %mul3A_778 = arith.constant 672 : i32
    %mul3A_779 = arith.muli %arg1, %mul3A_778 : i32
    %mul3A_780 = arith.constant 672 : i32
    %mul3A_781 = arith.muli %arg1, %mul3A_780 : i32
    "tpu.region"() ({
      %run_scoped3A = tpu.sem_alloc : memref<!tpu.dma_semaphore, #tpu.memory_space<semaphore_mem>>
      %dma_start3A_782 = arith.constant 0 : i32
      %dma_start3A_783 = arith.constant 0 : i32
      %dma_start3A_784 = tpu.memref_slice %arg6[%arg0, %dma_start3A_782, %dma_start3A_783] : memref<2x10752x128xf32, #tpu.memory_space<hbm>> -> memref<1x10752x128xf32, #tpu.memory_space<hbm>>
      %dma_start3A_785 = tpu.memref_squeeze %dma_start3A_784 : memref<1x10752x128xf32, #tpu.memory_space<hbm>> -> memref<10752x128xf32, #tpu.memory_space<hbm>>
      %dma_start3A_786 = arith.constant 0 : i32
      %dma_start3A_787 = tpu.memref_slice %dma_start3A_785[%mul3A_781, %dma_start3A_786] : memref<10752x128xf32, #tpu.memory_space<hbm>> -> memref<672x128xf32, #tpu.memory_space<hbm>>
      %dma_start3A_788 = arith.constant 0 : i32
      %dma_start3A_789 = tpu.memref_slice %arg10[%mul3A_779, %dma_start3A_788] : memref<10752x128xf32, #tpu.memory_space<vmem_shared>> -> memref<672x128xf32, #tpu.memory_space<vmem_shared>>
      tpu.enqueue_dma source(%dma_start3A_789 : memref<672x128xf32, #tpu.memory_space<vmem_shared>>) target(%dma_start3A_787 : memref<672x128xf32, #tpu.memory_space<hbm>>) target_semaphore(%run_scoped3A : memref<!tpu.dma_semaphore, #tpu.memory_space<semaphore_mem>>)
      %dma_wait3A_790 = arith.constant 0 : i32
      %dma_wait3A_791 = arith.constant 0 : i32
      %dma_wait3A_792 = tpu.memref_slice %arg6[%arg0, %dma_wait3A_790, %dma_wait3A_791] : memref<2x10752x128xf32, #tpu.memory_space<hbm>> -> memref<1x10752x128xf32, #tpu.memory_space<hbm>>
      %dma_wait3A_793 = tpu.memref_squeeze %dma_wait3A_792 : memref<1x10752x128xf32, #tpu.memory_space<hbm>> -> memref<10752x128xf32, #tpu.memory_space<hbm>>
      %dma_wait3A_794 = arith.constant 0 : i32
      %dma_wait3A_795 = tpu.memref_slice %dma_wait3A_793[%mul3A_781, %dma_wait3A_794] : memref<10752x128xf32, #tpu.memory_space<hbm>> -> memref<672x128xf32, #tpu.memory_space<hbm>>
      %dma_wait3A_796 = arith.constant 0 : i32
      %dma_wait3A_797 = tpu.memref_slice %arg10[%mul3A_779, %dma_wait3A_796] : memref<10752x128xf32, #tpu.memory_space<vmem_shared>> -> memref<672x128xf32, #tpu.memory_space<vmem_shared>>
      tpu.wait_dma2 semaphore(%run_scoped3A : memref<!tpu.dma_semaphore, #tpu.memory_space<semaphore_mem>>) src(%dma_wait3A_797 : memref<672x128xf32, #tpu.memory_space<vmem_shared>>) dst(%dma_wait3A_795 : memref<672x128xf32, #tpu.memory_space<hbm>>)
      tpu.yield
    }) : () -> ()
    return
  }
}

#map = affine_map<(d0, d1) -> (0, 0)>
#map1 = affine_map<(d0, d1) -> (0, 0, 0)>
module attributes {stable_mosaic.version = 14 : i64} {
  func.func @hist(%arg0: i32, %arg1: i32, %arg2: memref<2500x128xi32, #tpu.memory_space<hbm>>, %arg3: memref<32x4x128xi32, #tpu.memory_space<hbm>>, %arg4: memref<2x10752x128xf32, #tpu.memory_space<hbm>>, %arg5: memref<82x128xi32, #tpu.memory_space<vmem>>, %arg6: memref<128x16xf32, #tpu.memory_space<vmem>>, %arg7: memref<128x16xf32, #tpu.memory_space<vmem>>, %arg8: memref<10752x16xf32, #tpu.memory_space<vmem_shared>>, %arg9: memref<!tpu.dma_semaphore, #tpu.memory_space<semaphore_mem>>) attributes {dimension_semantics = [#tpu.dimension_semantics<core_parallel>, #tpu.dimension_semantics<subcore_parallel>], iteration_bounds = array<i64: 2, 16>, scalar_prefetch = 0 : i64, scratch_operands = 5 : i64, tpu.core_type = #tpu.core_type<sc_vector_subcore>, window_params = [{transform_indices = #map}, {transform_indices = #map1}, {transform_indices = #map1}]} {
    %mul3A = arith.constant 16 : i32
    %mul3A_0 = arith.muli %arg0, %mul3A : i32
    %add3A = arith.addi %mul3A_0, %arg1 : i32
    %mul3A_1 = arith.constant 78 : i32
    %mul3A_2 = arith.muli %add3A, %mul3A_1 : i32
    %dma_start3A = arith.constant 0 : i32
    %dma_start3A_3 = arith.constant 0 : i32
    %dma_start3A_4 = tpu.memref_slice %arg5[%dma_start3A, %dma_start3A_3] : memref<82x128xi32, #tpu.memory_space<vmem>> -> memref<78x128xi32, #tpu.memory_space<vmem>>
    %dma_start3A_5 = arith.constant 0 : i32
    %dma_start3A_6 = tpu.memref_slice %arg2[%mul3A_2, %dma_start3A_5] : memref<2500x128xi32, #tpu.memory_space<hbm>> -> memref<78x128xi32, #tpu.memory_space<hbm>>
    %dma_start3A_7 = arith.constant 0 : i32
    %dma_start3A_8 = arith.constant 0 : i32
    %dma_start3A_9 = tpu.memref_slice %arg5[%dma_start3A_7, %dma_start3A_8] : memref<82x128xi32, #tpu.memory_space<vmem>> -> memref<78x128xi32, #tpu.memory_space<vmem>>
    %dma_start3A_10 = arith.constant 0 : i32
    %dma_start3A_11 = tpu.memref_slice %arg2[%mul3A_2, %dma_start3A_10] : memref<2500x128xi32, #tpu.memory_space<hbm>> -> memref<78x128xi32, #tpu.memory_space<hbm>>
    tpu.enqueue_dma source(%dma_start3A_11 : memref<78x128xi32, #tpu.memory_space<hbm>>) target(%dma_start3A_9 : memref<78x128xi32, #tpu.memory_space<vmem>>) target_semaphore(%arg9 : memref<!tpu.dma_semaphore, #tpu.memory_space<semaphore_mem>>)
    %lt3A = arith.constant 4 : i32
    %lt3A_12 = arith.cmpi slt, %add3A, %lt3A : i32
    %convert_element_type3A = arith.extui %lt3A_12 : i1 to i32
    %cond3A = arith.constant 0 : i32
    %cond3A_13 = arith.cmpi ne, %convert_element_type3A, %cond3A : i32
    scf.if %cond3A_13 {
      %add3A_184 = arith.constant 2496 : i32
      %add3A_185 = arith.addi %add3A_184, %add3A : i32
      %dma_start3A_186 = arith.constant 78 : i32
      %dma_start3A_187 = arith.constant 0 : i32
      %dma_start3A_188 = tpu.memref_slice %arg5[%dma_start3A_186, %dma_start3A_187] : memref<82x128xi32, #tpu.memory_space<vmem>> -> memref<1x128xi32, #tpu.memory_space<vmem>>
      %dma_start3A_189 = arith.constant 0 : i32
      %dma_start3A_190 = tpu.memref_slice %arg2[%add3A_185, %dma_start3A_189] : memref<2500x128xi32, #tpu.memory_space<hbm>> -> memref<1x128xi32, #tpu.memory_space<hbm>>
      %dma_start3A_191 = arith.constant 78 : i32
      %dma_start3A_192 = arith.constant 0 : i32
      %dma_start3A_193 = tpu.memref_slice %arg5[%dma_start3A_191, %dma_start3A_192] : memref<82x128xi32, #tpu.memory_space<vmem>> -> memref<1x128xi32, #tpu.memory_space<vmem>>
      %dma_start3A_194 = arith.constant 0 : i32
      %dma_start3A_195 = tpu.memref_slice %arg2[%add3A_185, %dma_start3A_194] : memref<2500x128xi32, #tpu.memory_space<hbm>> -> memref<1x128xi32, #tpu.memory_space<hbm>>
      tpu.enqueue_dma source(%dma_start3A_195 : memref<1x128xi32, #tpu.memory_space<hbm>>) target(%dma_start3A_193 : memref<1x128xi32, #tpu.memory_space<vmem>>) target_semaphore(%arg9 : memref<!tpu.dma_semaphore, #tpu.memory_space<semaphore_mem>>)
    } else {
    }
    %ge3A = arith.constant 4 : i32
    %ge3A_14 = arith.cmpi sge, %add3A, %ge3A : i32
    %convert_element_type3A_15 = arith.extui %ge3A_14 : i1 to i32
    %cond3A_16 = arith.constant 0 : i32
    %cond3A_17 = arith.cmpi ne, %convert_element_type3A_15, %cond3A_16 : i32
    scf.if %cond3A_17 {
      %dma_start3A_184 = arith.constant 78 : i32
      %dma_start3A_185 = arith.constant 0 : i32
      %dma_start3A_186 = tpu.memref_slice %arg5[%dma_start3A_184, %dma_start3A_185] : memref<82x128xi32, #tpu.memory_space<vmem>> -> memref<1x128xi32, #tpu.memory_space<vmem>>
      %dma_start3A_187 = arith.constant 0 : i32
      %dma_start3A_188 = arith.constant 0 : i32
      %dma_start3A_189 = tpu.memref_slice %arg3[%add3A, %dma_start3A_187, %dma_start3A_188] : memref<32x4x128xi32, #tpu.memory_space<hbm>> -> memref<1x4x128xi32, #tpu.memory_space<hbm>>
      %dma_start3A_190 = tpu.memref_squeeze %dma_start3A_189 : memref<1x4x128xi32, #tpu.memory_space<hbm>> -> memref<4x128xi32, #tpu.memory_space<hbm>>
      %dma_start3A_191 = arith.constant 0 : i32
      %dma_start3A_192 = arith.constant 0 : i32
      %dma_start3A_193 = tpu.memref_slice %dma_start3A_190[%dma_start3A_191, %dma_start3A_192] : memref<4x128xi32, #tpu.memory_space<hbm>> -> memref<1x128xi32, #tpu.memory_space<hbm>>
      %dma_start3A_194 = arith.constant 78 : i32
      %dma_start3A_195 = arith.constant 0 : i32
      %dma_start3A_196 = tpu.memref_slice %arg5[%dma_start3A_194, %dma_start3A_195] : memref<82x128xi32, #tpu.memory_space<vmem>> -> memref<1x128xi32, #tpu.memory_space<vmem>>
      %dma_start3A_197 = arith.constant 0 : i32
      %dma_start3A_198 = arith.constant 0 : i32
      %dma_start3A_199 = tpu.memref_slice %arg3[%add3A, %dma_start3A_197, %dma_start3A_198] : memref<32x4x128xi32, #tpu.memory_space<hbm>> -> memref<1x4x128xi32, #tpu.memory_space<hbm>>
      %dma_start3A_200 = tpu.memref_squeeze %dma_start3A_199 : memref<1x4x128xi32, #tpu.memory_space<hbm>> -> memref<4x128xi32, #tpu.memory_space<hbm>>
      %dma_start3A_201 = arith.constant 0 : i32
      %dma_start3A_202 = arith.constant 0 : i32
      %dma_start3A_203 = tpu.memref_slice %dma_start3A_200[%dma_start3A_201, %dma_start3A_202] : memref<4x128xi32, #tpu.memory_space<hbm>> -> memref<1x128xi32, #tpu.memory_space<hbm>>
      tpu.enqueue_dma source(%dma_start3A_203 : memref<1x128xi32, #tpu.memory_space<hbm>>) target(%dma_start3A_196 : memref<1x128xi32, #tpu.memory_space<vmem>>) target_semaphore(%arg9 : memref<!tpu.dma_semaphore, #tpu.memory_space<semaphore_mem>>)
    } else {
    }
    %dma_start3A_18 = arith.constant 79 : i32
    %dma_start3A_19 = arith.constant 0 : i32
    %dma_start3A_20 = tpu.memref_slice %arg5[%dma_start3A_18, %dma_start3A_19] : memref<82x128xi32, #tpu.memory_space<vmem>> -> memref<3x128xi32, #tpu.memory_space<vmem>>
    %dma_start3A_21 = arith.constant 0 : i32
    %dma_start3A_22 = arith.constant 0 : i32
    %dma_start3A_23 = tpu.memref_slice %arg3[%add3A, %dma_start3A_21, %dma_start3A_22] : memref<32x4x128xi32, #tpu.memory_space<hbm>> -> memref<1x4x128xi32, #tpu.memory_space<hbm>>
    %dma_start3A_24 = tpu.memref_squeeze %dma_start3A_23 : memref<1x4x128xi32, #tpu.memory_space<hbm>> -> memref<4x128xi32, #tpu.memory_space<hbm>>
    %dma_start3A_25 = arith.constant 1 : i32
    %dma_start3A_26 = arith.constant 0 : i32
    %dma_start3A_27 = tpu.memref_slice %dma_start3A_24[%dma_start3A_25, %dma_start3A_26] : memref<4x128xi32, #tpu.memory_space<hbm>> -> memref<3x128xi32, #tpu.memory_space<hbm>>
    %dma_start3A_28 = arith.constant 79 : i32
    %dma_start3A_29 = arith.constant 0 : i32
    %dma_start3A_30 = tpu.memref_slice %arg5[%dma_start3A_28, %dma_start3A_29] : memref<82x128xi32, #tpu.memory_space<vmem>> -> memref<3x128xi32, #tpu.memory_space<vmem>>
    %dma_start3A_31 = arith.constant 0 : i32
    %dma_start3A_32 = arith.constant 0 : i32
    %dma_start3A_33 = tpu.memref_slice %arg3[%add3A, %dma_start3A_31, %dma_start3A_32] : memref<32x4x128xi32, #tpu.memory_space<hbm>> -> memref<1x4x128xi32, #tpu.memory_space<hbm>>
    %dma_start3A_34 = tpu.memref_squeeze %dma_start3A_33 : memref<1x4x128xi32, #tpu.memory_space<hbm>> -> memref<4x128xi32, #tpu.memory_space<hbm>>
    %dma_start3A_35 = arith.constant 1 : i32
    %dma_start3A_36 = arith.constant 0 : i32
    %dma_start3A_37 = tpu.memref_slice %dma_start3A_34[%dma_start3A_35, %dma_start3A_36] : memref<4x128xi32, #tpu.memory_space<hbm>> -> memref<3x128xi32, #tpu.memory_space<hbm>>
    tpu.enqueue_dma source(%dma_start3A_37 : memref<3x128xi32, #tpu.memory_space<hbm>>) target(%dma_start3A_30 : memref<3x128xi32, #tpu.memory_space<vmem>>) target_semaphore(%arg9 : memref<!tpu.dma_semaphore, #tpu.memory_space<semaphore_mem>>)
    %scan3A = arith.constant 0 : i32
    %scan3A_38 = arith.constant 128 : i32
    %scan3A_39 = arith.addi %scan3A, %scan3A_38 : i32
    %scan3A_40 = arith.constant 1 : i32
    scf.for %scan3A_184 = %scan3A to %scan3A_39 step %scan3A_40  : i32 {
      %mul3A_185 = arith.constant 1 : i32
      %mul3A_186 = arith.muli %scan3A_184, %mul3A_185 : i32
      %add3A_187 = arith.constant 0 : i32
      %add3A_188 = arith.addi %add3A_187, %mul3A_186 : i32
      %broadcast_in_dim3A = arith.constant 0.000000e+00 : f32
      %broadcast_in_dim3A_189 = vector.broadcast %broadcast_in_dim3A : f32 to vector<1x16xf32>
      %swap3A = arith.index_cast %add3A_188 : i32 to index
      %swap3A_190 = arith.constant 0 : index
      %swap3A_191 = tpu.vector_load %arg7[%swap3A, %swap3A_190] {strides = array<i32>} : memref<128x16xf32, #tpu.memory_space<vmem>>, vector<1x16xf32>,
      %swap3A_192 = vector.shape_cast %swap3A_191 : vector<1x16xf32> to vector<1x16xf32>
      %swap3A_193 = vector.shape_cast %broadcast_in_dim3A_189 : vector<1x16xf32> to vector<1x16xf32>
      tpu.vector_store %arg7[%swap3A, %swap3A_190], %swap3A_193 {strides = array<i32>} : memref<128x16xf32, #tpu.memory_space<vmem>>, vector<1x16xf32>,
    }
    %scan3A_41 = arith.constant 128 : i32
    %mul3A_42 = arith.constant 672 : i32
    %mul3A_43 = arith.muli %arg1, %mul3A_42 : i32
    %add3A_44 = arith.constant 0 : i32
    %add3A_45 = arith.addi %mul3A_43, %add3A_44 : i32
    %dma_start3A_46 = arith.constant 0 : i32
    %dma_start3A_47 = tpu.memref_slice %arg8[%add3A_45, %dma_start3A_46] : memref<10752x16xf32, #tpu.memory_space<vmem_shared>> -> memref<128x16xf32, #tpu.memory_space<vmem_shared>>
    %dma_start3A_48 = arith.constant 0 : i32
    %dma_start3A_49 = tpu.memref_slice %arg8[%add3A_45, %dma_start3A_48] : memref<10752x16xf32, #tpu.memory_space<vmem_shared>> -> memref<128x16xf32, #tpu.memory_space<vmem_shared>>
    tpu.enqueue_dma source(%arg7 : memref<128x16xf32, #tpu.memory_space<vmem>>) target(%dma_start3A_49 : memref<128x16xf32, #tpu.memory_space<vmem_shared>>) target_semaphore(%arg9 : memref<!tpu.dma_semaphore, #tpu.memory_space<semaphore_mem>>)
    %add3A_50 = arith.constant 128 : i32
    %add3A_51 = arith.addi %mul3A_43, %add3A_50 : i32
    %dma_start3A_52 = arith.constant 0 : i32
    %dma_start3A_53 = tpu.memref_slice %arg8[%add3A_51, %dma_start3A_52] : memref<10752x16xf32, #tpu.memory_space<vmem_shared>> -> memref<128x16xf32, #tpu.memory_space<vmem_shared>>
    %dma_start3A_54 = arith.constant 0 : i32
    %dma_start3A_55 = tpu.memref_slice %arg8[%add3A_51, %dma_start3A_54] : memref<10752x16xf32, #tpu.memory_space<vmem_shared>> -> memref<128x16xf32, #tpu.memory_space<vmem_shared>>
    tpu.enqueue_dma source(%arg7 : memref<128x16xf32, #tpu.memory_space<vmem>>) target(%dma_start3A_55 : memref<128x16xf32, #tpu.memory_space<vmem_shared>>) target_semaphore(%arg9 : memref<!tpu.dma_semaphore, #tpu.memory_space<semaphore_mem>>)
    %add3A_56 = arith.constant 256 : i32
    %add3A_57 = arith.addi %mul3A_43, %add3A_56 : i32
    %dma_start3A_58 = arith.constant 0 : i32
    %dma_start3A_59 = tpu.memref_slice %arg8[%add3A_57, %dma_start3A_58] : memref<10752x16xf32, #tpu.memory_space<vmem_shared>> -> memref<128x16xf32, #tpu.memory_space<vmem_shared>>
    %dma_start3A_60 = arith.constant 0 : i32
    %dma_start3A_61 = tpu.memref_slice %arg8[%add3A_57, %dma_start3A_60] : memref<10752x16xf32, #tpu.memory_space<vmem_shared>> -> memref<128x16xf32, #tpu.memory_space<vmem_shared>>
    tpu.enqueue_dma source(%arg7 : memref<128x16xf32, #tpu.memory_space<vmem>>) target(%dma_start3A_61 : memref<128x16xf32, #tpu.memory_space<vmem_shared>>) target_semaphore(%arg9 : memref<!tpu.dma_semaphore, #tpu.memory_space<semaphore_mem>>)
    %add3A_62 = arith.constant 384 : i32
    %add3A_63 = arith.addi %mul3A_43, %add3A_62 : i32
    %dma_start3A_64 = arith.constant 0 : i32
    %dma_start3A_65 = tpu.memref_slice %arg8[%add3A_63, %dma_start3A_64] : memref<10752x16xf32, #tpu.memory_space<vmem_shared>> -> memref<128x16xf32, #tpu.memory_space<vmem_shared>>
    %dma_start3A_66 = arith.constant 0 : i32
    %dma_start3A_67 = tpu.memref_slice %arg8[%add3A_63, %dma_start3A_66] : memref<10752x16xf32, #tpu.memory_space<vmem_shared>> -> memref<128x16xf32, #tpu.memory_space<vmem_shared>>
    tpu.enqueue_dma source(%arg7 : memref<128x16xf32, #tpu.memory_space<vmem>>) target(%dma_start3A_67 : memref<128x16xf32, #tpu.memory_space<vmem_shared>>) target_semaphore(%arg9 : memref<!tpu.dma_semaphore, #tpu.memory_space<semaphore_mem>>)
    %add3A_68 = arith.constant 512 : i32
    %add3A_69 = arith.addi %mul3A_43, %add3A_68 : i32
    %dma_start3A_70 = arith.constant 0 : i32
    %dma_start3A_71 = tpu.memref_slice %arg8[%add3A_69, %dma_start3A_70] : memref<10752x16xf32, #tpu.memory_space<vmem_shared>> -> memref<128x16xf32, #tpu.memory_space<vmem_shared>>
    %dma_start3A_72 = arith.constant 0 : i32
    %dma_start3A_73 = tpu.memref_slice %arg8[%add3A_69, %dma_start3A_72] : memref<10752x16xf32, #tpu.memory_space<vmem_shared>> -> memref<128x16xf32, #tpu.memory_space<vmem_shared>>
    tpu.enqueue_dma source(%arg7 : memref<128x16xf32, #tpu.memory_space<vmem>>) target(%dma_start3A_73 : memref<128x16xf32, #tpu.memory_space<vmem_shared>>) target_semaphore(%arg9 : memref<!tpu.dma_semaphore, #tpu.memory_space<semaphore_mem>>)
    %add3A_74 = arith.constant 640 : i32
    %add3A_75 = arith.addi %mul3A_43, %add3A_74 : i32
    %dma_start3A_76 = arith.constant 0 : i32
    %dma_start3A_77 = arith.constant 0 : i32
    %dma_start3A_78 = tpu.memref_slice %arg7[%dma_start3A_76, %dma_start3A_77] : memref<128x16xf32, #tpu.memory_space<vmem>> -> memref<32x16xf32, #tpu.memory_space<vmem>>
    %dma_start3A_79 = arith.constant 0 : i32
    %dma_start3A_80 = tpu.memref_slice %arg8[%add3A_75, %dma_start3A_79] : memref<10752x16xf32, #tpu.memory_space<vmem_shared>> -> memref<32x16xf32, #tpu.memory_space<vmem_shared>>
    %dma_start3A_81 = arith.constant 0 : i32
    %dma_start3A_82 = tpu.memref_slice %arg8[%add3A_75, %dma_start3A_81] : memref<10752x16xf32, #tpu.memory_space<vmem_shared>> -> memref<32x16xf32, #tpu.memory_space<vmem_shared>>
    %dma_start3A_83 = arith.constant 0 : i32
    %dma_start3A_84 = arith.constant 0 : i32
    %dma_start3A_85 = tpu.memref_slice %arg7[%dma_start3A_83, %dma_start3A_84] : memref<128x16xf32, #tpu.memory_space<vmem>> -> memref<32x16xf32, #tpu.memory_space<vmem>>
    tpu.enqueue_dma source(%dma_start3A_85 : memref<32x16xf32, #tpu.memory_space<vmem>>) target(%dma_start3A_82 : memref<32x16xf32, #tpu.memory_space<vmem_shared>>) target_semaphore(%arg9 : memref<!tpu.dma_semaphore, #tpu.memory_space<semaphore_mem>>)
    %scan3A_86 = arith.constant 0 : i32
    %scan3A_87 = arith.constant 128 : i32
    %scan3A_88 = arith.addi %scan3A_86, %scan3A_87 : i32
    %scan3A_89 = arith.constant 1 : i32
    scf.for %scan3A_184 = %scan3A_86 to %scan3A_88 step %scan3A_89  : i32 {
      %mul3A_185 = arith.constant 1 : i32
      %mul3A_186 = arith.muli %scan3A_184, %mul3A_185 : i32
      %add3A_187 = arith.constant 0 : i32
      %add3A_188 = arith.addi %add3A_187, %mul3A_186 : i32
      %broadcast_in_dim3A = arith.constant 1.000000e+00 : f32
      %broadcast_in_dim3A_189 = vector.broadcast %broadcast_in_dim3A : f32 to vector<1x16xf32>
      %swap3A = arith.index_cast %add3A_188 : i32 to index
      %swap3A_190 = arith.constant 0 : index
      %swap3A_191 = tpu.vector_load %arg6[%swap3A, %swap3A_190] {strides = array<i32>} : memref<128x16xf32, #tpu.memory_space<vmem>>, vector<1x16xf32>,
      %swap3A_192 = vector.shape_cast %swap3A_191 : vector<1x16xf32> to vector<1x16xf32>
      %swap3A_193 = vector.shape_cast %broadcast_in_dim3A_189 : vector<1x16xf32> to vector<1x16xf32>
      tpu.vector_store %arg6[%swap3A, %swap3A_190], %swap3A_193 {strides = array<i32>} : memref<128x16xf32, #tpu.memory_space<vmem>>, vector<1x16xf32>,
    }
    %scan3A_90 = arith.constant 128 : i32
    %dma_wait3A = arith.constant 0 : i32
    %dma_wait3A_91 = arith.constant 0 : i32
    %dma_wait3A_92 = tpu.memref_slice %arg5[%dma_wait3A, %dma_wait3A_91] : memref<82x128xi32, #tpu.memory_space<vmem>> -> memref<78x128xi32, #tpu.memory_space<vmem>>
    %dma_wait3A_93 = arith.constant 0 : i32
    %dma_wait3A_94 = arith.constant 0 : i32
    %dma_wait3A_95 = tpu.memref_slice %arg2[%dma_wait3A_93, %dma_wait3A_94] : memref<2500x128xi32, #tpu.memory_space<hbm>> -> memref<78x128xi32, #tpu.memory_space<hbm>>
    %dma_wait3A_96 = arith.constant 0 : i32
    %dma_wait3A_97 = arith.constant 0 : i32
    %dma_wait3A_98 = tpu.memref_slice %arg5[%dma_wait3A_96, %dma_wait3A_97] : memref<82x128xi32, #tpu.memory_space<vmem>> -> memref<78x128xi32, #tpu.memory_space<vmem>>
    %dma_wait3A_99 = arith.constant 0 : i32
    %dma_wait3A_100 = arith.constant 0 : i32
    %dma_wait3A_101 = tpu.memref_slice %arg2[%dma_wait3A_99, %dma_wait3A_100] : memref<2500x128xi32, #tpu.memory_space<hbm>> -> memref<78x128xi32, #tpu.memory_space<hbm>>
    tpu.wait_dma2 semaphore(%arg9 : memref<!tpu.dma_semaphore, #tpu.memory_space<semaphore_mem>>) src(%dma_wait3A_101 : memref<78x128xi32, #tpu.memory_space<hbm>>) dst(%dma_wait3A_98 : memref<78x128xi32, #tpu.memory_space<vmem>>)
    %dma_wait3A_102 = arith.constant 0 : i32
    %dma_wait3A_103 = arith.constant 78 : i32
    %dma_wait3A_104 = arith.constant 0 : i32
    %dma_wait3A_105 = tpu.memref_slice %arg5[%dma_wait3A_103, %dma_wait3A_104] : memref<82x128xi32, #tpu.memory_space<vmem>> -> memref<1x128xi32, #tpu.memory_space<vmem>>
    %dma_wait3A_106 = arith.constant 0 : i32
    %dma_wait3A_107 = arith.constant 0 : i32
    %dma_wait3A_108 = tpu.memref_slice %arg3[%dma_wait3A_102, %dma_wait3A_106, %dma_wait3A_107] : memref<32x4x128xi32, #tpu.memory_space<hbm>> -> memref<1x4x128xi32, #tpu.memory_space<hbm>>
    %dma_wait3A_109 = tpu.memref_squeeze %dma_wait3A_108 : memref<1x4x128xi32, #tpu.memory_space<hbm>> -> memref<4x128xi32, #tpu.memory_space<hbm>>
    %dma_wait3A_110 = arith.constant 0 : i32
    %dma_wait3A_111 = arith.constant 0 : i32
    %dma_wait3A_112 = tpu.memref_slice %dma_wait3A_109[%dma_wait3A_110, %dma_wait3A_111] : memref<4x128xi32, #tpu.memory_space<hbm>> -> memref<1x128xi32, #tpu.memory_space<hbm>>
    %dma_wait3A_113 = arith.constant 78 : i32
    %dma_wait3A_114 = arith.constant 0 : i32
    %dma_wait3A_115 = tpu.memref_slice %arg5[%dma_wait3A_113, %dma_wait3A_114] : memref<82x128xi32, #tpu.memory_space<vmem>> -> memref<1x128xi32, #tpu.memory_space<vmem>>
    %dma_wait3A_116 = arith.constant 0 : i32
    %dma_wait3A_117 = arith.constant 0 : i32
    %dma_wait3A_118 = tpu.memref_slice %arg3[%dma_wait3A_102, %dma_wait3A_116, %dma_wait3A_117] : memref<32x4x128xi32, #tpu.memory_space<hbm>> -> memref<1x4x128xi32, #tpu.memory_space<hbm>>
    %dma_wait3A_119 = tpu.memref_squeeze %dma_wait3A_118 : memref<1x4x128xi32, #tpu.memory_space<hbm>> -> memref<4x128xi32, #tpu.memory_space<hbm>>
    %dma_wait3A_120 = arith.constant 0 : i32
    %dma_wait3A_121 = arith.constant 0 : i32
    %dma_wait3A_122 = tpu.memref_slice %dma_wait3A_119[%dma_wait3A_120, %dma_wait3A_121] : memref<4x128xi32, #tpu.memory_space<hbm>> -> memref<1x128xi32, #tpu.memory_space<hbm>>
    tpu.wait_dma2 semaphore(%arg9 : memref<!tpu.dma_semaphore, #tpu.memory_space<semaphore_mem>>) src(%dma_wait3A_122 : memref<1x128xi32, #tpu.memory_space<hbm>>) dst(%dma_wait3A_115 : memref<1x128xi32, #tpu.memory_space<vmem>>)
    %dma_wait3A_123 = arith.constant 0 : i32
    %dma_wait3A_124 = arith.constant 79 : i32
    %dma_wait3A_125 = arith.constant 0 : i32
    %dma_wait3A_126 = tpu.memref_slice %arg5[%dma_wait3A_124, %dma_wait3A_125] : memref<82x128xi32, #tpu.memory_space<vmem>> -> memref<3x128xi32, #tpu.memory_space<vmem>>
    %dma_wait3A_127 = arith.constant 0 : i32
    %dma_wait3A_128 = arith.constant 0 : i32
    %dma_wait3A_129 = tpu.memref_slice %arg3[%dma_wait3A_123, %dma_wait3A_127, %dma_wait3A_128] : memref<32x4x128xi32, #tpu.memory_space<hbm>> -> memref<1x4x128xi32, #tpu.memory_space<hbm>>
    %dma_wait3A_130 = tpu.memref_squeeze %dma_wait3A_129 : memref<1x4x128xi32, #tpu.memory_space<hbm>> -> memref<4x128xi32, #tpu.memory_space<hbm>>
    %dma_wait3A_131 = arith.constant 1 : i32
    %dma_wait3A_132 = arith.constant 0 : i32
    %dma_wait3A_133 = tpu.memref_slice %dma_wait3A_130[%dma_wait3A_131, %dma_wait3A_132] : memref<4x128xi32, #tpu.memory_space<hbm>> -> memref<3x128xi32, #tpu.memory_space<hbm>>
    %dma_wait3A_134 = arith.constant 79 : i32
    %dma_wait3A_135 = arith.constant 0 : i32
    %dma_wait3A_136 = tpu.memref_slice %arg5[%dma_wait3A_134, %dma_wait3A_135] : memref<82x128xi32, #tpu.memory_space<vmem>> -> memref<3x128xi32, #tpu.memory_space<vmem>>
    %dma_wait3A_137 = arith.constant 0 : i32
    %dma_wait3A_138 = arith.constant 0 : i32
    %dma_wait3A_139 = tpu.memref_slice %arg3[%dma_wait3A_123, %dma_wait3A_137, %dma_wait3A_138] : memref<32x4x128xi32, #tpu.memory_space<hbm>> -> memref<1x4x128xi32, #tpu.memory_space<hbm>>
    %dma_wait3A_140 = tpu.memref_squeeze %dma_wait3A_139 : memref<1x4x128xi32, #tpu.memory_space<hbm>> -> memref<4x128xi32, #tpu.memory_space<hbm>>
    %dma_wait3A_141 = arith.constant 1 : i32
    %dma_wait3A_142 = arith.constant 0 : i32
    %dma_wait3A_143 = tpu.memref_slice %dma_wait3A_140[%dma_wait3A_141, %dma_wait3A_142] : memref<4x128xi32, #tpu.memory_space<hbm>> -> memref<3x128xi32, #tpu.memory_space<hbm>>
    tpu.wait_dma2 semaphore(%arg9 : memref<!tpu.dma_semaphore, #tpu.memory_space<semaphore_mem>>) src(%dma_wait3A_143 : memref<3x128xi32, #tpu.memory_space<hbm>>) dst(%dma_wait3A_136 : memref<3x128xi32, #tpu.memory_space<vmem>>)
    %dma_wait3A_144 = arith.constant 0 : i32
    %dma_wait3A_145 = tpu.memref_slice %arg8[%add3A_45, %dma_wait3A_144] : memref<10752x16xf32, #tpu.memory_space<vmem_shared>> -> memref<128x16xf32, #tpu.memory_space<vmem_shared>>
    %dma_wait3A_146 = arith.constant 0 : i32
    %dma_wait3A_147 = tpu.memref_slice %arg8[%add3A_45, %dma_wait3A_146] : memref<10752x16xf32, #tpu.memory_space<vmem_shared>> -> memref<128x16xf32, #tpu.memory_space<vmem_shared>>
    tpu.wait_dma2 semaphore(%arg9 : memref<!tpu.dma_semaphore, #tpu.memory_space<semaphore_mem>>) src(%arg7 : memref<128x16xf32, #tpu.memory_space<vmem>>) dst(%dma_wait3A_147 : memref<128x16xf32, #tpu.memory_space<vmem_shared>>)
    %dma_wait3A_148 = arith.constant 0 : i32
    %dma_wait3A_149 = tpu.memref_slice %arg8[%add3A_51, %dma_wait3A_148] : memref<10752x16xf32, #tpu.memory_space<vmem_shared>> -> memref<128x16xf32, #tpu.memory_space<vmem_shared>>
    %dma_wait3A_150 = arith.constant 0 : i32
    %dma_wait3A_151 = tpu.memref_slice %arg8[%add3A_51, %dma_wait3A_150] : memref<10752x16xf32, #tpu.memory_space<vmem_shared>> -> memref<128x16xf32, #tpu.memory_space<vmem_shared>>
    tpu.wait_dma2 semaphore(%arg9 : memref<!tpu.dma_semaphore, #tpu.memory_space<semaphore_mem>>) src(%arg7 : memref<128x16xf32, #tpu.memory_space<vmem>>) dst(%dma_wait3A_151 : memref<128x16xf32, #tpu.memory_space<vmem_shared>>)
    %dma_wait3A_152 = arith.constant 0 : i32
    %dma_wait3A_153 = tpu.memref_slice %arg8[%add3A_57, %dma_wait3A_152] : memref<10752x16xf32, #tpu.memory_space<vmem_shared>> -> memref<128x16xf32, #tpu.memory_space<vmem_shared>>
    %dma_wait3A_154 = arith.constant 0 : i32
    %dma_wait3A_155 = tpu.memref_slice %arg8[%add3A_57, %dma_wait3A_154] : memref<10752x16xf32, #tpu.memory_space<vmem_shared>> -> memref<128x16xf32, #tpu.memory_space<vmem_shared>>
    tpu.wait_dma2 semaphore(%arg9 : memref<!tpu.dma_semaphore, #tpu.memory_space<semaphore_mem>>) src(%arg7 : memref<128x16xf32, #tpu.memory_space<vmem>>) dst(%dma_wait3A_155 : memref<128x16xf32, #tpu.memory_space<vmem_shared>>)
    %dma_wait3A_156 = arith.constant 0 : i32
    %dma_wait3A_157 = tpu.memref_slice %arg8[%add3A_63, %dma_wait3A_156] : memref<10752x16xf32, #tpu.memory_space<vmem_shared>> -> memref<128x16xf32, #tpu.memory_space<vmem_shared>>
    %dma_wait3A_158 = arith.constant 0 : i32
    %dma_wait3A_159 = tpu.memref_slice %arg8[%add3A_63, %dma_wait3A_158] : memref<10752x16xf32, #tpu.memory_space<vmem_shared>> -> memref<128x16xf32, #tpu.memory_space<vmem_shared>>
    tpu.wait_dma2 semaphore(%arg9 : memref<!tpu.dma_semaphore, #tpu.memory_space<semaphore_mem>>) src(%arg7 : memref<128x16xf32, #tpu.memory_space<vmem>>) dst(%dma_wait3A_159 : memref<128x16xf32, #tpu.memory_space<vmem_shared>>)
    %dma_wait3A_160 = arith.constant 0 : i32
    %dma_wait3A_161 = tpu.memref_slice %arg8[%add3A_69, %dma_wait3A_160] : memref<10752x16xf32, #tpu.memory_space<vmem_shared>> -> memref<128x16xf32, #tpu.memory_space<vmem_shared>>
    %dma_wait3A_162 = arith.constant 0 : i32
    %dma_wait3A_163 = tpu.memref_slice %arg8[%add3A_69, %dma_wait3A_162] : memref<10752x16xf32, #tpu.memory_space<vmem_shared>> -> memref<128x16xf32, #tpu.memory_space<vmem_shared>>
    tpu.wait_dma2 semaphore(%arg9 : memref<!tpu.dma_semaphore, #tpu.memory_space<semaphore_mem>>) src(%arg7 : memref<128x16xf32, #tpu.memory_space<vmem>>) dst(%dma_wait3A_163 : memref<128x16xf32, #tpu.memory_space<vmem_shared>>)
    %dma_wait3A_164 = arith.constant 0 : i32
    %dma_wait3A_165 = arith.constant 0 : i32
    %dma_wait3A_166 = tpu.memref_slice %arg7[%dma_wait3A_164, %dma_wait3A_165] : memref<128x16xf32, #tpu.memory_space<vmem>> -> memref<32x16xf32, #tpu.memory_space<vmem>>
    %dma_wait3A_167 = arith.constant 0 : i32
    %dma_wait3A_168 = tpu.memref_slice %arg8[%add3A_75, %dma_wait3A_167] : memref<10752x16xf32, #tpu.memory_space<vmem_shared>> -> memref<32x16xf32, #tpu.memory_space<vmem_shared>>
    %dma_wait3A_169 = arith.constant 0 : i32
    %dma_wait3A_170 = tpu.memref_slice %arg8[%add3A_75, %dma_wait3A_169] : memref<10752x16xf32, #tpu.memory_space<vmem_shared>> -> memref<32x16xf32, #tpu.memory_space<vmem_shared>>
    %dma_wait3A_171 = arith.constant 0 : i32
    %dma_wait3A_172 = arith.constant 0 : i32
    %dma_wait3A_173 = tpu.memref_slice %arg7[%dma_wait3A_171, %dma_wait3A_172] : memref<128x16xf32, #tpu.memory_space<vmem>> -> memref<32x16xf32, #tpu.memory_space<vmem>>
    tpu.wait_dma2 semaphore(%arg9 : memref<!tpu.dma_semaphore, #tpu.memory_space<semaphore_mem>>) src(%dma_wait3A_173 : memref<32x16xf32, #tpu.memory_space<vmem>>) dst(%dma_wait3A_170 : memref<32x16xf32, #tpu.memory_space<vmem_shared>>)
    %barrier3A = arith.constant 0 : index
    tpu.barrier barrier_id(%barrier3A)
    %scan3A_174 = arith.constant 0 : i32
    %scan3A_175 = arith.constant 80 : i32
    %scan3A_176 = arith.addi %scan3A_174, %scan3A_175 : i32
    %scan3A_177 = arith.constant 1 : i32
    scf.for %scan3A_184 = %scan3A_174 to %scan3A_176 step %scan3A_177  : i32 {
      %mul3A_185 = arith.constant 1 : i32
      %mul3A_186 = arith.muli %scan3A_184, %mul3A_185 : i32
      %add3A_187 = arith.constant 0 : i32
      %add3A_188 = arith.addi %add3A_187, %mul3A_186 : i32
      "tpu.region"() ({
        %run_scoped3A = tpu.sem_alloc : memref<!tpu.dma_semaphore, #tpu.memory_space<semaphore_mem>>
        %dma_start3A_189 = arith.constant 0 : i32
        %dma_start3A_190 = tpu.memref_slice %arg5[%add3A_188, %dma_start3A_189] : memref<82x128xi32, #tpu.memory_space<vmem>> -> memref<1x128xi32, #tpu.memory_space<vmem>>
        %dma_start3A_191 = tpu.memref_squeeze %dma_start3A_190 : memref<1x128xi32, #tpu.memory_space<vmem>> -> memref<128xi32, #tpu.memory_space<vmem>>
        %dma_start3A_192 = arith.constant 0 : i32
        %dma_start3A_193 = arith.constant 0 : i32
        %dma_start3A_194 = tpu.memref_slice %arg8[%dma_start3A_192, %dma_start3A_193] : memref<10752x16xf32, #tpu.memory_space<vmem_shared>> -> memref<10752x16xf32, #tpu.memory_space<vmem_shared>>
        tpu.enqueue_indirect_dma source(%arg6 : memref<128x16xf32, #tpu.memory_space<vmem>>) target(%dma_start3A_194 : memref<10752x16xf32, #tpu.memory_space<vmem_shared>>) offsets(%dma_start3A_191 : memref<128xi32, #tpu.memory_space<vmem>>) semaphore(%run_scoped3A : memref<!tpu.dma_semaphore, #tpu.memory_space<semaphore_mem>>) {add = true}
        %dma_wait3A_195 = arith.constant 0 : i32
        %dma_wait3A_196 = tpu.memref_slice %arg5[%add3A_188, %dma_wait3A_195] : memref<82x128xi32, #tpu.memory_space<vmem>> -> memref<1x128xi32, #tpu.memory_space<vmem>>
        %dma_wait3A_197 = tpu.memref_squeeze %dma_wait3A_196 : memref<1x128xi32, #tpu.memory_space<vmem>> -> memref<128xi32, #tpu.memory_space<vmem>>
        %dma_wait3A_198 = arith.constant 0 : i32
        %dma_wait3A_199 = arith.constant 0 : i32
        %dma_wait3A_200 = tpu.memref_slice %arg8[%dma_wait3A_198, %dma_wait3A_199] : memref<10752x16xf32, #tpu.memory_space<vmem_shared>> -> memref<10752x16xf32, #tpu.memory_space<vmem_shared>>
        tpu.wait_indirect_dma semaphore(%run_scoped3A : memref<!tpu.dma_semaphore, #tpu.memory_space<semaphore_mem>>) src(%arg6 : memref<128x16xf32, #tpu.memory_space<vmem>>) dst(%dma_wait3A_200 : memref<10752x16xf32, #tpu.memory_space<vmem_shared>>)
        tpu.yield
      }) : () -> ()
    }
    %scan3A_178 = arith.constant 80 : i32
    %barrier3A_179 = arith.constant 0 : index
    tpu.barrier barrier_id(%barrier3A_179)
    %mul3A_180 = arith.constant 672 : i32
    %mul3A_181 = arith.muli %arg1, %mul3A_180 : i32
    %mul3A_182 = arith.constant 672 : i32
    %mul3A_183 = arith.muli %arg1, %mul3A_182 : i32
    "tpu.region"() ({
      %run_scoped3A = tpu.sem_alloc : memref<!tpu.dma_semaphore, #tpu.memory_space<semaphore_mem>>
      %dma_start3A_184 = arith.constant 0 : i32
      %dma_start3A_185 = arith.constant 0 : i32
      %dma_start3A_186 = tpu.memref_slice %arg4[%arg0, %dma_start3A_184, %dma_start3A_185] : memref<2x10752x128xf32, #tpu.memory_space<hbm>> -> memref<1x10752x128xf32, #tpu.memory_space<hbm>>
      %dma_start3A_187 = tpu.memref_squeeze %dma_start3A_186 : memref<1x10752x128xf32, #tpu.memory_space<hbm>> -> memref<10752x128xf32, #tpu.memory_space<hbm>>
      %dma_start3A_188 = arith.constant 0 : i32
      %dma_start3A_189 = tpu.memref_slice %dma_start3A_187[%mul3A_183, %dma_start3A_188] : memref<10752x128xf32, #tpu.memory_space<hbm>> -> memref<672x16xf32, #tpu.memory_space<hbm>>
      %dma_start3A_190 = arith.constant 0 : i32
      %dma_start3A_191 = tpu.memref_slice %arg8[%mul3A_181, %dma_start3A_190] : memref<10752x16xf32, #tpu.memory_space<vmem_shared>> -> memref<672x16xf32, #tpu.memory_space<vmem_shared>>
      tpu.enqueue_dma source(%dma_start3A_191 : memref<672x16xf32, #tpu.memory_space<vmem_shared>>) target(%dma_start3A_189 : memref<672x16xf32, #tpu.memory_space<hbm>>) target_semaphore(%run_scoped3A : memref<!tpu.dma_semaphore, #tpu.memory_space<semaphore_mem>>)
      %dma_wait3A_192 = arith.constant 0 : i32
      %dma_wait3A_193 = arith.constant 0 : i32
      %dma_wait3A_194 = tpu.memref_slice %arg4[%arg0, %dma_wait3A_192, %dma_wait3A_193] : memref<2x10752x128xf32, #tpu.memory_space<hbm>> -> memref<1x10752x128xf32, #tpu.memory_space<hbm>>
      %dma_wait3A_195 = tpu.memref_squeeze %dma_wait3A_194 : memref<1x10752x128xf32, #tpu.memory_space<hbm>> -> memref<10752x128xf32, #tpu.memory_space<hbm>>
      %dma_wait3A_196 = arith.constant 0 : i32
      %dma_wait3A_197 = tpu.memref_slice %dma_wait3A_195[%mul3A_183, %dma_wait3A_196] : memref<10752x128xf32, #tpu.memory_space<hbm>> -> memref<672x16xf32, #tpu.memory_space<hbm>>
      %dma_wait3A_198 = arith.constant 0 : i32
      %dma_wait3A_199 = tpu.memref_slice %arg8[%mul3A_181, %dma_wait3A_198] : memref<10752x16xf32, #tpu.memory_space<vmem_shared>> -> memref<672x16xf32, #tpu.memory_space<vmem_shared>>
      tpu.wait_dma2 semaphore(%run_scoped3A : memref<!tpu.dma_semaphore, #tpu.memory_space<semaphore_mem>>) src(%dma_wait3A_199 : memref<672x16xf32, #tpu.memory_space<vmem_shared>>) dst(%dma_wait3A_197 : memref<672x16xf32, #tpu.memory_space<hbm>>)
      tpu.yield
    }) : () -> ()
    return
  }
}

#map = affine_map<(d0, d1) -> (0, 0)>
#map1 = affine_map<(d0, d1) -> (0, 0, 0)>
module attributes {stable_mosaic.version = 14 : i64} {
  func.func @agg(%arg0: i32, %arg1: i32, %arg2: memref<10752x64xf32, #tpu.memory_space<hbm>>, %arg3: memref<2500x128xi32, #tpu.memory_space<hbm>>, %arg4: memref<2500x128xi32, #tpu.memory_space<hbm>>, %arg5: memref<32x4x128xi32, #tpu.memory_space<hbm>>, %arg6: memref<10752x128xf32, #tpu.memory_space<hbm>>, %arg7: memref<82x128xi32, #tpu.memory_space<vmem>>, %arg8: memref<82x128xi32, #tpu.memory_space<vmem>>, %arg9: memref<4x128x64xf32, #tpu.memory_space<vmem>>, %arg10: memref<10752x64xf32, #tpu.memory_space<vmem_shared>>, %arg11: memref<!tpu.dma_semaphore, #tpu.memory_space<semaphore_mem>>, %arg12: memref<!tpu.dma_semaphore, #tpu.memory_space<semaphore_mem>>, %arg13: memref<!tpu.dma_semaphore, #tpu.memory_space<semaphore_mem>>, %arg14: memref<!tpu.dma_semaphore, #tpu.memory_space<semaphore_mem>>, %arg15: memref<!tpu.dma_semaphore, #tpu.memory_space<semaphore_mem>>, %arg16: memref<!tpu.dma_semaphore, #tpu.memory_space<semaphore_mem>>, %arg17: memref<!tpu.dma_semaphore, #tpu.memory_space<semaphore_mem>>, %arg18: memref<!tpu.dma_semaphore, #tpu.memory_space<semaphore_mem>>) attributes {dimension_semantics = [#tpu.dimension_semantics<core_parallel>, #tpu.dimension_semantics<subcore_parallel>], iteration_bounds = array<i64: 2, 16>, scalar_prefetch = 0 : i64, scratch_operands = 12 : i64, tpu.core_type = #tpu.core_type<sc_vector_subcore>, window_params = [{transform_indices = #map}, {transform_indices = #map}, {transform_indices = #map}, {transform_indices = #map1}, {transform_indices = #map}]} {
    %mul3A = arith.constant 16 : i32
    %mul3A_0 = arith.muli %arg0, %mul3A : i32
    %add3A = arith.addi %mul3A_0, %arg1 : i32
    %mul3A_1 = arith.constant 78 : i32
    %mul3A_2 = arith.muli %add3A, %mul3A_1 : i32
    %dma_start3A = arith.constant 0 : i32
    %dma_start3A_3 = arith.constant 0 : i32
    %dma_start3A_4 = tpu.memref_slice %arg7[%dma_start3A, %dma_start3A_3] : memref<82x128xi32, #tpu.memory_space<vmem>> -> memref<78x128xi32, #tpu.memory_space<vmem>>
    %dma_start3A_5 = arith.constant 0 : i32
    %dma_start3A_6 = tpu.memref_slice %arg3[%mul3A_2, %dma_start3A_5] : memref<2500x128xi32, #tpu.memory_space<hbm>> -> memref<78x128xi32, #tpu.memory_space<hbm>>
    %dma_start3A_7 = arith.constant 0 : i32
    %dma_start3A_8 = arith.constant 0 : i32
    %dma_start3A_9 = tpu.memref_slice %arg7[%dma_start3A_7, %dma_start3A_8] : memref<82x128xi32, #tpu.memory_space<vmem>> -> memref<78x128xi32, #tpu.memory_space<vmem>>
    %dma_start3A_10 = arith.constant 0 : i32
    %dma_start3A_11 = tpu.memref_slice %arg3[%mul3A_2, %dma_start3A_10] : memref<2500x128xi32, #tpu.memory_space<hbm>> -> memref<78x128xi32, #tpu.memory_space<hbm>>
    tpu.enqueue_dma source(%dma_start3A_11 : memref<78x128xi32, #tpu.memory_space<hbm>>) target(%dma_start3A_9 : memref<78x128xi32, #tpu.memory_space<vmem>>) target_semaphore(%arg12 : memref<!tpu.dma_semaphore, #tpu.memory_space<semaphore_mem>>)
    %lt3A = arith.constant 4 : i32
    %lt3A_12 = arith.cmpi slt, %add3A, %lt3A : i32
    %convert_element_type3A = arith.extui %lt3A_12 : i1 to i32
    %cond3A = arith.constant 0 : i32
    %cond3A_13 = arith.cmpi ne, %convert_element_type3A, %cond3A : i32
    scf.if %cond3A_13 {
      %add3A_626 = arith.constant 2496 : i32
      %add3A_627 = arith.addi %add3A_626, %add3A : i32
      %dma_start3A_628 = arith.constant 78 : i32
      %dma_start3A_629 = arith.constant 0 : i32
      %dma_start3A_630 = tpu.memref_slice %arg7[%dma_start3A_628, %dma_start3A_629] : memref<82x128xi32, #tpu.memory_space<vmem>> -> memref<1x128xi32, #tpu.memory_space<vmem>>
      %dma_start3A_631 = arith.constant 0 : i32
      %dma_start3A_632 = tpu.memref_slice %arg3[%add3A_627, %dma_start3A_631] : memref<2500x128xi32, #tpu.memory_space<hbm>> -> memref<1x128xi32, #tpu.memory_space<hbm>>
      %dma_start3A_633 = arith.constant 78 : i32
      %dma_start3A_634 = arith.constant 0 : i32
      %dma_start3A_635 = tpu.memref_slice %arg7[%dma_start3A_633, %dma_start3A_634] : memref<82x128xi32, #tpu.memory_space<vmem>> -> memref<1x128xi32, #tpu.memory_space<vmem>>
      %dma_start3A_636 = arith.constant 0 : i32
      %dma_start3A_637 = tpu.memref_slice %arg3[%add3A_627, %dma_start3A_636] : memref<2500x128xi32, #tpu.memory_space<hbm>> -> memref<1x128xi32, #tpu.memory_space<hbm>>
      tpu.enqueue_dma source(%dma_start3A_637 : memref<1x128xi32, #tpu.memory_space<hbm>>) target(%dma_start3A_635 : memref<1x128xi32, #tpu.memory_space<vmem>>) target_semaphore(%arg12 : memref<!tpu.dma_semaphore, #tpu.memory_space<semaphore_mem>>)
    } else {
    }
    %ge3A = arith.constant 4 : i32
    %ge3A_14 = arith.cmpi sge, %add3A, %ge3A : i32
    %convert_element_type3A_15 = arith.extui %ge3A_14 : i1 to i32
    %cond3A_16 = arith.constant 0 : i32
    %cond3A_17 = arith.cmpi ne, %convert_element_type3A_15, %cond3A_16 : i32
    scf.if %cond3A_17 {
      %dma_start3A_626 = arith.constant 78 : i32
      %dma_start3A_627 = arith.constant 0 : i32
      %dma_start3A_628 = tpu.memref_slice %arg7[%dma_start3A_626, %dma_start3A_627] : memref<82x128xi32, #tpu.memory_space<vmem>> -> memref<1x128xi32, #tpu.memory_space<vmem>>
      %dma_start3A_629 = arith.constant 0 : i32
      %dma_start3A_630 = arith.constant 0 : i32
      %dma_start3A_631 = tpu.memref_slice %arg5[%add3A, %dma_start3A_629, %dma_start3A_630] : memref<32x4x128xi32, #tpu.memory_space<hbm>> -> memref<1x4x128xi32, #tpu.memory_space<hbm>>
      %dma_start3A_632 = tpu.memref_squeeze %dma_start3A_631 : memref<1x4x128xi32, #tpu.memory_space<hbm>> -> memref<4x128xi32, #tpu.memory_space<hbm>>
      %dma_start3A_633 = arith.constant 0 : i32
      %dma_start3A_634 = arith.constant 0 : i32
      %dma_start3A_635 = tpu.memref_slice %dma_start3A_632[%dma_start3A_633, %dma_start3A_634] : memref<4x128xi32, #tpu.memory_space<hbm>> -> memref<1x128xi32, #tpu.memory_space<hbm>>
      %dma_start3A_636 = arith.constant 78 : i32
      %dma_start3A_637 = arith.constant 0 : i32
      %dma_start3A_638 = tpu.memref_slice %arg7[%dma_start3A_636, %dma_start3A_637] : memref<82x128xi32, #tpu.memory_space<vmem>> -> memref<1x128xi32, #tpu.memory_space<vmem>>
      %dma_start3A_639 = arith.constant 0 : i32
      %dma_start3A_640 = arith.constant 0 : i32
      %dma_start3A_641 = tpu.memref_slice %arg5[%add3A, %dma_start3A_639, %dma_start3A_640] : memref<32x4x128xi32, #tpu.memory_space<hbm>> -> memref<1x4x128xi32, #tpu.memory_space<hbm>>
      %dma_start3A_642 = tpu.memref_squeeze %dma_start3A_641 : memref<1x4x128xi32, #tpu.memory_space<hbm>> -> memref<4x128xi32, #tpu.memory_space<hbm>>
      %dma_start3A_643 = arith.constant 0 : i32
      %dma_start3A_644 = arith.constant 0 : i32
      %dma_start3A_645 = tpu.memref_slice %dma_start3A_642[%dma_start3A_643, %dma_start3A_644] : memref<4x128xi32, #tpu.memory_space<hbm>> -> memref<1x128xi32, #tpu.memory_space<hbm>>
      tpu.enqueue_dma source(%dma_start3A_645 : memref<1x128xi32, #tpu.memory_space<hbm>>) target(%dma_start3A_638 : memref<1x128xi32, #tpu.memory_space<vmem>>) target_semaphore(%arg12 : memref<!tpu.dma_semaphore, #tpu.memory_space<semaphore_mem>>)
    } else {
    }
    %dma_start3A_18 = arith.constant 79 : i32
    %dma_start3A_19 = arith.constant 0 : i32
    %dma_start3A_20 = tpu.memref_slice %arg7[%dma_start3A_18, %dma_start3A_19] : memref<82x128xi32, #tpu.memory_space<vmem>> -> memref<3x128xi32, #tpu.memory_space<vmem>>
    %dma_start3A_21 = arith.constant 0 : i32
    %dma_start3A_22 = arith.constant 0 : i32
    %dma_start3A_23 = tpu.memref_slice %arg5[%add3A, %dma_start3A_21, %dma_start3A_22] : memref<32x4x128xi32, #tpu.memory_space<hbm>> -> memref<1x4x128xi32, #tpu.memory_space<hbm>>
    %dma_start3A_24 = tpu.memref_squeeze %dma_start3A_23 : memref<1x4x128xi32, #tpu.memory_space<hbm>> -> memref<4x128xi32, #tpu.memory_space<hbm>>
    %dma_start3A_25 = arith.constant 1 : i32
    %dma_start3A_26 = arith.constant 0 : i32
    %dma_start3A_27 = tpu.memref_slice %dma_start3A_24[%dma_start3A_25, %dma_start3A_26] : memref<4x128xi32, #tpu.memory_space<hbm>> -> memref<3x128xi32, #tpu.memory_space<hbm>>
    %dma_start3A_28 = arith.constant 79 : i32
    %dma_start3A_29 = arith.constant 0 : i32
    %dma_start3A_30 = tpu.memref_slice %arg7[%dma_start3A_28, %dma_start3A_29] : memref<82x128xi32, #tpu.memory_space<vmem>> -> memref<3x128xi32, #tpu.memory_space<vmem>>
    %dma_start3A_31 = arith.constant 0 : i32
    %dma_start3A_32 = arith.constant 0 : i32
    %dma_start3A_33 = tpu.memref_slice %arg5[%add3A, %dma_start3A_31, %dma_start3A_32] : memref<32x4x128xi32, #tpu.memory_space<hbm>> -> memref<1x4x128xi32, #tpu.memory_space<hbm>>
    %dma_start3A_34 = tpu.memref_squeeze %dma_start3A_33 : memref<1x4x128xi32, #tpu.memory_space<hbm>> -> memref<4x128xi32, #tpu.memory_space<hbm>>
    %dma_start3A_35 = arith.constant 1 : i32
    %dma_start3A_36 = arith.constant 0 : i32
    %dma_start3A_37 = tpu.memref_slice %dma_start3A_34[%dma_start3A_35, %dma_start3A_36] : memref<4x128xi32, #tpu.memory_space<hbm>> -> memref<3x128xi32, #tpu.memory_space<hbm>>
    tpu.enqueue_dma source(%dma_start3A_37 : memref<3x128xi32, #tpu.memory_space<hbm>>) target(%dma_start3A_30 : memref<3x128xi32, #tpu.memory_space<vmem>>) target_semaphore(%arg12 : memref<!tpu.dma_semaphore, #tpu.memory_space<semaphore_mem>>)
    %mul3A_38 = arith.constant 78 : i32
    %mul3A_39 = arith.muli %add3A, %mul3A_38 : i32
    %dma_start3A_40 = arith.constant 0 : i32
    %dma_start3A_41 = arith.constant 0 : i32
    %dma_start3A_42 = tpu.memref_slice %arg8[%dma_start3A_40, %dma_start3A_41] : memref<82x128xi32, #tpu.memory_space<vmem>> -> memref<78x128xi32, #tpu.memory_space<vmem>>
    %dma_start3A_43 = arith.constant 0 : i32
    %dma_start3A_44 = tpu.memref_slice %arg4[%mul3A_39, %dma_start3A_43] : memref<2500x128xi32, #tpu.memory_space<hbm>> -> memref<78x128xi32, #tpu.memory_space<hbm>>
    %dma_start3A_45 = arith.constant 0 : i32
    %dma_start3A_46 = arith.constant 0 : i32
    %dma_start3A_47 = tpu.memref_slice %arg8[%dma_start3A_45, %dma_start3A_46] : memref<82x128xi32, #tpu.memory_space<vmem>> -> memref<78x128xi32, #tpu.memory_space<vmem>>
    %dma_start3A_48 = arith.constant 0 : i32
    %dma_start3A_49 = tpu.memref_slice %arg4[%mul3A_39, %dma_start3A_48] : memref<2500x128xi32, #tpu.memory_space<hbm>> -> memref<78x128xi32, #tpu.memory_space<hbm>>
    tpu.enqueue_dma source(%dma_start3A_49 : memref<78x128xi32, #tpu.memory_space<hbm>>) target(%dma_start3A_47 : memref<78x128xi32, #tpu.memory_space<vmem>>) target_semaphore(%arg13 : memref<!tpu.dma_semaphore, #tpu.memory_space<semaphore_mem>>)
    %lt3A_50 = arith.constant 4 : i32
    %lt3A_51 = arith.cmpi slt, %add3A, %lt3A_50 : i32
    %convert_element_type3A_52 = arith.extui %lt3A_51 : i1 to i32
    %cond3A_53 = arith.constant 0 : i32
    %cond3A_54 = arith.cmpi ne, %convert_element_type3A_52, %cond3A_53 : i32
    scf.if %cond3A_54 {
      %add3A_626 = arith.constant 2496 : i32
      %add3A_627 = arith.addi %add3A_626, %add3A : i32
      %dma_start3A_628 = arith.constant 78 : i32
      %dma_start3A_629 = arith.constant 0 : i32
      %dma_start3A_630 = tpu.memref_slice %arg8[%dma_start3A_628, %dma_start3A_629] : memref<82x128xi32, #tpu.memory_space<vmem>> -> memref<1x128xi32, #tpu.memory_space<vmem>>
      %dma_start3A_631 = arith.constant 0 : i32
      %dma_start3A_632 = tpu.memref_slice %arg4[%add3A_627, %dma_start3A_631] : memref<2500x128xi32, #tpu.memory_space<hbm>> -> memref<1x128xi32, #tpu.memory_space<hbm>>
      %dma_start3A_633 = arith.constant 78 : i32
      %dma_start3A_634 = arith.constant 0 : i32
      %dma_start3A_635 = tpu.memref_slice %arg8[%dma_start3A_633, %dma_start3A_634] : memref<82x128xi32, #tpu.memory_space<vmem>> -> memref<1x128xi32, #tpu.memory_space<vmem>>
      %dma_start3A_636 = arith.constant 0 : i32
      %dma_start3A_637 = tpu.memref_slice %arg4[%add3A_627, %dma_start3A_636] : memref<2500x128xi32, #tpu.memory_space<hbm>> -> memref<1x128xi32, #tpu.memory_space<hbm>>
      tpu.enqueue_dma source(%dma_start3A_637 : memref<1x128xi32, #tpu.memory_space<hbm>>) target(%dma_start3A_635 : memref<1x128xi32, #tpu.memory_space<vmem>>) target_semaphore(%arg13 : memref<!tpu.dma_semaphore, #tpu.memory_space<semaphore_mem>>)
    } else {
    }
    %ge3A_55 = arith.constant 4 : i32
    %ge3A_56 = arith.cmpi sge, %add3A, %ge3A_55 : i32
    %convert_element_type3A_57 = arith.extui %ge3A_56 : i1 to i32
    %cond3A_58 = arith.constant 0 : i32
    %cond3A_59 = arith.cmpi ne, %convert_element_type3A_57, %cond3A_58 : i32
    scf.if %cond3A_59 {
      %dma_start3A_626 = arith.constant 78 : i32
      %dma_start3A_627 = arith.constant 0 : i32
      %dma_start3A_628 = tpu.memref_slice %arg8[%dma_start3A_626, %dma_start3A_627] : memref<82x128xi32, #tpu.memory_space<vmem>> -> memref<1x128xi32, #tpu.memory_space<vmem>>
      %dma_start3A_629 = arith.constant 0 : i32
      %dma_start3A_630 = arith.constant 0 : i32
      %dma_start3A_631 = tpu.memref_slice %arg5[%add3A, %dma_start3A_629, %dma_start3A_630] : memref<32x4x128xi32, #tpu.memory_space<hbm>> -> memref<1x4x128xi32, #tpu.memory_space<hbm>>
      %dma_start3A_632 = tpu.memref_squeeze %dma_start3A_631 : memref<1x4x128xi32, #tpu.memory_space<hbm>> -> memref<4x128xi32, #tpu.memory_space<hbm>>
      %dma_start3A_633 = arith.constant 0 : i32
      %dma_start3A_634 = arith.constant 0 : i32
      %dma_start3A_635 = tpu.memref_slice %dma_start3A_632[%dma_start3A_633, %dma_start3A_634] : memref<4x128xi32, #tpu.memory_space<hbm>> -> memref<1x128xi32, #tpu.memory_space<hbm>>
      %dma_start3A_636 = arith.constant 78 : i32
      %dma_start3A_637 = arith.constant 0 : i32
      %dma_start3A_638 = tpu.memref_slice %arg8[%dma_start3A_636, %dma_start3A_637] : memref<82x128xi32, #tpu.memory_space<vmem>> -> memref<1x128xi32, #tpu.memory_space<vmem>>
      %dma_start3A_639 = arith.constant 0 : i32
      %dma_start3A_640 = arith.constant 0 : i32
      %dma_start3A_641 = tpu.memref_slice %arg5[%add3A, %dma_start3A_639, %dma_start3A_640] : memref<32x4x128xi32, #tpu.memory_space<hbm>> -> memref<1x4x128xi32, #tpu.memory_space<hbm>>
      %dma_start3A_642 = tpu.memref_squeeze %dma_start3A_641 : memref<1x4x128xi32, #tpu.memory_space<hbm>> -> memref<4x128xi32, #tpu.memory_space<hbm>>
      %dma_start3A_643 = arith.constant 0 : i32
      %dma_start3A_644 = arith.constant 0 : i32
      %dma_start3A_645 = tpu.memref_slice %dma_start3A_642[%dma_start3A_643, %dma_start3A_644] : memref<4x128xi32, #tpu.memory_space<hbm>> -> memref<1x128xi32, #tpu.memory_space<hbm>>
      tpu.enqueue_dma source(%dma_start3A_645 : memref<1x128xi32, #tpu.memory_space<hbm>>) target(%dma_start3A_638 : memref<1x128xi32, #tpu.memory_space<vmem>>) target_semaphore(%arg13 : memref<!tpu.dma_semaphore, #tpu.memory_space<semaphore_mem>>)
    } else {
    }
    %dma_start3A_60 = arith.constant 79 : i32
    %dma_start3A_61 = arith.constant 0 : i32
    %dma_start3A_62 = tpu.memref_slice %arg8[%dma_start3A_60, %dma_start3A_61] : memref<82x128xi32, #tpu.memory_space<vmem>> -> memref<3x128xi32, #tpu.memory_space<vmem>>
    %dma_start3A_63 = arith.constant 0 : i32
    %dma_start3A_64 = arith.constant 0 : i32
    %dma_start3A_65 = tpu.memref_slice %arg5[%add3A, %dma_start3A_63, %dma_start3A_64] : memref<32x4x128xi32, #tpu.memory_space<hbm>> -> memref<1x4x128xi32, #tpu.memory_space<hbm>>
    %dma_start3A_66 = tpu.memref_squeeze %dma_start3A_65 : memref<1x4x128xi32, #tpu.memory_space<hbm>> -> memref<4x128xi32, #tpu.memory_space<hbm>>
    %dma_start3A_67 = arith.constant 1 : i32
    %dma_start3A_68 = arith.constant 0 : i32
    %dma_start3A_69 = tpu.memref_slice %dma_start3A_66[%dma_start3A_67, %dma_start3A_68] : memref<4x128xi32, #tpu.memory_space<hbm>> -> memref<3x128xi32, #tpu.memory_space<hbm>>
    %dma_start3A_70 = arith.constant 79 : i32
    %dma_start3A_71 = arith.constant 0 : i32
    %dma_start3A_72 = tpu.memref_slice %arg8[%dma_start3A_70, %dma_start3A_71] : memref<82x128xi32, #tpu.memory_space<vmem>> -> memref<3x128xi32, #tpu.memory_space<vmem>>
    %dma_start3A_73 = arith.constant 0 : i32
    %dma_start3A_74 = arith.constant 0 : i32
    %dma_start3A_75 = tpu.memref_slice %arg5[%add3A, %dma_start3A_73, %dma_start3A_74] : memref<32x4x128xi32, #tpu.memory_space<hbm>> -> memref<1x4x128xi32, #tpu.memory_space<hbm>>
    %dma_start3A_76 = tpu.memref_squeeze %dma_start3A_75 : memref<1x4x128xi32, #tpu.memory_space<hbm>> -> memref<4x128xi32, #tpu.memory_space<hbm>>
    %dma_start3A_77 = arith.constant 1 : i32
    %dma_start3A_78 = arith.constant 0 : i32
    %dma_start3A_79 = tpu.memref_slice %dma_start3A_76[%dma_start3A_77, %dma_start3A_78] : memref<4x128xi32, #tpu.memory_space<hbm>> -> memref<3x128xi32, #tpu.memory_space<hbm>>
    tpu.enqueue_dma source(%dma_start3A_79 : memref<3x128xi32, #tpu.memory_space<hbm>>) target(%dma_start3A_72 : memref<3x128xi32, #tpu.memory_space<vmem>>) target_semaphore(%arg13 : memref<!tpu.dma_semaphore, #tpu.memory_space<semaphore_mem>>)
    %scan3A = arith.constant 0 : i32
    %scan3A_80 = arith.constant 0 : i32
    %scan3A_81 = arith.constant 128 : i32
    %scan3A_82 = arith.addi %scan3A_80, %scan3A_81 : i32
    %scan3A_83 = arith.constant 1 : i32
    scf.for %scan3A_626 = %scan3A_80 to %scan3A_82 step %scan3A_83  : i32 {
      %mul3A_627 = arith.constant 1 : i32
      %mul3A_628 = arith.muli %scan3A_626, %mul3A_627 : i32
      %add3A_629 = arith.constant 0 : i32
      %add3A_630 = arith.addi %add3A_629, %mul3A_628 : i32
      %broadcast_in_dim3A = arith.constant 0.000000e+00 : f32
      %broadcast_in_dim3A_631 = vector.broadcast %broadcast_in_dim3A : f32 to vector<1x16xf32>
      %swap3A = arith.constant 0 : i32
      %swap3A_632 = arith.constant 0 : i32
      %swap3A_633 = tpu.memref_slice %arg9[%scan3A, %swap3A, %swap3A_632] : memref<4x128x64xf32, #tpu.memory_space<vmem>> -> memref<1x128x64xf32, #tpu.memory_space<vmem>>
      %swap3A_634 = tpu.memref_squeeze %swap3A_633 : memref<1x128x64xf32, #tpu.memory_space<vmem>> -> memref<128x64xf32, #tpu.memory_space<vmem>>
      %swap3A_635 = arith.index_cast %add3A_630 : i32 to index
      %swap3A_636 = arith.constant 0 : index
      %swap3A_637 = tpu.vector_load %swap3A_634[%swap3A_635, %swap3A_636] {strides = array<i32>} : memref<128x64xf32, #tpu.memory_space<vmem>>, vector<1x16xf32>,
      %swap3A_638 = vector.shape_cast %swap3A_637 : vector<1x16xf32> to vector<1x16xf32>
      %swap3A_639 = vector.shape_cast %broadcast_in_dim3A_631 : vector<1x16xf32> to vector<1x16xf32>
      tpu.vector_store %swap3A_634[%swap3A_635, %swap3A_636], %swap3A_639 {strides = array<i32>} : memref<128x64xf32, #tpu.memory_space<vmem>>, vector<1x16xf32>,
      %broadcast_in_dim3A_640 = arith.constant 0.000000e+00 : f32
      %broadcast_in_dim3A_641 = vector.broadcast %broadcast_in_dim3A_640 : f32 to vector<1x16xf32>
      %swap3A_642 = arith.constant 0 : i32
      %swap3A_643 = arith.constant 0 : i32
      %swap3A_644 = tpu.memref_slice %arg9[%scan3A, %swap3A_642, %swap3A_643] : memref<4x128x64xf32, #tpu.memory_space<vmem>> -> memref<1x128x64xf32, #tpu.memory_space<vmem>>
      %swap3A_645 = tpu.memref_squeeze %swap3A_644 : memref<1x128x64xf32, #tpu.memory_space<vmem>> -> memref<128x64xf32, #tpu.memory_space<vmem>>
      %swap3A_646 = arith.index_cast %add3A_630 : i32 to index
      %swap3A_647 = arith.constant 16 : index
      %swap3A_648 = tpu.vector_load %swap3A_645[%swap3A_646, %swap3A_647] {strides = array<i32>} : memref<128x64xf32, #tpu.memory_space<vmem>>, vector<1x16xf32>,
      %swap3A_649 = vector.shape_cast %swap3A_648 : vector<1x16xf32> to vector<1x16xf32>
      %swap3A_650 = vector.shape_cast %broadcast_in_dim3A_641 : vector<1x16xf32> to vector<1x16xf32>
      tpu.vector_store %swap3A_645[%swap3A_646, %swap3A_647], %swap3A_650 {strides = array<i32>} : memref<128x64xf32, #tpu.memory_space<vmem>>, vector<1x16xf32>,
      %broadcast_in_dim3A_651 = arith.constant 0.000000e+00 : f32
      %broadcast_in_dim3A_652 = vector.broadcast %broadcast_in_dim3A_651 : f32 to vector<1x16xf32>
      %swap3A_653 = arith.constant 0 : i32
      %swap3A_654 = arith.constant 0 : i32
      %swap3A_655 = tpu.memref_slice %arg9[%scan3A, %swap3A_653, %swap3A_654] : memref<4x128x64xf32, #tpu.memory_space<vmem>> -> memref<1x128x64xf32, #tpu.memory_space<vmem>>
      %swap3A_656 = tpu.memref_squeeze %swap3A_655 : memref<1x128x64xf32, #tpu.memory_space<vmem>> -> memref<128x64xf32, #tpu.memory_space<vmem>>
      %swap3A_657 = arith.index_cast %add3A_630 : i32 to index
      %swap3A_658 = arith.constant 32 : index
      %swap3A_659 = tpu.vector_load %swap3A_656[%swap3A_657, %swap3A_658] {strides = array<i32>} : memref<128x64xf32, #tpu.memory_space<vmem>>, vector<1x16xf32>,
      %swap3A_660 = vector.shape_cast %swap3A_659 : vector<1x16xf32> to vector<1x16xf32>
      %swap3A_661 = vector.shape_cast %broadcast_in_dim3A_652 : vector<1x16xf32> to vector<1x16xf32>
      tpu.vector_store %swap3A_656[%swap3A_657, %swap3A_658], %swap3A_661 {strides = array<i32>} : memref<128x64xf32, #tpu.memory_space<vmem>>, vector<1x16xf32>,
      %broadcast_in_dim3A_662 = arith.constant 0.000000e+00 : f32
      %broadcast_in_dim3A_663 = vector.broadcast %broadcast_in_dim3A_662 : f32 to vector<1x16xf32>
      %swap3A_664 = arith.constant 0 : i32
      %swap3A_665 = arith.constant 0 : i32
      %swap3A_666 = tpu.memref_slice %arg9[%scan3A, %swap3A_664, %swap3A_665] : memref<4x128x64xf32, #tpu.memory_space<vmem>> -> memref<1x128x64xf32, #tpu.memory_space<vmem>>
      %swap3A_667 = tpu.memref_squeeze %swap3A_666 : memref<1x128x64xf32, #tpu.memory_space<vmem>> -> memref<128x64xf32, #tpu.memory_space<vmem>>
      %swap3A_668 = arith.index_cast %add3A_630 : i32 to index
      %swap3A_669 = arith.constant 48 : index
      %swap3A_670 = tpu.vector_load %swap3A_667[%swap3A_668, %swap3A_669] {strides = array<i32>} : memref<128x64xf32, #tpu.memory_space<vmem>>, vector<1x16xf32>,
      %swap3A_671 = vector.shape_cast %swap3A_670 : vector<1x16xf32> to vector<1x16xf32>
      %swap3A_672 = vector.shape_cast %broadcast_in_dim3A_663 : vector<1x16xf32> to vector<1x16xf32>
      tpu.vector_store %swap3A_667[%swap3A_668, %swap3A_669], %swap3A_672 {strides = array<i32>} : memref<128x64xf32, #tpu.memory_space<vmem>>, vector<1x16xf32>,
    }
    %scan3A_84 = arith.constant 128 : i32
    %mul3A_85 = arith.constant 672 : i32
    %mul3A_86 = arith.muli %arg1, %mul3A_85 : i32
    %add3A_87 = arith.constant 0 : i32
    %add3A_88 = arith.addi %mul3A_86, %add3A_87 : i32
    %dma_start3A_89 = arith.constant 0 : i32
    %dma_start3A_90 = arith.constant 0 : i32
    %dma_start3A_91 = arith.constant 0 : i32
    %dma_start3A_92 = tpu.memref_slice %arg9[%dma_start3A_89, %dma_start3A_90, %dma_start3A_91] : memref<4x128x64xf32, #tpu.memory_space<vmem>> -> memref<1x128x64xf32, #tpu.memory_space<vmem>>
    %dma_start3A_93 = tpu.memref_squeeze %dma_start3A_92 : memref<1x128x64xf32, #tpu.memory_space<vmem>> -> memref<128x64xf32, #tpu.memory_space<vmem>>
    %dma_start3A_94 = arith.constant 0 : i32
    %dma_start3A_95 = tpu.memref_slice %arg10[%add3A_88, %dma_start3A_94] : memref<10752x64xf32, #tpu.memory_space<vmem_shared>> -> memref<128x64xf32, #tpu.memory_space<vmem_shared>>
    %dma_start3A_96 = arith.constant 0 : i32
    %dma_start3A_97 = tpu.memref_slice %arg10[%add3A_88, %dma_start3A_96] : memref<10752x64xf32, #tpu.memory_space<vmem_shared>> -> memref<128x64xf32, #tpu.memory_space<vmem_shared>>
    %dma_start3A_98 = arith.constant 0 : i32
    %dma_start3A_99 = arith.constant 0 : i32
    %dma_start3A_100 = tpu.memref_slice %arg9[%dma_start3A_89, %dma_start3A_98, %dma_start3A_99] : memref<4x128x64xf32, #tpu.memory_space<vmem>> -> memref<1x128x64xf32, #tpu.memory_space<vmem>>
    %dma_start3A_101 = tpu.memref_squeeze %dma_start3A_100 : memref<1x128x64xf32, #tpu.memory_space<vmem>> -> memref<128x64xf32, #tpu.memory_space<vmem>>
    tpu.enqueue_dma source(%dma_start3A_101 : memref<128x64xf32, #tpu.memory_space<vmem>>) target(%dma_start3A_97 : memref<128x64xf32, #tpu.memory_space<vmem_shared>>) target_semaphore(%arg11 : memref<!tpu.dma_semaphore, #tpu.memory_space<semaphore_mem>>)
    %add3A_102 = arith.constant 128 : i32
    %add3A_103 = arith.addi %mul3A_86, %add3A_102 : i32
    %dma_start3A_104 = arith.constant 0 : i32
    %dma_start3A_105 = arith.constant 0 : i32
    %dma_start3A_106 = arith.constant 0 : i32
    %dma_start3A_107 = tpu.memref_slice %arg9[%dma_start3A_104, %dma_start3A_105, %dma_start3A_106] : memref<4x128x64xf32, #tpu.memory_space<vmem>> -> memref<1x128x64xf32, #tpu.memory_space<vmem>>
    %dma_start3A_108 = tpu.memref_squeeze %dma_start3A_107 : memref<1x128x64xf32, #tpu.memory_space<vmem>> -> memref<128x64xf32, #tpu.memory_space<vmem>>
    %dma_start3A_109 = arith.constant 0 : i32
    %dma_start3A_110 = tpu.memref_slice %arg10[%add3A_103, %dma_start3A_109] : memref<10752x64xf32, #tpu.memory_space<vmem_shared>> -> memref<128x64xf32, #tpu.memory_space<vmem_shared>>
    %dma_start3A_111 = arith.constant 0 : i32
    %dma_start3A_112 = tpu.memref_slice %arg10[%add3A_103, %dma_start3A_111] : memref<10752x64xf32, #tpu.memory_space<vmem_shared>> -> memref<128x64xf32, #tpu.memory_space<vmem_shared>>
    %dma_start3A_113 = arith.constant 0 : i32
    %dma_start3A_114 = arith.constant 0 : i32
    %dma_start3A_115 = tpu.memref_slice %arg9[%dma_start3A_104, %dma_start3A_113, %dma_start3A_114] : memref<4x128x64xf32, #tpu.memory_space<vmem>> -> memref<1x128x64xf32, #tpu.memory_space<vmem>>
    %dma_start3A_116 = tpu.memref_squeeze %dma_start3A_115 : memref<1x128x64xf32, #tpu.memory_space<vmem>> -> memref<128x64xf32, #tpu.memory_space<vmem>>
    tpu.enqueue_dma source(%dma_start3A_116 : memref<128x64xf32, #tpu.memory_space<vmem>>) target(%dma_start3A_112 : memref<128x64xf32, #tpu.memory_space<vmem_shared>>) target_semaphore(%arg11 : memref<!tpu.dma_semaphore, #tpu.memory_space<semaphore_mem>>)
    %add3A_117 = arith.constant 256 : i32
    %add3A_118 = arith.addi %mul3A_86, %add3A_117 : i32
    %dma_start3A_119 = arith.constant 0 : i32
    %dma_start3A_120 = arith.constant 0 : i32
    %dma_start3A_121 = arith.constant 0 : i32
    %dma_start3A_122 = tpu.memref_slice %arg9[%dma_start3A_119, %dma_start3A_120, %dma_start3A_121] : memref<4x128x64xf32, #tpu.memory_space<vmem>> -> memref<1x128x64xf32, #tpu.memory_space<vmem>>
    %dma_start3A_123 = tpu.memref_squeeze %dma_start3A_122 : memref<1x128x64xf32, #tpu.memory_space<vmem>> -> memref<128x64xf32, #tpu.memory_space<vmem>>
    %dma_start3A_124 = arith.constant 0 : i32
    %dma_start3A_125 = tpu.memref_slice %arg10[%add3A_118, %dma_start3A_124] : memref<10752x64xf32, #tpu.memory_space<vmem_shared>> -> memref<128x64xf32, #tpu.memory_space<vmem_shared>>
    %dma_start3A_126 = arith.constant 0 : i32
    %dma_start3A_127 = tpu.memref_slice %arg10[%add3A_118, %dma_start3A_126] : memref<10752x64xf32, #tpu.memory_space<vmem_shared>> -> memref<128x64xf32, #tpu.memory_space<vmem_shared>>
    %dma_start3A_128 = arith.constant 0 : i32
    %dma_start3A_129 = arith.constant 0 : i32
    %dma_start3A_130 = tpu.memref_slice %arg9[%dma_start3A_119, %dma_start3A_128, %dma_start3A_129] : memref<4x128x64xf32, #tpu.memory_space<vmem>> -> memref<1x128x64xf32, #tpu.memory_space<vmem>>
    %dma_start3A_131 = tpu.memref_squeeze %dma_start3A_130 : memref<1x128x64xf32, #tpu.memory_space<vmem>> -> memref<128x64xf32, #tpu.memory_space<vmem>>
    tpu.enqueue_dma source(%dma_start3A_131 : memref<128x64xf32, #tpu.memory_space<vmem>>) target(%dma_start3A_127 : memref<128x64xf32, #tpu.memory_space<vmem_shared>>) target_semaphore(%arg11 : memref<!tpu.dma_semaphore, #tpu.memory_space<semaphore_mem>>)
    %add3A_132 = arith.constant 384 : i32
    %add3A_133 = arith.addi %mul3A_86, %add3A_132 : i32
    %dma_start3A_134 = arith.constant 0 : i32
    %dma_start3A_135 = arith.constant 0 : i32
    %dma_start3A_136 = arith.constant 0 : i32
    %dma_start3A_137 = tpu.memref_slice %arg9[%dma_start3A_134, %dma_start3A_135, %dma_start3A_136] : memref<4x128x64xf32, #tpu.memory_space<vmem>> -> memref<1x128x64xf32, #tpu.memory_space<vmem>>
    %dma_start3A_138 = tpu.memref_squeeze %dma_start3A_137 : memref<1x128x64xf32, #tpu.memory_space<vmem>> -> memref<128x64xf32, #tpu.memory_space<vmem>>
    %dma_start3A_139 = arith.constant 0 : i32
    %dma_start3A_140 = tpu.memref_slice %arg10[%add3A_133, %dma_start3A_139] : memref<10752x64xf32, #tpu.memory_space<vmem_shared>> -> memref<128x64xf32, #tpu.memory_space<vmem_shared>>
    %dma_start3A_141 = arith.constant 0 : i32
    %dma_start3A_142 = tpu.memref_slice %arg10[%add3A_133, %dma_start3A_141] : memref<10752x64xf32, #tpu.memory_space<vmem_shared>> -> memref<128x64xf32, #tpu.memory_space<vmem_shared>>
    %dma_start3A_143 = arith.constant 0 : i32
    %dma_start3A_144 = arith.constant 0 : i32
    %dma_start3A_145 = tpu.memref_slice %arg9[%dma_start3A_134, %dma_start3A_143, %dma_start3A_144] : memref<4x128x64xf32, #tpu.memory_space<vmem>> -> memref<1x128x64xf32, #tpu.memory_space<vmem>>
    %dma_start3A_146 = tpu.memref_squeeze %dma_start3A_145 : memref<1x128x64xf32, #tpu.memory_space<vmem>> -> memref<128x64xf32, #tpu.memory_space<vmem>>
    tpu.enqueue_dma source(%dma_start3A_146 : memref<128x64xf32, #tpu.memory_space<vmem>>) target(%dma_start3A_142 : memref<128x64xf32, #tpu.memory_space<vmem_shared>>) target_semaphore(%arg11 : memref<!tpu.dma_semaphore, #tpu.memory_space<semaphore_mem>>)
    %add3A_147 = arith.constant 512 : i32
    %add3A_148 = arith.addi %mul3A_86, %add3A_147 : i32
    %dma_start3A_149 = arith.constant 0 : i32
    %dma_start3A_150 = arith.constant 0 : i32
    %dma_start3A_151 = arith.constant 0 : i32
    %dma_start3A_152 = tpu.memref_slice %arg9[%dma_start3A_149, %dma_start3A_150, %dma_start3A_151] : memref<4x128x64xf32, #tpu.memory_space<vmem>> -> memref<1x128x64xf32, #tpu.memory_space<vmem>>
    %dma_start3A_153 = tpu.memref_squeeze %dma_start3A_152 : memref<1x128x64xf32, #tpu.memory_space<vmem>> -> memref<128x64xf32, #tpu.memory_space<vmem>>
    %dma_start3A_154 = arith.constant 0 : i32
    %dma_start3A_155 = tpu.memref_slice %arg10[%add3A_148, %dma_start3A_154] : memref<10752x64xf32, #tpu.memory_space<vmem_shared>> -> memref<128x64xf32, #tpu.memory_space<vmem_shared>>
    %dma_start3A_156 = arith.constant 0 : i32
    %dma_start3A_157 = tpu.memref_slice %arg10[%add3A_148, %dma_start3A_156] : memref<10752x64xf32, #tpu.memory_space<vmem_shared>> -> memref<128x64xf32, #tpu.memory_space<vmem_shared>>
    %dma_start3A_158 = arith.constant 0 : i32
    %dma_start3A_159 = arith.constant 0 : i32
    %dma_start3A_160 = tpu.memref_slice %arg9[%dma_start3A_149, %dma_start3A_158, %dma_start3A_159] : memref<4x128x64xf32, #tpu.memory_space<vmem>> -> memref<1x128x64xf32, #tpu.memory_space<vmem>>
    %dma_start3A_161 = tpu.memref_squeeze %dma_start3A_160 : memref<1x128x64xf32, #tpu.memory_space<vmem>> -> memref<128x64xf32, #tpu.memory_space<vmem>>
    tpu.enqueue_dma source(%dma_start3A_161 : memref<128x64xf32, #tpu.memory_space<vmem>>) target(%dma_start3A_157 : memref<128x64xf32, #tpu.memory_space<vmem_shared>>) target_semaphore(%arg11 : memref<!tpu.dma_semaphore, #tpu.memory_space<semaphore_mem>>)
    %add3A_162 = arith.constant 640 : i32
    %add3A_163 = arith.addi %mul3A_86, %add3A_162 : i32
    %dma_start3A_164 = arith.constant 0 : i32
    %dma_start3A_165 = arith.constant 0 : i32
    %dma_start3A_166 = arith.constant 0 : i32
    %dma_start3A_167 = tpu.memref_slice %arg9[%dma_start3A_164, %dma_start3A_165, %dma_start3A_166] : memref<4x128x64xf32, #tpu.memory_space<vmem>> -> memref<1x128x64xf32, #tpu.memory_space<vmem>>
    %dma_start3A_168 = tpu.memref_squeeze %dma_start3A_167 : memref<1x128x64xf32, #tpu.memory_space<vmem>> -> memref<128x64xf32, #tpu.memory_space<vmem>>
    %dma_start3A_169 = arith.constant 0 : i32
    %dma_start3A_170 = arith.constant 0 : i32
    %dma_start3A_171 = tpu.memref_slice %dma_start3A_168[%dma_start3A_169, %dma_start3A_170] : memref<128x64xf32, #tpu.memory_space<vmem>> -> memref<32x64xf32, #tpu.memory_space<vmem>>
    %dma_start3A_172 = arith.constant 0 : i32
    %dma_start3A_173 = tpu.memref_slice %arg10[%add3A_163, %dma_start3A_172] : memref<10752x64xf32, #tpu.memory_space<vmem_shared>> -> memref<32x64xf32, #tpu.memory_space<vmem_shared>>
    %dma_start3A_174 = arith.constant 0 : i32
    %dma_start3A_175 = tpu.memref_slice %arg10[%add3A_163, %dma_start3A_174] : memref<10752x64xf32, #tpu.memory_space<vmem_shared>> -> memref<32x64xf32, #tpu.memory_space<vmem_shared>>
    %dma_start3A_176 = arith.constant 0 : i32
    %dma_start3A_177 = arith.constant 0 : i32
    %dma_start3A_178 = tpu.memref_slice %arg9[%dma_start3A_164, %dma_start3A_176, %dma_start3A_177] : memref<4x128x64xf32, #tpu.memory_space<vmem>> -> memref<1x128x64xf32, #tpu.memory_space<vmem>>
    %dma_start3A_179 = tpu.memref_squeeze %dma_start3A_178 : memref<1x128x64xf32, #tpu.memory_space<vmem>> -> memref<128x64xf32, #tpu.memory_space<vmem>>
    %dma_start3A_180 = arith.constant 0 : i32
    %dma_start3A_181 = arith.constant 0 : i32
    %dma_start3A_182 = tpu.memref_slice %dma_start3A_179[%dma_start3A_180, %dma_start3A_181] : memref<128x64xf32, #tpu.memory_space<vmem>> -> memref<32x64xf32, #tpu.memory_space<vmem>>
    tpu.enqueue_dma source(%dma_start3A_182 : memref<32x64xf32, #tpu.memory_space<vmem>>) target(%dma_start3A_175 : memref<32x64xf32, #tpu.memory_space<vmem_shared>>) target_semaphore(%arg11 : memref<!tpu.dma_semaphore, #tpu.memory_space<semaphore_mem>>)
    %dma_wait3A = arith.constant 0 : i32
    %dma_wait3A_183 = arith.constant 0 : i32
    %dma_wait3A_184 = tpu.memref_slice %arg7[%dma_wait3A, %dma_wait3A_183] : memref<82x128xi32, #tpu.memory_space<vmem>> -> memref<78x128xi32, #tpu.memory_space<vmem>>
    %dma_wait3A_185 = arith.constant 0 : i32
    %dma_wait3A_186 = arith.constant 0 : i32
    %dma_wait3A_187 = tpu.memref_slice %arg3[%dma_wait3A_185, %dma_wait3A_186] : memref<2500x128xi32, #tpu.memory_space<hbm>> -> memref<78x128xi32, #tpu.memory_space<hbm>>
    %dma_wait3A_188 = arith.constant 0 : i32
    %dma_wait3A_189 = arith.constant 0 : i32
    %dma_wait3A_190 = tpu.memref_slice %arg7[%dma_wait3A_188, %dma_wait3A_189] : memref<82x128xi32, #tpu.memory_space<vmem>> -> memref<78x128xi32, #tpu.memory_space<vmem>>
    %dma_wait3A_191 = arith.constant 0 : i32
    %dma_wait3A_192 = arith.constant 0 : i32
    %dma_wait3A_193 = tpu.memref_slice %arg3[%dma_wait3A_191, %dma_wait3A_192] : memref<2500x128xi32, #tpu.memory_space<hbm>> -> memref<78x128xi32, #tpu.memory_space<hbm>>
    tpu.wait_dma2 semaphore(%arg12 : memref<!tpu.dma_semaphore, #tpu.memory_space<semaphore_mem>>) src(%dma_wait3A_193 : memref<78x128xi32, #tpu.memory_space<hbm>>) dst(%dma_wait3A_190 : memref<78x128xi32, #tpu.memory_space<vmem>>)
    %dma_wait3A_194 = arith.constant 0 : i32
    %dma_wait3A_195 = arith.constant 78 : i32
    %dma_wait3A_196 = arith.constant 0 : i32
    %dma_wait3A_197 = tpu.memref_slice %arg7[%dma_wait3A_195, %dma_wait3A_196] : memref<82x128xi32, #tpu.memory_space<vmem>> -> memref<1x128xi32, #tpu.memory_space<vmem>>
    %dma_wait3A_198 = arith.constant 0 : i32
    %dma_wait3A_199 = arith.constant 0 : i32
    %dma_wait3A_200 = tpu.memref_slice %arg5[%dma_wait3A_194, %dma_wait3A_198, %dma_wait3A_199] : memref<32x4x128xi32, #tpu.memory_space<hbm>> -> memref<1x4x128xi32, #tpu.memory_space<hbm>>
    %dma_wait3A_201 = tpu.memref_squeeze %dma_wait3A_200 : memref<1x4x128xi32, #tpu.memory_space<hbm>> -> memref<4x128xi32, #tpu.memory_space<hbm>>
    %dma_wait3A_202 = arith.constant 0 : i32
    %dma_wait3A_203 = arith.constant 0 : i32
    %dma_wait3A_204 = tpu.memref_slice %dma_wait3A_201[%dma_wait3A_202, %dma_wait3A_203] : memref<4x128xi32, #tpu.memory_space<hbm>> -> memref<1x128xi32, #tpu.memory_space<hbm>>
    %dma_wait3A_205 = arith.constant 78 : i32
    %dma_wait3A_206 = arith.constant 0 : i32
    %dma_wait3A_207 = tpu.memref_slice %arg7[%dma_wait3A_205, %dma_wait3A_206] : memref<82x128xi32, #tpu.memory_space<vmem>> -> memref<1x128xi32, #tpu.memory_space<vmem>>
    %dma_wait3A_208 = arith.constant 0 : i32
    %dma_wait3A_209 = arith.constant 0 : i32
    %dma_wait3A_210 = tpu.memref_slice %arg5[%dma_wait3A_194, %dma_wait3A_208, %dma_wait3A_209] : memref<32x4x128xi32, #tpu.memory_space<hbm>> -> memref<1x4x128xi32, #tpu.memory_space<hbm>>
    %dma_wait3A_211 = tpu.memref_squeeze %dma_wait3A_210 : memref<1x4x128xi32, #tpu.memory_space<hbm>> -> memref<4x128xi32, #tpu.memory_space<hbm>>
    %dma_wait3A_212 = arith.constant 0 : i32
    %dma_wait3A_213 = arith.constant 0 : i32
    %dma_wait3A_214 = tpu.memref_slice %dma_wait3A_211[%dma_wait3A_212, %dma_wait3A_213] : memref<4x128xi32, #tpu.memory_space<hbm>> -> memref<1x128xi32, #tpu.memory_space<hbm>>
    tpu.wait_dma2 semaphore(%arg12 : memref<!tpu.dma_semaphore, #tpu.memory_space<semaphore_mem>>) src(%dma_wait3A_214 : memref<1x128xi32, #tpu.memory_space<hbm>>) dst(%dma_wait3A_207 : memref<1x128xi32, #tpu.memory_space<vmem>>)
    %dma_wait3A_215 = arith.constant 0 : i32
    %dma_wait3A_216 = arith.constant 79 : i32
    %dma_wait3A_217 = arith.constant 0 : i32
    %dma_wait3A_218 = tpu.memref_slice %arg7[%dma_wait3A_216, %dma_wait3A_217] : memref<82x128xi32, #tpu.memory_space<vmem>> -> memref<3x128xi32, #tpu.memory_space<vmem>>
    %dma_wait3A_219 = arith.constant 0 : i32
    %dma_wait3A_220 = arith.constant 0 : i32
    %dma_wait3A_221 = tpu.memref_slice %arg5[%dma_wait3A_215, %dma_wait3A_219, %dma_wait3A_220] : memref<32x4x128xi32, #tpu.memory_space<hbm>> -> memref<1x4x128xi32, #tpu.memory_space<hbm>>
    %dma_wait3A_222 = tpu.memref_squeeze %dma_wait3A_221 : memref<1x4x128xi32, #tpu.memory_space<hbm>> -> memref<4x128xi32, #tpu.memory_space<hbm>>
    %dma_wait3A_223 = arith.constant 1 : i32
    %dma_wait3A_224 = arith.constant 0 : i32
    %dma_wait3A_225 = tpu.memref_slice %dma_wait3A_222[%dma_wait3A_223, %dma_wait3A_224] : memref<4x128xi32, #tpu.memory_space<hbm>> -> memref<3x128xi32, #tpu.memory_space<hbm>>
    %dma_wait3A_226 = arith.constant 79 : i32
    %dma_wait3A_227 = arith.constant 0 : i32
    %dma_wait3A_228 = tpu.memref_slice %arg7[%dma_wait3A_226, %dma_wait3A_227] : memref<82x128xi32, #tpu.memory_space<vmem>> -> memref<3x128xi32, #tpu.memory_space<vmem>>
    %dma_wait3A_229 = arith.constant 0 : i32
    %dma_wait3A_230 = arith.constant 0 : i32
    %dma_wait3A_231 = tpu.memref_slice %arg5[%dma_wait3A_215, %dma_wait3A_229, %dma_wait3A_230] : memref<32x4x128xi32, #tpu.memory_space<hbm>> -> memref<1x4x128xi32, #tpu.memory_space<hbm>>
    %dma_wait3A_232 = tpu.memref_squeeze %dma_wait3A_231 : memref<1x4x128xi32, #tpu.memory_space<hbm>> -> memref<4x128xi32, #tpu.memory_space<hbm>>
    %dma_wait3A_233 = arith.constant 1 : i32
    %dma_wait3A_234 = arith.constant 0 : i32
    %dma_wait3A_235 = tpu.memref_slice %dma_wait3A_232[%dma_wait3A_233, %dma_wait3A_234] : memref<4x128xi32, #tpu.memory_space<hbm>> -> memref<3x128xi32, #tpu.memory_space<hbm>>
    tpu.wait_dma2 semaphore(%arg12 : memref<!tpu.dma_semaphore, #tpu.memory_space<semaphore_mem>>) src(%dma_wait3A_235 : memref<3x128xi32, #tpu.memory_space<hbm>>) dst(%dma_wait3A_228 : memref<3x128xi32, #tpu.memory_space<vmem>>)
    %dma_wait3A_236 = arith.constant 0 : i32
    %dma_wait3A_237 = arith.constant 0 : i32
    %dma_wait3A_238 = tpu.memref_slice %arg8[%dma_wait3A_236, %dma_wait3A_237] : memref<82x128xi32, #tpu.memory_space<vmem>> -> memref<78x128xi32, #tpu.memory_space<vmem>>
    %dma_wait3A_239 = arith.constant 0 : i32
    %dma_wait3A_240 = arith.constant 0 : i32
    %dma_wait3A_241 = tpu.memref_slice %arg4[%dma_wait3A_239, %dma_wait3A_240] : memref<2500x128xi32, #tpu.memory_space<hbm>> -> memref<78x128xi32, #tpu.memory_space<hbm>>
    %dma_wait3A_242 = arith.constant 0 : i32
    %dma_wait3A_243 = arith.constant 0 : i32
    %dma_wait3A_244 = tpu.memref_slice %arg8[%dma_wait3A_242, %dma_wait3A_243] : memref<82x128xi32, #tpu.memory_space<vmem>> -> memref<78x128xi32, #tpu.memory_space<vmem>>
    %dma_wait3A_245 = arith.constant 0 : i32
    %dma_wait3A_246 = arith.constant 0 : i32
    %dma_wait3A_247 = tpu.memref_slice %arg4[%dma_wait3A_245, %dma_wait3A_246] : memref<2500x128xi32, #tpu.memory_space<hbm>> -> memref<78x128xi32, #tpu.memory_space<hbm>>
    tpu.wait_dma2 semaphore(%arg13 : memref<!tpu.dma_semaphore, #tpu.memory_space<semaphore_mem>>) src(%dma_wait3A_247 : memref<78x128xi32, #tpu.memory_space<hbm>>) dst(%dma_wait3A_244 : memref<78x128xi32, #tpu.memory_space<vmem>>)
    %dma_wait3A_248 = arith.constant 0 : i32
    %dma_wait3A_249 = arith.constant 78 : i32
    %dma_wait3A_250 = arith.constant 0 : i32
    %dma_wait3A_251 = tpu.memref_slice %arg8[%dma_wait3A_249, %dma_wait3A_250] : memref<82x128xi32, #tpu.memory_space<vmem>> -> memref<1x128xi32, #tpu.memory_space<vmem>>
    %dma_wait3A_252 = arith.constant 0 : i32
    %dma_wait3A_253 = arith.constant 0 : i32
    %dma_wait3A_254 = tpu.memref_slice %arg5[%dma_wait3A_248, %dma_wait3A_252, %dma_wait3A_253] : memref<32x4x128xi32, #tpu.memory_space<hbm>> -> memref<1x4x128xi32, #tpu.memory_space<hbm>>
    %dma_wait3A_255 = tpu.memref_squeeze %dma_wait3A_254 : memref<1x4x128xi32, #tpu.memory_space<hbm>> -> memref<4x128xi32, #tpu.memory_space<hbm>>
    %dma_wait3A_256 = arith.constant 0 : i32
    %dma_wait3A_257 = arith.constant 0 : i32
    %dma_wait3A_258 = tpu.memref_slice %dma_wait3A_255[%dma_wait3A_256, %dma_wait3A_257] : memref<4x128xi32, #tpu.memory_space<hbm>> -> memref<1x128xi32, #tpu.memory_space<hbm>>
    %dma_wait3A_259 = arith.constant 78 : i32
    %dma_wait3A_260 = arith.constant 0 : i32
    %dma_wait3A_261 = tpu.memref_slice %arg8[%dma_wait3A_259, %dma_wait3A_260] : memref<82x128xi32, #tpu.memory_space<vmem>> -> memref<1x128xi32, #tpu.memory_space<vmem>>
    %dma_wait3A_262 = arith.constant 0 : i32
    %dma_wait3A_263 = arith.constant 0 : i32
    %dma_wait3A_264 = tpu.memref_slice %arg5[%dma_wait3A_248, %dma_wait3A_262, %dma_wait3A_263] : memref<32x4x128xi32, #tpu.memory_space<hbm>> -> memref<1x4x128xi32, #tpu.memory_space<hbm>>
    %dma_wait3A_265 = tpu.memref_squeeze %dma_wait3A_264 : memref<1x4x128xi32, #tpu.memory_space<hbm>> -> memref<4x128xi32, #tpu.memory_space<hbm>>
    %dma_wait3A_266 = arith.constant 0 : i32
    %dma_wait3A_267 = arith.constant 0 : i32
    %dma_wait3A_268 = tpu.memref_slice %dma_wait3A_265[%dma_wait3A_266, %dma_wait3A_267] : memref<4x128xi32, #tpu.memory_space<hbm>> -> memref<1x128xi32, #tpu.memory_space<hbm>>
    tpu.wait_dma2 semaphore(%arg13 : memref<!tpu.dma_semaphore, #tpu.memory_space<semaphore_mem>>) src(%dma_wait3A_268 : memref<1x128xi32, #tpu.memory_space<hbm>>) dst(%dma_wait3A_261 : memref<1x128xi32, #tpu.memory_space<vmem>>)
    %dma_wait3A_269 = arith.constant 0 : i32
    %dma_wait3A_270 = arith.constant 79 : i32
    %dma_wait3A_271 = arith.constant 0 : i32
    %dma_wait3A_272 = tpu.memref_slice %arg8[%dma_wait3A_270, %dma_wait3A_271] : memref<82x128xi32, #tpu.memory_space<vmem>> -> memref<3x128xi32, #tpu.memory_space<vmem>>
    %dma_wait3A_273 = arith.constant 0 : i32
    %dma_wait3A_274 = arith.constant 0 : i32
    %dma_wait3A_275 = tpu.memref_slice %arg5[%dma_wait3A_269, %dma_wait3A_273, %dma_wait3A_274] : memref<32x4x128xi32, #tpu.memory_space<hbm>> -> memref<1x4x128xi32, #tpu.memory_space<hbm>>
    %dma_wait3A_276 = tpu.memref_squeeze %dma_wait3A_275 : memref<1x4x128xi32, #tpu.memory_space<hbm>> -> memref<4x128xi32, #tpu.memory_space<hbm>>
    %dma_wait3A_277 = arith.constant 1 : i32
    %dma_wait3A_278 = arith.constant 0 : i32
    %dma_wait3A_279 = tpu.memref_slice %dma_wait3A_276[%dma_wait3A_277, %dma_wait3A_278] : memref<4x128xi32, #tpu.memory_space<hbm>> -> memref<3x128xi32, #tpu.memory_space<hbm>>
    %dma_wait3A_280 = arith.constant 79 : i32
    %dma_wait3A_281 = arith.constant 0 : i32
    %dma_wait3A_282 = tpu.memref_slice %arg8[%dma_wait3A_280, %dma_wait3A_281] : memref<82x128xi32, #tpu.memory_space<vmem>> -> memref<3x128xi32, #tpu.memory_space<vmem>>
    %dma_wait3A_283 = arith.constant 0 : i32
    %dma_wait3A_284 = arith.constant 0 : i32
    %dma_wait3A_285 = tpu.memref_slice %arg5[%dma_wait3A_269, %dma_wait3A_283, %dma_wait3A_284] : memref<32x4x128xi32, #tpu.memory_space<hbm>> -> memref<1x4x128xi32, #tpu.memory_space<hbm>>
    %dma_wait3A_286 = tpu.memref_squeeze %dma_wait3A_285 : memref<1x4x128xi32, #tpu.memory_space<hbm>> -> memref<4x128xi32, #tpu.memory_space<hbm>>
    %dma_wait3A_287 = arith.constant 1 : i32
    %dma_wait3A_288 = arith.constant 0 : i32
    %dma_wait3A_289 = tpu.memref_slice %dma_wait3A_286[%dma_wait3A_287, %dma_wait3A_288] : memref<4x128xi32, #tpu.memory_space<hbm>> -> memref<3x128xi32, #tpu.memory_space<hbm>>
    tpu.wait_dma2 semaphore(%arg13 : memref<!tpu.dma_semaphore, #tpu.memory_space<semaphore_mem>>) src(%dma_wait3A_289 : memref<3x128xi32, #tpu.memory_space<hbm>>) dst(%dma_wait3A_282 : memref<3x128xi32, #tpu.memory_space<vmem>>)
    %dma_wait3A_290 = arith.constant 0 : i32
    %dma_wait3A_291 = arith.constant 0 : i32
    %dma_wait3A_292 = arith.constant 0 : i32
    %dma_wait3A_293 = tpu.memref_slice %arg9[%dma_wait3A_290, %dma_wait3A_291, %dma_wait3A_292] : memref<4x128x64xf32, #tpu.memory_space<vmem>> -> memref<1x128x64xf32, #tpu.memory_space<vmem>>
    %dma_wait3A_294 = tpu.memref_squeeze %dma_wait3A_293 : memref<1x128x64xf32, #tpu.memory_space<vmem>> -> memref<128x64xf32, #tpu.memory_space<vmem>>
    %dma_wait3A_295 = arith.constant 0 : i32
    %dma_wait3A_296 = tpu.memref_slice %arg10[%add3A_88, %dma_wait3A_295] : memref<10752x64xf32, #tpu.memory_space<vmem_shared>> -> memref<128x64xf32, #tpu.memory_space<vmem_shared>>
    %dma_wait3A_297 = arith.constant 0 : i32
    %dma_wait3A_298 = tpu.memref_slice %arg10[%add3A_88, %dma_wait3A_297] : memref<10752x64xf32, #tpu.memory_space<vmem_shared>> -> memref<128x64xf32, #tpu.memory_space<vmem_shared>>
    %dma_wait3A_299 = arith.constant 0 : i32
    %dma_wait3A_300 = arith.constant 0 : i32
    %dma_wait3A_301 = tpu.memref_slice %arg9[%dma_wait3A_290, %dma_wait3A_299, %dma_wait3A_300] : memref<4x128x64xf32, #tpu.memory_space<vmem>> -> memref<1x128x64xf32, #tpu.memory_space<vmem>>
    %dma_wait3A_302 = tpu.memref_squeeze %dma_wait3A_301 : memref<1x128x64xf32, #tpu.memory_space<vmem>> -> memref<128x64xf32, #tpu.memory_space<vmem>>
    tpu.wait_dma2 semaphore(%arg11 : memref<!tpu.dma_semaphore, #tpu.memory_space<semaphore_mem>>) src(%dma_wait3A_302 : memref<128x64xf32, #tpu.memory_space<vmem>>) dst(%dma_wait3A_298 : memref<128x64xf32, #tpu.memory_space<vmem_shared>>)
    %dma_wait3A_303 = arith.constant 0 : i32
    %dma_wait3A_304 = arith.constant 0 : i32
    %dma_wait3A_305 = arith.constant 0 : i32
    %dma_wait3A_306 = tpu.memref_slice %arg9[%dma_wait3A_303, %dma_wait3A_304, %dma_wait3A_305] : memref<4x128x64xf32, #tpu.memory_space<vmem>> -> memref<1x128x64xf32, #tpu.memory_space<vmem>>
    %dma_wait3A_307 = tpu.memref_squeeze %dma_wait3A_306 : memref<1x128x64xf32, #tpu.memory_space<vmem>> -> memref<128x64xf32, #tpu.memory_space<vmem>>
    %dma_wait3A_308 = arith.constant 0 : i32
    %dma_wait3A_309 = tpu.memref_slice %arg10[%add3A_103, %dma_wait3A_308] : memref<10752x64xf32, #tpu.memory_space<vmem_shared>> -> memref<128x64xf32, #tpu.memory_space<vmem_shared>>
    %dma_wait3A_310 = arith.constant 0 : i32
    %dma_wait3A_311 = tpu.memref_slice %arg10[%add3A_103, %dma_wait3A_310] : memref<10752x64xf32, #tpu.memory_space<vmem_shared>> -> memref<128x64xf32, #tpu.memory_space<vmem_shared>>
    %dma_wait3A_312 = arith.constant 0 : i32
    %dma_wait3A_313 = arith.constant 0 : i32
    %dma_wait3A_314 = tpu.memref_slice %arg9[%dma_wait3A_303, %dma_wait3A_312, %dma_wait3A_313] : memref<4x128x64xf32, #tpu.memory_space<vmem>> -> memref<1x128x64xf32, #tpu.memory_space<vmem>>
    %dma_wait3A_315 = tpu.memref_squeeze %dma_wait3A_314 : memref<1x128x64xf32, #tpu.memory_space<vmem>> -> memref<128x64xf32, #tpu.memory_space<vmem>>
    tpu.wait_dma2 semaphore(%arg11 : memref<!tpu.dma_semaphore, #tpu.memory_space<semaphore_mem>>) src(%dma_wait3A_315 : memref<128x64xf32, #tpu.memory_space<vmem>>) dst(%dma_wait3A_311 : memref<128x64xf32, #tpu.memory_space<vmem_shared>>)
    %dma_wait3A_316 = arith.constant 0 : i32
    %dma_wait3A_317 = arith.constant 0 : i32
    %dma_wait3A_318 = arith.constant 0 : i32
    %dma_wait3A_319 = tpu.memref_slice %arg9[%dma_wait3A_316, %dma_wait3A_317, %dma_wait3A_318] : memref<4x128x64xf32, #tpu.memory_space<vmem>> -> memref<1x128x64xf32, #tpu.memory_space<vmem>>
    %dma_wait3A_320 = tpu.memref_squeeze %dma_wait3A_319 : memref<1x128x64xf32, #tpu.memory_space<vmem>> -> memref<128x64xf32, #tpu.memory_space<vmem>>
    %dma_wait3A_321 = arith.constant 0 : i32
    %dma_wait3A_322 = tpu.memref_slice %arg10[%add3A_118, %dma_wait3A_321] : memref<10752x64xf32, #tpu.memory_space<vmem_shared>> -> memref<128x64xf32, #tpu.memory_space<vmem_shared>>
    %dma_wait3A_323 = arith.constant 0 : i32
    %dma_wait3A_324 = tpu.memref_slice %arg10[%add3A_118, %dma_wait3A_323] : memref<10752x64xf32, #tpu.memory_space<vmem_shared>> -> memref<128x64xf32, #tpu.memory_space<vmem_shared>>
    %dma_wait3A_325 = arith.constant 0 : i32
    %dma_wait3A_326 = arith.constant 0 : i32
    %dma_wait3A_327 = tpu.memref_slice %arg9[%dma_wait3A_316, %dma_wait3A_325, %dma_wait3A_326] : memref<4x128x64xf32, #tpu.memory_space<vmem>> -> memref<1x128x64xf32, #tpu.memory_space<vmem>>
    %dma_wait3A_328 = tpu.memref_squeeze %dma_wait3A_327 : memref<1x128x64xf32, #tpu.memory_space<vmem>> -> memref<128x64xf32, #tpu.memory_space<vmem>>
    tpu.wait_dma2 semaphore(%arg11 : memref<!tpu.dma_semaphore, #tpu.memory_space<semaphore_mem>>) src(%dma_wait3A_328 : memref<128x64xf32, #tpu.memory_space<vmem>>) dst(%dma_wait3A_324 : memref<128x64xf32, #tpu.memory_space<vmem_shared>>)
    %dma_wait3A_329 = arith.constant 0 : i32
    %dma_wait3A_330 = arith.constant 0 : i32
    %dma_wait3A_331 = arith.constant 0 : i32
    %dma_wait3A_332 = tpu.memref_slice %arg9[%dma_wait3A_329, %dma_wait3A_330, %dma_wait3A_331] : memref<4x128x64xf32, #tpu.memory_space<vmem>> -> memref<1x128x64xf32, #tpu.memory_space<vmem>>
    %dma_wait3A_333 = tpu.memref_squeeze %dma_wait3A_332 : memref<1x128x64xf32, #tpu.memory_space<vmem>> -> memref<128x64xf32, #tpu.memory_space<vmem>>
    %dma_wait3A_334 = arith.constant 0 : i32
    %dma_wait3A_335 = tpu.memref_slice %arg10[%add3A_133, %dma_wait3A_334] : memref<10752x64xf32, #tpu.memory_space<vmem_shared>> -> memref<128x64xf32, #tpu.memory_space<vmem_shared>>
    %dma_wait3A_336 = arith.constant 0 : i32
    %dma_wait3A_337 = tpu.memref_slice %arg10[%add3A_133, %dma_wait3A_336] : memref<10752x64xf32, #tpu.memory_space<vmem_shared>> -> memref<128x64xf32, #tpu.memory_space<vmem_shared>>
    %dma_wait3A_338 = arith.constant 0 : i32
    %dma_wait3A_339 = arith.constant 0 : i32
    %dma_wait3A_340 = tpu.memref_slice %arg9[%dma_wait3A_329, %dma_wait3A_338, %dma_wait3A_339] : memref<4x128x64xf32, #tpu.memory_space<vmem>> -> memref<1x128x64xf32, #tpu.memory_space<vmem>>
    %dma_wait3A_341 = tpu.memref_squeeze %dma_wait3A_340 : memref<1x128x64xf32, #tpu.memory_space<vmem>> -> memref<128x64xf32, #tpu.memory_space<vmem>>
    tpu.wait_dma2 semaphore(%arg11 : memref<!tpu.dma_semaphore, #tpu.memory_space<semaphore_mem>>) src(%dma_wait3A_341 : memref<128x64xf32, #tpu.memory_space<vmem>>) dst(%dma_wait3A_337 : memref<128x64xf32, #tpu.memory_space<vmem_shared>>)
    %dma_wait3A_342 = arith.constant 0 : i32
    %dma_wait3A_343 = arith.constant 0 : i32
    %dma_wait3A_344 = arith.constant 0 : i32
    %dma_wait3A_345 = tpu.memref_slice %arg9[%dma_wait3A_342, %dma_wait3A_343, %dma_wait3A_344] : memref<4x128x64xf32, #tpu.memory_space<vmem>> -> memref<1x128x64xf32, #tpu.memory_space<vmem>>
    %dma_wait3A_346 = tpu.memref_squeeze %dma_wait3A_345 : memref<1x128x64xf32, #tpu.memory_space<vmem>> -> memref<128x64xf32, #tpu.memory_space<vmem>>
    %dma_wait3A_347 = arith.constant 0 : i32
    %dma_wait3A_348 = tpu.memref_slice %arg10[%add3A_148, %dma_wait3A_347] : memref<10752x64xf32, #tpu.memory_space<vmem_shared>> -> memref<128x64xf32, #tpu.memory_space<vmem_shared>>
    %dma_wait3A_349 = arith.constant 0 : i32
    %dma_wait3A_350 = tpu.memref_slice %arg10[%add3A_148, %dma_wait3A_349] : memref<10752x64xf32, #tpu.memory_space<vmem_shared>> -> memref<128x64xf32, #tpu.memory_space<vmem_shared>>
    %dma_wait3A_351 = arith.constant 0 : i32
    %dma_wait3A_352 = arith.constant 0 : i32
    %dma_wait3A_353 = tpu.memref_slice %arg9[%dma_wait3A_342, %dma_wait3A_351, %dma_wait3A_352] : memref<4x128x64xf32, #tpu.memory_space<vmem>> -> memref<1x128x64xf32, #tpu.memory_space<vmem>>
    %dma_wait3A_354 = tpu.memref_squeeze %dma_wait3A_353 : memref<1x128x64xf32, #tpu.memory_space<vmem>> -> memref<128x64xf32, #tpu.memory_space<vmem>>
    tpu.wait_dma2 semaphore(%arg11 : memref<!tpu.dma_semaphore, #tpu.memory_space<semaphore_mem>>) src(%dma_wait3A_354 : memref<128x64xf32, #tpu.memory_space<vmem>>) dst(%dma_wait3A_350 : memref<128x64xf32, #tpu.memory_space<vmem_shared>>)
    %dma_wait3A_355 = arith.constant 0 : i32
    %dma_wait3A_356 = arith.constant 0 : i32
    %dma_wait3A_357 = arith.constant 0 : i32
    %dma_wait3A_358 = tpu.memref_slice %arg9[%dma_wait3A_355, %dma_wait3A_356, %dma_wait3A_357] : memref<4x128x64xf32, #tpu.memory_space<vmem>> -> memref<1x128x64xf32, #tpu.memory_space<vmem>>
    %dma_wait3A_359 = tpu.memref_squeeze %dma_wait3A_358 : memref<1x128x64xf32, #tpu.memory_space<vmem>> -> memref<128x64xf32, #tpu.memory_space<vmem>>
    %dma_wait3A_360 = arith.constant 0 : i32
    %dma_wait3A_361 = arith.constant 0 : i32
    %dma_wait3A_362 = tpu.memref_slice %dma_wait3A_359[%dma_wait3A_360, %dma_wait3A_361] : memref<128x64xf32, #tpu.memory_space<vmem>> -> memref<32x64xf32, #tpu.memory_space<vmem>>
    %dma_wait3A_363 = arith.constant 0 : i32
    %dma_wait3A_364 = tpu.memref_slice %arg10[%add3A_163, %dma_wait3A_363] : memref<10752x64xf32, #tpu.memory_space<vmem_shared>> -> memref<32x64xf32, #tpu.memory_space<vmem_shared>>
    %dma_wait3A_365 = arith.constant 0 : i32
    %dma_wait3A_366 = tpu.memref_slice %arg10[%add3A_163, %dma_wait3A_365] : memref<10752x64xf32, #tpu.memory_space<vmem_shared>> -> memref<32x64xf32, #tpu.memory_space<vmem_shared>>
    %dma_wait3A_367 = arith.constant 0 : i32
    %dma_wait3A_368 = arith.constant 0 : i32
    %dma_wait3A_369 = tpu.memref_slice %arg9[%dma_wait3A_355, %dma_wait3A_367, %dma_wait3A_368] : memref<4x128x64xf32, #tpu.memory_space<vmem>> -> memref<1x128x64xf32, #tpu.memory_space<vmem>>
    %dma_wait3A_370 = tpu.memref_squeeze %dma_wait3A_369 : memref<1x128x64xf32, #tpu.memory_space<vmem>> -> memref<128x64xf32, #tpu.memory_space<vmem>>
    %dma_wait3A_371 = arith.constant 0 : i32
    %dma_wait3A_372 = arith.constant 0 : i32
    %dma_wait3A_373 = tpu.memref_slice %dma_wait3A_370[%dma_wait3A_371, %dma_wait3A_372] : memref<128x64xf32, #tpu.memory_space<vmem>> -> memref<32x64xf32, #tpu.memory_space<vmem>>
    tpu.wait_dma2 semaphore(%arg11 : memref<!tpu.dma_semaphore, #tpu.memory_space<semaphore_mem>>) src(%dma_wait3A_373 : memref<32x64xf32, #tpu.memory_space<vmem>>) dst(%dma_wait3A_366 : memref<32x64xf32, #tpu.memory_space<vmem_shared>>)
    %barrier3A = arith.constant 0 : index
    tpu.barrier barrier_id(%barrier3A)
    %dma_start3A_374 = arith.constant 0 : i32
    %dma_start3A_375 = arith.constant 0 : i32
    %dma_start3A_376 = arith.constant 0 : i32
    %dma_start3A_377 = arith.constant 0 : i32
    %dma_start3A_378 = tpu.memref_slice %arg9[%dma_start3A_375, %dma_start3A_376, %dma_start3A_377] : memref<4x128x64xf32, #tpu.memory_space<vmem>> -> memref<1x128x64xf32, #tpu.memory_space<vmem>>
    %dma_start3A_379 = tpu.memref_squeeze %dma_start3A_378 : memref<1x128x64xf32, #tpu.memory_space<vmem>> -> memref<128x64xf32, #tpu.memory_space<vmem>>
    %dma_start3A_380 = arith.constant 0 : i32
    %dma_start3A_381 = tpu.memref_slice %arg7[%dma_start3A_374, %dma_start3A_380] : memref<82x128xi32, #tpu.memory_space<vmem>> -> memref<1x128xi32, #tpu.memory_space<vmem>>
    %dma_start3A_382 = tpu.memref_squeeze %dma_start3A_381 : memref<1x128xi32, #tpu.memory_space<vmem>> -> memref<128xi32, #tpu.memory_space<vmem>>
    %dma_start3A_383 = arith.constant 0 : i32
    %dma_start3A_384 = arith.constant 0 : i32
    %dma_start3A_385 = tpu.memref_slice %arg2[%dma_start3A_383, %dma_start3A_384] : memref<10752x64xf32, #tpu.memory_space<hbm>> -> memref<10752x64xf32, #tpu.memory_space<hbm>>
    tpu.enqueue_indirect_dma source(%dma_start3A_385 : memref<10752x64xf32, #tpu.memory_space<hbm>>) target(%dma_start3A_379 : memref<128x64xf32, #tpu.memory_space<vmem>>) offsets(%dma_start3A_382 : memref<128xi32, #tpu.memory_space<vmem>>) semaphore(%arg11 : memref<!tpu.dma_semaphore, #tpu.memory_space<semaphore_mem>>)
    %dma_start3A_386 = arith.constant 1 : i32
    %dma_start3A_387 = arith.constant 1 : i32
    %dma_start3A_388 = arith.constant 0 : i32
    %dma_start3A_389 = arith.constant 0 : i32
    %dma_start3A_390 = tpu.memref_slice %arg9[%dma_start3A_387, %dma_start3A_388, %dma_start3A_389] : memref<4x128x64xf32, #tpu.memory_space<vmem>> -> memref<1x128x64xf32, #tpu.memory_space<vmem>>
    %dma_start3A_391 = tpu.memref_squeeze %dma_start3A_390 : memref<1x128x64xf32, #tpu.memory_space<vmem>> -> memref<128x64xf32, #tpu.memory_space<vmem>>
    %dma_start3A_392 = arith.constant 0 : i32
    %dma_start3A_393 = tpu.memref_slice %arg7[%dma_start3A_386, %dma_start3A_392] : memref<82x128xi32, #tpu.memory_space<vmem>> -> memref<1x128xi32, #tpu.memory_space<vmem>>
    %dma_start3A_394 = tpu.memref_squeeze %dma_start3A_393 : memref<1x128xi32, #tpu.memory_space<vmem>> -> memref<128xi32, #tpu.memory_space<vmem>>
    %dma_start3A_395 = arith.constant 0 : i32
    %dma_start3A_396 = arith.constant 0 : i32
    %dma_start3A_397 = tpu.memref_slice %arg2[%dma_start3A_395, %dma_start3A_396] : memref<10752x64xf32, #tpu.memory_space<hbm>> -> memref<10752x64xf32, #tpu.memory_space<hbm>>
    tpu.enqueue_indirect_dma source(%dma_start3A_397 : memref<10752x64xf32, #tpu.memory_space<hbm>>) target(%dma_start3A_391 : memref<128x64xf32, #tpu.memory_space<vmem>>) offsets(%dma_start3A_394 : memref<128xi32, #tpu.memory_space<vmem>>) semaphore(%arg12 : memref<!tpu.dma_semaphore, #tpu.memory_space<semaphore_mem>>)
    %dma_wait3A_398 = arith.constant 0 : i32
    %dma_wait3A_399 = arith.constant 0 : i32
    %dma_wait3A_400 = arith.constant 0 : i32
    %dma_wait3A_401 = arith.constant 0 : i32
    %dma_wait3A_402 = tpu.memref_slice %arg9[%dma_wait3A_399, %dma_wait3A_400, %dma_wait3A_401] : memref<4x128x64xf32, #tpu.memory_space<vmem>> -> memref<1x128x64xf32, #tpu.memory_space<vmem>>
    %dma_wait3A_403 = tpu.memref_squeeze %dma_wait3A_402 : memref<1x128x64xf32, #tpu.memory_space<vmem>> -> memref<128x64xf32, #tpu.memory_space<vmem>>
    %dma_wait3A_404 = arith.constant 0 : i32
    %dma_wait3A_405 = tpu.memref_slice %arg7[%dma_wait3A_398, %dma_wait3A_404] : memref<82x128xi32, #tpu.memory_space<vmem>> -> memref<1x128xi32, #tpu.memory_space<vmem>>
    %dma_wait3A_406 = tpu.memref_squeeze %dma_wait3A_405 : memref<1x128xi32, #tpu.memory_space<vmem>> -> memref<128xi32, #tpu.memory_space<vmem>>
    %dma_wait3A_407 = arith.constant 0 : i32
    %dma_wait3A_408 = arith.constant 0 : i32
    %dma_wait3A_409 = tpu.memref_slice %arg2[%dma_wait3A_407, %dma_wait3A_408] : memref<10752x64xf32, #tpu.memory_space<hbm>> -> memref<10752x64xf32, #tpu.memory_space<hbm>>
    tpu.wait_indirect_dma semaphore(%arg11 : memref<!tpu.dma_semaphore, #tpu.memory_space<semaphore_mem>>) src(%dma_wait3A_409 : memref<10752x64xf32, #tpu.memory_space<hbm>>) dst(%dma_wait3A_403 : memref<128x64xf32, #tpu.memory_space<vmem>>)
    %dma_start3A_410 = arith.constant 0 : i32
    %dma_start3A_411 = arith.constant 0 : i32
    %dma_start3A_412 = arith.constant 0 : i32
    %dma_start3A_413 = arith.constant 0 : i32
    %dma_start3A_414 = tpu.memref_slice %arg9[%dma_start3A_410, %dma_start3A_412, %dma_start3A_413] : memref<4x128x64xf32, #tpu.memory_space<vmem>> -> memref<1x128x64xf32, #tpu.memory_space<vmem>>
    %dma_start3A_415 = tpu.memref_squeeze %dma_start3A_414 : memref<1x128x64xf32, #tpu.memory_space<vmem>> -> memref<128x64xf32, #tpu.memory_space<vmem>>
    %dma_start3A_416 = arith.constant 0 : i32
    %dma_start3A_417 = tpu.memref_slice %arg8[%dma_start3A_411, %dma_start3A_416] : memref<82x128xi32, #tpu.memory_space<vmem>> -> memref<1x128xi32, #tpu.memory_space<vmem>>
    %dma_start3A_418 = tpu.memref_squeeze %dma_start3A_417 : memref<1x128xi32, #tpu.memory_space<vmem>> -> memref<128xi32, #tpu.memory_space<vmem>>
    %dma_start3A_419 = arith.constant 0 : i32
    %dma_start3A_420 = arith.constant 0 : i32
    %dma_start3A_421 = tpu.memref_slice %arg10[%dma_start3A_419, %dma_start3A_420] : memref<10752x64xf32, #tpu.memory_space<vmem_shared>> -> memref<10752x64xf32, #tpu.memory_space<vmem_shared>>
    tpu.enqueue_indirect_dma source(%dma_start3A_415 : memref<128x64xf32, #tpu.memory_space<vmem>>) target(%dma_start3A_421 : memref<10752x64xf32, #tpu.memory_space<vmem_shared>>) offsets(%dma_start3A_418 : memref<128xi32, #tpu.memory_space<vmem>>) semaphore(%arg15 : memref<!tpu.dma_semaphore, #tpu.memory_space<semaphore_mem>>) {add = true}
    %dma_start3A_422 = arith.constant 2 : i32
    %dma_start3A_423 = arith.constant 2 : i32
    %dma_start3A_424 = arith.constant 0 : i32
    %dma_start3A_425 = arith.constant 0 : i32
    %dma_start3A_426 = tpu.memref_slice %arg9[%dma_start3A_423, %dma_start3A_424, %dma_start3A_425] : memref<4x128x64xf32, #tpu.memory_space<vmem>> -> memref<1x128x64xf32, #tpu.memory_space<vmem>>
    %dma_start3A_427 = tpu.memref_squeeze %dma_start3A_426 : memref<1x128x64xf32, #tpu.memory_space<vmem>> -> memref<128x64xf32, #tpu.memory_space<vmem>>
    %dma_start3A_428 = arith.constant 0 : i32
    %dma_start3A_429 = tpu.memref_slice %arg7[%dma_start3A_422, %dma_start3A_428] : memref<82x128xi32, #tpu.memory_space<vmem>> -> memref<1x128xi32, #tpu.memory_space<vmem>>
    %dma_start3A_430 = tpu.memref_squeeze %dma_start3A_429 : memref<1x128xi32, #tpu.memory_space<vmem>> -> memref<128xi32, #tpu.memory_space<vmem>>
    %dma_start3A_431 = arith.constant 0 : i32
    %dma_start3A_432 = arith.constant 0 : i32
    %dma_start3A_433 = tpu.memref_slice %arg2[%dma_start3A_431, %dma_start3A_432] : memref<10752x64xf32, #tpu.memory_space<hbm>> -> memref<10752x64xf32, #tpu.memory_space<hbm>>
    tpu.enqueue_indirect_dma source(%dma_start3A_433 : memref<10752x64xf32, #tpu.memory_space<hbm>>) target(%dma_start3A_427 : memref<128x64xf32, #tpu.memory_space<vmem>>) offsets(%dma_start3A_430 : memref<128xi32, #tpu.memory_space<vmem>>) semaphore(%arg13 : memref<!tpu.dma_semaphore, #tpu.memory_space<semaphore_mem>>)
    %dma_wait3A_434 = arith.constant 1 : i32
    %dma_wait3A_435 = arith.constant 1 : i32
    %dma_wait3A_436 = arith.constant 0 : i32
    %dma_wait3A_437 = arith.constant 0 : i32
    %dma_wait3A_438 = tpu.memref_slice %arg9[%dma_wait3A_435, %dma_wait3A_436, %dma_wait3A_437] : memref<4x128x64xf32, #tpu.memory_space<vmem>> -> memref<1x128x64xf32, #tpu.memory_space<vmem>>
    %dma_wait3A_439 = tpu.memref_squeeze %dma_wait3A_438 : memref<1x128x64xf32, #tpu.memory_space<vmem>> -> memref<128x64xf32, #tpu.memory_space<vmem>>
    %dma_wait3A_440 = arith.constant 0 : i32
    %dma_wait3A_441 = tpu.memref_slice %arg7[%dma_wait3A_434, %dma_wait3A_440] : memref<82x128xi32, #tpu.memory_space<vmem>> -> memref<1x128xi32, #tpu.memory_space<vmem>>
    %dma_wait3A_442 = tpu.memref_squeeze %dma_wait3A_441 : memref<1x128xi32, #tpu.memory_space<vmem>> -> memref<128xi32, #tpu.memory_space<vmem>>
    %dma_wait3A_443 = arith.constant 0 : i32
    %dma_wait3A_444 = arith.constant 0 : i32
    %dma_wait3A_445 = tpu.memref_slice %arg2[%dma_wait3A_443, %dma_wait3A_444] : memref<10752x64xf32, #tpu.memory_space<hbm>> -> memref<10752x64xf32, #tpu.memory_space<hbm>>
    tpu.wait_indirect_dma semaphore(%arg12 : memref<!tpu.dma_semaphore, #tpu.memory_space<semaphore_mem>>) src(%dma_wait3A_445 : memref<10752x64xf32, #tpu.memory_space<hbm>>) dst(%dma_wait3A_439 : memref<128x64xf32, #tpu.memory_space<vmem>>)
    %dma_start3A_446 = arith.constant 1 : i32
    %dma_start3A_447 = arith.constant 1 : i32
    %dma_start3A_448 = arith.constant 0 : i32
    %dma_start3A_449 = arith.constant 0 : i32
    %dma_start3A_450 = tpu.memref_slice %arg9[%dma_start3A_446, %dma_start3A_448, %dma_start3A_449] : memref<4x128x64xf32, #tpu.memory_space<vmem>> -> memref<1x128x64xf32, #tpu.memory_space<vmem>>
    %dma_start3A_451 = tpu.memref_squeeze %dma_start3A_450 : memref<1x128x64xf32, #tpu.memory_space<vmem>> -> memref<128x64xf32, #tpu.memory_space<vmem>>
    %dma_start3A_452 = arith.constant 0 : i32
    %dma_start3A_453 = tpu.memref_slice %arg8[%dma_start3A_447, %dma_start3A_452] : memref<82x128xi32, #tpu.memory_space<vmem>> -> memref<1x128xi32, #tpu.memory_space<vmem>>
    %dma_start3A_454 = tpu.memref_squeeze %dma_start3A_453 : memref<1x128xi32, #tpu.memory_space<vmem>> -> memref<128xi32, #tpu.memory_space<vmem>>
    %dma_start3A_455 = arith.constant 0 : i32
    %dma_start3A_456 = arith.constant 0 : i32
    %dma_start3A_457 = tpu.memref_slice %arg10[%dma_start3A_455, %dma_start3A_456] : memref<10752x64xf32, #tpu.memory_space<vmem_shared>> -> memref<10752x64xf32, #tpu.memory_space<vmem_shared>>
    tpu.enqueue_indirect_dma source(%dma_start3A_451 : memref<128x64xf32, #tpu.memory_space<vmem>>) target(%dma_start3A_457 : memref<10752x64xf32, #tpu.memory_space<vmem_shared>>) offsets(%dma_start3A_454 : memref<128xi32, #tpu.memory_space<vmem>>) semaphore(%arg16 : memref<!tpu.dma_semaphore, #tpu.memory_space<semaphore_mem>>) {add = true}
    %dma_start3A_458 = arith.constant 3 : i32
    %dma_start3A_459 = arith.constant 3 : i32
    %dma_start3A_460 = arith.constant 0 : i32
    %dma_start3A_461 = arith.constant 0 : i32
    %dma_start3A_462 = tpu.memref_slice %arg9[%dma_start3A_459, %dma_start3A_460, %dma_start3A_461] : memref<4x128x64xf32, #tpu.memory_space<vmem>> -> memref<1x128x64xf32, #tpu.memory_space<vmem>>
    %dma_start3A_463 = tpu.memref_squeeze %dma_start3A_462 : memref<1x128x64xf32, #tpu.memory_space<vmem>> -> memref<128x64xf32, #tpu.memory_space<vmem>>
    %dma_start3A_464 = arith.constant 0 : i32
    %dma_start3A_465 = tpu.memref_slice %arg7[%dma_start3A_458, %dma_start3A_464] : memref<82x128xi32, #tpu.memory_space<vmem>> -> memref<1x128xi32, #tpu.memory_space<vmem>>
    %dma_start3A_466 = tpu.memref_squeeze %dma_start3A_465 : memref<1x128xi32, #tpu.memory_space<vmem>> -> memref<128xi32, #tpu.memory_space<vmem>>
    %dma_start3A_467 = arith.constant 0 : i32
    %dma_start3A_468 = arith.constant 0 : i32
    %dma_start3A_469 = tpu.memref_slice %arg2[%dma_start3A_467, %dma_start3A_468] : memref<10752x64xf32, #tpu.memory_space<hbm>> -> memref<10752x64xf32, #tpu.memory_space<hbm>>
    tpu.enqueue_indirect_dma source(%dma_start3A_469 : memref<10752x64xf32, #tpu.memory_space<hbm>>) target(%dma_start3A_463 : memref<128x64xf32, #tpu.memory_space<vmem>>) offsets(%dma_start3A_466 : memref<128xi32, #tpu.memory_space<vmem>>) semaphore(%arg14 : memref<!tpu.dma_semaphore, #tpu.memory_space<semaphore_mem>>)
    %dma_wait3A_470 = arith.constant 2 : i32
    %dma_wait3A_471 = arith.constant 2 : i32
    %dma_wait3A_472 = arith.constant 0 : i32
    %dma_wait3A_473 = arith.constant 0 : i32
    %dma_wait3A_474 = tpu.memref_slice %arg9[%dma_wait3A_471, %dma_wait3A_472, %dma_wait3A_473] : memref<4x128x64xf32, #tpu.memory_space<vmem>> -> memref<1x128x64xf32, #tpu.memory_space<vmem>>
    %dma_wait3A_475 = tpu.memref_squeeze %dma_wait3A_474 : memref<1x128x64xf32, #tpu.memory_space<vmem>> -> memref<128x64xf32, #tpu.memory_space<vmem>>
    %dma_wait3A_476 = arith.constant 0 : i32
    %dma_wait3A_477 = tpu.memref_slice %arg7[%dma_wait3A_470, %dma_wait3A_476] : memref<82x128xi32, #tpu.memory_space<vmem>> -> memref<1x128xi32, #tpu.memory_space<vmem>>
    %dma_wait3A_478 = tpu.memref_squeeze %dma_wait3A_477 : memref<1x128xi32, #tpu.memory_space<vmem>> -> memref<128xi32, #tpu.memory_space<vmem>>
    %dma_wait3A_479 = arith.constant 0 : i32
    %dma_wait3A_480 = arith.constant 0 : i32
    %dma_wait3A_481 = tpu.memref_slice %arg2[%dma_wait3A_479, %dma_wait3A_480] : memref<10752x64xf32, #tpu.memory_space<hbm>> -> memref<10752x64xf32, #tpu.memory_space<hbm>>
    tpu.wait_indirect_dma semaphore(%arg13 : memref<!tpu.dma_semaphore, #tpu.memory_space<semaphore_mem>>) src(%dma_wait3A_481 : memref<10752x64xf32, #tpu.memory_space<hbm>>) dst(%dma_wait3A_475 : memref<128x64xf32, #tpu.memory_space<vmem>>)
    %dma_start3A_482 = arith.constant 2 : i32
    %dma_start3A_483 = arith.constant 2 : i32
    %dma_start3A_484 = arith.constant 0 : i32
    %dma_start3A_485 = arith.constant 0 : i32
    %dma_start3A_486 = tpu.memref_slice %arg9[%dma_start3A_482, %dma_start3A_484, %dma_start3A_485] : memref<4x128x64xf32, #tpu.memory_space<vmem>> -> memref<1x128x64xf32, #tpu.memory_space<vmem>>
    %dma_start3A_487 = tpu.memref_squeeze %dma_start3A_486 : memref<1x128x64xf32, #tpu.memory_space<vmem>> -> memref<128x64xf32, #tpu.memory_space<vmem>>
    %dma_start3A_488 = arith.constant 0 : i32
    %dma_start3A_489 = tpu.memref_slice %arg8[%dma_start3A_483, %dma_start3A_488] : memref<82x128xi32, #tpu.memory_space<vmem>> -> memref<1x128xi32, #tpu.memory_space<vmem>>
    %dma_start3A_490 = tpu.memref_squeeze %dma_start3A_489 : memref<1x128xi32, #tpu.memory_space<vmem>> -> memref<128xi32, #tpu.memory_space<vmem>>
    %dma_start3A_491 = arith.constant 0 : i32
    %dma_start3A_492 = arith.constant 0 : i32
    %dma_start3A_493 = tpu.memref_slice %arg10[%dma_start3A_491, %dma_start3A_492] : memref<10752x64xf32, #tpu.memory_space<vmem_shared>> -> memref<10752x64xf32, #tpu.memory_space<vmem_shared>>
    tpu.enqueue_indirect_dma source(%dma_start3A_487 : memref<128x64xf32, #tpu.memory_space<vmem>>) target(%dma_start3A_493 : memref<10752x64xf32, #tpu.memory_space<vmem_shared>>) offsets(%dma_start3A_490 : memref<128xi32, #tpu.memory_space<vmem>>) semaphore(%arg17 : memref<!tpu.dma_semaphore, #tpu.memory_space<semaphore_mem>>) {add = true}
    %dma_wait3A_494 = arith.constant 0 : i32
    %dma_wait3A_495 = arith.constant 0 : i32
    %dma_wait3A_496 = arith.constant 0 : i32
    %dma_wait3A_497 = arith.constant 0 : i32
    %dma_wait3A_498 = tpu.memref_slice %arg9[%dma_wait3A_494, %dma_wait3A_496, %dma_wait3A_497] : memref<4x128x64xf32, #tpu.memory_space<vmem>> -> memref<1x128x64xf32, #tpu.memory_space<vmem>>
    %dma_wait3A_499 = tpu.memref_squeeze %dma_wait3A_498 : memref<1x128x64xf32, #tpu.memory_space<vmem>> -> memref<128x64xf32, #tpu.memory_space<vmem>>
    %dma_wait3A_500 = arith.constant 0 : i32
    %dma_wait3A_501 = tpu.memref_slice %arg8[%dma_wait3A_495, %dma_wait3A_500] : memref<82x128xi32, #tpu.memory_space<vmem>> -> memref<1x128xi32, #tpu.memory_space<vmem>>
    %dma_wait3A_502 = tpu.memref_squeeze %dma_wait3A_501 : memref<1x128xi32, #tpu.memory_space<vmem>> -> memref<128xi32, #tpu.memory_space<vmem>>
    %dma_wait3A_503 = arith.constant 0 : i32
    %dma_wait3A_504 = arith.constant 0 : i32
    %dma_wait3A_505 = tpu.memref_slice %arg10[%dma_wait3A_503, %dma_wait3A_504] : memref<10752x64xf32, #tpu.memory_space<vmem_shared>> -> memref<10752x64xf32, #tpu.memory_space<vmem_shared>>
    tpu.wait_indirect_dma semaphore(%arg15 : memref<!tpu.dma_semaphore, #tpu.memory_space<semaphore_mem>>) src(%dma_wait3A_499 : memref<128x64xf32, #tpu.memory_space<vmem>>) dst(%dma_wait3A_505 : memref<10752x64xf32, #tpu.memory_space<vmem_shared>>)
    %dma_start3A_506 = arith.constant 4 : i32
    %dma_start3A_507 = arith.constant 0 : i32
    %dma_start3A_508 = arith.constant 0 : i32
    %dma_start3A_509 = arith.constant 0 : i32
    %dma_start3A_510 = tpu.memref_slice %arg9[%dma_start3A_507, %dma_start3A_508, %dma_start3A_509] : memref<4x128x64xf32, #tpu.memory_space<vmem>> -> memref<1x128x64xf32, #tpu.memory_space<vmem>>
    %dma_start3A_511 = tpu.memref_squeeze %dma_start3A_510 : memref<1x128x64xf32, #tpu.memory_space<vmem>> -> memref<128x64xf32, #tpu.memory_space<vmem>>
    %dma_start3A_512 = arith.constant 0 : i32
    %dma_start3A_513 = tpu.memref_slice %arg7[%dma_start3A_506, %dma_start3A_512] : memref<82x128xi32, #tpu.memory_space<vmem>> -> memref<1x128xi32, #tpu.memory_space<vmem>>
    %dma_start3A_514 = tpu.memref_squeeze %dma_start3A_513 : memref<1x128xi32, #tpu.memory_space<vmem>> -> memref<128xi32, #tpu.memory_space<vmem>>
    %dma_start3A_515 = arith.constant 0 : i32
    %dma_start3A_516 = arith.constant 0 : i32
    %dma_start3A_517 = tpu.memref_slice %arg2[%dma_start3A_515, %dma_start3A_516] : memref<10752x64xf32, #tpu.memory_space<hbm>> -> memref<10752x64xf32, #tpu.memory_space<hbm>>
    tpu.enqueue_indirect_dma source(%dma_start3A_517 : memref<10752x64xf32, #tpu.memory_space<hbm>>) target(%dma_start3A_511 : memref<128x64xf32, #tpu.memory_space<vmem>>) offsets(%dma_start3A_514 : memref<128xi32, #tpu.memory_space<vmem>>) semaphore(%arg11 : memref<!tpu.dma_semaphore, #tpu.memory_space<semaphore_mem>>)
    %dma_wait3A_518 = arith.constant 3 : i32
    %dma_wait3A_519 = arith.constant 3 : i32
    %dma_wait3A_520 = arith.constant 0 : i32
    %dma_wait3A_521 = arith.constant 0 : i32
    %dma_wait3A_522 = tpu.memref_slice %arg9[%dma_wait3A_519, %dma_wait3A_520, %dma_wait3A_521] : memref<4x128x64xf32, #tpu.memory_space<vmem>> -> memref<1x128x64xf32, #tpu.memory_space<vmem>>
    %dma_wait3A_523 = tpu.memref_squeeze %dma_wait3A_522 : memref<1x128x64xf32, #tpu.memory_space<vmem>> -> memref<128x64xf32, #tpu.memory_space<vmem>>
    %dma_wait3A_524 = arith.constant 0 : i32
    %dma_wait3A_525 = tpu.memref_slice %arg7[%dma_wait3A_518, %dma_wait3A_524] : memref<82x128xi32, #tpu.memory_space<vmem>> -> memref<1x128xi32, #tpu.memory_space<vmem>>
    %dma_wait3A_526 = tpu.memref_squeeze %dma_wait3A_525 : memref<1x128xi32, #tpu.memory_space<vmem>> -> memref<128xi32, #tpu.memory_space<vmem>>
    %dma_wait3A_527 = arith.constant 0 : i32
    %dma_wait3A_528 = arith.constant 0 : i32
    %dma_wait3A_529 = tpu.memref_slice %arg2[%dma_wait3A_527, %dma_wait3A_528] : memref<10752x64xf32, #tpu.memory_space<hbm>> -> memref<10752x64xf32, #tpu.memory_space<hbm>>
    tpu.wait_indirect_dma semaphore(%arg14 : memref<!tpu.dma_semaphore, #tpu.memory_space<semaphore_mem>>) src(%dma_wait3A_529 : memref<10752x64xf32, #tpu.memory_space<hbm>>) dst(%dma_wait3A_523 : memref<128x64xf32, #tpu.memory_space<vmem>>)
    %dma_start3A_530 = arith.constant 3 : i32
    %dma_start3A_531 = arith.constant 3 : i32
    %dma_start3A_532 = arith.constant 0 : i32
    %dma_start3A_533 = arith.constant 0 : i32
    %dma_start3A_534 = tpu.memref_slice %arg9[%dma_start3A_530, %dma_start3A_532, %dma_start3A_533] : memref<4x128x64xf32, #tpu.memory_space<vmem>> -> memref<1x128x64xf32, #tpu.memory_space<vmem>>
    %dma_start3A_535 = tpu.memref_squeeze %dma_start3A_534 : memref<1x128x64xf32, #tpu.memory_space<vmem>> -> memref<128x64xf32, #tpu.memory_space<vmem>>
    %dma_start3A_536 = arith.constant 0 : i32
    %dma_start3A_537 = tpu.memref_slice %arg8[%dma_start3A_531, %dma_start3A_536] : memref<82x128xi32, #tpu.memory_space<vmem>> -> memref<1x128xi32, #tpu.memory_space<vmem>>
    %dma_start3A_538 = tpu.memref_squeeze %dma_start3A_537 : memref<1x128xi32, #tpu.memory_space<vmem>> -> memref<128xi32, #tpu.memory_space<vmem>>
    %dma_start3A_539 = arith.constant 0 : i32
    %dma_start3A_540 = arith.constant 0 : i32
    %dma_start3A_541 = tpu.memref_slice %arg10[%dma_start3A_539, %dma_start3A_540] : memref<10752x64xf32, #tpu.memory_space<vmem_shared>> -> memref<10752x64xf32, #tpu.memory_space<vmem_shared>>
    tpu.enqueue_indirect_dma source(%dma_start3A_535 : memref<128x64xf32, #tpu.memory_space<vmem>>) target(%dma_start3A_541 : memref<10752x64xf32, #tpu.memory_space<vmem_shared>>) offsets(%dma_start3A_538 : memref<128xi32, #tpu.memory_space<vmem>>) semaphore(%arg18 : memref<!tpu.dma_semaphore, #tpu.memory_space<semaphore_mem>>) {add = true}
    %dma_wait3A_542 = arith.constant 1 : i32
    %dma_wait3A_543 = arith.constant 1 : i32
    %dma_wait3A_544 = arith.constant 0 : i32
    %dma_wait3A_545 = arith.constant 0 : i32
    %dma_wait3A_546 = tpu.memref_slice %arg9[%dma_wait3A_542, %dma_wait3A_544, %dma_wait3A_545] : memref<4x128x64xf32, #tpu.memory_space<vmem>> -> memref<1x128x64xf32, #tpu.memory_space<vmem>>
    %dma_wait3A_547 = tpu.memref_squeeze %dma_wait3A_546 : memref<1x128x64xf32, #tpu.memory_space<vmem>> -> memref<128x64xf32, #tpu.memory_space<vmem>>
    %dma_wait3A_548 = arith.constant 0 : i32
    %dma_wait3A_549 = tpu.memref_slice %arg8[%dma_wait3A_543, %dma_wait3A_548] : memref<82x128xi32, #tpu.memory_space<vmem>> -> memref<1x128xi32, #tpu.memory_space<vmem>>
    %dma_wait3A_550 = tpu.memref_squeeze %dma_wait3A_549 : memref<1x128xi32, #tpu.memory_space<vmem>> -> memref<128xi32, #tpu.memory_space<vmem>>
    %dma_wait3A_551 = arith.constant 0 : i32
    %dma_wait3A_552 = arith.constant 0 : i32
    %dma_wait3A_553 = tpu.memref_slice %arg10[%dma_wait3A_551, %dma_wait3A_552] : memref<10752x64xf32, #tpu.memory_space<vmem_shared>> -> memref<10752x64xf32, #tpu.memory_space<vmem_shared>>
    tpu.wait_indirect_dma semaphore(%arg16 : memref<!tpu.dma_semaphore, #tpu.memory_space<semaphore_mem>>) src(%dma_wait3A_547 : memref<128x64xf32, #tpu.memory_space<vmem>>) dst(%dma_wait3A_553 : memref<10752x64xf32, #tpu.memory_space<vmem_shared>>)
    %dma_start3A_554 = arith.constant 5 : i32
    %dma_start3A_555 = arith.constant 1 : i32
    %dma_start3A_556 = arith.constant 0 : i32
    %dma_start3A_557 = arith.constant 0 : i32
    %dma_start3A_558 = tpu.memref_slice %arg9[%dma_start3A_555, %dma_start3A_556, %dma_start3A_557] : memref<4x128x64xf32, #tpu.memory_space<vmem>> -> memref<1x128x64xf32, #tpu.memory_space<vmem>>
    %dma_start3A_559 = tpu.memref_squeeze %dma_start3A_558 : memref<1x128x64xf32, #tpu.memory_space<vmem>> -> memref<128x64xf32, #tpu.memory_space<vmem>>
    %dma_start3A_560 = arith.constant 0 : i32
    %dma_start3A_561 = tpu.memref_slice %arg7[%dma_start3A_554, %dma_start3A_560] : memref<82x128xi32, #tpu.memory_space<vmem>> -> memref<1x128xi32, #tpu.memory_space<vmem>>
    %dma_start3A_562 = tpu.memref_squeeze %dma_start3A_561 : memref<1x128xi32, #tpu.memory_space<vmem>> -> memref<128xi32, #tpu.memory_space<vmem>>
    %dma_start3A_563 = arith.constant 0 : i32
    %dma_start3A_564 = arith.constant 0 : i32
    %dma_start3A_565 = tpu.memref_slice %arg2[%dma_start3A_563, %dma_start3A_564] : memref<10752x64xf32, #tpu.memory_space<hbm>> -> memref<10752x64xf32, #tpu.memory_space<hbm>>
    tpu.enqueue_indirect_dma source(%dma_start3A_565 : memref<10752x64xf32, #tpu.memory_space<hbm>>) target(%dma_start3A_559 : memref<128x64xf32, #tpu.memory_space<vmem>>) offsets(%dma_start3A_562 : memref<128xi32, #tpu.memory_space<vmem>>) semaphore(%arg12 : memref<!tpu.dma_semaphore, #tpu.memory_space<semaphore_mem>>)
    %scan3A_566 = arith.constant 0 : i32
    %scan3A_567 = arith.constant 19 : i32
    %scan3A_568 = arith.addi %scan3A_566, %scan3A_567 : i32
    %scan3A_569 = arith.constant 1 : i32
    scf.for %scan3A_626 = %scan3A_566 to %scan3A_568 step %scan3A_569  : i32 {
      %mul3A_627 = arith.constant 4 : i32
      %mul3A_628 = arith.muli %scan3A_626, %mul3A_627 : i32
      %add3A_629 = arith.constant 4 : i32
      %add3A_630 = arith.addi %add3A_629, %mul3A_628 : i32
      %add3A_631 = arith.constant 0 : i32
      %add3A_632 = arith.addi %add3A_630, %add3A_631 : i32
      %dma_wait3A_633 = arith.constant 0 : i32
      %dma_wait3A_634 = arith.constant 0 : i32
      %dma_wait3A_635 = arith.constant 0 : i32
      %dma_wait3A_636 = tpu.memref_slice %arg9[%dma_wait3A_633, %dma_wait3A_634, %dma_wait3A_635] : memref<4x128x64xf32, #tpu.memory_space<vmem>> -> memref<1x128x64xf32, #tpu.memory_space<vmem>>
      %dma_wait3A_637 = tpu.memref_squeeze %dma_wait3A_636 : memref<1x128x64xf32, #tpu.memory_space<vmem>> -> memref<128x64xf32, #tpu.memory_space<vmem>>
      %dma_wait3A_638 = arith.constant 0 : i32
      %dma_wait3A_639 = tpu.memref_slice %arg7[%add3A_632, %dma_wait3A_638] : memref<82x128xi32, #tpu.memory_space<vmem>> -> memref<1x128xi32, #tpu.memory_space<vmem>>
      %dma_wait3A_640 = tpu.memref_squeeze %dma_wait3A_639 : memref<1x128xi32, #tpu.memory_space<vmem>> -> memref<128xi32, #tpu.memory_space<vmem>>
      %dma_wait3A_641 = arith.constant 0 : i32
      %dma_wait3A_642 = arith.constant 0 : i32
      %dma_wait3A_643 = tpu.memref_slice %arg2[%dma_wait3A_641, %dma_wait3A_642] : memref<10752x64xf32, #tpu.memory_space<hbm>> -> memref<10752x64xf32, #tpu.memory_space<hbm>>
      tpu.wait_indirect_dma semaphore(%arg11 : memref<!tpu.dma_semaphore, #tpu.memory_space<semaphore_mem>>) src(%dma_wait3A_643 : memref<10752x64xf32, #tpu.memory_space<hbm>>) dst(%dma_wait3A_637 : memref<128x64xf32, #tpu.memory_space<vmem>>)
      %dma_start3A_644 = arith.constant 0 : i32
      %dma_start3A_645 = arith.constant 0 : i32
      %dma_start3A_646 = arith.constant 0 : i32
      %dma_start3A_647 = tpu.memref_slice %arg9[%dma_start3A_644, %dma_start3A_645, %dma_start3A_646] : memref<4x128x64xf32, #tpu.memory_space<vmem>> -> memref<1x128x64xf32, #tpu.memory_space<vmem>>
      %dma_start3A_648 = tpu.memref_squeeze %dma_start3A_647 : memref<1x128x64xf32, #tpu.memory_space<vmem>> -> memref<128x64xf32, #tpu.memory_space<vmem>>
      %dma_start3A_649 = arith.constant 0 : i32
      %dma_start3A_650 = tpu.memref_slice %arg8[%add3A_632, %dma_start3A_649] : memref<82x128xi32, #tpu.memory_space<vmem>> -> memref<1x128xi32, #tpu.memory_space<vmem>>
      %dma_start3A_651 = tpu.memref_squeeze %dma_start3A_650 : memref<1x128xi32, #tpu.memory_space<vmem>> -> memref<128xi32, #tpu.memory_space<vmem>>
      %dma_start3A_652 = arith.constant 0 : i32
      %dma_start3A_653 = arith.constant 0 : i32
      %dma_start3A_654 = tpu.memref_slice %arg10[%dma_start3A_652, %dma_start3A_653] : memref<10752x64xf32, #tpu.memory_space<vmem_shared>> -> memref<10752x64xf32, #tpu.memory_space<vmem_shared>>
      tpu.enqueue_indirect_dma source(%dma_start3A_648 : memref<128x64xf32, #tpu.memory_space<vmem>>) target(%dma_start3A_654 : memref<10752x64xf32, #tpu.memory_space<vmem_shared>>) offsets(%dma_start3A_651 : memref<128xi32, #tpu.memory_space<vmem>>) semaphore(%arg15 : memref<!tpu.dma_semaphore, #tpu.memory_space<semaphore_mem>>) {add = true}
      %sub3A = arith.constant 2 : i32
      %sub3A_655 = arith.subi %add3A_632, %sub3A : i32
      %dma_wait3A_656 = arith.constant 2 : i32
      %dma_wait3A_657 = arith.constant 0 : i32
      %dma_wait3A_658 = arith.constant 0 : i32
      %dma_wait3A_659 = tpu.memref_slice %arg9[%dma_wait3A_656, %dma_wait3A_657, %dma_wait3A_658] : memref<4x128x64xf32, #tpu.memory_space<vmem>> -> memref<1x128x64xf32, #tpu.memory_space<vmem>>
      %dma_wait3A_660 = tpu.memref_squeeze %dma_wait3A_659 : memref<1x128x64xf32, #tpu.memory_space<vmem>> -> memref<128x64xf32, #tpu.memory_space<vmem>>
      %dma_wait3A_661 = arith.constant 0 : i32
      %dma_wait3A_662 = tpu.memref_slice %arg8[%sub3A_655, %dma_wait3A_661] : memref<82x128xi32, #tpu.memory_space<vmem>> -> memref<1x128xi32, #tpu.memory_space<vmem>>
      %dma_wait3A_663 = tpu.memref_squeeze %dma_wait3A_662 : memref<1x128xi32, #tpu.memory_space<vmem>> -> memref<128xi32, #tpu.memory_space<vmem>>
      %dma_wait3A_664 = arith.constant 0 : i32
      %dma_wait3A_665 = arith.constant 0 : i32
      %dma_wait3A_666 = tpu.memref_slice %arg10[%dma_wait3A_664, %dma_wait3A_665] : memref<10752x64xf32, #tpu.memory_space<vmem_shared>> -> memref<10752x64xf32, #tpu.memory_space<vmem_shared>>
      tpu.wait_indirect_dma semaphore(%arg17 : memref<!tpu.dma_semaphore, #tpu.memory_space<semaphore_mem>>) src(%dma_wait3A_660 : memref<128x64xf32, #tpu.memory_space<vmem>>) dst(%dma_wait3A_666 : memref<10752x64xf32, #tpu.memory_space<vmem_shared>>)
      %add3A_667 = arith.constant 2 : i32
      %add3A_668 = arith.addi %add3A_632, %add3A_667 : i32
      %dma_start3A_669 = arith.constant 2 : i32
      %dma_start3A_670 = arith.constant 0 : i32
      %dma_start3A_671 = arith.constant 0 : i32
      %dma_start3A_672 = tpu.memref_slice %arg9[%dma_start3A_669, %dma_start3A_670, %dma_start3A_671] : memref<4x128x64xf32, #tpu.memory_space<vmem>> -> memref<1x128x64xf32, #tpu.memory_space<vmem>>
      %dma_start3A_673 = tpu.memref_squeeze %dma_start3A_672 : memref<1x128x64xf32, #tpu.memory_space<vmem>> -> memref<128x64xf32, #tpu.memory_space<vmem>>
      %dma_start3A_674 = arith.constant 0 : i32
      %dma_start3A_675 = tpu.memref_slice %arg7[%add3A_668, %dma_start3A_674] : memref<82x128xi32, #tpu.memory_space<vmem>> -> memref<1x128xi32, #tpu.memory_space<vmem>>
      %dma_start3A_676 = tpu.memref_squeeze %dma_start3A_675 : memref<1x128xi32, #tpu.memory_space<vmem>> -> memref<128xi32, #tpu.memory_space<vmem>>
      %dma_start3A_677 = arith.constant 0 : i32
      %dma_start3A_678 = arith.constant 0 : i32
      %dma_start3A_679 = tpu.memref_slice %arg2[%dma_start3A_677, %dma_start3A_678] : memref<10752x64xf32, #tpu.memory_space<hbm>> -> memref<10752x64xf32, #tpu.memory_space<hbm>>
      tpu.enqueue_indirect_dma source(%dma_start3A_679 : memref<10752x64xf32, #tpu.memory_space<hbm>>) target(%dma_start3A_673 : memref<128x64xf32, #tpu.memory_space<vmem>>) offsets(%dma_start3A_676 : memref<128xi32, #tpu.memory_space<vmem>>) semaphore(%arg13 : memref<!tpu.dma_semaphore, #tpu.memory_space<semaphore_mem>>)
      %add3A_680 = arith.constant 1 : i32
      %add3A_681 = arith.addi %add3A_630, %add3A_680 : i32
      %dma_wait3A_682 = arith.constant 1 : i32
      %dma_wait3A_683 = arith.constant 0 : i32
      %dma_wait3A_684 = arith.constant 0 : i32
      %dma_wait3A_685 = tpu.memref_slice %arg9[%dma_wait3A_682, %dma_wait3A_683, %dma_wait3A_684] : memref<4x128x64xf32, #tpu.memory_space<vmem>> -> memref<1x128x64xf32, #tpu.memory_space<vmem>>
      %dma_wait3A_686 = tpu.memref_squeeze %dma_wait3A_685 : memref<1x128x64xf32, #tpu.memory_space<vmem>> -> memref<128x64xf32, #tpu.memory_space<vmem>>
      %dma_wait3A_687 = arith.constant 0 : i32
      %dma_wait3A_688 = tpu.memref_slice %arg7[%add3A_681, %dma_wait3A_687] : memref<82x128xi32, #tpu.memory_space<vmem>> -> memref<1x128xi32, #tpu.memory_space<vmem>>
      %dma_wait3A_689 = tpu.memref_squeeze %dma_wait3A_688 : memref<1x128xi32, #tpu.memory_space<vmem>> -> memref<128xi32, #tpu.memory_space<vmem>>
      %dma_wait3A_690 = arith.constant 0 : i32
      %dma_wait3A_691 = arith.constant 0 : i32
      %dma_wait3A_692 = tpu.memref_slice %arg2[%dma_wait3A_690, %dma_wait3A_691] : memref<10752x64xf32, #tpu.memory_space<hbm>> -> memref<10752x64xf32, #tpu.memory_space<hbm>>
      tpu.wait_indirect_dma semaphore(%arg12 : memref<!tpu.dma_semaphore, #tpu.memory_space<semaphore_mem>>) src(%dma_wait3A_692 : memref<10752x64xf32, #tpu.memory_space<hbm>>) dst(%dma_wait3A_686 : memref<128x64xf32, #tpu.memory_space<vmem>>)
      %dma_start3A_693 = arith.constant 1 : i32
      %dma_start3A_694 = arith.constant 0 : i32
      %dma_start3A_695 = arith.constant 0 : i32
      %dma_start3A_696 = tpu.memref_slice %arg9[%dma_start3A_693, %dma_start3A_694, %dma_start3A_695] : memref<4x128x64xf32, #tpu.memory_space<vmem>> -> memref<1x128x64xf32, #tpu.memory_space<vmem>>
      %dma_start3A_697 = tpu.memref_squeeze %dma_start3A_696 : memref<1x128x64xf32, #tpu.memory_space<vmem>> -> memref<128x64xf32, #tpu.memory_space<vmem>>
      %dma_start3A_698 = arith.constant 0 : i32
      %dma_start3A_699 = tpu.memref_slice %arg8[%add3A_681, %dma_start3A_698] : memref<82x128xi32, #tpu.memory_space<vmem>> -> memref<1x128xi32, #tpu.memory_space<vmem>>
      %dma_start3A_700 = tpu.memref_squeeze %dma_start3A_699 : memref<1x128xi32, #tpu.memory_space<vmem>> -> memref<128xi32, #tpu.memory_space<vmem>>
      %dma_start3A_701 = arith.constant 0 : i32
      %dma_start3A_702 = arith.constant 0 : i32
      %dma_start3A_703 = tpu.memref_slice %arg10[%dma_start3A_701, %dma_start3A_702] : memref<10752x64xf32, #tpu.memory_space<vmem_shared>> -> memref<10752x64xf32, #tpu.memory_space<vmem_shared>>
      tpu.enqueue_indirect_dma source(%dma_start3A_697 : memref<128x64xf32, #tpu.memory_space<vmem>>) target(%dma_start3A_703 : memref<10752x64xf32, #tpu.memory_space<vmem_shared>>) offsets(%dma_start3A_700 : memref<128xi32, #tpu.memory_space<vmem>>) semaphore(%arg16 : memref<!tpu.dma_semaphore, #tpu.memory_space<semaphore_mem>>) {add = true}
      %sub3A_704 = arith.constant 2 : i32
      %sub3A_705 = arith.subi %add3A_681, %sub3A_704 : i32
      %dma_wait3A_706 = arith.constant 3 : i32
      %dma_wait3A_707 = arith.constant 0 : i32
      %dma_wait3A_708 = arith.constant 0 : i32
      %dma_wait3A_709 = tpu.memref_slice %arg9[%dma_wait3A_706, %dma_wait3A_707, %dma_wait3A_708] : memref<4x128x64xf32, #tpu.memory_space<vmem>> -> memref<1x128x64xf32, #tpu.memory_space<vmem>>
      %dma_wait3A_710 = tpu.memref_squeeze %dma_wait3A_709 : memref<1x128x64xf32, #tpu.memory_space<vmem>> -> memref<128x64xf32, #tpu.memory_space<vmem>>
      %dma_wait3A_711 = arith.constant 0 : i32
      %dma_wait3A_712 = tpu.memref_slice %arg8[%sub3A_705, %dma_wait3A_711] : memref<82x128xi32, #tpu.memory_space<vmem>> -> memref<1x128xi32, #tpu.memory_space<vmem>>
      %dma_wait3A_713 = tpu.memref_squeeze %dma_wait3A_712 : memref<1x128xi32, #tpu.memory_space<vmem>> -> memref<128xi32, #tpu.memory_space<vmem>>
      %dma_wait3A_714 = arith.constant 0 : i32
      %dma_wait3A_715 = arith.constant 0 : i32
      %dma_wait3A_716 = tpu.memref_slice %arg10[%dma_wait3A_714, %dma_wait3A_715] : memref<10752x64xf32, #tpu.memory_space<vmem_shared>> -> memref<10752x64xf32, #tpu.memory_space<vmem_shared>>
      tpu.wait_indirect_dma semaphore(%arg18 : memref<!tpu.dma_semaphore, #tpu.memory_space<semaphore_mem>>) src(%dma_wait3A_710 : memref<128x64xf32, #tpu.memory_space<vmem>>) dst(%dma_wait3A_716 : memref<10752x64xf32, #tpu.memory_space<vmem_shared>>)
      %add3A_717 = arith.constant 2 : i32
      %add3A_718 = arith.addi %add3A_681, %add3A_717 : i32
      %dma_start3A_719 = arith.constant 3 : i32
      %dma_start3A_720 = arith.constant 0 : i32
      %dma_start3A_721 = arith.constant 0 : i32
      %dma_start3A_722 = tpu.memref_slice %arg9[%dma_start3A_719, %dma_start3A_720, %dma_start3A_721] : memref<4x128x64xf32, #tpu.memory_space<vmem>> -> memref<1x128x64xf32, #tpu.memory_space<vmem>>
      %dma_start3A_723 = tpu.memref_squeeze %dma_start3A_722 : memref<1x128x64xf32, #tpu.memory_space<vmem>> -> memref<128x64xf32, #tpu.memory_space<vmem>>
      %dma_start3A_724 = arith.constant 0 : i32
      %dma_start3A_725 = tpu.memref_slice %arg7[%add3A_718, %dma_start3A_724] : memref<82x128xi32, #tpu.memory_space<vmem>> -> memref<1x128xi32, #tpu.memory_space<vmem>>
      %dma_start3A_726 = tpu.memref_squeeze %dma_start3A_725 : memref<1x128xi32, #tpu.memory_space<vmem>> -> memref<128xi32, #tpu.memory_space<vmem>>
      %dma_start3A_727 = arith.constant 0 : i32
      %dma_start3A_728 = arith.constant 0 : i32
      %dma_start3A_729 = tpu.memref_slice %arg2[%dma_start3A_727, %dma_start3A_728] : memref<10752x64xf32, #tpu.memory_space<hbm>> -> memref<10752x64xf32, #tpu.memory_space<hbm>>
      tpu.enqueue_indirect_dma source(%dma_start3A_729 : memref<10752x64xf32, #tpu.memory_space<hbm>>) target(%dma_start3A_723 : memref<128x64xf32, #tpu.memory_space<vmem>>) offsets(%dma_start3A_726 : memref<128xi32, #tpu.memory_space<vmem>>) semaphore(%arg14 : memref<!tpu.dma_semaphore, #tpu.memory_space<semaphore_mem>>)
      %add3A_730 = arith.constant 2 : i32
      %add3A_731 = arith.addi %add3A_630, %add3A_730 : i32
      %dma_wait3A_732 = arith.constant 2 : i32
      %dma_wait3A_733 = arith.constant 0 : i32
      %dma_wait3A_734 = arith.constant 0 : i32
      %dma_wait3A_735 = tpu.memref_slice %arg9[%dma_wait3A_732, %dma_wait3A_733, %dma_wait3A_734] : memref<4x128x64xf32, #tpu.memory_space<vmem>> -> memref<1x128x64xf32, #tpu.memory_space<vmem>>
      %dma_wait3A_736 = tpu.memref_squeeze %dma_wait3A_735 : memref<1x128x64xf32, #tpu.memory_space<vmem>> -> memref<128x64xf32, #tpu.memory_space<vmem>>
      %dma_wait3A_737 = arith.constant 0 : i32
      %dma_wait3A_738 = tpu.memref_slice %arg7[%add3A_731, %dma_wait3A_737] : memref<82x128xi32, #tpu.memory_space<vmem>> -> memref<1x128xi32, #tpu.memory_space<vmem>>
      %dma_wait3A_739 = tpu.memref_squeeze %dma_wait3A_738 : memref<1x128xi32, #tpu.memory_space<vmem>> -> memref<128xi32, #tpu.memory_space<vmem>>
      %dma_wait3A_740 = arith.constant 0 : i32
      %dma_wait3A_741 = arith.constant 0 : i32
      %dma_wait3A_742 = tpu.memref_slice %arg2[%dma_wait3A_740, %dma_wait3A_741] : memref<10752x64xf32, #tpu.memory_space<hbm>> -> memref<10752x64xf32, #tpu.memory_space<hbm>>
      tpu.wait_indirect_dma semaphore(%arg13 : memref<!tpu.dma_semaphore, #tpu.memory_space<semaphore_mem>>) src(%dma_wait3A_742 : memref<10752x64xf32, #tpu.memory_space<hbm>>) dst(%dma_wait3A_736 : memref<128x64xf32, #tpu.memory_space<vmem>>)
      %dma_start3A_743 = arith.constant 2 : i32
      %dma_start3A_744 = arith.constant 0 : i32
      %dma_start3A_745 = arith.constant 0 : i32
      %dma_start3A_746 = tpu.memref_slice %arg9[%dma_start3A_743, %dma_start3A_744, %dma_start3A_745] : memref<4x128x64xf32, #tpu.memory_space<vmem>> -> memref<1x128x64xf32, #tpu.memory_space<vmem>>
      %dma_start3A_747 = tpu.memref_squeeze %dma_start3A_746 : memref<1x128x64xf32, #tpu.memory_space<vmem>> -> memref<128x64xf32, #tpu.memory_space<vmem>>
      %dma_start3A_748 = arith.constant 0 : i32
      %dma_start3A_749 = tpu.memref_slice %arg8[%add3A_731, %dma_start3A_748] : memref<82x128xi32, #tpu.memory_space<vmem>> -> memref<1x128xi32, #tpu.memory_space<vmem>>
      %dma_start3A_750 = tpu.memref_squeeze %dma_start3A_749 : memref<1x128xi32, #tpu.memory_space<vmem>> -> memref<128xi32, #tpu.memory_space<vmem>>
      %dma_start3A_751 = arith.constant 0 : i32
      %dma_start3A_752 = arith.constant 0 : i32
      %dma_start3A_753 = tpu.memref_slice %arg10[%dma_start3A_751, %dma_start3A_752] : memref<10752x64xf32, #tpu.memory_space<vmem_shared>> -> memref<10752x64xf32, #tpu.memory_space<vmem_shared>>
      tpu.enqueue_indirect_dma source(%dma_start3A_747 : memref<128x64xf32, #tpu.memory_space<vmem>>) target(%dma_start3A_753 : memref<10752x64xf32, #tpu.memory_space<vmem_shared>>) offsets(%dma_start3A_750 : memref<128xi32, #tpu.memory_space<vmem>>) semaphore(%arg17 : memref<!tpu.dma_semaphore, #tpu.memory_space<semaphore_mem>>) {add = true}
      %sub3A_754 = arith.constant 2 : i32
      %sub3A_755 = arith.subi %add3A_731, %sub3A_754 : i32
      %dma_wait3A_756 = arith.constant 0 : i32
      %dma_wait3A_757 = arith.constant 0 : i32
      %dma_wait3A_758 = arith.constant 0 : i32
      %dma_wait3A_759 = tpu.memref_slice %arg9[%dma_wait3A_756, %dma_wait3A_757, %dma_wait3A_758] : memref<4x128x64xf32, #tpu.memory_space<vmem>> -> memref<1x128x64xf32, #tpu.memory_space<vmem>>
      %dma_wait3A_760 = tpu.memref_squeeze %dma_wait3A_759 : memref<1x128x64xf32, #tpu.memory_space<vmem>> -> memref<128x64xf32, #tpu.memory_space<vmem>>
      %dma_wait3A_761 = arith.constant 0 : i32
      %dma_wait3A_762 = tpu.memref_slice %arg8[%sub3A_755, %dma_wait3A_761] : memref<82x128xi32, #tpu.memory_space<vmem>> -> memref<1x128xi32, #tpu.memory_space<vmem>>
      %dma_wait3A_763 = tpu.memref_squeeze %dma_wait3A_762 : memref<1x128xi32, #tpu.memory_space<vmem>> -> memref<128xi32, #tpu.memory_space<vmem>>
      %dma_wait3A_764 = arith.constant 0 : i32
      %dma_wait3A_765 = arith.constant 0 : i32
      %dma_wait3A_766 = tpu.memref_slice %arg10[%dma_wait3A_764, %dma_wait3A_765] : memref<10752x64xf32, #tpu.memory_space<vmem_shared>> -> memref<10752x64xf32, #tpu.memory_space<vmem_shared>>
      tpu.wait_indirect_dma semaphore(%arg15 : memref<!tpu.dma_semaphore, #tpu.memory_space<semaphore_mem>>) src(%dma_wait3A_760 : memref<128x64xf32, #tpu.memory_space<vmem>>) dst(%dma_wait3A_766 : memref<10752x64xf32, #tpu.memory_space<vmem_shared>>)
      %add3A_767 = arith.constant 2 : i32
      %add3A_768 = arith.addi %add3A_731, %add3A_767 : i32
      %dma_start3A_769 = arith.constant 0 : i32
      %dma_start3A_770 = arith.constant 0 : i32
      %dma_start3A_771 = arith.constant 0 : i32
      %dma_start3A_772 = tpu.memref_slice %arg9[%dma_start3A_769, %dma_start3A_770, %dma_start3A_771] : memref<4x128x64xf32, #tpu.memory_space<vmem>> -> memref<1x128x64xf32, #tpu.memory_space<vmem>>
      %dma_start3A_773 = tpu.memref_squeeze %dma_start3A_772 : memref<1x128x64xf32, #tpu.memory_space<vmem>> -> memref<128x64xf32, #tpu.memory_space<vmem>>
      %dma_start3A_774 = arith.constant 0 : i32
      %dma_start3A_775 = tpu.memref_slice %arg7[%add3A_768, %dma_start3A_774] : memref<82x128xi32, #tpu.memory_space<vmem>> -> memref<1x128xi32, #tpu.memory_space<vmem>>
      %dma_start3A_776 = tpu.memref_squeeze %dma_start3A_775 : memref<1x128xi32, #tpu.memory_space<vmem>> -> memref<128xi32, #tpu.memory_space<vmem>>
      %dma_start3A_777 = arith.constant 0 : i32
      %dma_start3A_778 = arith.constant 0 : i32
      %dma_start3A_779 = tpu.memref_slice %arg2[%dma_start3A_777, %dma_start3A_778] : memref<10752x64xf32, #tpu.memory_space<hbm>> -> memref<10752x64xf32, #tpu.memory_space<hbm>>
      tpu.enqueue_indirect_dma source(%dma_start3A_779 : memref<10752x64xf32, #tpu.memory_space<hbm>>) target(%dma_start3A_773 : memref<128x64xf32, #tpu.memory_space<vmem>>) offsets(%dma_start3A_776 : memref<128xi32, #tpu.memory_space<vmem>>) semaphore(%arg11 : memref<!tpu.dma_semaphore, #tpu.memory_space<semaphore_mem>>)
      %add3A_780 = arith.constant 3 : i32
      %add3A_781 = arith.addi %add3A_630, %add3A_780 : i32
      %dma_wait3A_782 = arith.constant 3 : i32
      %dma_wait3A_783 = arith.constant 0 : i32
      %dma_wait3A_784 = arith.constant 0 : i32
      %dma_wait3A_785 = tpu.memref_slice %arg9[%dma_wait3A_782, %dma_wait3A_783, %dma_wait3A_784] : memref<4x128x64xf32, #tpu.memory_space<vmem>> -> memref<1x128x64xf32, #tpu.memory_space<vmem>>
      %dma_wait3A_786 = tpu.memref_squeeze %dma_wait3A_785 : memref<1x128x64xf32, #tpu.memory_space<vmem>> -> memref<128x64xf32, #tpu.memory_space<vmem>>
      %dma_wait3A_787 = arith.constant 0 : i32
      %dma_wait3A_788 = tpu.memref_slice %arg7[%add3A_781, %dma_wait3A_787] : memref<82x128xi32, #tpu.memory_space<vmem>> -> memref<1x128xi32, #tpu.memory_space<vmem>>
      %dma_wait3A_789 = tpu.memref_squeeze %dma_wait3A_788 : memref<1x128xi32, #tpu.memory_space<vmem>> -> memref<128xi32, #tpu.memory_space<vmem>>
      %dma_wait3A_790 = arith.constant 0 : i32
      %dma_wait3A_791 = arith.constant 0 : i32
      %dma_wait3A_792 = tpu.memref_slice %arg2[%dma_wait3A_790, %dma_wait3A_791] : memref<10752x64xf32, #tpu.memory_space<hbm>> -> memref<10752x64xf32, #tpu.memory_space<hbm>>
      tpu.wait_indirect_dma semaphore(%arg14 : memref<!tpu.dma_semaphore, #tpu.memory_space<semaphore_mem>>) src(%dma_wait3A_792 : memref<10752x64xf32, #tpu.memory_space<hbm>>) dst(%dma_wait3A_786 : memref<128x64xf32, #tpu.memory_space<vmem>>)
      %dma_start3A_793 = arith.constant 3 : i32
      %dma_start3A_794 = arith.constant 0 : i32
      %dma_start3A_795 = arith.constant 0 : i32
      %dma_start3A_796 = tpu.memref_slice %arg9[%dma_start3A_793, %dma_start3A_794, %dma_start3A_795] : memref<4x128x64xf32, #tpu.memory_space<vmem>> -> memref<1x128x64xf32, #tpu.memory_space<vmem>>
      %dma_start3A_797 = tpu.memref_squeeze %dma_start3A_796 : memref<1x128x64xf32, #tpu.memory_space<vmem>> -> memref<128x64xf32, #tpu.memory_space<vmem>>
      %dma_start3A_798 = arith.constant 0 : i32
      %dma_start3A_799 = tpu.memref_slice %arg8[%add3A_781, %dma_start3A_798] : memref<82x128xi32, #tpu.memory_space<vmem>> -> memref<1x128xi32, #tpu.memory_space<vmem>>
      %dma_start3A_800 = tpu.memref_squeeze %dma_start3A_799 : memref<1x128xi32, #tpu.memory_space<vmem>> -> memref<128xi32, #tpu.memory_space<vmem>>
      %dma_start3A_801 = arith.constant 0 : i32
      %dma_start3A_802 = arith.constant 0 : i32
      %dma_start3A_803 = tpu.memref_slice %arg10[%dma_start3A_801, %dma_start3A_802] : memref<10752x64xf32, #tpu.memory_space<vmem_shared>> -> memref<10752x64xf32, #tpu.memory_space<vmem_shared>>
      tpu.enqueue_indirect_dma source(%dma_start3A_797 : memref<128x64xf32, #tpu.memory_space<vmem>>) target(%dma_start3A_803 : memref<10752x64xf32, #tpu.memory_space<vmem_shared>>) offsets(%dma_start3A_800 : memref<128xi32, #tpu.memory_space<vmem>>) semaphore(%arg18 : memref<!tpu.dma_semaphore, #tpu.memory_space<semaphore_mem>>) {add = true}
      %sub3A_804 = arith.constant 2 : i32
      %sub3A_805 = arith.subi %add3A_781, %sub3A_804 : i32
      %dma_wait3A_806 = arith.constant 1 : i32
      %dma_wait3A_807 = arith.constant 0 : i32
      %dma_wait3A_808 = arith.constant 0 : i32
      %dma_wait3A_809 = tpu.memref_slice %arg9[%dma_wait3A_806, %dma_wait3A_807, %dma_wait3A_808] : memref<4x128x64xf32, #tpu.memory_space<vmem>> -> memref<1x128x64xf32, #tpu.memory_space<vmem>>
      %dma_wait3A_810 = tpu.memref_squeeze %dma_wait3A_809 : memref<1x128x64xf32, #tpu.memory_space<vmem>> -> memref<128x64xf32, #tpu.memory_space<vmem>>
      %dma_wait3A_811 = arith.constant 0 : i32
      %dma_wait3A_812 = tpu.memref_slice %arg8[%sub3A_805, %dma_wait3A_811] : memref<82x128xi32, #tpu.memory_space<vmem>> -> memref<1x128xi32, #tpu.memory_space<vmem>>
      %dma_wait3A_813 = tpu.memref_squeeze %dma_wait3A_812 : memref<1x128xi32, #tpu.memory_space<vmem>> -> memref<128xi32, #tpu.memory_space<vmem>>
      %dma_wait3A_814 = arith.constant 0 : i32
      %dma_wait3A_815 = arith.constant 0 : i32
      %dma_wait3A_816 = tpu.memref_slice %arg10[%dma_wait3A_814, %dma_wait3A_815] : memref<10752x64xf32, #tpu.memory_space<vmem_shared>> -> memref<10752x64xf32, #tpu.memory_space<vmem_shared>>
      tpu.wait_indirect_dma semaphore(%arg16 : memref<!tpu.dma_semaphore, #tpu.memory_space<semaphore_mem>>) src(%dma_wait3A_810 : memref<128x64xf32, #tpu.memory_space<vmem>>) dst(%dma_wait3A_816 : memref<10752x64xf32, #tpu.memory_space<vmem_shared>>)
      %add3A_817 = arith.constant 2 : i32
      %add3A_818 = arith.addi %add3A_781, %add3A_817 : i32
      %dma_start3A_819 = arith.constant 1 : i32
      %dma_start3A_820 = arith.constant 0 : i32
      %dma_start3A_821 = arith.constant 0 : i32
      %dma_start3A_822 = tpu.memref_slice %arg9[%dma_start3A_819, %dma_start3A_820, %dma_start3A_821] : memref<4x128x64xf32, #tpu.memory_space<vmem>> -> memref<1x128x64xf32, #tpu.memory_space<vmem>>
      %dma_start3A_823 = tpu.memref_squeeze %dma_start3A_822 : memref<1x128x64xf32, #tpu.memory_space<vmem>> -> memref<128x64xf32, #tpu.memory_space<vmem>>
      %dma_start3A_824 = arith.constant 0 : i32
      %dma_start3A_825 = tpu.memref_slice %arg7[%add3A_818, %dma_start3A_824] : memref<82x128xi32, #tpu.memory_space<vmem>> -> memref<1x128xi32, #tpu.memory_space<vmem>>
      %dma_start3A_826 = tpu.memref_squeeze %dma_start3A_825 : memref<1x128xi32, #tpu.memory_space<vmem>> -> memref<128xi32, #tpu.memory_space<vmem>>
      %dma_start3A_827 = arith.constant 0 : i32
      %dma_start3A_828 = arith.constant 0 : i32
      %dma_start3A_829 = tpu.memref_slice %arg2[%dma_start3A_827, %dma_start3A_828] : memref<10752x64xf32, #tpu.memory_space<hbm>> -> memref<10752x64xf32, #tpu.memory_space<hbm>>
      tpu.enqueue_indirect_dma source(%dma_start3A_829 : memref<10752x64xf32, #tpu.memory_space<hbm>>) target(%dma_start3A_823 : memref<128x64xf32, #tpu.memory_space<vmem>>) offsets(%dma_start3A_826 : memref<128xi32, #tpu.memory_space<vmem>>) semaphore(%arg12 : memref<!tpu.dma_semaphore, #tpu.memory_space<semaphore_mem>>)
    }
    %scan3A_570 = arith.constant 19 : i32
    %dma_wait3A_571 = arith.constant 2 : i32
    %dma_wait3A_572 = arith.constant 78 : i32
    %dma_wait3A_573 = arith.constant 0 : i32
    %dma_wait3A_574 = arith.constant 0 : i32
    %dma_wait3A_575 = tpu.memref_slice %arg9[%dma_wait3A_571, %dma_wait3A_573, %dma_wait3A_574] : memref<4x128x64xf32, #tpu.memory_space<vmem>> -> memref<1x128x64xf32, #tpu.memory_space<vmem>>
    %dma_wait3A_576 = tpu.memref_squeeze %dma_wait3A_575 : memref<1x128x64xf32, #tpu.memory_space<vmem>> -> memref<128x64xf32, #tpu.memory_space<vmem>>
    %dma_wait3A_577 = arith.constant 0 : i32
    %dma_wait3A_578 = tpu.memref_slice %arg8[%dma_wait3A_572, %dma_wait3A_577] : memref<82x128xi32, #tpu.memory_space<vmem>> -> memref<1x128xi32, #tpu.memory_space<vmem>>
    %dma_wait3A_579 = tpu.memref_squeeze %dma_wait3A_578 : memref<1x128xi32, #tpu.memory_space<vmem>> -> memref<128xi32, #tpu.memory_space<vmem>>
    %dma_wait3A_580 = arith.constant 0 : i32
    %dma_wait3A_581 = arith.constant 0 : i32
    %dma_wait3A_582 = tpu.memref_slice %arg10[%dma_wait3A_580, %dma_wait3A_581] : memref<10752x64xf32, #tpu.memory_space<vmem_shared>> -> memref<10752x64xf32, #tpu.memory_space<vmem_shared>>
    tpu.wait_indirect_dma semaphore(%arg17 : memref<!tpu.dma_semaphore, #tpu.memory_space<semaphore_mem>>) src(%dma_wait3A_576 : memref<128x64xf32, #tpu.memory_space<vmem>>) dst(%dma_wait3A_582 : memref<10752x64xf32, #tpu.memory_space<vmem_shared>>)
    %dma_wait3A_583 = arith.constant 3 : i32
    %dma_wait3A_584 = arith.constant 79 : i32
    %dma_wait3A_585 = arith.constant 0 : i32
    %dma_wait3A_586 = arith.constant 0 : i32
    %dma_wait3A_587 = tpu.memref_slice %arg9[%dma_wait3A_583, %dma_wait3A_585, %dma_wait3A_586] : memref<4x128x64xf32, #tpu.memory_space<vmem>> -> memref<1x128x64xf32, #tpu.memory_space<vmem>>
    %dma_wait3A_588 = tpu.memref_squeeze %dma_wait3A_587 : memref<1x128x64xf32, #tpu.memory_space<vmem>> -> memref<128x64xf32, #tpu.memory_space<vmem>>
    %dma_wait3A_589 = arith.constant 0 : i32
    %dma_wait3A_590 = tpu.memref_slice %arg8[%dma_wait3A_584, %dma_wait3A_589] : memref<82x128xi32, #tpu.memory_space<vmem>> -> memref<1x128xi32, #tpu.memory_space<vmem>>
    %dma_wait3A_591 = tpu.memref_squeeze %dma_wait3A_590 : memref<1x128xi32, #tpu.memory_space<vmem>> -> memref<128xi32, #tpu.memory_space<vmem>>
    %dma_wait3A_592 = arith.constant 0 : i32
    %dma_wait3A_593 = arith.constant 0 : i32
    %dma_wait3A_594 = tpu.memref_slice %arg10[%dma_wait3A_592, %dma_wait3A_593] : memref<10752x64xf32, #tpu.memory_space<vmem_shared>> -> memref<10752x64xf32, #tpu.memory_space<vmem_shared>>
    tpu.wait_indirect_dma semaphore(%arg18 : memref<!tpu.dma_semaphore, #tpu.memory_space<semaphore_mem>>) src(%dma_wait3A_588 : memref<128x64xf32, #tpu.memory_space<vmem>>) dst(%dma_wait3A_594 : memref<10752x64xf32, #tpu.memory_space<vmem_shared>>)
    %dma_wait3A_595 = arith.constant 80 : i32
    %dma_wait3A_596 = arith.constant 0 : i32
    %dma_wait3A_597 = arith.constant 0 : i32
    %dma_wait3A_598 = arith.constant 0 : i32
    %dma_wait3A_599 = tpu.memref_slice %arg9[%dma_wait3A_596, %dma_wait3A_597, %dma_wait3A_598] : memref<4x128x64xf32, #tpu.memory_space<vmem>> -> memref<1x128x64xf32, #tpu.memory_space<vmem>>
    %dma_wait3A_600 = tpu.memref_squeeze %dma_wait3A_599 : memref<1x128x64xf32, #tpu.memory_space<vmem>> -> memref<128x64xf32, #tpu.memory_space<vmem>>
    %dma_wait3A_601 = arith.constant 0 : i32
    %dma_wait3A_602 = tpu.memref_slice %arg7[%dma_wait3A_595, %dma_wait3A_601] : memref<82x128xi32, #tpu.memory_space<vmem>> -> memref<1x128xi32, #tpu.memory_space<vmem>>
    %dma_wait3A_603 = tpu.memref_squeeze %dma_wait3A_602 : memref<1x128xi32, #tpu.memory_space<vmem>> -> memref<128xi32, #tpu.memory_space<vmem>>
    %dma_wait3A_604 = arith.constant 0 : i32
    %dma_wait3A_605 = arith.constant 0 : i32
    %dma_wait3A_606 = tpu.memref_slice %arg2[%dma_wait3A_604, %dma_wait3A_605] : memref<10752x64xf32, #tpu.memory_space<hbm>> -> memref<10752x64xf32, #tpu.memory_space<hbm>>
    tpu.wait_indirect_dma semaphore(%arg11 : memref<!tpu.dma_semaphore, #tpu.memory_space<semaphore_mem>>) src(%dma_wait3A_606 : memref<10752x64xf32, #tpu.memory_space<hbm>>) dst(%dma_wait3A_600 : memref<128x64xf32, #tpu.memory_space<vmem>>)
    %dma_wait3A_607 = arith.constant 81 : i32
    %dma_wait3A_608 = arith.constant 1 : i32
    %dma_wait3A_609 = arith.constant 0 : i32
    %dma_wait3A_610 = arith.constant 0 : i32
    %dma_wait3A_611 = tpu.memref_slice %arg9[%dma_wait3A_608, %dma_wait3A_609, %dma_wait3A_610] : memref<4x128x64xf32, #tpu.memory_space<vmem>> -> memref<1x128x64xf32, #tpu.memory_space<vmem>>
    %dma_wait3A_612 = tpu.memref_squeeze %dma_wait3A_611 : memref<1x128x64xf32, #tpu.memory_space<vmem>> -> memref<128x64xf32, #tpu.memory_space<vmem>>
    %dma_wait3A_613 = arith.constant 0 : i32
    %dma_wait3A_614 = tpu.memref_slice %arg7[%dma_wait3A_607, %dma_wait3A_613] : memref<82x128xi32, #tpu.memory_space<vmem>> -> memref<1x128xi32, #tpu.memory_space<vmem>>
    %dma_wait3A_615 = tpu.memref_squeeze %dma_wait3A_614 : memref<1x128xi32, #tpu.memory_space<vmem>> -> memref<128xi32, #tpu.memory_space<vmem>>
    %dma_wait3A_616 = arith.constant 0 : i32
    %dma_wait3A_617 = arith.constant 0 : i32
    %dma_wait3A_618 = tpu.memref_slice %arg2[%dma_wait3A_616, %dma_wait3A_617] : memref<10752x64xf32, #tpu.memory_space<hbm>> -> memref<10752x64xf32, #tpu.memory_space<hbm>>
    tpu.wait_indirect_dma semaphore(%arg12 : memref<!tpu.dma_semaphore, #tpu.memory_space<semaphore_mem>>) src(%dma_wait3A_618 : memref<10752x64xf32, #tpu.memory_space<hbm>>) dst(%dma_wait3A_612 : memref<128x64xf32, #tpu.memory_space<vmem>>)
    %barrier3A_619 = arith.constant 0 : index
    tpu.barrier barrier_id(%barrier3A_619)
    %mul3A_620 = arith.constant 672 : i32
    %mul3A_621 = arith.muli %arg1, %mul3A_620 : i32
    %mul3A_622 = arith.constant 672 : i32
    %mul3A_623 = arith.muli %arg1, %mul3A_622 : i32
    %mul3A_624 = arith.constant 64 : i32
    %mul3A_625 = arith.muli %arg0, %mul3A_624 : i32
    "tpu.region"() ({
      %run_scoped3A = tpu.sem_alloc : memref<!tpu.dma_semaphore, #tpu.memory_space<semaphore_mem>>
      %dma_start3A_626 = tpu.memref_slice %arg6[%mul3A_623, %mul3A_625] : memref<10752x128xf32, #tpu.memory_space<hbm>> -> memref<672x64xf32, #tpu.memory_space<hbm>>
      %dma_start3A_627 = arith.constant 0 : i32
      %dma_start3A_628 = tpu.memref_slice %arg10[%mul3A_621, %dma_start3A_627] : memref<10752x64xf32, #tpu.memory_space<vmem_shared>> -> memref<672x64xf32, #tpu.memory_space<vmem_shared>>
      tpu.enqueue_dma source(%dma_start3A_628 : memref<672x64xf32, #tpu.memory_space<vmem_shared>>) target(%dma_start3A_626 : memref<672x64xf32, #tpu.memory_space<hbm>>) target_semaphore(%run_scoped3A : memref<!tpu.dma_semaphore, #tpu.memory_space<semaphore_mem>>)
      %dma_wait3A_629 = tpu.memref_slice %arg6[%mul3A_623, %mul3A_625] : memref<10752x128xf32, #tpu.memory_space<hbm>> -> memref<672x64xf32, #tpu.memory_space<hbm>>
      %dma_wait3A_630 = arith.constant 0 : i32
      %dma_wait3A_631 = tpu.memref_slice %arg10[%mul3A_621, %dma_wait3A_630] : memref<10752x64xf32, #tpu.memory_space<vmem_shared>> -> memref<672x64xf32, #tpu.memory_space<vmem_shared>>
      tpu.wait_dma2 semaphore(%run_scoped3A : memref<!tpu.dma_semaphore, #tpu.memory_space<semaphore_mem>>) src(%dma_wait3A_631 : memref<672x64xf32, #tpu.memory_space<vmem_shared>>) dst(%dma_wait3A_629 : memref<672x64xf32, #tpu.memory_space<hbm>>)
      tpu.yield
    }) : () -> ()
    return
  }
}

module attributes {stable_mosaic.version = 14 : i64} {
  func.func @body(%arg0: i32, %arg1: memref<1x1344x128xf32, #tpu.memory_space<vmem>>, %arg2: memref<1x1344x128xf32, #tpu.memory_space<vmem>>, %arg3: memref<1344x128xf32, #tpu.memory_space<vmem>>, %arg4: memref<1344x128xf32, #tpu.memory_space<vmem>>) attributes {dimension_semantics = [#tpu.dimension_semantics<arbitrary>], iteration_bounds = array<i64: 8>, scalar_prefetch = 0 : i64, scratch_operands = 0 : i64, tpu.core_type = #tpu.core_type<tc>, window_params = [{transform_indices = @transform_0, window_bounds = array<i64: 1, 1344, 128>}, {transform_indices = @transform_1, window_bounds = array<i64: 1, 1344, 128>}, {transform_indices = @transform_2, window_bounds = array<i64: 1344, 128>}, {transform_indices = @transform_3, window_bounds = array<i64: 1344, 128>}]} {
    %get3A = arith.constant 0 : index
    %get3A_0 = arith.constant 0 : index
    %get3A_1 = vector.load %arg3[%get3A, %get3A_0] : memref<1344x128xf32, #tpu.memory_space<vmem>>, vector<1344x128xf32>
    %get3A_2 = arith.constant 0 : index
    %get3A_3 = arith.constant 0 : index
    %get3A_4 = arith.constant 0 : index
    %get3A_5 = vector.load %arg1[%get3A_2, %get3A_3, %get3A_4] : memref<1x1344x128xf32, #tpu.memory_space<vmem>>, vector<1x1344x1xf32>
    %get3A_6 = vector.shape_cast %get3A_5 : vector<1x1344x1xf32> to vector<1344x1xf32>
    %get3A_7 = arith.constant 0 : index
    %get3A_8 = arith.constant 0 : index
    %get3A_9 = arith.constant 0 : index
    %get3A_10 = vector.load %arg2[%get3A_7, %get3A_8, %get3A_9] : memref<1x1344x128xf32, #tpu.memory_space<vmem>>, vector<1x1344x1xf32>
    %get3A_11 = vector.shape_cast %get3A_10 : vector<1x1344x1xf32> to vector<1344x1xf32>
    %add3A = arith.addf %get3A_6, %get3A_11 : vector<1344x1xf32>
    %add3A_12 = arith.constant 1.000000e+00 : f32
    %add3A_13 = vector.broadcast %add3A_12 : f32 to vector<1344x1xf32>
    %add3A_14 = arith.addf %add3A, %add3A_13 : vector<1344x1xf32>
    %rsqrt3A = math.rsqrt %add3A_14 : vector<1344x1xf32>
    %mul3A = vector.broadcast %rsqrt3A : vector<1344x1xf32> to vector<1344x128xf32>
    %mul3A_15 = arith.mulf %get3A_1, %mul3A : vector<1344x128xf32>
    %swap3A = arith.constant 0 : index
    %swap3A_16 = arith.constant 0 : index
    %swap3A_17 = vector.load %arg4[%swap3A, %swap3A_16] : memref<1344x128xf32, #tpu.memory_space<vmem>>, vector<1344x128xf32>
    tpu.vector_store %arg4[%swap3A, %swap3A_16], %mul3A_15 {strides = array<i32>} : memref<1344x128xf32, #tpu.memory_space<vmem>>, vector<1344x128xf32>,
    return
  }
  func.func @transform_0(%arg0: i32) -> (i32, i32, i32) {
    %c0_i32 = arith.constant 0 : i32
    %c0_i32_0 = arith.constant 0 : i32
    %c0_i32_1 = arith.constant 0 : i32
    return %c0_i32, %arg0, %c0_i32_0 : i32, i32, i32
  }
  func.func @transform_1(%arg0: i32) -> (i32, i32, i32) {
    %c1_i32 = arith.constant 1 : i32
    %c0_i32 = arith.constant 0 : i32
    %c0_i32_0 = arith.constant 0 : i32
    return %c1_i32, %arg0, %c0_i32 : i32, i32, i32
  }
  func.func @transform_2(%arg0: i32) -> (i32, i32) {
    %c0_i32 = arith.constant 0 : i32
    %c0_i32_0 = arith.constant 0 : i32
    return %arg0, %c0_i32 : i32, i32
  }
  func.func @transform_3(%arg0: i32) -> (i32, i32) {
    %c0_i32 = arith.constant 0 : i32
    %c0_i32_0 = arith.constant 0 : i32
    return %arg0, %c0_i32 : i32, i32
  }
}

module attributes {stable_mosaic.version = 14 : i64} {
  func.func @body(%arg0: i32, %arg1: memref<1344x128xf32, #tpu.memory_space<vmem>>, %arg2: memref<128x128xf32, #tpu.memory_space<vmem>>, %arg3: memref<1344x128xf32, #tpu.memory_space<vmem>>) attributes {dimension_semantics = [#tpu.dimension_semantics<arbitrary>], iteration_bounds = array<i64: 8>, scalar_prefetch = 0 : i64, scratch_operands = 0 : i64, tpu.core_type = #tpu.core_type<tc>, window_params = [{transform_indices = @transform_0, window_bounds = array<i64: 1344, 128>}, {pipeline_mode = #tpu.pipeline_mode<synchronous>, transform_indices = @transform_1, window_bounds = array<i64: 128, 128>}, {transform_indices = @transform_2, window_bounds = array<i64: 1344, 128>}]} {
    %get3A = arith.constant 0 : index
    %get3A_0 = arith.constant 0 : index
    %get3A_1 = vector.load %arg1[%get3A, %get3A_0] : memref<1344x128xf32, #tpu.memory_space<vmem>>, vector<1344x128xf32>
    %get3A_2 = arith.constant 0 : index
    %get3A_3 = arith.constant 0 : index
    %get3A_4 = vector.load %arg2[%get3A_2, %get3A_3] : memref<128x128xf32, #tpu.memory_space<vmem>>, vector<128x128xf32>
    %dot_general3A = arith.constant dense<0.000000e+00> : vector<1344x128xf32>
    %dot_general3A_5 = tpu.matmul %get3A_1, %get3A_4, %dot_general3A {dimension_numbers = #tpu.dot_dimension_numbers<[1], [0], [0], [1], [0, 0, 1, 1], [], []>, transpose_lhs_hint = false} : vector<1344x128xf32>, vector<128x128xf32>, vector<1344x128xf32> -> vector<1344x128xf32>
    %mul3A = arith.constant 1344 : i32
    %mul3A_6 = arith.muli %arg0, %mul3A : i32
    %iota3A = tpu.iota {dimensions = array<i32: 0>} : vector<1344x128xi32>
    %add3A = vector.broadcast %mul3A_6 : i32 to vector<1344x128xi32>
    %add3A_7 = arith.addi %add3A, %iota3A : vector<1344x128xi32>
    %lt3A = arith.constant 10000 : i32
    %lt3A_8 = vector.broadcast %lt3A : i32 to vector<1344x128xi32>
    %lt3A_9 = arith.cmpi slt, %add3A_7, %lt3A_8 : vector<1344x128xi32>
    %jit3A = arith.constant 0.000000e+00 : f32
    %broadcast_in_dim3A = vector.broadcast %jit3A : f32 to vector<1344x128xf32>
    %select_n3A = arith.select %lt3A_9, %dot_general3A_5, %broadcast_in_dim3A : vector<1344x128xi1>, vector<1344x128xf32>
    %swap3A = arith.constant 0 : index
    %swap3A_10 = arith.constant 0 : index
    %swap3A_11 = vector.load %arg3[%swap3A, %swap3A_10] : memref<1344x128xf32, #tpu.memory_space<vmem>>, vector<1344x128xf32>
    tpu.vector_store %arg3[%swap3A, %swap3A_10], %select_n3A {strides = array<i32>} : memref<1344x128xf32, #tpu.memory_space<vmem>>, vector<1344x128xf32>,
    return
  }
  func.func @transform_0(%arg0: i32) -> (i32, i32) {
    %c0_i32 = arith.constant 0 : i32
    %c0_i32_0 = arith.constant 0 : i32
    return %arg0, %c0_i32 : i32, i32
  }
  func.func @transform_1(%arg0: i32) -> (i32, i32) {
    %c0_i32 = arith.constant 0 : i32
    %c0_i32_0 = arith.constant 0 : i32
    %c0_i32_1 = arith.constant 0 : i32
    return %c0_i32, %c0_i32_0 : i32, i32
  }
  func.func @transform_2(%arg0: i32) -> (i32, i32) {
    %c0_i32 = arith.constant 0 : i32
    %c0_i32_0 = arith.constant 0 : i32
    return %arg0, %c0_i32 : i32, i32
  }
}

module attributes {stable_mosaic.version = 14 : i64} {
  func.func @body(%arg0: i32, %arg1: memref<1x1344x128xf32, #tpu.memory_space<vmem>>, %arg2: memref<1x1344x128xf32, #tpu.memory_space<vmem>>, %arg3: memref<2x1344x128xf32, #tpu.memory_space<vmem>>, %arg4: memref<1344x128xf32, #tpu.memory_space<vmem>>, %arg5: memref<1x128xf32, #tpu.memory_space<vmem>>, %arg6: memref<128x64xf32, #tpu.memory_space<vmem>>, %arg7: memref<1344x64xf32, #tpu.memory_space<vmem>>) attributes {dimension_semantics = [#tpu.dimension_semantics<arbitrary>], iteration_bounds = array<i64: 8>, scalar_prefetch = 0 : i64, scratch_operands = 0 : i64, tpu.core_type = #tpu.core_type<tc>, window_params = [{transform_indices = @transform_0, window_bounds = array<i64: 1, 1344, 128>}, {transform_indices = @transform_1, window_bounds = array<i64: 1, 1344, 128>}, {transform_indices = @transform_2, window_bounds = array<i64: 2, 1344, 128>}, {transform_indices = @transform_3, window_bounds = array<i64: 1344, 128>}, {pipeline_mode = #tpu.pipeline_mode<synchronous>, transform_indices = @transform_4, window_bounds = array<i64: 1, 128>}, {pipeline_mode = #tpu.pipeline_mode<synchronous>, transform_indices = @transform_5, window_bounds = array<i64: 128, 64>}, {transform_indices = @transform_6, window_bounds = array<i64: 1344, 64>}]} {
    %get3A = arith.constant 0 : index
    %get3A_0 = arith.constant 0 : index
    %get3A_1 = arith.constant 0 : index
    %get3A_2 = vector.load %arg1[%get3A, %get3A_0, %get3A_1] : memref<1x1344x128xf32, #tpu.memory_space<vmem>>, vector<1x1344x1xf32>
    %get3A_3 = vector.shape_cast %get3A_2 : vector<1x1344x1xf32> to vector<1344x1xf32>
    %get3A_4 = arith.constant 0 : index
    %get3A_5 = arith.constant 0 : index
    %get3A_6 = arith.constant 0 : index
    %get3A_7 = vector.load %arg2[%get3A_4, %get3A_5, %get3A_6] : memref<1x1344x128xf32, #tpu.memory_space<vmem>>, vector<1x1344x1xf32>
    %get3A_8 = vector.shape_cast %get3A_7 : vector<1x1344x1xf32> to vector<1344x1xf32>
    %add3A = arith.addf %get3A_3, %get3A_8 : vector<1344x1xf32>
    %add3A_9 = arith.constant 1.000000e+00 : f32
    %add3A_10 = vector.broadcast %add3A_9 : f32 to vector<1344x1xf32>
    %add3A_11 = arith.addf %add3A, %add3A_10 : vector<1344x1xf32>
    %rsqrt3A = math.rsqrt %add3A_11 : vector<1344x1xf32>
    %get3A_12 = arith.constant 0 : index
    %get3A_13 = arith.constant 0 : index
    %get3A_14 = arith.constant 0 : index
    %get3A_15 = vector.load %arg3[%get3A_12, %get3A_13, %get3A_14] : memref<2x1344x128xf32, #tpu.memory_space<vmem>>, vector<1x1344x128xf32>
    %get3A_16 = vector.shape_cast %get3A_15 : vector<1x1344x128xf32> to vector<1344x128xf32>
    %get3A_17 = arith.constant 1 : index
    %get3A_18 = arith.constant 0 : index
    %get3A_19 = arith.constant 0 : index
    %get3A_20 = vector.load %arg3[%get3A_17, %get3A_18, %get3A_19] : memref<2x1344x128xf32, #tpu.memory_space<vmem>>, vector<1x1344x128xf32>
    %get3A_21 = vector.shape_cast %get3A_20 : vector<1x1344x128xf32> to vector<1344x128xf32>
    %add3A_22 = arith.addf %get3A_16, %get3A_21 : vector<1344x128xf32>
    %get3A_23 = arith.constant 0 : index
    %get3A_24 = arith.constant 0 : index
    %get3A_25 = vector.load %arg4[%get3A_23, %get3A_24] : memref<1344x128xf32, #tpu.memory_space<vmem>>, vector<1344x128xf32>
    %add3A_26 = arith.addf %add3A_22, %get3A_25 : vector<1344x128xf32>
    %mul3A = vector.broadcast %rsqrt3A : vector<1344x1xf32> to vector<1344x128xf32>
    %mul3A_27 = arith.mulf %add3A_26, %mul3A : vector<1344x128xf32>
    %get3A_28 = arith.constant 0 : index
    %get3A_29 = arith.constant 0 : index
    %get3A_30 = vector.load %arg5[%get3A_28, %get3A_29] : memref<1x128xf32, #tpu.memory_space<vmem>>, vector<1x128xf32>
    %add3A_31 = vector.broadcast %get3A_30 : vector<1x128xf32> to vector<1344x128xf32>
    %add3A_32 = arith.addf %mul3A_27, %add3A_31 : vector<1344x128xf32>
    %max3A = arith.constant 0.000000e+00 : f32
    %max3A_33 = vector.broadcast %max3A : f32 to vector<1344x128xf32>
    %max3A_34 = arith.maximumf %add3A_32, %max3A_33 : vector<1344x128xf32>
    %get3A_35 = arith.constant 0 : index
    %get3A_36 = arith.constant 0 : index
    %get3A_37 = vector.load %arg6[%get3A_35, %get3A_36] : memref<128x64xf32, #tpu.memory_space<vmem>>, vector<128x64xf32>
    %dot_general3A = arith.constant dense<0.000000e+00> : vector<1344x64xf32>
    %dot_general3A_38 = tpu.matmul %max3A_34, %get3A_37, %dot_general3A {dimension_numbers = #tpu.dot_dimension_numbers<[1], [0], [0], [1], [0, 0, 1, 1], [], []>, transpose_lhs_hint = false} : vector<1344x128xf32>, vector<128x64xf32>, vector<1344x64xf32> -> vector<1344x64xf32>
    %mul3A_39 = vector.broadcast %rsqrt3A : vector<1344x1xf32> to vector<1344x64xf32>
    %mul3A_40 = arith.mulf %dot_general3A_38, %mul3A_39 : vector<1344x64xf32>
    %mul3A_41 = arith.constant 1344 : i32
    %mul3A_42 = arith.muli %arg0, %mul3A_41 : i32
    %iota3A = tpu.iota {dimensions = array<i32: 0>} : vector<1344x64xi32>
    %add3A_43 = vector.broadcast %mul3A_42 : i32 to vector<1344x64xi32>
    %add3A_44 = arith.addi %add3A_43, %iota3A : vector<1344x64xi32>
    %lt3A = arith.constant 10000 : i32
    %lt3A_45 = vector.broadcast %lt3A : i32 to vector<1344x64xi32>
    %lt3A_46 = arith.cmpi slt, %add3A_44, %lt3A_45 : vector<1344x64xi32>
    %jit3A = arith.constant 0.000000e+00 : f32
    %broadcast_in_dim3A = vector.broadcast %jit3A : f32 to vector<1344x64xf32>
    %select_n3A = arith.select %lt3A_46, %mul3A_40, %broadcast_in_dim3A : vector<1344x64xi1>, vector<1344x64xf32>
    %swap3A = arith.constant 0 : index
    %swap3A_47 = arith.constant 0 : index
    %swap3A_48 = vector.load %arg7[%swap3A, %swap3A_47] : memref<1344x64xf32, #tpu.memory_space<vmem>>, vector<1344x64xf32>
    tpu.vector_store %arg7[%swap3A, %swap3A_47], %select_n3A {strides = array<i32>} : memref<1344x64xf32, #tpu.memory_space<vmem>>, vector<1344x64xf32>,
    return
  }
  func.func @transform_0(%arg0: i32) -> (i32, i32, i32) {
    %c0_i32 = arith.constant 0 : i32
    %c0_i32_0 = arith.constant 0 : i32
    %c0_i32_1 = arith.constant 0 : i32
    return %c0_i32, %arg0, %c0_i32_0 : i32, i32, i32
  }
  func.func @transform_1(%arg0: i32) -> (i32, i32, i32) {
    %c1_i32 = arith.constant 1 : i32
    %c0_i32 = arith.constant 0 : i32
    %c0_i32_0 = arith.constant 0 : i32
    return %c1_i32, %arg0, %c0_i32 : i32, i32, i32
  }
  func.func @transform_2(%arg0: i32) -> (i32, i32, i32) {
    %c0_i32 = arith.constant 0 : i32
    %c0_i32_0 = arith.constant 0 : i32
    %c0_i32_1 = arith.constant 0 : i32
    return %c0_i32, %arg0, %c0_i32_0 : i32, i32, i32
  }
  func.func @transform_3(%arg0: i32) -> (i32, i32) {
    %c0_i32 = arith.constant 0 : i32
    %c0_i32_0 = arith.constant 0 : i32
    return %arg0, %c0_i32 : i32, i32
  }
  func.func @transform_4(%arg0: i32) -> (i32, i32) {
    %c0_i32 = arith.constant 0 : i32
    %c0_i32_0 = arith.constant 0 : i32
    %c0_i32_1 = arith.constant 0 : i32
    return %c0_i32, %c0_i32_0 : i32, i32
  }
  func.func @transform_5(%arg0: i32) -> (i32, i32) {
    %c0_i32 = arith.constant 0 : i32
    %c0_i32_0 = arith.constant 0 : i32
    %c0_i32_1 = arith.constant 0 : i32
    return %c0_i32, %c0_i32_0 : i32, i32
  }
  func.func @transform_6(%arg0: i32) -> (i32, i32) {
    %c0_i32 = arith.constant 0 : i32
    %c0_i32_0 = arith.constant 0 : i32
    return %arg0, %c0_i32 : i32, i32
  }
}

module attributes {stable_mosaic.version = 14 : i64} {
  func.func @body(%arg0: i32, %arg1: memref<1x1344x128xf32, #tpu.memory_space<vmem>>, %arg2: memref<1x1344x128xf32, #tpu.memory_space<vmem>>, %arg3: memref<1344x128xf32, #tpu.memory_space<vmem>>, %arg4: memref<1344x64xf32, #tpu.memory_space<vmem>>, %arg5: memref<1x64xf32, #tpu.memory_space<vmem>>, %arg6: memref<1344x64xf32, #tpu.memory_space<vmem>>) attributes {dimension_semantics = [#tpu.dimension_semantics<arbitrary>], iteration_bounds = array<i64: 8>, scalar_prefetch = 0 : i64, scratch_operands = 0 : i64, tpu.core_type = #tpu.core_type<tc>, window_params = [{transform_indices = @transform_0, window_bounds = array<i64: 1, 1344, 128>}, {transform_indices = @transform_1, window_bounds = array<i64: 1, 1344, 128>}, {transform_indices = @transform_2, window_bounds = array<i64: 1344, 128>}, {transform_indices = @transform_3, window_bounds = array<i64: 1344, 64>}, {pipeline_mode = #tpu.pipeline_mode<synchronous>, transform_indices = @transform_4, window_bounds = array<i64: 1, 64>}, {transform_indices = @transform_5, window_bounds = array<i64: 1344, 64>}]} {
    %get3A = arith.constant 0 : index
    %get3A_0 = arith.constant 0 : index
    %get3A_1 = arith.constant 0 : index
    %get3A_2 = vector.load %arg1[%get3A, %get3A_0, %get3A_1] : memref<1x1344x128xf32, #tpu.memory_space<vmem>>, vector<1x1344x1xf32>
    %get3A_3 = vector.shape_cast %get3A_2 : vector<1x1344x1xf32> to vector<1344x1xf32>
    %get3A_4 = arith.constant 0 : index
    %get3A_5 = arith.constant 0 : index
    %get3A_6 = arith.constant 0 : index
    %get3A_7 = vector.load %arg2[%get3A_4, %get3A_5, %get3A_6] : memref<1x1344x128xf32, #tpu.memory_space<vmem>>, vector<1x1344x1xf32>
    %get3A_8 = vector.shape_cast %get3A_7 : vector<1x1344x1xf32> to vector<1344x1xf32>
    %add3A = arith.addf %get3A_3, %get3A_8 : vector<1344x1xf32>
    %add3A_9 = arith.constant 1.000000e+00 : f32
    %add3A_10 = vector.broadcast %add3A_9 : f32 to vector<1344x1xf32>
    %add3A_11 = arith.addf %add3A, %add3A_10 : vector<1344x1xf32>
    %rsqrt3A = math.rsqrt %add3A_11 : vector<1344x1xf32>
    %get3A_12 = arith.constant 0 : index
    %get3A_13 = arith.constant 0 : index
    %get3A_14 = vector.load %arg3[%get3A_12, %get3A_13] : memref<1344x128xf32, #tpu.memory_space<vmem>>, vector<1344x128xf32>
    %slice3A = vector.extract_strided_slice %get3A_14 {offsets = [0, 0], sizes = [1344, 64], strides = [1, 1]} : vector<1344x128xf32> to vector<1344x64xf32>
    %slice3A_15 = vector.extract_strided_slice %get3A_14 {offsets = [0, 64], sizes = [1344, 64], strides = [1, 1]} : vector<1344x128xf32> to vector<1344x64xf32>
    %add3A_16 = arith.addf %slice3A, %slice3A_15 : vector<1344x64xf32>
    %get3A_17 = arith.constant 0 : index
    %get3A_18 = arith.constant 0 : index
    %get3A_19 = vector.load %arg4[%get3A_17, %get3A_18] : memref<1344x64xf32, #tpu.memory_space<vmem>>, vector<1344x64xf32>
    %add3A_20 = arith.addf %add3A_16, %get3A_19 : vector<1344x64xf32>
    %mul3A = vector.broadcast %rsqrt3A : vector<1344x1xf32> to vector<1344x64xf32>
    %mul3A_21 = arith.mulf %add3A_20, %mul3A : vector<1344x64xf32>
    %get3A_22 = arith.constant 0 : index
    %get3A_23 = arith.constant 0 : index
    %get3A_24 = vector.load %arg5[%get3A_22, %get3A_23] : memref<1x64xf32, #tpu.memory_space<vmem>>, vector<1x64xf32>
    %add3A_25 = vector.broadcast %get3A_24 : vector<1x64xf32> to vector<1344x64xf32>
    %add3A_26 = arith.addf %mul3A_21, %add3A_25 : vector<1344x64xf32>
    %swap3A = arith.constant 0 : index
    %swap3A_27 = arith.constant 0 : index
    %swap3A_28 = vector.load %arg6[%swap3A, %swap3A_27] : memref<1344x64xf32, #tpu.memory_space<vmem>>, vector<1344x64xf32>
    tpu.vector_store %arg6[%swap3A, %swap3A_27], %add3A_26 {strides = array<i32>} : memref<1344x64xf32, #tpu.memory_space<vmem>>, vector<1344x64xf32>,
    return
  }
  func.func @transform_0(%arg0: i32) -> (i32, i32, i32) {
    %c0_i32 = arith.constant 0 : i32
    %c0_i32_0 = arith.constant 0 : i32
    %c0_i32_1 = arith.constant 0 : i32
    return %c0_i32, %arg0, %c0_i32_0 : i32, i32, i32
  }
  func.func @transform_1(%arg0: i32) -> (i32, i32, i32) {
    %c1_i32 = arith.constant 1 : i32
    %c0_i32 = arith.constant 0 : i32
    %c0_i32_0 = arith.constant 0 : i32
    return %c1_i32, %arg0, %c0_i32 : i32, i32, i32
  }
  func.func @transform_2(%arg0: i32) -> (i32, i32) {
    %c0_i32 = arith.constant 0 : i32
    %c0_i32_0 = arith.constant 0 : i32
    return %arg0, %c0_i32 : i32, i32
  }
  func.func @transform_3(%arg0: i32) -> (i32, i32) {
    %c0_i32 = arith.constant 0 : i32
    %c0_i32_0 = arith.constant 0 : i32
    return %arg0, %c0_i32 : i32, i32
  }
  func.func @transform_4(%arg0: i32) -> (i32, i32) {
    %c0_i32 = arith.constant 0 : i32
    %c0_i32_0 = arith.constant 0 : i32
    %c0_i32_1 = arith.constant 0 : i32
    return %c0_i32, %c0_i32_0 : i32, i32
  }
  func.func @transform_5(%arg0: i32) -> (i32, i32) {
    %c0_i32 = arith.constant 0 : i32
    %c0_i32_0 = arith.constant 0 : i32
    return %arg0, %c0_i32 : i32, i32
  }
}

</mosaic_0001>

<sc_bundles>
// kernel: kernel.12.cloned.1.call-start
scs
__scs_entry_jumppad:
0x0: {  	(pc) =	sbr.rel $0x88, $3  }
0x1: {  	(tag) =	ssettag $0x0;
	lr =	simm.s32 $0x1  }
0x2: {  	[smem:$0x3F9B] =	sst lr;
	_ =	strace $0xD0000000  }
0x3: {  	_ = 	snop  }
0x4: {  	_ = 	snop  }
0x5: {  	_ = 	snop  }
0x6: {  	_ = 	snop  }
0x7: {  	_ = 	snop  }
__scs_overlays_trampoline_lowered:
0x8: {  	[smem:$0x3FAA] =	sst s0  }
0x9: {  	[smem:$0x3FAB] =	sst s1  }
0xa: {  	[smem:$0x3FAC] =	sst s2  }
0xb: {  	[smem:$0x3FAD] =	sst s3  }
0xc: {  	[smem:$0x3FAE] =	sst s4  }
0xd: {  	[smem:$0x3FAF] =	sst s5  }
0xe: {  	[smem:$0x3FB0] =	sst s6  }
0xf: {  	[smem:$0x3FB1] =	sst s7  }
0x10: {  	[smem:$0x3FB2] =	sst s8  }
0x11: {  	[smem:$0x3FB3] =	sst s9;
	s0 =	simm.s32 @!p0 $0x0  }
0x12: {  	s1 =	sld [smem:$0x3F99];
	s0 =	simm.s32 @p0 $0x1  }
0x13: {  	[smem:$0x3FB4] =	sst s0;
	s0 =	simm.s32 @!p1 $0x0  }
0x14: {  	s2 =	sld [smem:$0x3F98];
	s0 =	simm.s32 @p1 $0x1  }
0x15: {  	[smem:$0x3FB5] =	sst s0;
	s0 =	simm.s32 @!p2 $0x0  }
0x16: {  	s3 =	sld [smem:$0x3FDB];
	s0 =	simm.s32 @p2 $0x1  }
0x17: {  	s4 =	simm.s32 $0x1BF5;
	[smem:$0x3FB7] =	sst s0  }
0x18: {  	s0 =	sld [smem:$0x3F9A];
	_ =	swait.ge [sflag:s4], $0x0  }
0x19: {  	s7 =	sld [smem:$0x3F9B]  }
0x1a: {  	s8 =	sadd.s32 $0xFFFFE003, lr  }
0x1b: {  	s9 =	sadd.s32 $0xFFFFFEF7, lr;
	s5 =	simm.s32 $0xFFFFFFFF;
	p2 =	slt.u32 s8, $0xFFFFF086  }
0x1c: {  	p1 =	slt.u32 s9, $0xF7A;
	s5 =	simm.s32 @!p2 $0x0  }
0x1d: {  	s5 =	simm.s32 @p1 $0x1;
	p0 =	seq.s32 s7, s2  }
0x1e: {  	s7 =	smul.u32 @!p0 $0xF7A, s2;
	p2 =	seq.s32 @!p0 s5, $0x0  }
0x1f: {  	s9 =	smul.u32 $0xF7A, s1;
	s8 =	simm.s32 @!p0 $0x1BF5;
	p2 =	por !p2, p0  }
0x20: {  	[sflag:s8] =	ssyncset.s32 @!p0 $0xFFFFF086;
	s6 =	sadd.s32 @!p0 s3, s7;
	s7 =	simm.s32 @!p0 $0x108  }
0x21: {  	s3 =	sadd.s32 s3, s9;
	s6 =	sadd.s32 @!p0 $0x88, s6;
	s7 =	simm.s32 @p2 $0x1082  }
0x22: {  	[simem:s7], [sflag:s8] =	dma.local @!p0 [hbm:s6], $0xF7A  }
0x23: {  	s9 =	sor.u32 $0xD0000000, s2;
	s6 =	simm.s32 $0x108;
	_ =	swait.ge @!p0 [sflag:s8], $0x0  }
0x24: {  	s3 =	sadd.s32 $0x88, s3;
	s6 =	simm.s32 @!p1 $0x1082;
	[sflag:s4] =	ssyncset.s32 $0xFFFFF086  }
0x25: {  	[simem:s6], [sflag:s4] =	dma.local [hbm:s3], $0xF7A  }
0x26: {  	[smem:$0x3F9B] =	sst s1;
	(tag) =	ssettag s2;
	_ =	strace s9  }
0x27: {  	s1 =	sld [smem:$0x3FAB]  }
0x28: {  	s2 =	sld [smem:$0x3FAC]  }
0x29: {  	s4 =	sld [smem:$0x3FAE]  }
0x2a: {  	p0 =	seq.s32 s5, $0x0;
	s5 =	sld [smem:$0x3FAF]  }
0x2b: {  	s6 =	sld [smem:$0x3FB0]  }
0x2c: {  	s7 =	sld [smem:$0x3FB1]  }
0x2d: {  	s3 =	simm.s32 $0x108;
	s8 =	sld [smem:$0x3FB2]  }
0x2e: {  	s3 =	simm.s32 @!p0 $0x1082;
	s9 =	sld [smem:$0x3FB3]  }
0x2f: {  	lr =	sadd.s32 s0, s3;
	s0 =	sld [smem:$0x3FAA]  }
0x30: {  	s3 =	sld [smem:$0x3FAD]  }
0x31: {  	[smem:$0x3FB6] =	sst s10  }
0x32: {  	s10 =	sld [smem:$0x3FB4];
	_ =	sdelay $0x3  }
0x33: {  	p0 =	seq.s32 s10, $0x1;
	s10 =	sld [smem:$0x3FB6];
	_ =	sdelay $0x3  }
0x34: {  	[smem:$0x3FB6] =	sst s10  }
0x35: {  	s10 =	sld [smem:$0x3FB5];
	_ =	sdelay $0x3  }
0x36: {  	p1 =	seq.s32 s10, $0x1;
	s10 =	sld [smem:$0x3FB6];
	_ =	sdelay $0x3  }
0x37: {  	[smem:$0x3FB6] =	sst s10  }
0x38: {  	s10 =	sld [smem:$0x3FB7]  }
0x39: {  	_ = 	snop;
	(pc) =	sbr.ind lr, $3  }
0x3a: {  	_ = 	snop  }
0x3b: {  	_ = 	snop  }
0x3c: {  	p2 =	seq.s32 s10, $0x1;
	s10 =	sld [smem:$0x3FB6]  }
0x3d: {  	_ =	shalt  }
0x3e: {  	_ =	shalt  }
0x3f: {  	_ =	shalt  }
0x40: {  	_ =	shalt  }
0x41: {  	_ =	shalt  }
0x42: {  	_ =	shalt  }
0x43: {  	_ =	shalt  }
0x44: {  	_ =	shalt  }
0x45: {  	_ =	shalt  }
0x46: {  	_ =	shalt  }
0x47: {  	_ =	shalt  }
0x48: {  	_ =	shalt  }
0x49: {  	_ =	shalt  }
0x4a: {  	_ =	shalt  }
0x4b: {  	_ =	shalt  }
0x4c: {  	_ =	shalt  }
0x4d: {  	_ =	shalt  }
0x4e: {  	_ =	shalt  }
0x4f: {  	_ =	shalt  }
0x50: {  	_ =	shalt  }
0x51: {  	_ =	shalt  }
0x52: {  	_ =	shalt  }
0x53: {  	_ =	shalt  }
0x54: {  	_ =	shalt  }
0x55: {  	_ =	shalt  }
0x56: {  	_ =	shalt  }
0x57: {  	_ =	shalt  }
0x58: {  	_ =	shalt  }
0x59: {  	_ =	shalt  }
0x5a: {  	_ =	shalt  }
0x5b: {  	_ =	shalt  }
0x5c: {  	_ =	shalt  }
0x5d: {  	_ =	shalt  }
0x5e: {  	_ =	shalt  }
0x5f: {  	_ =	shalt  }
0x60: {  	_ =	shalt  }
0x61: {  	_ =	shalt  }
0x62: {  	_ =	shalt  }
0x63: {  	_ =	shalt  }
0x64: {  	_ =	shalt  }
0x65: {  	_ =	shalt  }
0x66: {  	_ =	shalt  }
0x67: {  	_ =	shalt  }
0x68: {  	_ =	shalt  }
0x69: {  	_ =	shalt  }
0x6a: {  	_ =	shalt  }
0x6b: {  	_ =	shalt  }
0x6c: {  	_ =	shalt  }
0x6d: {  	_ =	shalt  }
0x6e: {  	_ =	shalt  }
0x6f: {  	_ =	shalt  }
0x70: {  	_ =	shalt  }
0x71: {  	_ =	shalt  }
0x72: {  	_ =	shalt  }
0x73: {  	_ =	shalt  }
0x74: {  	_ =	shalt  }
0x75: {  	_ =	shalt  }
0x76: {  	_ =	shalt  }
0x77: {  	_ =	shalt  }
0x78: {  	_ =	shalt  }
0x79: {  	_ =	shalt  }
0x7a: {  	_ =	shalt  }
0x7b: {  	_ =	shalt  }
0x7c: {  	_ =	shalt  }
0x7d: {  	_ =	shalt  }
0x7e: {  	_ =	shalt  }
0x7f: {  	_ =	shalt  }
0x80: {  	_ =	shalt  }
0x81: {  	_ =	shalt  }
0x82: {  	_ =	shalt  }
0x83: {  	_ =	shalt  }
0x84: {  	_ =	shalt  }
0x85: {  	_ =	shalt  }
0x86: {  	_ =	shalt  }
0x87: {  	_ =	shalt  }
.Lfunc_end0:
.L_simem_size_0:
called_computation.1_lowered:
.L_overlay_start_0:
0x88: {  	s2 =	sld [smem:$0x3FD9]  }
0x89: {  	s3 =	sld [smem:$0x3FFE];
	_ =	sdelay $0x1  }
0x8a: {  	s1 =	srdreg.scid  }
0x8b: {  	s0 =	sand.u32 $0x1, s1  }
0x8c: {  	s17 =	sshll.u32 s0, $0xA;
	s2 =	sadd.s32 s3, s2  }
0x8d: {  	s2 =	sadd.s32 s2, s17  }
0x8e: {  	[smem:$0x3FC2] =	sst s2  }
0x8f: {  	_ = 	snop  }
0x90: {  	s2 =	sld [smem:$0x3FD0];
	(tm) =	ssettm $0x1  }
0x91: {  	s18 =	sld [smem:$0x3FFB];
	_ =	sdelay $0x3  }
0x92: {  	_ =	strace s18  }
0x93: {  	s3 =	sld [smem:$0x3FFC];
	_ =	sdelay $0x3  }
0x94: {  	_ =	strace s3  }
0x95: {  	s3 =	sld [smem:$0x3FFD];
	_ =	sdelay $0x3  }
0x96: {  	_ =	strace s3  }
0x97: {  	_ =	strace $0x8FFFFFFF  }
0x98: {  	s19 =	sld [smem:$0x3FDB];
	_ =	sdelay $0x1  }
0x99: {  	s4 =	simm.s32 $_scs_section_size  }
0x9a: {  	s5 =	simm.s32 $_size__tile_overlayer_lowered;
	s6 =	simm.s32 $_tile_overlayer_lowered  }
0x9b: {  	s22 =	simm.s32 $0x1BFF;
	s21 =	sshll.u32 s6, $0x1;
	s3 =	sadd.s32 s4, s19  }
0x9c: {  	s7 =	simm.s32 $0x0;
	s20 =	sshll.u32 s5, $0x1;
	s5 =	sadd.s32 s21, s3  }
0x9d: {  	[timem:s7], [sflag:s22] =	dma.local [hbm:s5], s20  }
0x9e: {  	_ =	swait.ge [sflag:s22], s20  }
0x9f: {  	s4 =	ssub.s32 $0x0, s20;
	[sflag:s22] =	ssyncset.done $0x0  }
0xa0: {  	[sflag:s22] =	ssyncadd.s32 s4;
	_ =	sdelay $0x1  }
0xa1: {  	s23 =	simm.s32 $0x1B8B  }
0xa2: {  	_ =	swait.ge [sflag:s23], $0x1  }
0xa3: {  	[sflag:s23] =	ssyncset.done $0x0  }
0xa4: {  	s25 =	simm.s32 $0x1B8E;
	s24 =	sld [smem:$0x3FFE];
	[sflag:s23] =	ssyncadd.s32 $0xFFFFFFFF  }
0xa5: {  	s26 =	simm.s32 $execute0_lowered;
	[smem:$0x3FD2] =	sst s25  }
0xa6: {  	s5 =	sshll.u32 s26, $0x1;
	_ =	strace $0x80000049;
	[dreg:$0x1] =	wrdreg $0xFFFFFFFF  }
0xa7: {  	s28 =	simm.s32 $_size_execute0_lowered;
	s3 =	sadd.s32 s3, s5;
	[dreg:$0x0] =	wrdreg $0x0  }
0xa8: {  	s5 =	sshll.u32 s28, $0x1;
	[dreg:$0x2] =	wrdreg s3  }
0xa9: {  	[dreg:$0x3] =	wrdreg s5  }
0xaa: {  	[dreg:$0x4] =	wrdreg $0xC0  }
0xab: {  	_ =	task [dreg:s7], $0x5FFFF  }
0xac: {  	[dreg:$0x1] =	wrdreg $0xFFFFFFFF  }
0xad: {  	[dreg:$0x0] =	wrdreg $0x60  }
0xae: {  	[dreg:$0x2] =	wrdreg s24  }
0xaf: {  	[dreg:$0x3] =	wrdreg s2  }
0xb0: {  	[dreg:$0x4] =	wrdreg $0xAA000  }
0xb1: {  	[dreg:$0x5] =	wrdreg $0x9  }
0xb2: {  	_ =	task.clear_ibuf [dreg:s7], $0x6FFFF;
	_ =	strace $0x90000049  }
0xb3: {  	s29 =	simm.s32 $0x9;
	_ =	strace $0x8000004B  }
0xb4: {  	_ =	swait.ge [sflag:s29], $0x1  }
0xb5: {  	[sflag:s29] =	ssyncadd.s32 $0xFFFFFFFF  }
0xb6: {  	_ =	strace $0x9000004B  }
0xb7: {  	_ =	sfence  }
0xb8: {  	s30 =	sld [smem:$0x0];
	_ =	sdelay $0x2  }
0xb9: {  	s31 =	sshll.u32 s1, $0xD;
	s1 =	sshrl.u32 s1, $0x2  }
0xba: {  	s3 =	sand.u32 $0x4000, s31;
	s1 =	sadd.s32 s1, s30  }
0xbb: {  	s0 =	sor.u32 s3, s0;
	s1 =	sshll.u32 s1, $0x11  }
0xbc: {  	s0 =	sor.u32 s1, s0  }
0xbd: {  	s0 =	sadd.s32 $0x8F2B, s0  }
0xbe: {  	[sflag:s0] =	ssyncadd.remote.s32 $0x1  }
0xbf: {  	_ =	sfence.sel $0xFFFF  }
0xc0: {  	[dreg:$0x0] =	wrdreg $0xFFFFFFFF;
	(pc) =	sbr.abs _section_cstart, $3  }
0xc1: {  	[dreg:$0x1] =	wrdreg $0xFFFFFFFF  }
0xc2: {  	_ =	task.clear_ibuf [dreg:s7], $0x2FFFF;
	_ =	strace $0x9FFFFFFF  }
0xc3: {  	(tm) =	ssettm $0x7FFFFFFF  }
tec
execute0_lowered:
.L_overlay_start_1:
0x0: {  	(tag) =	ssettag $0x1  }
0x1: {  	s0 =	rddreg [dreg:$0x0]  }
0x2: {  	s3 =	rddreg [dreg:$0x1]  }
0x3: {  	s1 =	rddreg [dreg:$0x2];
	s2 =	simm.s32 $0x0  }
0x4: {  	s5 =	srdreg.scid;
	s17 =	stileid.u32;
	s28 =	simm.s32 $0x2900  }
0x5: {  	s29 =	simm.s32 $0x2980;
	[smem:$0x7FF] =	sst s2;
	s4 =	sadd.s32 $0x60800, s0  }
0x6: {  	s6 =	sand.u32 $0x1, s5;
	s8 =	sadd.s32 $0x2A00, s0;
	s20 =	smul.u32 $0x15000, s17  }
0x7: {  	s19 =	sshll.u32 s17, $0x4;
	s15 =	sadd.s32 $0x10, s3;
	s16 =	smul.u32 $0x54000, s17  }
0x8: {  	_ =	strace $0x8000004A;
	s5 =	sshll.u32 s6, $0x4;
	s7 =	smul.u32 $0x2A000, s6  }
0x9: {  	s9 =	ssub.s32 $0x2, s6;
	s6 =	smul.u32 $0x4E0, s6;
	s25 =	sadd.s32 s19, s3  }
0xa: {  	s5 =	sor.u32 s17, s5;
	s11 =	sshrl.u32 s9, $0x1;
	s16 =	sshrl.u32 s16, $0x2  }
0xb: {  	s17 =	smul.u32 $0x4E, s17;
	s26 =	sshrl.u32 s20, $0x3;
	s10 =	sshll.u32 s5, $0x6  }
0xc: {  	s12 =	smul.u32 $0x4E0, s5;
	s9 =	ssub.s32 s9, s11;
	p0 =	slt.u32 s5, $0x4  }
0xd: {  	s13 =	smul.u32 $0x2700, s5;
	s16 =	sadd.s32 s16, s1;
	s11 =	simm.s32 $0x2A00  }
0xe: {  	s10 =	sadd.s32 s10, s0;
	s0 =	sadd.s32 s7, s0;
	s23 =	sadd.s32 $0x4000, s16  }
0xf: {  	s6 =	sadd.s32 s17, s6;
	s24 =	sadd.s32 $0x8000, s16;
	s31 =	sadd.s32 $0xC000, s16  }
0x10: {  	s17 =	sadd.s32 $0x14000, s16;
	s18 =	sadd.s32 s8, s12;
	[dreg:$0xa] =	wrdreg s23  }
0x11: {  	s7 =	sadd.s32 $0x2200, s10;
	s8 =	sadd.s32 s19, s8;
	[dreg:$0xb] =	wrdreg s24  }
0x12: {  	s14 =	sadd.s32 s3, s12;
	s13 =	sshrl.u32 s13, $0x3;
	[dreg:$0xc] =	wrdreg s31  }
0x13: {  	s12 =	sadd.s32 s12, s15;
	s6 =	sshll.u32 s6, $0x4;
	[dreg:$0xf] =	wrdreg s17  }
0x14: {  	s0 =	sadd.s32 $0x8A800, s0;
	s24 =	sadd.s32 $0x2210, s10;
	[dreg:$0x4] =	wrdreg s18  }
0x15: {  	s17 =	simm.s32 $0x6;
	s8 =	sadd.s32 $0x9C00, s8;
	[dreg:$0x5] =	wrdreg s14  }
0x16: {  	[dreg:$0x6] =	wrdreg s12;
	s13 =	sadd.s32 s3, s13;
	s12 =	sadd.s32 s20, s1  }
0x17: {  	s18 =	smov.u32 s7;
	s30 =	sadd.s32 s15, s6;
	s3 =	sadd.s32 s3, s6  }
0x18: {  	s0 =	sadd.s32 s26, s0;
	s15 =	sadd.s32 $0x10000, s16;
	s20 =	smax.u32 s9, $0x1  }
0x19: {  	s26 =	sadd.s32 $0x2230, s10;
	s9 =	simm.s32 $0x100;
	s14 =	simm.s32 $0x2  }
0x1a: {  	s16 =	simm.s32 $0x5;
	s21 =	sadd.s32 $0x20, s13;
	[dreg:$0xd] =	wrdreg s0  }
0x1b: {  	s22 =	sadd.s32 $0x30, s13;
	s18 =	smov.u32 @p0 s8;
	[dreg:$0xe] =	wrdreg s15  }
0x1c: {  	s19 =	sadd.s32 $0x50, s13;
	[dreg:$0x12] =	wrdreg s20;
	s23 =	sadd.s32 $0x60, s30  }
0x1d: {  	s31 =	sadd.s32 $0x60, s3;
	p0 =	sgt.u32 s5, $0x3;
	[dreg:$0x7] =	wrdreg s21  }
0x1e: {  	s8 =	simm.s32 $0x80;
	s15 =	simm.s32 $0x1;
	[dreg:$0x8] =	wrdreg s22  }
0x1f: {  	s20 =	simm.s32 $0x3;
	s0 =	simm.s32 $0x0;
	[dreg:$0x9] =	wrdreg s18  }
0x20: {  	s18 =	sadd.s32 $0x40, s13;
	[dreg:$0x11] =	wrdreg s19;
	s22 =	sadd.s32 $0x9C00, s25  }
.Ltmp0:
0x21: {  	s25 =	sadd.s32 $0x2220, s10;
	[dreg:$0x14] =	wrdreg s23;
	(pc) =	sbr.rel .LBB2_1-.Ltmp0, $4  }
0x22: {  	s21 =	sadd.s32 $0x80, s30;
	s30 =	sadd.s32 $0x80, s3;
	[dreg:$0x16] =	wrdreg s31  }
0x23: {  	s13 =	simm.s32 $0x200;
	s10 =	simm.s32 $0x180;
	[dreg:$0x10] =	wrdreg s18  }
0x24: {  	s19 =	simm.s32 $0x7;
	s23 =	simm.s32 $0x4;
	[dreg:$0x13] =	wrdreg s21  }
0x25: {  	v0 =	vimm.f32 $0.0e+00;
	[dreg:$0x15] =	wrdreg s30;
	s18 =	simm.s32 $0x6A00;
	s21 =	simm.s32 $0x8  }
.LBB2_7:
0x26: {  	_ =	swait.ge [sflag:s15], $0x4000  }
0x27: {  	[sflag:s15] =	ssyncset.done $0x0  }
0x28: {  	s28 =	simm.s32 $0x2900;
	[sflag:s15] =	ssyncadd.s32 $0xFFFFC000  }
0x29: {  	[spmem:s1] =	stream.indirect.scatter.add.f32 [tilespmem:s11], [sflag:$0x3], $0x80, s28, s8, $0xb8;
	[tilespmem:$0x1FA00] =	vst v63  }
0x2a: {  	_ =	swait.ge [sflag:s14], $0x4000  }
0x2b: {  	[sflag:s14] =	ssyncset.done $0x0  }
0x2c: {  	s29 =	simm.s32 $0x2980;
	[sflag:s14] =	ssyncadd.s32 $0xFFFFC000  }
0x2d: {  	[spmem:s1] =	stream.indirect.scatter.add.f32 [tilespmem:s18], [sflag:$0x4], $0x80, s29, s8, $0xb8;
	[tilespmem:$0x1FA00] =	vst v63  }
0x2e: {  	_ =	swait.ge [sflag:s20], $0x4000  }
0x2f: {  	[sflag:s20] =	ssyncset.done $0x0  }
0x30: {  	[sflag:s20] =	ssyncadd.s32 $0xFFFFC000  }
0x31: {  	_ =	swait.ge [sflag:s23], $0x4000  }
0x32: {  	[sflag:s23] =	ssyncset.done $0x0  }
0x33: {  	[sflag:s23] =	ssyncadd.s32 $0xFFFFC000  }
0x34: {  	_ =	swait.ge [sflag:s16], $0x80  }
0x35: {  	[sflag:s16] =	ssyncset.done $0x0  }
0x36: {  	[sflag:s16] =	ssyncadd.s32 $0xFFFFFF80  }
0x37: {  	_ =	swait.ge [sflag:s17], $0x80  }
0x38: {  	[sflag:s17] =	ssyncset.done $0x0  }
0x39: {  	s3 =	stileid.u32;
	[sflag:s17] =	ssyncadd.s32 $0xFFFFFF80  }
0x3a: {  	s6 =	sshrl.u32 s12, $0x3;
	s3 =	sshll.u32 s3, $0x6;
	[bflag:$0x0] =	sbarrier.arrive $0xFFFF  }
0x3b: {  	s30 =	simm.s32 $0x9;
	s3 =	sor.u32 $0x1C09, s3;
	s13 =	rddreg [dreg:$0xd]  }
0x3c: {  	[hbm:s13], [sflag:s3] =	dma.local [spmem:s6], $0x2A00  }
0x3d: {  	_ =	swait.ge [sflag:s30], $0x2A00  }
0x3e: {  	s0 =	sadd.s32 $0x1, s0;
	s31 =	rddreg [dreg:$0x12]  }
0x3f: {  	p1 =	sne.s32 s0, s31  }
.Ltmp1:
0x40: {  	_ = 	snop;
	(pc) =	sbr.rel @!p1 .LBB2_8-.Ltmp1, $3  }
0x41: {  	_ =	sdelay $0x1  }
0x42: {  	[sflag:s30] =	ssyncset.done $0x0  }
0x43: {  	s13 =	simm.s32 $0x200;
	[sflag:s30] =	ssyncadd.s32 $0xFFFFD600  }
.LBB2_1:
0x44: {  	s3 =	rddreg [dreg:$0x4]  }
0x45: {  	[tilespmem:s13], [sflag:$0x2] =	stream.linear.gather [hbm4b:s3+s2], $0x2700, $0x38;
	[tilespmem:$0x1FA00] =	vst v63  }
0x46: {  	s6 =	rddreg [dreg:$0x9]  }
0x47: {  	[tilespmem:s28], [sflag:$0x2] =	stream.linear.gather [hbm4b:s6+s2], $0x80, $0x38;
	[tilespmem:$0x1FA00] =	vst v63  }
0x48: {  	_ = 	snop  }
0x49: {  	[tilespmem:s29], [sflag:$0x2] =	stream.linear.gather [hbm4b:s24+s2], $0x80, $0x38;
	[tilespmem:$0x1FA00] =	vst v63  }
0x4a: {  	s28 =	rddreg [dreg:$0x5]  }
0x4b: {  	[tilespmem:s2], [sflag:$0x5] =	stream.linear.gather [hbm4b:s28+s2], $0x80, $0x38;
	[tilespmem:$0x1FA00] =	vst v63  }
0x4c: {  	s29 =	rddreg [dreg:$0x6]  }
0x4d: {  	[tilespmem:s8], [sflag:$0x6] =	stream.linear.gather [hbm4b:s29+s2], $0x80, $0x38;
	[tilespmem:$0x1FA00] =	vst v63  }
0x4e: {  	s30 =	rddreg [dreg:$0x7]  }
0x4f: {  	[tilespmem:s9], [sflag:$0x7] =	stream.linear.gather [hbm4b:s30+s2], $0x80, $0x38;
	[tilespmem:$0x1FA00] =	vst v63  }
0x50: {  	s31 =	rddreg [dreg:$0x8];
	s3 =	simm.s32 $0x0;
	s6 =	simm.s32 $0x200  }
0x51: {  	[tilespmem:s10], [sflag:$0x8] =	stream.linear.gather [hbm4b:s31+s2], $0x80, $0x38;
	[tilespmem:$0x1FA00] =	vst v63  }
.LBB2_2:
0x52: {  	p1 =	sne.s32 s6, $0xFE00;
	[tilespmem:s3+$0x2A70] =	vst v0  }
0x53: {  	[tilespmem:s3+$0x2A00] =	vst v0  }
0x54: {  	[tilespmem:s3+$0x2A10] =	vst v0  }
.Ltmp2:
0x55: {  	[tilespmem:s3+$0x2A20] =	vst v0;
	(pc) =	sbr.rel @p1 .LBB2_2-.Ltmp2, $4  }
0x56: {  	[tilespmem:s3+$0x2A30] =	vst v0  }
0x57: {  	[tilespmem:s3+$0x2A40] =	vst v0  }
0x58: {  	[tilespmem:s3+$0x2A50] =	vst v0  }
0x59: {  	[tilespmem:s3+$0x2A60] =	vst v0;
	s3 =	sshra.s32 s6, $0x2;
	s6 =	sadd.s32 $0x200, s6  }
0x5a: {  	[tilespmem:s3+$0x2A70] =	vst v0  }
0x5b: {  	[tilespmem:s3+$0x2A00] =	vst v0  }
0x5c: {  	[tilespmem:s3+$0x2A10] =	vst v0  }
0x5d: {  	[tilespmem:s3+$0x2A20] =	vst v0  }
0x5e: {  	[tilespmem:s3+$0x2A30] =	vst v0  }
0x5f: {  	[tilespmem:s3+$0x2A40] =	vst v0  }
0x60: {  	[tilespmem:s3+$0x2A50] =	vst v0  }
0x61: {  	[tilespmem:s3+$0x2A60] =	vst v0  }
0x62: {  	[spmem:s12] =	stream.linear.scatter [tilespmem:s11], [sflag:$0x1], $0x4000, $0x38;
	[tilespmem:$0x1FA00] =	vst v63  }
0x63: {  	s6 =	rddreg [dreg:$0xa]  }
0x64: {  	[spmem:s6] =	stream.linear.scatter [tilespmem:s11], [sflag:$0x1], $0x4000, $0x38;
	[tilespmem:$0x1FA00] =	vst v63  }
0x65: {  	s28 =	rddreg [dreg:$0xb]  }
0x66: {  	[spmem:s28] =	stream.linear.scatter [tilespmem:s11], [sflag:$0x1], $0x4000, $0x38;
	[tilespmem:$0x1FA00] =	vst v63  }
0x67: {  	s6 =	rddreg [dreg:$0xc]  }
0x68: {  	[spmem:s6] =	stream.linear.scatter [tilespmem:s11], [sflag:$0x1], $0x4000, $0x38;
	[tilespmem:$0x1FA00] =	vst v63  }
0x69: {  	s28 =	rddreg [dreg:$0xe]  }
0x6a: {  	[spmem:s28] =	stream.linear.scatter [tilespmem:s11], [sflag:$0x1], $0x4000, $0x38;
	[tilespmem:$0x1FA00] =	vst v63  }
0x6b: {  	s6 =	rddreg [dreg:$0xf]  }
0x6c: {  	[spmem:s6] =	stream.linear.scatter [tilespmem:s11], [sflag:$0x1], $0x1000, $0x38;
	[tilespmem:$0x1FA00] =	vst v63  }
0x6d: {  	_ =	swait.ge [sflag:s14], $0x2700  }
0x6e: {  	[sflag:s14] =	ssyncset.done $0x0  }
0x6f: {  	[sflag:s14] =	ssyncadd.s32 $0xFFFFD900  }
0x70: {  	_ =	swait.ge [sflag:s14], $0x80  }
0x71: {  	[sflag:s14] =	ssyncset.done $0x0  }
0x72: {  	[sflag:s14] =	ssyncadd.s32 $0xFFFFFF80  }
0x73: {  	_ =	swait.ge [sflag:s14], $0x80  }
0x74: {  	[sflag:s14] =	ssyncset.done $0x0  }
0x75: {  	[sflag:s14] =	ssyncadd.s32 $0xFFFFFF80  }
0x76: {  	_ =	swait.ge [sflag:s15], $0x4000  }
0x77: {  	[sflag:s15] =	ssyncset.done $0x0  }
0x78: {  	[sflag:s15] =	ssyncadd.s32 $0xFFFFC000  }
0x79: {  	_ =	swait.ge [sflag:s15], $0x4000  }
0x7a: {  	[sflag:s15] =	ssyncset.done $0x0  }
0x7b: {  	[sflag:s15] =	ssyncadd.s32 $0xFFFFC000  }
0x7c: {  	_ =	swait.ge [sflag:s15], $0x4000  }
0x7d: {  	[sflag:s15] =	ssyncset.done $0x0  }
0x7e: {  	[sflag:s15] =	ssyncadd.s32 $0xFFFFC000  }
0x7f: {  	_ =	swait.ge [sflag:s15], $0x4000  }
0x80: {  	[sflag:s15] =	ssyncset.done $0x0  }
0x81: {  	[sflag:s15] =	ssyncadd.s32 $0xFFFFC000  }
0x82: {  	_ =	swait.ge [sflag:s15], $0x4000  }
0x83: {  	[sflag:s15] =	ssyncset.done $0x0  }
0x84: {  	[sflag:s15] =	ssyncadd.s32 $0xFFFFC000  }
0x85: {  	_ =	swait.ge [sflag:s15], $0x1000  }
0x86: {  	[sflag:s15] =	ssyncset.done $0x0  }
0x87: {  	[sflag:s15] =	ssyncadd.s32 $0xFFFFF000  }
0x88: {  	[bflag:$0x0] =	sbarrier.arrive $0xFFFF  }
0x89: {  	_ =	swait.ge [sflag:s16], $0x80  }
0x8a: {  	[sflag:s16] =	ssyncset.done $0x0  }
0x8b: {  	s3 =	simm.s32 $0x0;
	[sflag:s16] =	ssyncadd.s32 $0xFFFFFF80  }
0x8c: {  	[tilespmem:s11], [sflag:$0x1] =	stream.indirect.gather [hbm4b:s4+s8], $0x80, s3, s8, $0xb8;
	[tilespmem:$0x1FA00] =	vst v63  }
0x8d: {  	_ =	swait.ge [sflag:s17], $0x80  }
0x8e: {  	[sflag:s17] =	ssyncset.done $0x0  }
0x8f: {  	[sflag:s17] =	ssyncadd.s32 $0xFFFFFF80  }
0x90: {  	[tilespmem:s18], [sflag:$0x2] =	stream.indirect.gather [hbm4b:s4+s8], $0x80, s8, s8, $0xb8;
	[tilespmem:$0x1FA00] =	vst v63  }
0x91: {  	_ =	swait.ge [sflag:s15], $0x4000  }
0x92: {  	[sflag:s15] =	ssyncset.done $0x0  }
0x93: {  	s6 =	rddreg [dreg:$0x10];
	[sflag:s15] =	ssyncadd.s32 $0xFFFFC000  }
0x94: {  	[tilespmem:s3], [sflag:$0x5] =	stream.linear.gather [hbm4b:s6+s3], $0x80, $0x38;
	[tilespmem:$0x1FA00] =	vst v63  }
0x95: {  	_ = 	snop  }
0x96: {  	[spmem:s1] =	stream.indirect.scatter.add.f32 [tilespmem:s11], [sflag:$0x3], $0x80, s13, s8, $0xb8;
	[tilespmem:$0x1FA00] =	vst v63  }
0x97: {  	_ =	swait.ge [sflag:s19], $0x80  }
0x98: {  	[sflag:s19] =	ssyncset.done $0x0  }
0x99: {  	[sflag:s19] =	ssyncadd.s32 $0xFFFFFF80  }
0x9a: {  	_ =	swait.ge [sflag:s20], $0x4000  }
0x9b: {  	[sflag:s20] =	ssyncset.done $0x0  }
0x9c: {  	[sflag:s20] =	ssyncadd.s32 $0xFFFFC000  }
0x9d: {  	[tilespmem:s11], [sflag:$0x1] =	stream.indirect.gather [hbm4b:s4+s8], $0x80, s9, s8, $0xb8;
	[tilespmem:$0x1FA00] =	vst v63  }
0x9e: {  	_ =	swait.ge [sflag:s14], $0x4000  }
0x9f: {  	[sflag:s14] =	ssyncset.done $0x0  }
0xa0: {  	s13 =	rddreg [dreg:$0x11];
	[sflag:s14] =	ssyncadd.s32 $0xFFFFC000  }
0xa1: {  	[tilespmem:s8], [sflag:$0x6] =	stream.linear.gather [hbm4b:s13+s3], $0x80, $0x38;
	[tilespmem:$0x1FA00] =	vst v63  }
0xa2: {  	s28 =	simm.s32 $0x280  }
0xa3: {  	[spmem:s1] =	stream.indirect.scatter.add.f32 [tilespmem:s18], [sflag:$0x4], $0x80, s28, s8, $0xb8;
	[tilespmem:$0x1FA00] =	vst v63  }
0xa4: {  	_ =	swait.ge [sflag:s21], $0x80  }
0xa5: {  	[sflag:s21] =	ssyncset.done $0x0  }
0xa6: {  	[sflag:s21] =	ssyncadd.s32 $0xFFFFFF80  }
0xa7: {  	_ =	swait.ge [sflag:s23], $0x4000  }
.Ltmp3:
0xa8: {  	s31 =	rddreg [dreg:$0x16];
	(pc) =	sbr.rel .LBB2_4-.Ltmp3, $4  }
0xa9: {  	s29 =	rddreg [dreg:$0x14]  }
0xaa: {  	[sflag:s23] =	ssyncset.done $0x0;
	s30 =	rddreg [dreg:$0x15]  }
0xab: {  	s6 =	rddreg [dreg:$0x13];
	[sflag:s23] =	ssyncadd.s32 $0xFFFFC000  }
0xac: {  	[tilespmem:s18], [sflag:$0x2] =	stream.indirect.gather [hbm4b:s4+s8], $0x80, s10, s8, $0xb8;
	[tilespmem:$0x1FA00] =	vst v63  }
.LBB2_6:
0xad: {  	s13 =	sshra.s32 s3, $0x2  }
0xae: {  	s28 =	sadd.s32 $0x300, s13  }
0xaf: {  	[spmem:s1] =	stream.indirect.scatter.add.f32 [tilespmem:s11], [sflag:$0x3], $0x80, s28, s8, $0xb8;
	[tilespmem:$0x1FA00] =	vst v63  }
0xb0: {  	_ =	swait.ge [sflag:s16], $0x80  }
0xb1: {  	[sflag:s16] =	ssyncset.done $0x0  }
0xb2: {  	[sflag:s16] =	ssyncadd.s32 $0xFFFFFF80  }
0xb3: {  	_ =	swait.ge [sflag:s20], $0x4000  }
0xb4: {  	[sflag:s20] =	ssyncset.done $0x0  }
0xb5: {  	[sflag:s20] =	ssyncadd.s32 $0xFFFFC000  }
0xb6: {  	[tilespmem:s11], [sflag:$0x1] =	stream.indirect.gather [hbm4b:s4+s8], $0x80, s2, s8, $0xb8;
	[tilespmem:$0x1FA00] =	vst v63  }
0xb7: {  	_ =	swait.ge [sflag:s14], $0x4000  }
0xb8: {  	s28 =	smov.u32 s29;
	[sflag:s14] =	ssyncset.done $0x0  }
0xb9: {  	s28 =	smov.u32 @p1 s24;
	[sflag:s14] =	ssyncadd.s32 $0xFFFFC000  }
0xba: {  	[tilespmem:s10], [sflag:$0x8] =	stream.linear.gather [hbm4b:s28+s2], $0x80, $0x38;
	[tilespmem:$0x1FA00] =	vst v63  }
0xbb: {  	s28 =	sadd.s32 $0x380, s13  }
0xbc: {  	[spmem:s1] =	stream.indirect.scatter.add.f32 [tilespmem:s18], [sflag:$0x4], $0x80, s28, s8, $0xb8;
	[tilespmem:$0x1FA00] =	vst v63  }
0xbd: {  	_ =	swait.ge [sflag:s17], $0x80  }
0xbe: {  	[sflag:s17] =	ssyncset.done $0x0  }
0xbf: {  	[sflag:s17] =	ssyncadd.s32 $0xFFFFFF80  }
0xc0: {  	_ =	swait.ge [sflag:s23], $0x4000  }
0xc1: {  	[sflag:s23] =	ssyncset.done $0x0  }
0xc2: {  	[sflag:s23] =	ssyncadd.s32 $0xFFFFC000  }
0xc3: {  	[tilespmem:s18], [sflag:$0x2] =	stream.indirect.gather [hbm4b:s4+s8], $0x80, s8, s8, $0xb8;
	[tilespmem:$0x1FA00] =	vst v63  }
0xc4: {  	_ =	swait.ge [sflag:s15], $0x4000  }
0xc5: {  	p1 =	sne.s32 s3, $0x9000;
	s28 =	smov.u32 s25;
	[sflag:s15] =	ssyncset.done $0x0  }
0xc6: {  	s28 =	smov.u32 @p1 s30;
	[sflag:s15] =	ssyncadd.s32 $0xFFFFC000  }
0xc7: {  	[tilespmem:s2], [sflag:$0x5] =	stream.linear.gather [hbm4b:s28+s2], $0x80, $0x38;
	[tilespmem:$0x1FA00] =	vst v63  }
0xc8: {  	s28 =	sadd.s32 $0x400, s13  }
0xc9: {  	[spmem:s1] =	stream.indirect.scatter.add.f32 [tilespmem:s11], [sflag:$0x3], $0x80, s28, s8, $0xb8;
	[tilespmem:$0x1FA00] =	vst v63  }
0xca: {  	_ =	swait.ge [sflag:s19], $0x80  }
0xcb: {  	[sflag:s19] =	ssyncset.done $0x0  }
0xcc: {  	[sflag:s19] =	ssyncadd.s32 $0xFFFFFF80  }
0xcd: {  	_ =	swait.ge [sflag:s20], $0x4000  }
0xce: {  	[sflag:s20] =	ssyncset.done $0x0  }
0xcf: {  	[sflag:s20] =	ssyncadd.s32 $0xFFFFC000  }
0xd0: {  	[tilespmem:s11], [sflag:$0x1] =	stream.indirect.gather [hbm4b:s4+s8], $0x80, s9, s8, $0xb8;
	[tilespmem:$0x1FA00] =	vst v63  }
0xd1: {  	_ =	swait.ge [sflag:s14], $0x4000  }
0xd2: {  	s28 =	smov.u32 s26;
	[sflag:s14] =	ssyncset.done $0x0  }
0xd3: {  	s28 =	smov.u32 @p1 s6;
	[sflag:s14] =	ssyncadd.s32 $0xFFFFC000  }
0xd4: {  	[tilespmem:s8], [sflag:$0x6] =	stream.linear.gather [hbm4b:s28+s2], $0x80, $0x38;
	[tilespmem:$0x1FA00] =	vst v63  }
0xd5: {  	s13 =	sadd.s32 $0x480, s13  }
0xd6: {  	[spmem:s1] =	stream.indirect.scatter.add.f32 [tilespmem:s18], [sflag:$0x4], $0x80, s13, s8, $0xb8;
	[tilespmem:$0x1FA00] =	vst v63  }
0xd7: {  	s3 =	sadd.s32 $0x800, s3;
	_ =	swait.ge [sflag:s21], $0x80  }
0xd8: {  	p1 =	sne.s32 s3, $0x9800;
	[sflag:s21] =	ssyncset.done $0x0  }
.Ltmp4:
0xd9: {  	[sflag:s21] =	ssyncadd.s32 $0xFFFFFF80;
	(pc) =	sbr.rel @!p1 .LBB2_7-.Ltmp4, $4  }
0xda: {  	_ =	swait.ge [sflag:s23], $0x4000  }
0xdb: {  	s31 =	sadd.s32 $0x40, s31;
	s29 =	sadd.s32 $0x40, s29;
	[sflag:s23] =	ssyncset.done $0x0  }
0xdc: {  	s30 =	sadd.s32 $0x40, s30;
	s6 =	sadd.s32 $0x40, s6;
	[sflag:s23] =	ssyncadd.s32 $0xFFFFC000  }
0xdd: {  	[tilespmem:s18], [sflag:$0x2] =	stream.indirect.gather [hbm4b:s4+s8], $0x80, s10, s8, $0xb8;
	[tilespmem:$0x1FA00] =	vst v63  }
.LBB2_4:
0xde: {  	p2 =	seq.s32 @!p0 s3, $0x9000  }
0xdf: {  	p2 =	por p0, !p2  }
0xe0: {  	p3 =	slt.u32 @p2 s5, $0x4  }
0xe1: {  	p4 =	por p3, !p2  }
0xe2: {  	p4 =	sne.s32 @!p4 s3, $0x9000  }
0xe3: {  	p3 =	por @p2 p3, p4  }
0xe4: {  	p3 =	por !p2, !p3  }
.Ltmp5:
0xe5: {  	_ = 	snop;
	(pc) =	sbr.rel @!p3 .LBB2_6-.Ltmp5, $4  }
0xe6: {  	_ =	swait.ge [sflag:s15], $0x4000  }
0xe7: {  	p1 =	seq.s32 s3, $0x9000;
	[sflag:s15] =	ssyncset.done $0x0  }
0xe8: {  	s28 =	simm.s32 @!p1 $0x0;
	s13 =	simm.s32 @!p1 $0x100;
	[sflag:s15] =	ssyncadd.s32 $0xFFFFC000  }
0xe9: {  	[tilespmem:s13], [sflag:$0x7] =	stream.linear.gather @!p1 [hbm4b:s31+s28], $0x80, $0x38;
	[tilespmem:$0x1FA00] =	vst v63  }
.Ltmp6:
0xea: {  	(pc) =	sbr.rel .LBB2_6-.Ltmp6, $4  }
0xeb: {  	_ = 	snop  }
0xec: {  	s13 =	smov.u32 s22  }
0xed: {  	s13 =	smov.u32 @p2 s7  }
0xee: {  	[tilespmem:s9], [sflag:$0x7] =	stream.linear.gather [hbm4b:s13+s2], $0x80, $0x38;
	[tilespmem:$0x1FA00] =	vst v63  }
.LBB2_8:
0xef: {  	_ =	sfence.sel $0x180000  }
0xf0: {  	[bflag:$0x0] =	sbarrier.arrive $0xFFFF  }
0xf1: {  	_ =	strace $0x9000004A  }
0xf2: {  	s0 =	stileid.u32;
	[bflag:$0x2] =	sbarrier.arrive $0xFFFF  }
0xf3: {  	p0 =	sne.s32 s0, $0x0;
	s0 =	rddreg [dreg:$0x3]  }
0xf4: {  	s0 =	sadd.s32 @!p0 $0x100000, s0  }
0xf5: {  	[sflag:s0] =	ssyncadd.tile.s32 @!p0 $0x1;
	_ =	shalt  }
.Lfunc_end2:
_tile_overlayer_lowered:
.L_overlay_start_2:
0xf6: {  	(tag) =	ssettag $0x2  }
0xf7: {  	s0 =	rddreg [dreg:$0x0];
	s2 =	stileid.u32  }
0xf8: {  	s1 =	rddreg [dreg:$0x1];
	p0 =	sne.s32 s2, $0x0  }
0xf9: {  	s3 =	rddreg [dreg:$0x2];
	[bflag:$0x3] =	sbarrier.arrive $0xFFFF;
	s2 =	simm.s32 @!p0 $0x1C09  }
0xfa: {  	[timem:s3], [sflag:s2] =	dma.local @!p0 [hbm:s0], s1  }
0xfb: {  	s0 =	simm.s32 @!p0 $0x9  }
0xfc: {  	_ =	swait.ge @!p0 [sflag:s0], s1  }
0xfd: {  	s1 =	ssub.s32 @!p0 $0x0, s1;
	[sflag:s0] =	ssyncset.done @!p0 $0x0  }
0xfe: {  	[sflag:s0] =	ssyncadd.s32 @!p0 s1  }
0xff: {  	[bflag:$0x3] =	sbarrier.arrive $0xFFFF  }
0x100: {  	_ =	shalt  }

// kernel: kernel.15.cloned.1.call-start
scs
__scs_entry_jumppad:
0x0: {  	(pc) =	sbr.rel $0x88, $3  }
0x1: {  	(tag) =	ssettag $0x0;
	lr =	simm.s32 $0x1  }
0x2: {  	[smem:$0x3F9B] =	sst lr;
	_ =	strace $0xD0000000  }
0x3: {  	_ = 	snop  }
0x4: {  	_ = 	snop  }
0x5: {  	_ = 	snop  }
0x6: {  	_ = 	snop  }
0x7: {  	_ = 	snop  }
__scs_overlays_trampoline_lowered:
0x8: {  	[smem:$0x3FAA] =	sst s0  }
0x9: {  	[smem:$0x3FAB] =	sst s1  }
0xa: {  	[smem:$0x3FAC] =	sst s2  }
0xb: {  	[smem:$0x3FAD] =	sst s3  }
0xc: {  	[smem:$0x3FAE] =	sst s4  }
0xd: {  	[smem:$0x3FAF] =	sst s5  }
0xe: {  	[smem:$0x3FB0] =	sst s6  }
0xf: {  	[smem:$0x3FB1] =	sst s7  }
0x10: {  	[smem:$0x3FB2] =	sst s8  }
0x11: {  	[smem:$0x3FB3] =	sst s9;
	s0 =	simm.s32 @!p0 $0x0  }
0x12: {  	s1 =	sld [smem:$0x3F99];
	s0 =	simm.s32 @p0 $0x1  }
0x13: {  	[smem:$0x3FB4] =	sst s0;
	s0 =	simm.s32 @!p1 $0x0  }
0x14: {  	s2 =	sld [smem:$0x3F98];
	s0 =	simm.s32 @p1 $0x1  }
0x15: {  	[smem:$0x3FB5] =	sst s0;
	s0 =	simm.s32 @!p2 $0x0  }
0x16: {  	s3 =	sld [smem:$0x3FDB];
	s0 =	simm.s32 @p2 $0x1  }
0x17: {  	s4 =	simm.s32 $0x1BF5;
	[smem:$0x3FB7] =	sst s0  }
0x18: {  	s0 =	sld [smem:$0x3F9A];
	_ =	swait.ge [sflag:s4], $0x0  }
0x19: {  	s7 =	sld [smem:$0x3F9B]  }
0x1a: {  	s8 =	sadd.s32 $0xFFFFE003, lr  }
0x1b: {  	s9 =	sadd.s32 $0xFFFFFEF7, lr;
	s5 =	simm.s32 $0xFFFFFFFF;
	p2 =	slt.u32 s8, $0xFFFFF086  }
0x1c: {  	p1 =	slt.u32 s9, $0xF7A;
	s5 =	simm.s32 @!p2 $0x0  }
0x1d: {  	s5 =	simm.s32 @p1 $0x1;
	p0 =	seq.s32 s7, s2  }
0x1e: {  	s7 =	smul.u32 @!p0 $0xF7A, s2;
	p2 =	seq.s32 @!p0 s5, $0x0  }
0x1f: {  	s9 =	smul.u32 $0xF7A, s1;
	s8 =	simm.s32 @!p0 $0x1BF5;
	p2 =	por !p2, p0  }
0x20: {  	[sflag:s8] =	ssyncset.s32 @!p0 $0xFFFFF086;
	s6 =	sadd.s32 @!p0 s3, s7;
	s7 =	simm.s32 @!p0 $0x108  }
0x21: {  	s3 =	sadd.s32 s3, s9;
	s6 =	sadd.s32 @!p0 $0x88, s6;
	s7 =	simm.s32 @p2 $0x1082  }
0x22: {  	[simem:s7], [sflag:s8] =	dma.local @!p0 [hbm:s6], $0xF7A  }
0x23: {  	s9 =	sor.u32 $0xD0000000, s2;
	s6 =	simm.s32 $0x108;
	_ =	swait.ge @!p0 [sflag:s8], $0x0  }
0x24: {  	s3 =	sadd.s32 $0x88, s3;
	s6 =	simm.s32 @!p1 $0x1082;
	[sflag:s4] =	ssyncset.s32 $0xFFFFF086  }
0x25: {  	[simem:s6], [sflag:s4] =	dma.local [hbm:s3], $0xF7A  }
0x26: {  	[smem:$0x3F9B] =	sst s1;
	(tag) =	ssettag s2;
	_ =	strace s9  }
0x27: {  	s1 =	sld [smem:$0x3FAB]  }
0x28: {  	s2 =	sld [smem:$0x3FAC]  }
0x29: {  	s4 =	sld [smem:$0x3FAE]  }
0x2a: {  	p0 =	seq.s32 s5, $0x0;
	s5 =	sld [smem:$0x3FAF]  }
0x2b: {  	s6 =	sld [smem:$0x3FB0]  }
0x2c: {  	s7 =	sld [smem:$0x3FB1]  }
0x2d: {  	s3 =	simm.s32 $0x108;
	s8 =	sld [smem:$0x3FB2]  }
0x2e: {  	s3 =	simm.s32 @!p0 $0x1082;
	s9 =	sld [smem:$0x3FB3]  }
0x2f: {  	lr =	sadd.s32 s0, s3;
	s0 =	sld [smem:$0x3FAA]  }
0x30: {  	s3 =	sld [smem:$0x3FAD]  }
0x31: {  	[smem:$0x3FB6] =	sst s10  }
0x32: {  	s10 =	sld [smem:$0x3FB4];
	_ =	sdelay $0x3  }
0x33: {  	p0 =	seq.s32 s10, $0x1;
	s10 =	sld [smem:$0x3FB6];
	_ =	sdelay $0x3  }
0x34: {  	[smem:$0x3FB6] =	sst s10  }
0x35: {  	s10 =	sld [smem:$0x3FB5];
	_ =	sdelay $0x3  }
0x36: {  	p1 =	seq.s32 s10, $0x1;
	s10 =	sld [smem:$0x3FB6];
	_ =	sdelay $0x3  }
0x37: {  	[smem:$0x3FB6] =	sst s10  }
0x38: {  	s10 =	sld [smem:$0x3FB7]  }
0x39: {  	_ = 	snop;
	(pc) =	sbr.ind lr, $3  }
0x3a: {  	_ = 	snop  }
0x3b: {  	_ = 	snop  }
0x3c: {  	p2 =	seq.s32 s10, $0x1;
	s10 =	sld [smem:$0x3FB6]  }
0x3d: {  	_ =	shalt  }
0x3e: {  	_ =	shalt  }
0x3f: {  	_ =	shalt  }
0x40: {  	_ =	shalt  }
0x41: {  	_ =	shalt  }
0x42: {  	_ =	shalt  }
0x43: {  	_ =	shalt  }
0x44: {  	_ =	shalt  }
0x45: {  	_ =	shalt  }
0x46: {  	_ =	shalt  }
0x47: {  	_ =	shalt  }
0x48: {  	_ =	shalt  }
0x49: {  	_ =	shalt  }
0x4a: {  	_ =	shalt  }
0x4b: {  	_ =	shalt  }
0x4c: {  	_ =	shalt  }
0x4d: {  	_ =	shalt  }
0x4e: {  	_ =	shalt  }
0x4f: {  	_ =	shalt  }
0x50: {  	_ =	shalt  }
0x51: {  	_ =	shalt  }
0x52: {  	_ =	shalt  }
0x53: {  	_ =	shalt  }
0x54: {  	_ =	shalt  }
0x55: {  	_ =	shalt  }
0x56: {  	_ =	shalt  }
0x57: {  	_ =	shalt  }
0x58: {  	_ =	shalt  }
0x59: {  	_ =	shalt  }
0x5a: {  	_ =	shalt  }
0x5b: {  	_ =	shalt  }
0x5c: {  	_ =	shalt  }
0x5d: {  	_ =	shalt  }
0x5e: {  	_ =	shalt  }
0x5f: {  	_ =	shalt  }
0x60: {  	_ =	shalt  }
0x61: {  	_ =	shalt  }
0x62: {  	_ =	shalt  }
0x63: {  	_ =	shalt  }
0x64: {  	_ =	shalt  }
0x65: {  	_ =	shalt  }
0x66: {  	_ =	shalt  }
0x67: {  	_ =	shalt  }
0x68: {  	_ =	shalt  }
0x69: {  	_ =	shalt  }
0x6a: {  	_ =	shalt  }
0x6b: {  	_ =	shalt  }
0x6c: {  	_ =	shalt  }
0x6d: {  	_ =	shalt  }
0x6e: {  	_ =	shalt  }
0x6f: {  	_ =	shalt  }
0x70: {  	_ =	shalt  }
0x71: {  	_ =	shalt  }
0x72: {  	_ =	shalt  }
0x73: {  	_ =	shalt  }
0x74: {  	_ =	shalt  }
0x75: {  	_ =	shalt  }
0x76: {  	_ =	shalt  }
0x77: {  	_ =	shalt  }
0x78: {  	_ =	shalt  }
0x79: {  	_ =	shalt  }
0x7a: {  	_ =	shalt  }
0x7b: {  	_ =	shalt  }
0x7c: {  	_ =	shalt  }
0x7d: {  	_ =	shalt  }
0x7e: {  	_ =	shalt  }
0x7f: {  	_ =	shalt  }
0x80: {  	_ =	shalt  }
0x81: {  	_ =	shalt  }
0x82: {  	_ =	shalt  }
0x83: {  	_ =	shalt  }
0x84: {  	_ =	shalt  }
0x85: {  	_ =	shalt  }
0x86: {  	_ =	shalt  }
0x87: {  	_ =	shalt  }
.Lfunc_end0:
.L_simem_size_0:
called_computation.2_lowered:
.L_overlay_start_0:
0x88: {  	s2 =	sld [smem:$0x3FD9]  }
0x89: {  	s3 =	sld [smem:$0x3FFE];
	_ =	sdelay $0x1  }
0x8a: {  	s1 =	srdreg.scid  }
0x8b: {  	s0 =	sand.u32 $0x1, s1  }
0x8c: {  	s17 =	sshll.u32 s0, $0xA;
	s2 =	sadd.s32 s3, s2  }
0x8d: {  	s2 =	sadd.s32 s2, s17  }
0x8e: {  	[smem:$0x3FC2] =	sst s2  }
0x8f: {  	_ = 	snop  }
0x90: {  	s2 =	sld [smem:$0x3FD0];
	(tm) =	ssettm $0x1  }
0x91: {  	s18 =	sld [smem:$0x3FFB];
	_ =	sdelay $0x3  }
0x92: {  	_ =	strace s18  }
0x93: {  	s3 =	sld [smem:$0x3FFC];
	_ =	sdelay $0x3  }
0x94: {  	_ =	strace s3  }
0x95: {  	s3 =	sld [smem:$0x3FFD];
	_ =	sdelay $0x3  }
0x96: {  	_ =	strace s3  }
0x97: {  	_ =	strace $0x8FFFFFFF  }
0x98: {  	s19 =	sld [smem:$0x3FDB];
	_ =	sdelay $0x1  }
0x99: {  	s4 =	simm.s32 $_scs_section_size  }
0x9a: {  	s5 =	simm.s32 $_size__tile_overlayer_lowered;
	s6 =	simm.s32 $_tile_overlayer_lowered  }
0x9b: {  	s22 =	simm.s32 $0x1BFF;
	s21 =	sshll.u32 s6, $0x1;
	s3 =	sadd.s32 s4, s19  }
0x9c: {  	s7 =	simm.s32 $0x0;
	s20 =	sshll.u32 s5, $0x1;
	s5 =	sadd.s32 s21, s3  }
0x9d: {  	[timem:s7], [sflag:s22] =	dma.local [hbm:s5], s20  }
0x9e: {  	_ =	swait.ge [sflag:s22], s20  }
0x9f: {  	s4 =	ssub.s32 $0x0, s20;
	[sflag:s22] =	ssyncset.done $0x0  }
0xa0: {  	[sflag:s22] =	ssyncadd.s32 s4;
	_ =	sdelay $0x1  }
0xa1: {  	s23 =	simm.s32 $0x1B8B  }
0xa2: {  	_ =	swait.ge [sflag:s23], $0x1  }
0xa3: {  	[sflag:s23] =	ssyncset.done $0x0  }
0xa4: {  	s25 =	simm.s32 $0x1B8E;
	s24 =	sld [smem:$0x3FFE];
	[sflag:s23] =	ssyncadd.s32 $0xFFFFFFFF  }
0xa5: {  	s26 =	simm.s32 $execute0_lowered;
	[smem:$0x3FD2] =	sst s25  }
0xa6: {  	s5 =	sshll.u32 s26, $0x1;
	_ =	strace $0x8000004C;
	[dreg:$0x1] =	wrdreg $0xFFFFFFFF  }
0xa7: {  	s28 =	simm.s32 $_size_execute0_lowered;
	s3 =	sadd.s32 s3, s5;
	[dreg:$0x0] =	wrdreg $0x0  }
0xa8: {  	s5 =	sshll.u32 s28, $0x1;
	[dreg:$0x2] =	wrdreg s3  }
0xa9: {  	[dreg:$0x3] =	wrdreg s5  }
0xaa: {  	[dreg:$0x4] =	wrdreg $0xC0  }
0xab: {  	_ =	task [dreg:s7], $0x5FFFF  }
0xac: {  	[dreg:$0x1] =	wrdreg $0xFFFFFFFF  }
0xad: {  	[dreg:$0x0] =	wrdreg $0x60  }
0xae: {  	[dreg:$0x2] =	wrdreg s24  }
0xaf: {  	[dreg:$0x3] =	wrdreg s2  }
0xb0: {  	[dreg:$0x4] =	wrdreg $0xD2000  }
0xb1: {  	[dreg:$0x5] =	wrdreg $0x9  }
0xb2: {  	_ =	task.clear_ibuf [dreg:s7], $0x6FFFF;
	_ =	strace $0x9000004C  }
0xb3: {  	s29 =	simm.s32 $0x9;
	_ =	strace $0x8000004E  }
0xb4: {  	_ =	swait.ge [sflag:s29], $0x1  }
0xb5: {  	[sflag:s29] =	ssyncadd.s32 $0xFFFFFFFF  }
0xb6: {  	_ =	strace $0x9000004E  }
0xb7: {  	_ =	sfence  }
0xb8: {  	s30 =	sld [smem:$0x0];
	_ =	sdelay $0x2  }
0xb9: {  	s31 =	sshll.u32 s1, $0xD;
	s1 =	sshrl.u32 s1, $0x2  }
0xba: {  	s3 =	sand.u32 $0x4000, s31;
	s1 =	sadd.s32 s1, s30  }
0xbb: {  	s0 =	sor.u32 s3, s0;
	s1 =	sshll.u32 s1, $0x11  }
0xbc: {  	s0 =	sor.u32 s1, s0  }
0xbd: {  	s0 =	sadd.s32 $0x8F2B, s0  }
0xbe: {  	[sflag:s0] =	ssyncadd.remote.s32 $0x1  }
0xbf: {  	_ =	sfence.sel $0xFFFF  }
0xc0: {  	[dreg:$0x0] =	wrdreg $0xFFFFFFFF;
	(pc) =	sbr.abs _section_cstart, $3  }
0xc1: {  	[dreg:$0x1] =	wrdreg $0xFFFFFFFF  }
0xc2: {  	_ =	task.clear_ibuf [dreg:s7], $0x2FFFF;
	_ =	strace $0x9FFFFFFF  }
0xc3: {  	(tm) =	ssettm $0x7FFFFFFF  }
tec
execute0_lowered:
.L_overlay_start_1:
0x0: {  	(tag) =	ssettag $0x1  }
0x1: {  	s0 =	rddreg [dreg:$0x0]  }
0x2: {  	s2 =	rddreg [dreg:$0x1]  }
0x3: {  	s1 =	rddreg [dreg:$0x2]  }
0x4: {  	s3 =	simm.s32 $0x0;
	s4 =	srdreg.scid;
	s11 =	stileid.u32  }
0x5: {  	s20 =	simm.s32 $0x2900;
	s28 =	simm.s32 $0x80;
	s29 =	simm.s32 $0x7200  }
0x6: {  	s31 =	simm.s32 $0x9200;
	s19 =	simm.s32 $0xB200;
	s21 =	simm.s32 $0x5  }
0x7: {  	s30 =	simm.s32 $0x4;
	s18 =	simm.s32 $0x6;
	[smem:$0x7FF] =	sst s3  }
0x8: {  	s5 =	sand.u32 $0x1, s4;
	s7 =	smul.u32 $0x15000, s11;
	s4 =	sadd.s32 $0x60800, s0  }
0x9: {  	s9 =	sadd.s32 $0x2A00, s0;
	s24 =	sshll.u32 s11, $0x4;
	_ =	strace $0x8000004D  }
0xa: {  	s6 =	sshll.u32 s5, $0x4;
	s8 =	sshll.u32 s5, $0x6;
	s5 =	ssub.s32 $0x2, s5  }
0xb: {  	s6 =	sor.u32 s11, s6;
	s7 =	sor.u32 s8, s7;
	s22 =	sshrl.u32 s5, $0x1  }
0xc: {  	s11 =	smul.u32 $0x2A000, s11;
	s10 =	sshll.u32 s6, $0x6;
	s7 =	sshrl.u32 s7, $0x3  }
0xd: {  	s23 =	smul.u32 $0x4E0, s6;
	s5 =	ssub.s32 s5, s22;
	p0 =	sgt.u32 s6, $0x3  }
0xe: {  	s22 =	simm.s32 $0x7;
	s10 =	sadd.s32 s10, s0;
	s0 =	sadd.s32 s7, s0  }
0xf: {  	s11 =	sshrl.u32 s11, $0x2;
	s7 =	sadd.s32 s24, s9;
	s16 =	smax.u32 s5, $0x1  }
0x10: {  	s5 =	simm.s32 $0x0;
	s12 =	sadd.s32 s2, s23;
	s2 =	sadd.s32 s24, s2  }
0x11: {  	s8 =	sadd.s32 s9, s23;
	s9 =	sadd.s32 $0x9C00, s7;
	s15 =	sadd.s32 $0x75800, s0  }
0x12: {  	s17 =	sadd.s32 $0x2210, s10;
	s23 =	simm.s32 $0x5200;
	s24 =	simm.s32 $0x2  }
0x13: {  	s0 =	simm.s32 $0x8;
	[dreg:$0x4] =	wrdreg s12;
	s6 =	sadd.s32 $0x9C00, s2  }
0x14: {  	s2 =	sadd.s32 $0x2200, s10;
	[dreg:$0x5] =	wrdreg s8;
	s8 =	sadd.s32 s11, s1  }
0x15: {  	s25 =	sadd.s32 $0x2000, s8;
	s26 =	sadd.s32 $0x4000, s8;
	s12 =	sadd.s32 $0x6000, s8  }
0x16: {  	s13 =	sadd.s32 $0x8000, s8;
	s14 =	sadd.s32 $0xA000, s8;
	s6 =	smov.u32 @p0 s2  }
0x17: {  	s9 =	smov.u32 @p0 s2;
	s2 =	simm.s32 $0x9;
	[dreg:$0x6] =	wrdreg s25  }
0x18: {  	v0 =	vimm.f32 $0.0e+00;
	[dreg:$0x7] =	wrdreg s26;
	s25 =	simm.s32 $0x3;
	s26 =	simm.s32 $0x1  }
.LBB2_1:
0x19: {  	s7 =	rddreg [dreg:$0x4]  }
0x1a: {  	[tilespmem:s3], [sflag:$0x2] =	stream.linear.gather [hbm4b:s7+s3], $0x2700, $0x38;
	[tilespmem:$0x17A00] =	vst v63  }
0x1b: {  	s11 =	simm.s32 $0x2700  }
0x1c: {  	[tilespmem:s11], [sflag:$0x2] =	stream.linear.gather [hbm4b:s6+s3], $0x80, $0x38;
	[tilespmem:$0x17A00] =	vst v63  }
0x1d: {  	s10 =	simm.s32 $0x2780  }
0x1e: {  	[tilespmem:s10], [sflag:$0x2] =	stream.linear.gather [hbm4b:s17+s3], $0x180, $0x38;
	[tilespmem:$0x17A00] =	vst v63  }
0x1f: {  	s11 =	rddreg [dreg:$0x5]  }
0x20: {  	[tilespmem:s20], [sflag:$0x3] =	stream.linear.gather [hbm4b:s11+s3], $0x2700, $0x38;
	[tilespmem:$0x17A00] =	vst v63  }
0x21: {  	s10 =	simm.s32 $0x5000  }
0x22: {  	[tilespmem:s10], [sflag:$0x3] =	stream.linear.gather [hbm4b:s9+s3], $0x80, $0x38;
	[tilespmem:$0x17A00] =	vst v63  }
0x23: {  	s7 =	simm.s32 $0x0;
	s11 =	simm.s32 $0x5080;
	s10 =	simm.s32 $0x100  }
0x24: {  	[tilespmem:s11], [sflag:$0x3] =	stream.linear.gather [hbm4b:s17+s3], $0x180, $0x38;
	[tilespmem:$0x17A00] =	vst v63  }
.LBB2_2:
0x25: {  	p0 =	sne.s32 s10, $0x7F00;
	[tilespmem:s7+$0x5230] =	vst v0;
	s11 =	smov.u32 s10;
	s10 =	sadd.s32 $0x100, s10  }
.Ltmp0:
0x26: {  	[tilespmem:s7+$0x5220] =	vst v0;
	(pc) =	sbr.rel @p0 .LBB2_2-.Ltmp0, $3  }
0x27: {  	[tilespmem:s7+$0x5200] =	vst v0  }
0x28: {  	[tilespmem:s7+$0x5210] =	vst v0;
	_ =	sdelay $0x1  }
0x29: {  	s7 =	sshra.s32 s11, $0x2  }
0x2a: {  	[tilespmem:s7+$0x5230] =	vst v0  }
0x2b: {  	[tilespmem:s7+$0x5220] =	vst v0  }
0x2c: {  	[tilespmem:s7+$0x5200] =	vst v0  }
0x2d: {  	[tilespmem:s7+$0x5210] =	vst v0  }
0x2e: {  	[spmem:s8] =	stream.linear.scatter [tilespmem:s23], [sflag:$0x1], $0x2000, $0x38;
	[tilespmem:$0x17A00] =	vst v63  }
0x2f: {  	s11 =	rddreg [dreg:$0x6]  }
0x30: {  	[spmem:s11] =	stream.linear.scatter [tilespmem:s23], [sflag:$0x1], $0x2000, $0x38;
	[tilespmem:$0x17A00] =	vst v63  }
0x31: {  	s10 =	rddreg [dreg:$0x7]  }
0x32: {  	[spmem:s10] =	stream.linear.scatter [tilespmem:s23], [sflag:$0x1], $0x2000, $0x38;
	[tilespmem:$0x17A00] =	vst v63  }
0x33: {  	_ = 	snop  }
0x34: {  	[spmem:s12] =	stream.linear.scatter [tilespmem:s23], [sflag:$0x1], $0x2000, $0x38;
	[tilespmem:$0x17A00] =	vst v63  }
0x35: {  	_ = 	snop  }
0x36: {  	[spmem:s13] =	stream.linear.scatter [tilespmem:s23], [sflag:$0x1], $0x2000, $0x38;
	[tilespmem:$0x17A00] =	vst v63  }
0x37: {  	_ = 	snop  }
0x38: {  	[spmem:s14] =	stream.linear.scatter [tilespmem:s23], [sflag:$0x1], $0x800, $0x38;
	[tilespmem:$0x17A00] =	vst v63  }
0x39: {  	_ =	swait.ge [sflag:s24], $0x2700  }
0x3a: {  	[sflag:s24] =	ssyncset.done $0x0  }
0x3b: {  	[sflag:s24] =	ssyncadd.s32 $0xFFFFD900  }
0x3c: {  	_ =	swait.ge [sflag:s24], $0x80  }
0x3d: {  	[sflag:s24] =	ssyncset.done $0x0  }
0x3e: {  	[sflag:s24] =	ssyncadd.s32 $0xFFFFFF80  }
0x3f: {  	_ =	swait.ge [sflag:s24], $0x180  }
0x40: {  	[sflag:s24] =	ssyncset.done $0x0  }
0x41: {  	[sflag:s24] =	ssyncadd.s32 $0xFFFFFE80  }
0x42: {  	_ =	swait.ge [sflag:s25], $0x2700  }
0x43: {  	[sflag:s25] =	ssyncset.done $0x0  }
0x44: {  	[sflag:s25] =	ssyncadd.s32 $0xFFFFD900  }
0x45: {  	_ =	swait.ge [sflag:s25], $0x80  }
0x46: {  	[sflag:s25] =	ssyncset.done $0x0  }
0x47: {  	[sflag:s25] =	ssyncadd.s32 $0xFFFFFF80  }
0x48: {  	_ =	swait.ge [sflag:s25], $0x180  }
0x49: {  	[sflag:s25] =	ssyncset.done $0x0  }
0x4a: {  	[sflag:s25] =	ssyncadd.s32 $0xFFFFFE80  }
0x4b: {  	_ =	swait.ge [sflag:s26], $0x2000  }
0x4c: {  	[sflag:s26] =	ssyncset.done $0x0  }
0x4d: {  	[sflag:s26] =	ssyncadd.s32 $0xFFFFE000  }
0x4e: {  	_ =	swait.ge [sflag:s26], $0x2000  }
0x4f: {  	[sflag:s26] =	ssyncset.done $0x0  }
0x50: {  	[sflag:s26] =	ssyncadd.s32 $0xFFFFE000  }
0x51: {  	_ =	swait.ge [sflag:s26], $0x2000  }
0x52: {  	[sflag:s26] =	ssyncset.done $0x0  }
0x53: {  	[sflag:s26] =	ssyncadd.s32 $0xFFFFE000  }
0x54: {  	_ =	swait.ge [sflag:s26], $0x2000  }
0x55: {  	[sflag:s26] =	ssyncset.done $0x0  }
0x56: {  	[sflag:s26] =	ssyncadd.s32 $0xFFFFE000  }
0x57: {  	_ =	swait.ge [sflag:s26], $0x2000  }
0x58: {  	[sflag:s26] =	ssyncset.done $0x0  }
0x59: {  	[sflag:s26] =	ssyncadd.s32 $0xFFFFE000  }
0x5a: {  	_ =	swait.ge [sflag:s26], $0x800  }
0x5b: {  	[sflag:s26] =	ssyncset.done $0x0  }
0x5c: {  	[sflag:s26] =	ssyncadd.s32 $0xFFFFF800  }
0x5d: {  	s11 =	simm.s32 $0x0;
	[bflag:$0x0] =	sbarrier.arrive $0xFFFF  }
0x5e: {  	[tilespmem:s23], [sflag:$0x1] =	stream.indirect.gather [hbm4b:s4+s28], $0x40, s11, s28, $0xb8;
	[tilespmem:$0x17A00] =	vst v63  }
0x5f: {  	_ = 	snop  }
0x60: {  	[tilespmem:s29], [sflag:$0x2] =	stream.indirect.gather [hbm4b:s4+s28], $0x40, s28, s28, $0xb8;
	[tilespmem:$0x17A00] =	vst v63  }
0x61: {  	_ =	swait.ge [sflag:s26], $0x2000  }
0x62: {  	[sflag:s26] =	ssyncset.done $0x0  }
0x63: {  	[sflag:s26] =	ssyncadd.s32 $0xFFFFE000  }
0x64: {  	[spmem:s1] =	stream.indirect.scatter.add.f32 [tilespmem:s23], [sflag:$0x5], $0x40, s20, s28, $0xb8;
	[tilespmem:$0x17A00] =	vst v63  }
0x65: {  	s10 =	simm.s32 $0x100  }
0x66: {  	[tilespmem:s31], [sflag:$0x3] =	stream.indirect.gather [hbm4b:s4+s28], $0x40, s10, s28, $0xb8;
	[tilespmem:$0x17A00] =	vst v63  }
0x67: {  	_ =	swait.ge [sflag:s24], $0x2000  }
0x68: {  	[sflag:s24] =	ssyncset.done $0x0  }
0x69: {  	s11 =	simm.s32 $0x2980;
	[sflag:s24] =	ssyncadd.s32 $0xFFFFE000  }
0x6a: {  	[spmem:s1] =	stream.indirect.scatter.add.f32 [tilespmem:s29], [sflag:$0x6], $0x40, s11, s28, $0xb8;
	[tilespmem:$0x17A00] =	vst v63  }
0x6b: {  	s10 =	simm.s32 $0x180  }
0x6c: {  	[tilespmem:s19], [sflag:$0x4] =	stream.indirect.gather [hbm4b:s4+s28], $0x40, s10, s28, $0xb8;
	[tilespmem:$0x17A00] =	vst v63  }
0x6d: {  	_ =	swait.ge [sflag:s25], $0x2000  }
0x6e: {  	[sflag:s25] =	ssyncset.done $0x0  }
0x6f: {  	s11 =	simm.s32 $0x2A00;
	[sflag:s25] =	ssyncadd.s32 $0xFFFFE000  }
0x70: {  	[spmem:s1] =	stream.indirect.scatter.add.f32 [tilespmem:s31], [sflag:$0x7], $0x40, s11, s28, $0xb8;
	[tilespmem:$0x17A00] =	vst v63  }
0x71: {  	_ =	swait.ge [sflag:s21], $0x2000  }
0x72: {  	[sflag:s21] =	ssyncset.done $0x0  }
0x73: {  	s10 =	simm.s32 $0x200;
	[sflag:s21] =	ssyncadd.s32 $0xFFFFE000  }
0x74: {  	[tilespmem:s23], [sflag:$0x1] =	stream.indirect.gather [hbm4b:s4+s28], $0x40, s10, s28, $0xb8;
	[tilespmem:$0x17A00] =	vst v63  }
0x75: {  	_ =	swait.ge [sflag:s30], $0x2000  }
0x76: {  	[sflag:s30] =	ssyncset.done $0x0  }
0x77: {  	s11 =	simm.s32 $0x2A80;
	[sflag:s30] =	ssyncadd.s32 $0xFFFFE000  }
0x78: {  	[spmem:s1] =	stream.indirect.scatter.add.f32 [tilespmem:s19], [sflag:$0x8], $0x40, s11, s28, $0xb8;
	[tilespmem:$0x17A00] =	vst v63  }
0x79: {  	_ =	swait.ge [sflag:s18], $0x2000  }
0x7a: {  	[sflag:s18] =	ssyncset.done $0x0  }
0x7b: {  	s10 =	simm.s32 $0x280;
	[sflag:s18] =	ssyncadd.s32 $0xFFFFE000  }
0x7c: {  	[tilespmem:s29], [sflag:$0x2] =	stream.indirect.gather [hbm4b:s4+s28], $0x40, s10, s28, $0xb8;
	[tilespmem:$0x17A00] =	vst v63  }
0x7d: {  	_ =	swait.ge [sflag:s26], $0x2000  }
0x7e: {  	[sflag:s26] =	ssyncset.done $0x0  }
0x7f: {  	s11 =	simm.s32 $0x2B00;
	[sflag:s26] =	ssyncadd.s32 $0xFFFFE000  }
0x80: {  	[spmem:s1] =	stream.indirect.scatter.add.f32 [tilespmem:s23], [sflag:$0x5], $0x40, s11, s28, $0xb8;
	[tilespmem:$0x17A00] =	vst v63  }
0x81: {  	_ =	swait.ge [sflag:s22], $0x2000  }
0x82: {  	[sflag:s22] =	ssyncset.done $0x0  }
0x83: {  	s10 =	simm.s32 $0x300;
	[sflag:s22] =	ssyncadd.s32 $0xFFFFE000  }
0x84: {  	[tilespmem:s31], [sflag:$0x3] =	stream.indirect.gather [hbm4b:s4+s28], $0x40, s10, s28, $0xb8;
	[tilespmem:$0x17A00] =	vst v63  }
0x85: {  	_ =	swait.ge [sflag:s24], $0x2000  }
0x86: {  	[sflag:s24] =	ssyncset.done $0x0  }
0x87: {  	s11 =	simm.s32 $0x2B80;
	[sflag:s24] =	ssyncadd.s32 $0xFFFFE000  }
0x88: {  	[spmem:s1] =	stream.indirect.scatter.add.f32 [tilespmem:s29], [sflag:$0x6], $0x40, s11, s28, $0xb8;
	[tilespmem:$0x17A00] =	vst v63  }
0x89: {  	_ =	swait.ge [sflag:s0], $0x2000  }
0x8a: {  	[sflag:s0] =	ssyncset.done $0x0  }
0x8b: {  	s10 =	simm.s32 $0x380;
	[sflag:s0] =	ssyncadd.s32 $0xFFFFE000  }
0x8c: {  	[tilespmem:s19], [sflag:$0x4] =	stream.indirect.gather [hbm4b:s4+s28], $0x40, s10, s28, $0xb8;
	[tilespmem:$0x17A00] =	vst v63  }
0x8d: {  	_ =	swait.ge [sflag:s25], $0x2000  }
0x8e: {  	[sflag:s25] =	ssyncset.done $0x0  }
0x8f: {  	s11 =	simm.s32 $0x2C00;
	[sflag:s25] =	ssyncadd.s32 $0xFFFFE000  }
0x90: {  	[spmem:s1] =	stream.indirect.scatter.add.f32 [tilespmem:s31], [sflag:$0x7], $0x40, s11, s28, $0xb8;
	[tilespmem:$0x17A00] =	vst v63  }
0x91: {  	_ =	swait.ge [sflag:s21], $0x2000  }
0x92: {  	[sflag:s21] =	ssyncset.done $0x0  }
0x93: {  	s10 =	simm.s32 $0x400;
	[sflag:s21] =	ssyncadd.s32 $0xFFFFE000  }
0x94: {  	[tilespmem:s23], [sflag:$0x1] =	stream.indirect.gather [hbm4b:s4+s28], $0x40, s10, s28, $0xb8;
	[tilespmem:$0x17A00] =	vst v63  }
0x95: {  	_ =	swait.ge [sflag:s30], $0x2000  }
0x96: {  	[sflag:s30] =	ssyncset.done $0x0  }
0x97: {  	s11 =	simm.s32 $0x2C80;
	[sflag:s30] =	ssyncadd.s32 $0xFFFFE000  }
0x98: {  	[spmem:s1] =	stream.indirect.scatter.add.f32 [tilespmem:s19], [sflag:$0x8], $0x40, s11, s28, $0xb8;
	[tilespmem:$0x17A00] =	vst v63  }
0x99: {  	_ =	swait.ge [sflag:s18], $0x2000  }
0x9a: {  	[sflag:s18] =	ssyncset.done $0x0  }
0x9b: {  	s7 =	simm.s32 $0x800;
	s10 =	simm.s32 $0x480;
	[sflag:s18] =	ssyncadd.s32 $0xFFFFE000  }
.LBB2_4:
0x9c: {  	[tilespmem:s29], [sflag:$0x2] =	stream.indirect.gather [hbm4b:s4+s28], $0x40, s10, s28, $0xb8;
	[tilespmem:$0x17A00] =	vst v63  }
0x9d: {  	s10 =	smov.u32 s7  }
0x9e: {  	p0 =	sne.s32 s7, $0x9000;
	s7 =	sadd.s32 $0x800, s7;
	_ =	swait.ge [sflag:s26], $0x2000  }
0x9f: {  	s10 =	sshra.s32 s10, $0x2;
	[sflag:s26] =	ssyncset.done $0x0  }
0xa0: {  	s11 =	sadd.s32 $0x2B00, s10;
	[sflag:s26] =	ssyncadd.s32 $0xFFFFE000  }
0xa1: {  	[spmem:s1] =	stream.indirect.scatter.add.f32 [tilespmem:s23], [sflag:$0x5], $0x40, s11, s28, $0xb8;
	[tilespmem:$0x17A00] =	vst v63  }
0xa2: {  	_ =	swait.ge [sflag:s22], $0x2000  }
0xa3: {  	[sflag:s22] =	ssyncset.done $0x0  }
0xa4: {  	s11 =	sadd.s32 $0x300, s10;
	[sflag:s22] =	ssyncadd.s32 $0xFFFFE000  }
0xa5: {  	[tilespmem:s31], [sflag:$0x3] =	stream.indirect.gather [hbm4b:s4+s28], $0x40, s11, s28, $0xb8;
	[tilespmem:$0x17A00] =	vst v63  }
0xa6: {  	_ =	swait.ge [sflag:s24], $0x2000  }
0xa7: {  	[sflag:s24] =	ssyncset.done $0x0  }
0xa8: {  	s11 =	sadd.s32 $0x2B80, s10;
	[sflag:s24] =	ssyncadd.s32 $0xFFFFE000  }
0xa9: {  	[spmem:s1] =	stream.indirect.scatter.add.f32 [tilespmem:s29], [sflag:$0x6], $0x40, s11, s28, $0xb8;
	[tilespmem:$0x17A00] =	vst v63  }
0xaa: {  	_ =	swait.ge [sflag:s0], $0x2000  }
0xab: {  	[sflag:s0] =	ssyncset.done $0x0  }
0xac: {  	s11 =	sadd.s32 $0x380, s10;
	[sflag:s0] =	ssyncadd.s32 $0xFFFFE000  }
0xad: {  	[tilespmem:s19], [sflag:$0x4] =	stream.indirect.gather [hbm4b:s4+s28], $0x40, s11, s28, $0xb8;
	[tilespmem:$0x17A00] =	vst v63  }
0xae: {  	_ =	swait.ge [sflag:s25], $0x2000  }
0xaf: {  	[sflag:s25] =	ssyncset.done $0x0  }
0xb0: {  	s11 =	sadd.s32 $0x2C00, s10;
	[sflag:s25] =	ssyncadd.s32 $0xFFFFE000  }
0xb1: {  	[spmem:s1] =	stream.indirect.scatter.add.f32 [tilespmem:s31], [sflag:$0x7], $0x40, s11, s28, $0xb8;
	[tilespmem:$0x17A00] =	vst v63  }
0xb2: {  	_ =	swait.ge [sflag:s21], $0x2000  }
0xb3: {  	[sflag:s21] =	ssyncset.done $0x0  }
0xb4: {  	s11 =	sadd.s32 $0x400, s10;
	[sflag:s21] =	ssyncadd.s32 $0xFFFFE000  }
0xb5: {  	[tilespmem:s23], [sflag:$0x1] =	stream.indirect.gather [hbm4b:s4+s28], $0x40, s11, s28, $0xb8;
	[tilespmem:$0x17A00] =	vst v63  }
0xb6: {  	_ =	swait.ge [sflag:s30], $0x2000  }
0xb7: {  	[sflag:s30] =	ssyncset.done $0x0  }
.Ltmp1:
0xb8: {  	s11 =	sadd.s32 $0x2C80, s10;
	[sflag:s30] =	ssyncadd.s32 $0xFFFFE000;
	(pc) =	sbr.rel @p0 .LBB2_4-.Ltmp1, $4  }
0xb9: {  	[spmem:s1] =	stream.indirect.scatter.add.f32 [tilespmem:s19], [sflag:$0x8], $0x40, s11, s28, $0xb8;
	[tilespmem:$0x17A00] =	vst v63  }
0xba: {  	_ =	swait.ge [sflag:s18], $0x2000  }
0xbb: {  	[sflag:s18] =	ssyncset.done $0x0  }
0xbc: {  	s10 =	sadd.s32 $0x480, s10;
	[sflag:s18] =	ssyncadd.s32 $0xFFFFE000  }
0xbd: {  	[tilespmem:s29], [sflag:$0x2] =	stream.indirect.gather [hbm4b:s4+s28], $0x40, s10, s28, $0xb8;
	[tilespmem:$0x17A00] =	vst v63  }
0xbe: {  	_ =	swait.ge [sflag:s22], $0x2000  }
0xbf: {  	[sflag:s22] =	ssyncset.done $0x0  }
0xc0: {  	[sflag:s22] =	ssyncadd.s32 $0xFFFFE000  }
0xc1: {  	_ =	swait.ge [sflag:s0], $0x2000  }
0xc2: {  	[sflag:s0] =	ssyncset.done $0x0  }
0xc3: {  	[sflag:s0] =	ssyncadd.s32 $0xFFFFE000  }
0xc4: {  	_ =	swait.ge [sflag:s26], $0x2000  }
0xc5: {  	[sflag:s26] =	ssyncset.done $0x0  }
0xc6: {  	[sflag:s26] =	ssyncadd.s32 $0xFFFFE000  }
0xc7: {  	s7 =	stileid.u32;
	s10 =	sshrl.u32 s8, $0x3;
	_ =	swait.ge [sflag:s24], $0x2000  }
0xc8: {  	s11 =	simm.s32 $0x10;
	s5 =	sadd.s32 $0x1, s5;
	[sflag:s24] =	ssyncset.done $0x0  }
0xc9: {  	s7 =	sshll.u32 s7, $0x6;
	p0 =	sne.s32 s5, s16;
	[sflag:s24] =	ssyncadd.s32 $0xFFFFE000  }
.Ltmp2:
0xca: {  	s7 =	sor.u32 $0x1C09, s7;
	[bflag:$0x0] =	sbarrier.arrive $0xFFFF;
	(pc) =	sbr.rel @p0 .LBB2_1-.Ltmp2, $4  }
0xcb: {  	[hbm:s15@s11], [sflag:s7] =	dma.strided [spmem:s10@s0], $0x1500, s26, $0x8   }
0xcc: {  	_ =	swait.ge [sflag:s2], $0x1500  }
0xcd: {  	[sflag:s2] =	ssyncset.done $0x0  }
0xce: {  	[sflag:s2] =	ssyncadd.s32 $0xFFFFEB00  }
0xcf: {  	_ =	sfence.sel $0x180000  }
0xd0: {  	[bflag:$0x0] =	sbarrier.arrive $0xFFFF  }
0xd1: {  	_ =	strace $0x9000004D  }
0xd2: {  	s0 =	stileid.u32;
	[bflag:$0x2] =	sbarrier.arrive $0xFFFF  }
0xd3: {  	p0 =	sne.s32 s0, $0x0;
	s0 =	rddreg [dreg:$0x3]  }
0xd4: {  	s0 =	sadd.s32 @!p0 $0x100000, s0  }
0xd5: {  	[sflag:s0] =	ssyncadd.tile.s32 @!p0 $0x1;
	_ =	shalt  }
.Lfunc_end2:
_tile_overlayer_lowered:
.L_overlay_start_2:
0xd6: {  	(tag) =	ssettag $0x2  }
0xd7: {  	s0 =	rddreg [dreg:$0x0];
	s2 =	stileid.u32  }
0xd8: {  	s1 =	rddreg [dreg:$0x1];
	p0 =	sne.s32 s2, $0x0  }
0xd9: {  	s3 =	rddreg [dreg:$0x2];
	[bflag:$0x3] =	sbarrier.arrive $0xFFFF;
	s2 =	simm.s32 @!p0 $0x1C09  }
0xda: {  	[timem:s3], [sflag:s2] =	dma.local @!p0 [hbm:s0], s1  }
0xdb: {  	s0 =	simm.s32 @!p0 $0x9  }
0xdc: {  	_ =	swait.ge @!p0 [sflag:s0], s1  }
0xdd: {  	s1 =	ssub.s32 @!p0 $0x0, s1;
	[sflag:s0] =	ssyncset.done @!p0 $0x0  }
0xde: {  	[sflag:s0] =	ssyncadd.s32 @!p0 s1  }
0xdf: {  	[bflag:$0x3] =	sbarrier.arrive $0xFFFF  }
0xe0: {  	_ =	shalt  }

// kernel: kernel.9.cloned.1.call-start
scs
__scs_entry_jumppad:
0x0: {  	(pc) =	sbr.rel $0x88, $3  }
0x1: {  	(tag) =	ssettag $0x0;
	lr =	simm.s32 $0x1  }
0x2: {  	[smem:$0x3F9B] =	sst lr;
	_ =	strace $0xD0000000  }
0x3: {  	_ = 	snop  }
0x4: {  	_ = 	snop  }
0x5: {  	_ = 	snop  }
0x6: {  	_ = 	snop  }
0x7: {  	_ = 	snop  }
__scs_overlays_trampoline_lowered:
0x8: {  	[smem:$0x3FAA] =	sst s0  }
0x9: {  	[smem:$0x3FAB] =	sst s1  }
0xa: {  	[smem:$0x3FAC] =	sst s2  }
0xb: {  	[smem:$0x3FAD] =	sst s3  }
0xc: {  	[smem:$0x3FAE] =	sst s4  }
0xd: {  	[smem:$0x3FAF] =	sst s5  }
0xe: {  	[smem:$0x3FB0] =	sst s6  }
0xf: {  	[smem:$0x3FB1] =	sst s7  }
0x10: {  	[smem:$0x3FB2] =	sst s8  }
0x11: {  	[smem:$0x3FB3] =	sst s9;
	s0 =	simm.s32 @!p0 $0x0  }
0x12: {  	s1 =	sld [smem:$0x3F99];
	s0 =	simm.s32 @p0 $0x1  }
0x13: {  	[smem:$0x3FB4] =	sst s0;
	s0 =	simm.s32 @!p1 $0x0  }
0x14: {  	s2 =	sld [smem:$0x3F98];
	s0 =	simm.s32 @p1 $0x1  }
0x15: {  	[smem:$0x3FB5] =	sst s0;
	s0 =	simm.s32 @!p2 $0x0  }
0x16: {  	s3 =	sld [smem:$0x3FDB];
	s0 =	simm.s32 @p2 $0x1  }
0x17: {  	s4 =	simm.s32 $0x1BF5;
	[smem:$0x3FB7] =	sst s0  }
0x18: {  	s0 =	sld [smem:$0x3F9A];
	_ =	swait.ge [sflag:s4], $0x0  }
0x19: {  	s7 =	sld [smem:$0x3F9B]  }
0x1a: {  	s8 =	sadd.s32 $0xFFFFE003, lr  }
0x1b: {  	s9 =	sadd.s32 $0xFFFFFEF7, lr;
	s5 =	simm.s32 $0xFFFFFFFF;
	p2 =	slt.u32 s8, $0xFFFFF086  }
0x1c: {  	p1 =	slt.u32 s9, $0xF7A;
	s5 =	simm.s32 @!p2 $0x0  }
0x1d: {  	s5 =	simm.s32 @p1 $0x1;
	p0 =	seq.s32 s7, s2  }
0x1e: {  	s7 =	smul.u32 @!p0 $0xF7A, s2;
	p2 =	seq.s32 @!p0 s5, $0x0  }
0x1f: {  	s9 =	smul.u32 $0xF7A, s1;
	s8 =	simm.s32 @!p0 $0x1BF5;
	p2 =	por !p2, p0  }
0x20: {  	[sflag:s8] =	ssyncset.s32 @!p0 $0xFFFFF086;
	s6 =	sadd.s32 @!p0 s3, s7;
	s7 =	simm.s32 @!p0 $0x108  }
0x21: {  	s3 =	sadd.s32 s3, s9;
	s6 =	sadd.s32 @!p0 $0x88, s6;
	s7 =	simm.s32 @p2 $0x1082  }
0x22: {  	[simem:s7], [sflag:s8] =	dma.local @!p0 [hbm:s6], $0xF7A  }
0x23: {  	s9 =	sor.u32 $0xD0000000, s2;
	s6 =	simm.s32 $0x108;
	_ =	swait.ge @!p0 [sflag:s8], $0x0  }
0x24: {  	s3 =	sadd.s32 $0x88, s3;
	s6 =	simm.s32 @!p1 $0x1082;
	[sflag:s4] =	ssyncset.s32 $0xFFFFF086  }
0x25: {  	[simem:s6], [sflag:s4] =	dma.local [hbm:s3], $0xF7A  }
0x26: {  	[smem:$0x3F9B] =	sst s1;
	(tag) =	ssettag s2;
	_ =	strace s9  }
0x27: {  	s1 =	sld [smem:$0x3FAB]  }
0x28: {  	s2 =	sld [smem:$0x3FAC]  }
0x29: {  	s4 =	sld [smem:$0x3FAE]  }
0x2a: {  	p0 =	seq.s32 s5, $0x0;
	s5 =	sld [smem:$0x3FAF]  }
0x2b: {  	s6 =	sld [smem:$0x3FB0]  }
0x2c: {  	s7 =	sld [smem:$0x3FB1]  }
0x2d: {  	s3 =	simm.s32 $0x108;
	s8 =	sld [smem:$0x3FB2]  }
0x2e: {  	s3 =	simm.s32 @!p0 $0x1082;
	s9 =	sld [smem:$0x3FB3]  }
0x2f: {  	lr =	sadd.s32 s0, s3;
	s0 =	sld [smem:$0x3FAA]  }
0x30: {  	s3 =	sld [smem:$0x3FAD]  }
0x31: {  	[smem:$0x3FB6] =	sst s10  }
0x32: {  	s10 =	sld [smem:$0x3FB4];
	_ =	sdelay $0x3  }
0x33: {  	p0 =	seq.s32 s10, $0x1;
	s10 =	sld [smem:$0x3FB6];
	_ =	sdelay $0x3  }
0x34: {  	[smem:$0x3FB6] =	sst s10  }
0x35: {  	s10 =	sld [smem:$0x3FB5];
	_ =	sdelay $0x3  }
0x36: {  	p1 =	seq.s32 s10, $0x1;
	s10 =	sld [smem:$0x3FB6];
	_ =	sdelay $0x3  }
0x37: {  	[smem:$0x3FB6] =	sst s10  }
0x38: {  	s10 =	sld [smem:$0x3FB7]  }
0x39: {  	_ = 	snop;
	(pc) =	sbr.ind lr, $3  }
0x3a: {  	_ = 	snop  }
0x3b: {  	_ = 	snop  }
0x3c: {  	p2 =	seq.s32 s10, $0x1;
	s10 =	sld [smem:$0x3FB6]  }
0x3d: {  	_ =	shalt  }
0x3e: {  	_ =	shalt  }
0x3f: {  	_ =	shalt  }
0x40: {  	_ =	shalt  }
0x41: {  	_ =	shalt  }
0x42: {  	_ =	shalt  }
0x43: {  	_ =	shalt  }
0x44: {  	_ =	shalt  }
0x45: {  	_ =	shalt  }
0x46: {  	_ =	shalt  }
0x47: {  	_ =	shalt  }
0x48: {  	_ =	shalt  }
0x49: {  	_ =	shalt  }
0x4a: {  	_ =	shalt  }
0x4b: {  	_ =	shalt  }
0x4c: {  	_ =	shalt  }
0x4d: {  	_ =	shalt  }
0x4e: {  	_ =	shalt  }
0x4f: {  	_ =	shalt  }
0x50: {  	_ =	shalt  }
0x51: {  	_ =	shalt  }
0x52: {  	_ =	shalt  }
0x53: {  	_ =	shalt  }
0x54: {  	_ =	shalt  }
0x55: {  	_ =	shalt  }
0x56: {  	_ =	shalt  }
0x57: {  	_ =	shalt  }
0x58: {  	_ =	shalt  }
0x59: {  	_ =	shalt  }
0x5a: {  	_ =	shalt  }
0x5b: {  	_ =	shalt  }
0x5c: {  	_ =	shalt  }
0x5d: {  	_ =	shalt  }
0x5e: {  	_ =	shalt  }
0x5f: {  	_ =	shalt  }
0x60: {  	_ =	shalt  }
0x61: {  	_ =	shalt  }
0x62: {  	_ =	shalt  }
0x63: {  	_ =	shalt  }
0x64: {  	_ =	shalt  }
0x65: {  	_ =	shalt  }
0x66: {  	_ =	shalt  }
0x67: {  	_ =	shalt  }
0x68: {  	_ =	shalt  }
0x69: {  	_ =	shalt  }
0x6a: {  	_ =	shalt  }
0x6b: {  	_ =	shalt  }
0x6c: {  	_ =	shalt  }
0x6d: {  	_ =	shalt  }
0x6e: {  	_ =	shalt  }
0x6f: {  	_ =	shalt  }
0x70: {  	_ =	shalt  }
0x71: {  	_ =	shalt  }
0x72: {  	_ =	shalt  }
0x73: {  	_ =	shalt  }
0x74: {  	_ =	shalt  }
0x75: {  	_ =	shalt  }
0x76: {  	_ =	shalt  }
0x77: {  	_ =	shalt  }
0x78: {  	_ =	shalt  }
0x79: {  	_ =	shalt  }
0x7a: {  	_ =	shalt  }
0x7b: {  	_ =	shalt  }
0x7c: {  	_ =	shalt  }
0x7d: {  	_ =	shalt  }
0x7e: {  	_ =	shalt  }
0x7f: {  	_ =	shalt  }
0x80: {  	_ =	shalt  }
0x81: {  	_ =	shalt  }
0x82: {  	_ =	shalt  }
0x83: {  	_ =	shalt  }
0x84: {  	_ =	shalt  }
0x85: {  	_ =	shalt  }
0x86: {  	_ =	shalt  }
0x87: {  	_ =	shalt  }
.Lfunc_end0:
.L_simem_size_0:
called_computation_lowered:
.L_overlay_start_0:
0x88: {  	s2 =	sld [smem:$0x3FD9]  }
0x89: {  	s3 =	sld [smem:$0x3FFE];
	_ =	sdelay $0x1  }
0x8a: {  	s1 =	srdreg.scid  }
0x8b: {  	s0 =	sand.u32 $0x1, s1  }
0x8c: {  	s16 =	sshll.u32 s0, $0xA;
	s2 =	sadd.s32 s3, s2  }
0x8d: {  	s2 =	sadd.s32 s2, s16  }
0x8e: {  	[smem:$0x3FC2] =	sst s2  }
0x8f: {  	_ = 	snop  }
0x90: {  	(tm) =	ssettm $0x1  }
0x91: {  	s17 =	sld [smem:$0x3FFB];
	_ =	sdelay $0x3  }
0x92: {  	_ =	strace s17  }
0x93: {  	s2 =	sld [smem:$0x3FFC];
	_ =	sdelay $0x3  }
0x94: {  	_ =	strace s2  }
0x95: {  	s2 =	sld [smem:$0x3FFD];
	_ =	sdelay $0x3  }
0x96: {  	_ =	strace s2  }
0x97: {  	_ =	strace $0x8FFFFFFF  }
0x98: {  	s18 =	sld [smem:$0x3FDB];
	_ =	sdelay $0x1  }
0x99: {  	s19 =	simm.s32 $_scs_section_size  }
0x9a: {  	s4 =	simm.s32 $_size__tile_overlayer_lowered;
	s5 =	simm.s32 $_tile_overlayer_lowered  }
0x9b: {  	s22 =	simm.s32 $0x1BFF;
	s21 =	sshll.u32 s5, $0x1;
	s2 =	sadd.s32 s19, s18  }
0x9c: {  	s6 =	simm.s32 $0x0;
	s20 =	sshll.u32 s4, $0x1;
	s4 =	sadd.s32 s21, s2  }
0x9d: {  	[timem:s6], [sflag:s22] =	dma.local [hbm:s4], s20  }
0x9e: {  	_ =	swait.ge [sflag:s22], s20  }
0x9f: {  	s3 =	ssub.s32 $0x0, s20;
	[sflag:s22] =	ssyncset.done $0x0  }
0xa0: {  	[sflag:s22] =	ssyncadd.s32 s3;
	_ =	sdelay $0x1  }
0xa1: {  	s23 =	simm.s32 $0x1B8B  }
0xa2: {  	_ =	swait.ge [sflag:s23], $0x1  }
0xa3: {  	[sflag:s23] =	ssyncset.done $0x0  }
0xa4: {  	s25 =	simm.s32 $0x1B8E;
	s24 =	sld [smem:$0x3FFE];
	[sflag:s23] =	ssyncadd.s32 $0xFFFFFFFF  }
0xa5: {  	s26 =	simm.s32 $execute0_lowered;
	[smem:$0x3FD2] =	sst s25  }
0xa6: {  	s4 =	sshll.u32 s26, $0x1;
	_ =	strace $0x80000046;
	[dreg:$0x1] =	wrdreg $0xFFFFFFFF  }
0xa7: {  	s28 =	simm.s32 $_size_execute0_lowered;
	s2 =	sadd.s32 s2, s4;
	[dreg:$0x0] =	wrdreg $0x0  }
0xa8: {  	s4 =	sshll.u32 s28, $0x1;
	[dreg:$0x2] =	wrdreg s2  }
0xa9: {  	[dreg:$0x3] =	wrdreg s4  }
0xaa: {  	[dreg:$0x4] =	wrdreg $0xC0  }
0xab: {  	_ =	task [dreg:s6], $0x5FFFF  }
0xac: {  	[dreg:$0x1] =	wrdreg $0xFFFFFFFF  }
0xad: {  	[dreg:$0x0] =	wrdreg $0x60  }
0xae: {  	[dreg:$0x2] =	wrdreg s24  }
0xaf: {  	[dreg:$0x3] =	wrdreg $0x39000  }
0xb0: {  	[dreg:$0x4] =	wrdreg $0x9  }
0xb1: {  	_ =	task.clear_ibuf [dreg:s6], $0x5FFFF;
	_ =	strace $0x90000046  }
0xb2: {  	s29 =	simm.s32 $0x9;
	_ =	strace $0x80000048  }
0xb3: {  	_ =	swait.ge [sflag:s29], $0x1  }
0xb4: {  	[sflag:s29] =	ssyncadd.s32 $0xFFFFFFFF  }
0xb5: {  	_ =	strace $0x90000048  }
0xb6: {  	_ =	sfence  }
0xb7: {  	s30 =	sld [smem:$0x0];
	_ =	sdelay $0x2  }
0xb8: {  	s31 =	sshll.u32 s1, $0xD;
	s1 =	sshrl.u32 s1, $0x2  }
0xb9: {  	s3 =	sand.u32 $0x4000, s31;
	s1 =	sadd.s32 s1, s30  }
0xba: {  	s0 =	sor.u32 s3, s0;
	s1 =	sshll.u32 s1, $0x11  }
0xbb: {  	s0 =	sor.u32 s1, s0  }
0xbc: {  	s0 =	sadd.s32 $0x8F2B, s0  }
0xbd: {  	[sflag:s0] =	ssyncadd.remote.s32 $0x1  }
0xbe: {  	_ =	sfence.sel $0xFFFF  }
0xbf: {  	[dreg:$0x0] =	wrdreg $0xFFFFFFFF;
	(pc) =	sbr.abs _section_cstart, $3  }
0xc0: {  	[dreg:$0x1] =	wrdreg $0xFFFFFFFF  }
0xc1: {  	_ =	task.clear_ibuf [dreg:s6], $0x2FFFF;
	_ =	strace $0x9FFFFFFF  }
0xc2: {  	(tm) =	ssettm $0x7FFFFFFF  }
0xc3: {  	_ =	shalt  }
tec
execute0_lowered:
.L_overlay_start_1:
0x0: {  	(tag) =	ssettag $0x1  }
0x1: {  	s4 =	rddreg [dreg:$0x0]  }
0x2: {  	s1 =	rddreg [dreg:$0x1]  }
0x3: {  	s0 =	rddreg [dreg:$0x2];
	s2 =	simm.s32 $0x0  }
0x4: {  	s3 =	srdreg.scid;
	s16 =	simm.s32 $0x3100;
	s17 =	simm.s32 $0x1  }
0x5: {  	s18 =	simm.s32 $0x80;
	s19 =	simm.s32 $0x2900;
	s20 =	simm.s32 $0x2  }
0x6: {  	s24 =	simm.s32 $0x10;
	s25 =	simm.s32 $0x0;
	[smem:$0x7FF] =	sst s2  }
0x7: {  	s5 =	sand.u32 $0x1, s3;
	s3 =	stileid.u32;
	s7 =	sadd.s32 $0x2A00, s4  }
0x8: {  	_ =	strace $0x80000047;
	s6 =	sshll.u32 s5, $0x4;
	s8 =	smul.u32 $0x2A000, s5  }
0x9: {  	s5 =	ssub.s32 $0x2, s5;
	s11 =	smul.u32 $0xA800, s3;
	s30 =	sshll.u32 s3, $0x4  }
0xa: {  	s22 =	smul.u32 $0x2A00, s3;
	s23 =	sshll.u32 s3, $0x6;
	s6 =	sor.u32 s3, s6  }
0xb: {  	s29 =	sshrl.u32 s5, $0x1;
	s9 =	sshll.u32 s6, $0x6;
	s10 =	smul.u32 $0x4E0, s6  }
0xc: {  	s12 =	sadd.s32 s8, s4;
	s14 =	ssub.s32 s5, s29;
	s31 =	sshrl.u32 s11, $0x2  }
0xd: {  	p0 =	slt.u32 s6, $0x4;
	s13 =	sadd.s32 s9, s4;
	s6 =	sadd.s32 s31, s1  }
0xe: {  	s21 =	sadd.s32 $0xC800, s12;
	s12 =	smax.u32 s14, $0x1;
	s14 =	simm.s32 $0x2700  }
0xf: {  	s4 =	sadd.s32 s7, s10;
	s5 =	sadd.s32 $0x2200, s13;
	s7 =	sadd.s32 s30, s7  }
0x10: {  	s8 =	sadd.s32 $0x1000, s6;
	s9 =	sadd.s32 $0x1800, s6;
	s10 =	sadd.s32 $0x2000, s6  }
0x11: {  	s11 =	sadd.s32 $0x2800, s6;
	s13 =	sadd.s32 $0x2210, s13;
	s21 =	sadd.s32 s22, s21  }
0x12: {  	s22 =	sor.u32 $0x1C02, s23;
	s23 =	sshrl.u32 s6, $0x3;
	s15 =	sadd.s32 $0x9C00, s7  }
0x13: {  	v0 =	vimm.f32 $0.0e+00;
	v1 =	vimm.f32 $1.000000000e+00;
	s7 =	sadd.s32 $0x800, s6;
	s5 =	smov.u32 @p0 s15;
	s15 =	simm.s32 $0x2780  }
.LBB2_1:
0x14: {  	[tilespmem:s2], [sflag:$0x1] =	stream.linear.gather [hbm4b:s4+s2], $0x2700, $0x38;
	[tilespmem:$0x6300] =	vst v63  }
0x15: {  	_ = 	snop  }
0x16: {  	[tilespmem:s14], [sflag:$0x1] =	stream.linear.gather [hbm4b:s5+s2], $0x80, $0x38;
	[tilespmem:$0x6300] =	vst v63  }
0x17: {  	s26 =	simm.s32 $0x40;
	s28 =	simm.s32 $0x0  }
0x18: {  	[tilespmem:s15], [sflag:$0x1] =	stream.linear.gather [hbm4b:s13+s2], $0x180, $0x38;
	[tilespmem:$0x6300] =	vst v63  }
.LBB2_2:
0x19: {  	p0 =	sne.s32 s26, $0x1FC0;
	[tilespmem:s28+$0x3100] =	vst v0;
	s28 =	smov.u32 s26;
	s26 =	sadd.s32 $0x40, s26  }
.Ltmp0:
0x1a: {  	(pc) =	sbr.rel @p0 .LBB2_2-.Ltmp0, $2  }
0x1b: {  	_ =	sdelay $0x2  }
0x1c: {  	s28 =	sshra.s32 s28, $0x2  }
0x1d: {  	[tilespmem:s28+$0x3100] =	vst v0  }
0x1e: {  	[spmem:s6] =	stream.linear.scatter [tilespmem:s16], [sflag:$0x1], $0x800, $0x38;
	[tilespmem:$0x6300] =	vst v63  }
0x1f: {  	_ = 	snop  }
0x20: {  	[spmem:s7] =	stream.linear.scatter [tilespmem:s16], [sflag:$0x1], $0x800, $0x38;
	[tilespmem:$0x6300] =	vst v63  }
0x21: {  	_ = 	snop  }
0x22: {  	[spmem:s8] =	stream.linear.scatter [tilespmem:s16], [sflag:$0x1], $0x800, $0x38;
	[tilespmem:$0x6300] =	vst v63  }
0x23: {  	_ = 	snop  }
0x24: {  	[spmem:s9] =	stream.linear.scatter [tilespmem:s16], [sflag:$0x1], $0x800, $0x38;
	[tilespmem:$0x6300] =	vst v63  }
0x25: {  	_ = 	snop  }
0x26: {  	[spmem:s10] =	stream.linear.scatter [tilespmem:s16], [sflag:$0x1], $0x800, $0x38;
	[tilespmem:$0x6300] =	vst v63  }
0x27: {  	s26 =	simm.s32 $0x40;
	s28 =	simm.s32 $0x0  }
0x28: {  	[spmem:s11] =	stream.linear.scatter [tilespmem:s16], [sflag:$0x1], $0x200, $0x38;
	[tilespmem:$0x6300] =	vst v63  }
.LBB2_4:
0x29: {  	p0 =	sne.s32 s26, $0x1FC0;
	[tilespmem:s28+$0x2900] =	vst v1;
	s28 =	smov.u32 s26;
	s26 =	sadd.s32 $0x40, s26  }
.Ltmp1:
0x2a: {  	(pc) =	sbr.rel @p0 .LBB2_4-.Ltmp1, $2  }
0x2b: {  	_ =	sdelay $0x2  }
0x2c: {  	s28 =	sshra.s32 s28, $0x2  }
0x2d: {  	[tilespmem:s28+$0x2900] =	vst v1  }
0x2e: {  	_ =	swait.ge [sflag:s17], $0x2700  }
0x2f: {  	[sflag:s17] =	ssyncset.done $0x0  }
0x30: {  	[sflag:s17] =	ssyncadd.s32 $0xFFFFD900  }
0x31: {  	_ =	swait.ge [sflag:s17], $0x80  }
0x32: {  	[sflag:s17] =	ssyncset.done $0x0  }
0x33: {  	[sflag:s17] =	ssyncadd.s32 $0xFFFFFF80  }
0x34: {  	_ =	swait.ge [sflag:s17], $0x180  }
0x35: {  	[sflag:s17] =	ssyncset.done $0x0  }
0x36: {  	[sflag:s17] =	ssyncadd.s32 $0xFFFFFE80  }
0x37: {  	_ =	swait.ge [sflag:s17], $0x800  }
0x38: {  	[sflag:s17] =	ssyncset.done $0x0  }
0x39: {  	[sflag:s17] =	ssyncadd.s32 $0xFFFFF800  }
0x3a: {  	_ =	swait.ge [sflag:s17], $0x800  }
0x3b: {  	[sflag:s17] =	ssyncset.done $0x0  }
0x3c: {  	[sflag:s17] =	ssyncadd.s32 $0xFFFFF800  }
0x3d: {  	_ =	swait.ge [sflag:s17], $0x800  }
0x3e: {  	[sflag:s17] =	ssyncset.done $0x0  }
0x3f: {  	[sflag:s17] =	ssyncadd.s32 $0xFFFFF800  }
0x40: {  	_ =	swait.ge [sflag:s17], $0x800  }
0x41: {  	[sflag:s17] =	ssyncset.done $0x0  }
0x42: {  	[sflag:s17] =	ssyncadd.s32 $0xFFFFF800  }
0x43: {  	_ =	swait.ge [sflag:s17], $0x800  }
0x44: {  	[sflag:s17] =	ssyncset.done $0x0  }
0x45: {  	[sflag:s17] =	ssyncadd.s32 $0xFFFFF800  }
0x46: {  	_ =	swait.ge [sflag:s17], $0x200  }
0x47: {  	[sflag:s17] =	ssyncset.done $0x0  }
0x48: {  	[sflag:s17] =	ssyncadd.s32 $0xFFFFFE00  }
0x49: {  	s26 =	simm.s32 $0x0;
	[bflag:$0x0] =	sbarrier.arrive $0xFFFF  }
0x4a: {  	[spmem:s1] =	stream.indirect.scatter.add.f32 [tilespmem:s19], [sflag:$0x2], $0x10, s26, s18, $0xb8;
	[tilespmem:$0x6300] =	vst v63  }
0x4b: {  	_ =	swait.ge [sflag:s20], $0x800  }
0x4c: {  	s26 =	simm.s32 $0x200;
	[sflag:s20] =	ssyncset.done $0x0  }
.LBB2_6:
0x4d: {  	s28 =	sshra.s32 s26, $0x2;
	[sflag:s20] =	ssyncadd.s32 $0xFFFFF800;
	p0 =	sne.s32 s26, $0x9E00  }
0x4e: {  	[spmem:s1] =	stream.indirect.scatter.add.f32 [tilespmem:s19], [sflag:$0x2], $0x10, s28, s18, $0xb8;
	[tilespmem:$0x6300] =	vst v63  }
.Ltmp2:
0x4f: {  	_ = 	snop;
	(pc) =	sbr.rel @p0 .LBB2_6-.Ltmp2, $4  }
0x50: {  	_ = 	snop  }
0x51: {  	s26 =	sadd.s32 $0x200, s26  }
0x52: {  	_ =	swait.ge [sflag:s20], $0x800  }
0x53: {  	[sflag:s20] =	ssyncset.done $0x0  }
0x54: {  	s25 =	sadd.s32 $0x1, s25  }
0x55: {  	[sflag:s20] =	ssyncadd.s32 $0xFFFFF800;
	p0 =	sne.s32 s25, s12  }
.Ltmp3:
0x56: {  	[bflag:$0x0] =	sbarrier.arrive $0xFFFF;
	(pc) =	sbr.rel @p0 .LBB2_1-.Ltmp3, $4  }
0x57: {  	[hbm:s21@s24], [sflag:s22] =	dma.strided [spmem:s23@s20], $0x540, s17, $0x2   }
0x58: {  	_ =	swait.ge [sflag:s20], $0x540  }
0x59: {  	[sflag:s20] =	ssyncset.done $0x0  }
0x5a: {  	[sflag:s20] =	ssyncadd.s32 $0xFFFFFAC0  }
0x5b: {  	_ =	sfence.sel $0x180000  }
0x5c: {  	[bflag:$0x0] =	sbarrier.arrive $0xFFFF  }
0x5d: {  	p0 =	sne.s32 s3, $0x0;
	_ =	strace $0x90000047  }
0x5e: {  	s0 =	sadd.s32 @!p0 $0x100000, s0;
	[bflag:$0x2] =	sbarrier.arrive $0xFFFF  }
0x5f: {  	[sflag:s0] =	ssyncadd.tile.s32 @!p0 $0x1;
	_ =	shalt  }
.Lfunc_end2:
_tile_overlayer_lowered:
.L_overlay_start_2:
0x60: {  	(tag) =	ssettag $0x2  }
0x61: {  	s0 =	rddreg [dreg:$0x0];
	s2 =	stileid.u32  }
0x62: {  	s1 =	rddreg [dreg:$0x1];
	p0 =	sne.s32 s2, $0x0  }
0x63: {  	s3 =	rddreg [dreg:$0x2];
	[bflag:$0x3] =	sbarrier.arrive $0xFFFF;
	s2 =	simm.s32 @!p0 $0x1C02  }
0x64: {  	[timem:s3], [sflag:s2] =	dma.local @!p0 [hbm:s0], s1  }
0x65: {  	s0 =	simm.s32 @!p0 $0x2  }
0x66: {  	_ =	swait.ge @!p0 [sflag:s0], s1  }
0x67: {  	s1 =	ssub.s32 @!p0 $0x0, s1;
	[sflag:s0] =	ssyncset.done @!p0 $0x0  }
0x68: {  	[sflag:s0] =	ssyncadd.s32 @!p0 s1  }
0x69: {  	[bflag:$0x3] =	sbarrier.arrive $0xFFFF  }
0x6a: {  	_ =	shalt  }

</sc_bundles>
